<compile_context>
chip_gen: v7x
topology: tpu7x:2x2x1
jax: 0.10.2.dev20260603
libtpu: 0.0.44.dev20260713+nightly
codegen_flags: <defaults>
</compile_context>

<pallas_src>
import functools

import jax
import jax.numpy as jnp
from jax import lax
from jax.experimental import pallas as pl
from jax.experimental.pallas import tpu as pltpu
from jax.experimental.pallas import tpu_sc as plsc

L = 16
TW = 128
NBUF = 4


@functools.lru_cache(maxsize=None)
def _build(B, D, V):
    info = plsc.get_sparse_core_info()
    NC, NS = info.num_cores, info.num_subcores
    NW = NC * NS
    assert B % (L * NW) == 0 and D % L == 0
    bpw = B // NW
    ng = bpw // L

    mesh = plsc.VectorSubcoreMesh(core_axis_name="c", subcore_axis_name="s")

    EDGE = V - TW // 2

    @functools.partial(
        pl.kernel,
        mesh=mesh,
        compiler_params=pltpu.CompilerParams(needs_layout_passes=False),
        out_type=(
            jax.ShapeDtypeStruct((B,), jnp.float32),
            jax.ShapeDtypeStruct((B,), jnp.float32),
        ),
        scratch_types=[
            pltpu.VMEM((bpw + 2 * L,), jnp.int32),
            pltpu.VMEM((bpw + 2 * L,), jnp.int32),
            pltpu.VMEM((bpw,), jnp.int32),
            pltpu.VMEM((bpw,), jnp.int32),
            [pltpu.VMEM((D, TW), jnp.float32) for _ in range(NBUF)],
            [pltpu.VMEM((D, TW), jnp.float32) for _ in range(NBUF)],
            pltpu.VMEM((D * TW // 2,), jnp.float32),
            pltpu.VMEM((D * TW // 2,), jnp.float32),
            pltpu.VMEM((L * L,), jnp.float32),
            pltpu.VMEM((bpw,), jnp.float32),
            pltpu.VMEM((bpw,), jnp.float32),
            pltpu.VMEM((bpw,), jnp.float32),
            pltpu.VMEM((bpw,), jnp.float32),
            pltpu.VMEM((2 * L,), jnp.float32),
            [pltpu.SemaphoreType.DMA for _ in range(NBUF)],
            [pltpu.SemaphoreType.DMA for _ in range(NBUF)],
            pltpu.SemaphoreType.DMA,
            pltpu.SemaphoreType.DMA,
        ],
    )
    def k(users, items, uT, iT, edge_u, edge_i, user_b, prod_b, scal,
          pred_out, log_out,
          usm, ism, ub_i, pb_i, ubufs, ibufs, euv, eiv, dots_v, ub_v, pb_v,
          log_v, pred_v, sc_v, usems, isems, s_ub, s_pb):
        wid = lax.axis_index("s") * NC + lax.axis_index("c")
        base = wid * bpw

        pltpu.sync_copy(users.at[pl.ds(base, bpw)], ub_i)
        pltpu.sync_copy(items.at[pl.ds(base, bpw)], pb_i)
        pltpu.sync_copy(users.at[pl.ds(base, bpw)], usm.at[pl.ds(0, bpw)])
        pltpu.sync_copy(items.at[pl.ds(base, bpw)], ism.at[pl.ds(0, bpw)])
        lastu = usm[pl.ds(bpw - L, L)][L - 1]
        lasti = ism[pl.ds(bpw - L, L)][L - 1]
        usm[pl.ds(bpw, L)] = jnp.full((L,), lastu, jnp.int32)
        usm[pl.ds(bpw + L, L)] = jnp.full((L,), lastu, jnp.int32)
        ism[pl.ds(bpw, L)] = jnp.full((L,), lasti, jnp.int32)
        ism[pl.ds(bpw + L, L)] = jnp.full((L,), lasti, jnp.int32)
        pltpu.sync_copy(scal, sc_v)
        pltpu.sync_copy(edge_u, euv)
        pltpu.sync_copy(edge_i, eiv)

        def _prep(j, carry):
            sl = pl.ds(j * L, L)
            u = ub_i[sl]
            ub_i[sl] = u + u
            return carry

        lax.fori_loop(0, ng, _prep, 0)

        cpb0 = pltpu.async_copy(user_b.at[ub_i], ub_v, s_ub)
        cpb1 = pltpu.async_copy(prod_b.at[pb_i], pb_v, s_pb)
        cpb0.wait()
        cpb1.wait()

        def _fire(e, slot):
            u0 = usm[pl.ds(e, L)][0]
            i0 = ism[pl.ds(e, L)][0]
            cu = jnp.where(u0 + u0 >= EDGE, 0,
                           lax.shift_right_logical(u0, 6))
            ci = jnp.where(i0 >= EDGE, 0,
                           lax.shift_right_logical(i0, 7))
            ou = pl.multiple_of(cu * TW, TW)
            oi = pl.multiple_of(ci * TW, TW)
            pltpu.async_copy(uT.at[:, pl.ds(ou, TW)], ubufs[slot],
                             usems[slot])
            pltpu.async_copy(iT.at[:, pl.ds(oi, TW)], ibufs[slot],
                             isems[slot])

        def _wait(slot):
            pltpu.make_async_copy(uT.at[:, pl.ds(0, TW)], ubufs[slot],
                                  usems[slot]).wait()
            pltpu.make_async_copy(iT.at[:, pl.ds(0, TW)], ibufs[slot],
                                  isems[slot]).wait()

        for p in range(NBUF):
            _fire(p, p)

        rows16 = lax.iota(jnp.int32, L)
        alpha_s = sc_v[pl.ds(0, L)]
        g_s = sc_v[pl.ds(L, L)]

        def _group(g, carry):
            for t in range(L):
                e = g * L + t
                slot = t % NBUF
                _wait(slot)
                u0 = usm[pl.ds(e, L)][0]
                i0 = ism[pl.ds(e, L)][0]
                ue = u0 + u0 >= EDGE
                ie = i0 >= EDGE
                ju = jnp.where(ue, u0 + u0 - EDGE, (u0 & 63) * 2)
                ji = jnp.where(ie, i0 - EDGE, i0 & 127)
                ucols = jnp.full((L,), ju, jnp.int32)
                icols = jnp.full((L,), ji, jnp.int32)
                uev = jnp.full((L,), ue)
                iev = jnp.full((L,), ie)
                s_e = jnp.zeros((L,), jnp.float32)
                for kk in range(D // L):
                    r = kk * L + rows16
                    uu = jnp.where(
                        uev,
                        plsc.load_gather(euv, [r * (TW // 2) + (ucols & 63)]),
                        plsc.load_gather(ubufs[slot], [r, ucols]))
                    ii = jnp.where(
                        iev,
                        plsc.load_gather(eiv, [r * (TW // 2) + (icols & 63)]),
                        plsc.load_gather(ibufs[slot], [r, icols]))
                    s_e = s_e + uu * ii
                dots_v[pl.ds(t * L, L)] = s_e
                _fire(e + NBUF, slot)
            dot = jnp.zeros((L,), jnp.float32)
            for c in range(L):
                dot = dot + plsc.load_gather(dots_v, [rows16 * L + c])
            sl = pl.ds(g * L, L)
            logit = alpha_s * dot + ub_v[sl] + pb_v[sl] + g_s
            log_v[sl] = logit
            pred_v[sl] = 1.0 / (1.0 + jnp.exp(-logit))
            return carry

        lax.fori_loop(0, ng, _group, 0)

        for p in range(NBUF):
            _wait(p)

        pltpu.sync_copy(log_v, log_out.at[pl.ds(base, bpw)])
        pltpu.sync_copy(pred_v, pred_out.at[pl.ds(base, bpw)])

    return k


def kernel(users, items, user_emb, item_emb, alpha, global_bias, user_b, prod_b):
    B = users.shape[0]
    V, D = user_emb.shape
    users = users.astype(jnp.int32)
    items = items.astype(jnp.int32)
    uT = user_emb.T
    iT = item_emb.T
    scal = jnp.concatenate([
        jnp.broadcast_to(alpha.astype(jnp.float32), (L,)),
        jnp.broadcast_to(global_bias.astype(jnp.float32), (L,)),
    ])
    edge_u = uT[:, V - 64:].reshape(-1)
    edge_i = iT[:, V - 64:].reshape(-1)
    pred, logits = _build(B, D, V)(users, items, uT, iT, edge_u, edge_i,
                                   user_b, prod_b, scal)
    return pred.reshape(B, 1), logits.reshape(B, 1)

# --- scband reference (transcript-rebuilt; emitter-appended) ---
"""Pipeline reference for scband-supervised-prod2vec-1915555414844 (READ-ONLY COPY).

The authoritative reference and input builder live on the scoring server;
editing this copy changes nothing except your own understanding.
"""

import jax, jax.numpy as jnp
import numpy as np

N_USER = 1000000
N_ITEM = 1000000
EMB = 64
BATCH = 16384

def setup_inputs(seed: int = 0) -> dict:
    key = jax.random.key(seed)
    k1, k2, k3, k4, k5, k6, k7, k8 = jax.random.split(key, 8)
    # forward args
    users = jax.random.randint(k1, (BATCH,), 0, N_USER // 2, dtype=jnp.int64) if jax.config.jax_enable_x64 else jax.random.randint(k1, (BATCH,), 0, N_USER // 2, dtype=jnp.int32)
    items = jax.random.randint(k2, (BATCH,), 0, N_ITEM, dtype=jnp.int64) if jax.config.jax_enable_x64 else jax.random.randint(k2, (BATCH,), 0, N_ITEM, dtype=jnp.int32)
    # parameters (xavier-uniform-like init)
    lim_e = float(np.sqrt(6.0 / (N_USER + EMB)))
    user_emb = jax.random.uniform(k3, (N_USER, EMB), jnp.float32, -lim_e, lim_e)
    item_emb = jax.random.uniform(k4, (N_ITEM, EMB), jnp.float32, -lim_e, lim_e)
    alpha = jax.random.uniform(k5, (1,), jnp.float32, -1.0, 1.0)
    global_bias = jax.random.uniform(k6, (1,), jnp.float32, -1.0, 1.0)
    user_b = jax.random.uniform(k7, (N_USER,), jnp.float32, -0.01, 0.01)
    prod_b = jax.random.uniform(k8, (N_ITEM,), jnp.float32, -0.01, 0.01)
    return {"users": users, "items": items, "user_emb": user_emb, "item_emb": item_emb,
            "alpha": alpha, "global_bias": global_bias, "user_b": user_b, "prod_b": prod_b}


def reference(users, items, user_emb, item_emb, alpha, global_bias, user_b, prod_b):
    # users_2 = users + users (index doubling, faithful to original forward)
    users_2 = users + users
    u_e = jnp.take(user_emb, users_2, axis=0)            # [B, EMB] gather
    i_e = jnp.take(item_emb, items, axis=0)              # [B, EMB] gather
    emb_logits = alpha * jnp.expand_dims(jnp.sum(u_e * i_e, axis=1), axis=1)   # [B, 1]
    bias_logits = jnp.expand_dims(jnp.take(user_b, users_2, axis=0) + jnp.take(prod_b, items, axis=0), axis=1) + global_bias
    logits = emb_logits + bias_logits                    # [B, 1]
    prediction = jax.nn.sigmoid(logits)
    return (prediction, logits)

if __name__ == "__main__":
    import jax
    _d = setup_inputs()
    print(jax.jit(kernel)(*tuple(_d.values())))

</pallas_src>

<mosaic_0001>
#map = affine_map<(d0, d1) -> (0)>
#map1 = affine_map<(d0, d1) -> (0, 0)>
module attributes {stable_mosaic.version = 14 : i64} {
  func.func @k(%arg0: i32, %arg1: i32, %arg2: memref<16384xi32, #tpu.memory_space<hbm>>, %arg3: memref<16384xi32, #tpu.memory_space<hbm>>, %arg4: memref<64x1000000xf32, #tpu.memory_space<hbm>>, %arg5: memref<64x1000000xf32, #tpu.memory_space<hbm>>, %arg6: memref<4096xf32, #tpu.memory_space<hbm>>, %arg7: memref<4096xf32, #tpu.memory_space<hbm>>, %arg8: memref<1000000xf32, #tpu.memory_space<hbm>>, %arg9: memref<1000000xf32, #tpu.memory_space<hbm>>, %arg10: memref<32xf32, #tpu.memory_space<hbm>>, %arg11: memref<16384xf32, #tpu.memory_space<hbm>>, %arg12: memref<16384xf32, #tpu.memory_space<hbm>>, %arg13: memref<544xi32, #tpu.memory_space<vmem>>, %arg14: memref<544xi32, #tpu.memory_space<vmem>>, %arg15: memref<512xi32, #tpu.memory_space<vmem>>, %arg16: memref<512xi32, #tpu.memory_space<vmem>>, %arg17: memref<64x128xf32, #tpu.memory_space<vmem>>, %arg18: memref<64x128xf32, #tpu.memory_space<vmem>>, %arg19: memref<64x128xf32, #tpu.memory_space<vmem>>, %arg20: memref<64x128xf32, #tpu.memory_space<vmem>>, %arg21: memref<64x128xf32, #tpu.memory_space<vmem>>, %arg22: memref<64x128xf32, #tpu.memory_space<vmem>>, %arg23: memref<64x128xf32, #tpu.memory_space<vmem>>, %arg24: memref<64x128xf32, #tpu.memory_space<vmem>>, %arg25: memref<4096xf32, #tpu.memory_space<vmem>>, %arg26: memref<4096xf32, #tpu.memory_space<vmem>>, %arg27: memref<256xf32, #tpu.memory_space<vmem>>, %arg28: memref<512xf32, #tpu.memory_space<vmem>>, %arg29: memref<512xf32, #tpu.memory_space<vmem>>, %arg30: memref<512xf32, #tpu.memory_space<vmem>>, %arg31: memref<512xf32, #tpu.memory_space<vmem>>, %arg32: memref<32xf32, #tpu.memory_space<vmem>>, %arg33: memref<!tpu.dma_semaphore, #tpu.memory_space<semaphore_mem>>, %arg34: memref<!tpu.dma_semaphore, #tpu.memory_space<semaphore_mem>>, %arg35: memref<!tpu.dma_semaphore, #tpu.memory_space<semaphore_mem>>, %arg36: memref<!tpu.dma_semaphore, #tpu.memory_space<semaphore_mem>>, %arg37: memref<!tpu.dma_semaphore, #tpu.memory_space<semaphore_mem>>, %arg38: memref<!tpu.dma_semaphore, #tpu.memory_space<semaphore_mem>>, %arg39: memref<!tpu.dma_semaphore, #tpu.memory_space<semaphore_mem>>, %arg40: memref<!tpu.dma_semaphore, #tpu.memory_space<semaphore_mem>>, %arg41: memref<!tpu.dma_semaphore, #tpu.memory_space<semaphore_mem>>, %arg42: memref<!tpu.dma_semaphore, #tpu.memory_space<semaphore_mem>>) attributes {dimension_semantics = [#tpu.dimension_semantics<core_parallel>, #tpu.dimension_semantics<subcore_parallel>], iteration_bounds = array<i64: 2, 16>, scalar_prefetch = 0 : i64, scratch_operands = 30 : i64, tpu.core_type = #tpu.core_type<sc_vector_subcore>, window_params = [{transform_indices = #map}, {transform_indices = #map}, {transform_indices = #map1}, {transform_indices = #map1}, {transform_indices = #map}, {transform_indices = #map}, {transform_indices = #map}, {transform_indices = #map}, {transform_indices = #map}, {transform_indices = #map}, {transform_indices = #map}]} {
    %mul3A = arith.constant 2 : i32
    %mul3A_0 = arith.muli %arg1, %mul3A : i32
    %add3A = arith.addi %mul3A_0, %arg0 : i32
    %mul3A_1 = arith.constant 512 : i32
    %mul3A_2 = arith.muli %add3A, %mul3A_1 : i32
    "tpu.region"() ({
      %run_scoped3A = tpu.sem_alloc : memref<!tpu.dma_semaphore, #tpu.memory_space<semaphore_mem>>
      %dma_start3A_222 = tpu.memref_slice %arg2[%mul3A_2] : memref<16384xi32, #tpu.memory_space<hbm>> -> memref<512xi32, #tpu.memory_space<hbm>>
      %dma_start3A_223 = tpu.memref_slice %arg2[%mul3A_2] : memref<16384xi32, #tpu.memory_space<hbm>> -> memref<512xi32, #tpu.memory_space<hbm>>
      tpu.enqueue_dma source(%dma_start3A_223 : memref<512xi32, #tpu.memory_space<hbm>>) target(%arg15 : memref<512xi32, #tpu.memory_space<vmem>>) target_semaphore(%run_scoped3A : memref<!tpu.dma_semaphore, #tpu.memory_space<semaphore_mem>>)
      %dma_wait3A_224 = tpu.memref_slice %arg2[%mul3A_2] : memref<16384xi32, #tpu.memory_space<hbm>> -> memref<512xi32, #tpu.memory_space<hbm>>
      %dma_wait3A_225 = tpu.memref_slice %arg2[%mul3A_2] : memref<16384xi32, #tpu.memory_space<hbm>> -> memref<512xi32, #tpu.memory_space<hbm>>
      tpu.wait_dma2 semaphore(%run_scoped3A : memref<!tpu.dma_semaphore, #tpu.memory_space<semaphore_mem>>) src(%dma_wait3A_225 : memref<512xi32, #tpu.memory_space<hbm>>) dst(%arg15 : memref<512xi32, #tpu.memory_space<vmem>>)
      tpu.yield
    }) : () -> ()
    "tpu.region"() ({
      %run_scoped3A = tpu.sem_alloc : memref<!tpu.dma_semaphore, #tpu.memory_space<semaphore_mem>>
      %dma_start3A_222 = tpu.memref_slice %arg3[%mul3A_2] : memref<16384xi32, #tpu.memory_space<hbm>> -> memref<512xi32, #tpu.memory_space<hbm>>
      %dma_start3A_223 = tpu.memref_slice %arg3[%mul3A_2] : memref<16384xi32, #tpu.memory_space<hbm>> -> memref<512xi32, #tpu.memory_space<hbm>>
      tpu.enqueue_dma source(%dma_start3A_223 : memref<512xi32, #tpu.memory_space<hbm>>) target(%arg16 : memref<512xi32, #tpu.memory_space<vmem>>) target_semaphore(%run_scoped3A : memref<!tpu.dma_semaphore, #tpu.memory_space<semaphore_mem>>)
      %dma_wait3A_224 = tpu.memref_slice %arg3[%mul3A_2] : memref<16384xi32, #tpu.memory_space<hbm>> -> memref<512xi32, #tpu.memory_space<hbm>>
      %dma_wait3A_225 = tpu.memref_slice %arg3[%mul3A_2] : memref<16384xi32, #tpu.memory_space<hbm>> -> memref<512xi32, #tpu.memory_space<hbm>>
      tpu.wait_dma2 semaphore(%run_scoped3A : memref<!tpu.dma_semaphore, #tpu.memory_space<semaphore_mem>>) src(%dma_wait3A_225 : memref<512xi32, #tpu.memory_space<hbm>>) dst(%arg16 : memref<512xi32, #tpu.memory_space<vmem>>)
      tpu.yield
    }) : () -> ()
    "tpu.region"() ({
      %run_scoped3A = tpu.sem_alloc : memref<!tpu.dma_semaphore, #tpu.memory_space<semaphore_mem>>
      %dma_start3A_222 = arith.constant 0 : i32
      %dma_start3A_223 = tpu.memref_slice %arg13[%dma_start3A_222] : memref<544xi32, #tpu.memory_space<vmem>> -> memref<512xi32, #tpu.memory_space<vmem>>
      %dma_start3A_224 = tpu.memref_slice %arg2[%mul3A_2] : memref<16384xi32, #tpu.memory_space<hbm>> -> memref<512xi32, #tpu.memory_space<hbm>>
      %dma_start3A_225 = arith.constant 0 : i32
      %dma_start3A_226 = tpu.memref_slice %arg13[%dma_start3A_225] : memref<544xi32, #tpu.memory_space<vmem>> -> memref<512xi32, #tpu.memory_space<vmem>>
      %dma_start3A_227 = tpu.memref_slice %arg2[%mul3A_2] : memref<16384xi32, #tpu.memory_space<hbm>> -> memref<512xi32, #tpu.memory_space<hbm>>
      tpu.enqueue_dma source(%dma_start3A_227 : memref<512xi32, #tpu.memory_space<hbm>>) target(%dma_start3A_226 : memref<512xi32, #tpu.memory_space<vmem>>) target_semaphore(%run_scoped3A : memref<!tpu.dma_semaphore, #tpu.memory_space<semaphore_mem>>)
      %dma_wait3A_228 = arith.constant 0 : i32
      %dma_wait3A_229 = tpu.memref_slice %arg13[%dma_wait3A_228] : memref<544xi32, #tpu.memory_space<vmem>> -> memref<512xi32, #tpu.memory_space<vmem>>
      %dma_wait3A_230 = tpu.memref_slice %arg2[%mul3A_2] : memref<16384xi32, #tpu.memory_space<hbm>> -> memref<512xi32, #tpu.memory_space<hbm>>
      %dma_wait3A_231 = arith.constant 0 : i32
      %dma_wait3A_232 = tpu.memref_slice %arg13[%dma_wait3A_231] : memref<544xi32, #tpu.memory_space<vmem>> -> memref<512xi32, #tpu.memory_space<vmem>>
      %dma_wait3A_233 = tpu.memref_slice %arg2[%mul3A_2] : memref<16384xi32, #tpu.memory_space<hbm>> -> memref<512xi32, #tpu.memory_space<hbm>>
      tpu.wait_dma2 semaphore(%run_scoped3A : memref<!tpu.dma_semaphore, #tpu.memory_space<semaphore_mem>>) src(%dma_wait3A_233 : memref<512xi32, #tpu.memory_space<hbm>>) dst(%dma_wait3A_232 : memref<512xi32, #tpu.memory_space<vmem>>)
      tpu.yield
    }) : () -> ()
    "tpu.region"() ({
      %run_scoped3A = tpu.sem_alloc : memref<!tpu.dma_semaphore, #tpu.memory_space<semaphore_mem>>
      %dma_start3A_222 = arith.constant 0 : i32
      %dma_start3A_223 = tpu.memref_slice %arg14[%dma_start3A_222] : memref<544xi32, #tpu.memory_space<vmem>> -> memref<512xi32, #tpu.memory_space<vmem>>
      %dma_start3A_224 = tpu.memref_slice %arg3[%mul3A_2] : memref<16384xi32, #tpu.memory_space<hbm>> -> memref<512xi32, #tpu.memory_space<hbm>>
      %dma_start3A_225 = arith.constant 0 : i32
      %dma_start3A_226 = tpu.memref_slice %arg14[%dma_start3A_225] : memref<544xi32, #tpu.memory_space<vmem>> -> memref<512xi32, #tpu.memory_space<vmem>>
      %dma_start3A_227 = tpu.memref_slice %arg3[%mul3A_2] : memref<16384xi32, #tpu.memory_space<hbm>> -> memref<512xi32, #tpu.memory_space<hbm>>
      tpu.enqueue_dma source(%dma_start3A_227 : memref<512xi32, #tpu.memory_space<hbm>>) target(%dma_start3A_226 : memref<512xi32, #tpu.memory_space<vmem>>) target_semaphore(%run_scoped3A : memref<!tpu.dma_semaphore, #tpu.memory_space<semaphore_mem>>)
      %dma_wait3A_228 = arith.constant 0 : i32
      %dma_wait3A_229 = tpu.memref_slice %arg14[%dma_wait3A_228] : memref<544xi32, #tpu.memory_space<vmem>> -> memref<512xi32, #tpu.memory_space<vmem>>
      %dma_wait3A_230 = tpu.memref_slice %arg3[%mul3A_2] : memref<16384xi32, #tpu.memory_space<hbm>> -> memref<512xi32, #tpu.memory_space<hbm>>
      %dma_wait3A_231 = arith.constant 0 : i32
      %dma_wait3A_232 = tpu.memref_slice %arg14[%dma_wait3A_231] : memref<544xi32, #tpu.memory_space<vmem>> -> memref<512xi32, #tpu.memory_space<vmem>>
      %dma_wait3A_233 = tpu.memref_slice %arg3[%mul3A_2] : memref<16384xi32, #tpu.memory_space<hbm>> -> memref<512xi32, #tpu.memory_space<hbm>>
      tpu.wait_dma2 semaphore(%run_scoped3A : memref<!tpu.dma_semaphore, #tpu.memory_space<semaphore_mem>>) src(%dma_wait3A_233 : memref<512xi32, #tpu.memory_space<hbm>>) dst(%dma_wait3A_232 : memref<512xi32, #tpu.memory_space<vmem>>)
      tpu.yield
    }) : () -> ()
    %get3A = arith.constant 496 : index
    %get3A_3 = tpu.vector_load %arg13[%get3A] {strides = array<i32>} : memref<544xi32, #tpu.memory_space<vmem>>, vector<16xi32>,
    %slice3A = vector.extract_strided_slice %get3A_3 {offsets = [15], sizes = [1], strides = [1]} : vector<16xi32> to vector<1xi32>
    %squeeze3A = vector.extract %slice3A[0] : i32 from vector<1xi32>
    %get3A_4 = arith.constant 496 : index
    %get3A_5 = tpu.vector_load %arg14[%get3A_4] {strides = array<i32>} : memref<544xi32, #tpu.memory_space<vmem>>, vector<16xi32>,
    %slice3A_6 = vector.extract_strided_slice %get3A_5 {offsets = [15], sizes = [1], strides = [1]} : vector<16xi32> to vector<1xi32>
    %squeeze3A_7 = vector.extract %slice3A_6[0] : i32 from vector<1xi32>
    %broadcast_in_dim3A = vector.broadcast %squeeze3A : i32 to vector<16xi32>
    %swap3A = arith.constant 512 : index
    %swap3A_8 = tpu.vector_load %arg13[%swap3A] {strides = array<i32>} : memref<544xi32, #tpu.memory_space<vmem>>, vector<16xi32>,
    tpu.vector_store %arg13[%swap3A], %broadcast_in_dim3A {strides = array<i32>} : memref<544xi32, #tpu.memory_space<vmem>>, vector<16xi32>,
    %broadcast_in_dim3A_9 = vector.broadcast %squeeze3A : i32 to vector<16xi32>
    %swap3A_10 = arith.constant 528 : index
    %swap3A_11 = tpu.vector_load %arg13[%swap3A_10] {strides = array<i32>} : memref<544xi32, #tpu.memory_space<vmem>>, vector<16xi32>,
    tpu.vector_store %arg13[%swap3A_10], %broadcast_in_dim3A_9 {strides = array<i32>} : memref<544xi32, #tpu.memory_space<vmem>>, vector<16xi32>,
    %broadcast_in_dim3A_12 = vector.broadcast %squeeze3A_7 : i32 to vector<16xi32>
    %swap3A_13 = arith.constant 512 : index
    %swap3A_14 = tpu.vector_load %arg14[%swap3A_13] {strides = array<i32>} : memref<544xi32, #tpu.memory_space<vmem>>, vector<16xi32>,
    tpu.vector_store %arg14[%swap3A_13], %broadcast_in_dim3A_12 {strides = array<i32>} : memref<544xi32, #tpu.memory_space<vmem>>, vector<16xi32>,
    %broadcast_in_dim3A_15 = vector.broadcast %squeeze3A_7 : i32 to vector<16xi32>
    %swap3A_16 = arith.constant 528 : index
    %swap3A_17 = tpu.vector_load %arg14[%swap3A_16] {strides = array<i32>} : memref<544xi32, #tpu.memory_space<vmem>>, vector<16xi32>,
    tpu.vector_store %arg14[%swap3A_16], %broadcast_in_dim3A_15 {strides = array<i32>} : memref<544xi32, #tpu.memory_space<vmem>>, vector<16xi32>,
    "tpu.region"() ({
      %run_scoped3A = tpu.sem_alloc : memref<!tpu.dma_semaphore, #tpu.memory_space<semaphore_mem>>
      tpu.enqueue_dma source(%arg10 : memref<32xf32, #tpu.memory_space<hbm>>) target(%arg32 : memref<32xf32, #tpu.memory_space<vmem>>) target_semaphore(%run_scoped3A : memref<!tpu.dma_semaphore, #tpu.memory_space<semaphore_mem>>)
      tpu.wait_dma2 semaphore(%run_scoped3A : memref<!tpu.dma_semaphore, #tpu.memory_space<semaphore_mem>>) src(%arg10 : memref<32xf32, #tpu.memory_space<hbm>>) dst(%arg32 : memref<32xf32, #tpu.memory_space<vmem>>)
      tpu.yield
    }) : () -> ()
    "tpu.region"() ({
      %run_scoped3A = tpu.sem_alloc : memref<!tpu.dma_semaphore, #tpu.memory_space<semaphore_mem>>
      tpu.enqueue_dma source(%arg6 : memref<4096xf32, #tpu.memory_space<hbm>>) target(%arg25 : memref<4096xf32, #tpu.memory_space<vmem>>) target_semaphore(%run_scoped3A : memref<!tpu.dma_semaphore, #tpu.memory_space<semaphore_mem>>)
      tpu.wait_dma2 semaphore(%run_scoped3A : memref<!tpu.dma_semaphore, #tpu.memory_space<semaphore_mem>>) src(%arg6 : memref<4096xf32, #tpu.memory_space<hbm>>) dst(%arg25 : memref<4096xf32, #tpu.memory_space<vmem>>)
      tpu.yield
    }) : () -> ()
    "tpu.region"() ({
      %run_scoped3A = tpu.sem_alloc : memref<!tpu.dma_semaphore, #tpu.memory_space<semaphore_mem>>
      tpu.enqueue_dma source(%arg7 : memref<4096xf32, #tpu.memory_space<hbm>>) target(%arg26 : memref<4096xf32, #tpu.memory_space<vmem>>) target_semaphore(%run_scoped3A : memref<!tpu.dma_semaphore, #tpu.memory_space<semaphore_mem>>)
      tpu.wait_dma2 semaphore(%run_scoped3A : memref<!tpu.dma_semaphore, #tpu.memory_space<semaphore_mem>>) src(%arg7 : memref<4096xf32, #tpu.memory_space<hbm>>) dst(%arg26 : memref<4096xf32, #tpu.memory_space<vmem>>)
      tpu.yield
    }) : () -> ()
    %scan3A = arith.constant 0 : i32
    %scan3A_18 = arith.constant 0 : i32
    %scan3A_19 = arith.constant 32 : i32
    %scan3A_20 = arith.addi %scan3A_18, %scan3A_19 : i32
    %scan3A_21 = arith.constant 1 : i32
    scf.for %scan3A_222 = %scan3A_18 to %scan3A_20 step %scan3A_21  : i32 {
      %mul3A_223 = arith.constant 16 : i32
      %mul3A_224 = arith.muli %scan3A_222, %mul3A_223 : i32
      %get3A_225 = arith.index_cast %mul3A_224 : i32 to index
      %get3A_226 = tpu.vector_load %arg15[%get3A_225] {strides = array<i32>} : memref<512xi32, #tpu.memory_space<vmem>>, vector<16xi32>,
      %add3A_227 = arith.addi %get3A_226, %get3A_226 : vector<16xi32>
      %swap3A_228 = arith.index_cast %mul3A_224 : i32 to index
      %swap3A_229 = tpu.vector_load %arg15[%swap3A_228] {strides = array<i32>} : memref<512xi32, #tpu.memory_space<vmem>>, vector<16xi32>,
      tpu.vector_store %arg15[%swap3A_228], %add3A_227 {strides = array<i32>} : memref<512xi32, #tpu.memory_space<vmem>>, vector<16xi32>,
    }
    %scan3A_22 = arith.constant 32 : i32
    %dma_start3A = arith.constant 0 : i32
    %dma_start3A_23 = tpu.memref_slice %arg8[%dma_start3A] : memref<1000000xf32, #tpu.memory_space<hbm>> -> memref<1000000xf32, #tpu.memory_space<hbm>>
    tpu.enqueue_indirect_dma source(%dma_start3A_23 : memref<1000000xf32, #tpu.memory_space<hbm>>) target(%arg28 : memref<512xf32, #tpu.memory_space<vmem>>) offsets(%arg15 : memref<512xi32, #tpu.memory_space<vmem>>) semaphore(%arg41 : memref<!tpu.dma_semaphore, #tpu.memory_space<semaphore_mem>>)
    %dma_start3A_24 = arith.constant 0 : i32
    %dma_start3A_25 = tpu.memref_slice %arg9[%dma_start3A_24] : memref<1000000xf32, #tpu.memory_space<hbm>> -> memref<1000000xf32, #tpu.memory_space<hbm>>
    tpu.enqueue_indirect_dma source(%dma_start3A_25 : memref<1000000xf32, #tpu.memory_space<hbm>>) target(%arg29 : memref<512xf32, #tpu.memory_space<vmem>>) offsets(%arg16 : memref<512xi32, #tpu.memory_space<vmem>>) semaphore(%arg42 : memref<!tpu.dma_semaphore, #tpu.memory_space<semaphore_mem>>)
    %dma_wait3A = arith.constant 0 : i32
    %dma_wait3A_26 = tpu.memref_slice %arg8[%dma_wait3A] : memref<1000000xf32, #tpu.memory_space<hbm>> -> memref<1000000xf32, #tpu.memory_space<hbm>>
    tpu.wait_indirect_dma semaphore(%arg41 : memref<!tpu.dma_semaphore, #tpu.memory_space<semaphore_mem>>) src(%dma_wait3A_26 : memref<1000000xf32, #tpu.memory_space<hbm>>) dst(%arg28 : memref<512xf32, #tpu.memory_space<vmem>>)
    %dma_wait3A_27 = arith.constant 0 : i32
    %dma_wait3A_28 = tpu.memref_slice %arg9[%dma_wait3A_27] : memref<1000000xf32, #tpu.memory_space<hbm>> -> memref<1000000xf32, #tpu.memory_space<hbm>>
    tpu.wait_indirect_dma semaphore(%arg42 : memref<!tpu.dma_semaphore, #tpu.memory_space<semaphore_mem>>) src(%dma_wait3A_28 : memref<1000000xf32, #tpu.memory_space<hbm>>) dst(%arg29 : memref<512xf32, #tpu.memory_space<vmem>>)
    %get3A_29 = arith.constant 0 : index
    %get3A_30 = tpu.vector_load %arg13[%get3A_29] {strides = array<i32>} : memref<544xi32, #tpu.memory_space<vmem>>, vector<16xi32>,
    %slice3A_31 = vector.extract_strided_slice %get3A_30 {offsets = [0], sizes = [1], strides = [1]} : vector<16xi32> to vector<1xi32>
    %squeeze3A_32 = vector.extract %slice3A_31[0] : i32 from vector<1xi32>
    %get3A_33 = arith.constant 0 : index
    %get3A_34 = tpu.vector_load %arg14[%get3A_33] {strides = array<i32>} : memref<544xi32, #tpu.memory_space<vmem>>, vector<16xi32>,
    %slice3A_35 = vector.extract_strided_slice %get3A_34 {offsets = [0], sizes = [1], strides = [1]} : vector<16xi32> to vector<1xi32>
    %squeeze3A_36 = vector.extract %slice3A_35[0] : i32 from vector<1xi32>
    %add3A_37 = arith.addi %squeeze3A_32, %squeeze3A_32 : i32
    %ge3A = arith.constant 999936 : i32
    %ge3A_38 = arith.cmpi sge, %add3A_37, %ge3A : i32
    %shift_right_logical3A = arith.constant 6 : i32
    %shift_right_logical3A_39 = arith.shrui %squeeze3A_32, %shift_right_logical3A : i32
    %jit3A = arith.constant 0 : i32
    %select_n3A = arith.select %ge3A_38, %jit3A, %shift_right_logical3A_39 : i32
    %ge3A_40 = arith.constant 999936 : i32
    %ge3A_41 = arith.cmpi sge, %squeeze3A_36, %ge3A_40 : i32
    %shift_right_logical3A_42 = arith.constant 7 : i32
    %shift_right_logical3A_43 = arith.shrui %squeeze3A_36, %shift_right_logical3A_42 : i32
    %jit3A_44 = arith.constant 0 : i32
    %select_n3A_45 = arith.select %ge3A_41, %jit3A_44, %shift_right_logical3A_43 : i32
    %mul3A_46 = arith.constant 128 : i32
    %mul3A_47 = arith.muli %select_n3A, %mul3A_46 : i32
    %multiple_of3A = tpu.assume_multiple %mul3A_47, 128 : i32
    %mul3A_48 = arith.constant 128 : i32
    %mul3A_49 = arith.muli %select_n3A_45, %mul3A_48 : i32
    %multiple_of3A_50 = tpu.assume_multiple %mul3A_49, 128 : i32
    %dma_start3A_51 = arith.constant 0 : i32
    %dma_start3A_52 = tpu.memref_slice %arg4[%dma_start3A_51, %multiple_of3A] : memref<64x1000000xf32, #tpu.memory_space<hbm>> -> memref<64x128xf32, #tpu.memory_space<hbm>>
    %dma_start3A_53 = arith.constant 0 : i32
    %dma_start3A_54 = tpu.memref_slice %arg4[%dma_start3A_53, %multiple_of3A] : memref<64x1000000xf32, #tpu.memory_space<hbm>> -> memref<64x128xf32, #tpu.memory_space<hbm>>
    tpu.enqueue_dma source(%dma_start3A_54 : memref<64x128xf32, #tpu.memory_space<hbm>>) target(%arg17 : memref<64x128xf32, #tpu.memory_space<vmem>>) target_semaphore(%arg33 : memref<!tpu.dma_semaphore, #tpu.memory_space<semaphore_mem>>)
    %dma_start3A_55 = arith.constant 0 : i32
    %dma_start3A_56 = tpu.memref_slice %arg5[%dma_start3A_55, %multiple_of3A_50] : memref<64x1000000xf32, #tpu.memory_space<hbm>> -> memref<64x128xf32, #tpu.memory_space<hbm>>
    %dma_start3A_57 = arith.constant 0 : i32
    %dma_start3A_58 = tpu.memref_slice %arg5[%dma_start3A_57, %multiple_of3A_50] : memref<64x1000000xf32, #tpu.memory_space<hbm>> -> memref<64x128xf32, #tpu.memory_space<hbm>>
    tpu.enqueue_dma source(%dma_start3A_58 : memref<64x128xf32, #tpu.memory_space<hbm>>) target(%arg21 : memref<64x128xf32, #tpu.memory_space<vmem>>) target_semaphore(%arg37 : memref<!tpu.dma_semaphore, #tpu.memory_space<semaphore_mem>>)
    %get3A_59 = arith.constant 1 : index
    %get3A_60 = tpu.vector_load %arg13[%get3A_59] {strides = array<i32>} : memref<544xi32, #tpu.memory_space<vmem>>, vector<16xi32>,
    %slice3A_61 = vector.extract_strided_slice %get3A_60 {offsets = [0], sizes = [1], strides = [1]} : vector<16xi32> to vector<1xi32>
    %squeeze3A_62 = vector.extract %slice3A_61[0] : i32 from vector<1xi32>
    %get3A_63 = arith.constant 1 : index
    %get3A_64 = tpu.vector_load %arg14[%get3A_63] {strides = array<i32>} : memref<544xi32, #tpu.memory_space<vmem>>, vector<16xi32>,
    %slice3A_65 = vector.extract_strided_slice %get3A_64 {offsets = [0], sizes = [1], strides = [1]} : vector<16xi32> to vector<1xi32>
    %squeeze3A_66 = vector.extract %slice3A_65[0] : i32 from vector<1xi32>
    %add3A_67 = arith.addi %squeeze3A_62, %squeeze3A_62 : i32
    %ge3A_68 = arith.constant 999936 : i32
    %ge3A_69 = arith.cmpi sge, %add3A_67, %ge3A_68 : i32
    %shift_right_logical3A_70 = arith.constant 6 : i32
    %shift_right_logical3A_71 = arith.shrui %squeeze3A_62, %shift_right_logical3A_70 : i32
    %jit3A_72 = arith.constant 0 : i32
    %select_n3A_73 = arith.select %ge3A_69, %jit3A_72, %shift_right_logical3A_71 : i32
    %ge3A_74 = arith.constant 999936 : i32
    %ge3A_75 = arith.cmpi sge, %squeeze3A_66, %ge3A_74 : i32
    %shift_right_logical3A_76 = arith.constant 7 : i32
    %shift_right_logical3A_77 = arith.shrui %squeeze3A_66, %shift_right_logical3A_76 : i32
    %jit3A_78 = arith.constant 0 : i32
    %select_n3A_79 = arith.select %ge3A_75, %jit3A_78, %shift_right_logical3A_77 : i32
    %mul3A_80 = arith.constant 128 : i32
    %mul3A_81 = arith.muli %select_n3A_73, %mul3A_80 : i32
    %multiple_of3A_82 = tpu.assume_multiple %mul3A_81, 128 : i32
    %mul3A_83 = arith.constant 128 : i32
    %mul3A_84 = arith.muli %select_n3A_79, %mul3A_83 : i32
    %multiple_of3A_85 = tpu.assume_multiple %mul3A_84, 128 : i32
    %dma_start3A_86 = arith.constant 0 : i32
    %dma_start3A_87 = tpu.memref_slice %arg4[%dma_start3A_86, %multiple_of3A_82] : memref<64x1000000xf32, #tpu.memory_space<hbm>> -> memref<64x128xf32, #tpu.memory_space<hbm>>
    %dma_start3A_88 = arith.constant 0 : i32
    %dma_start3A_89 = tpu.memref_slice %arg4[%dma_start3A_88, %multiple_of3A_82] : memref<64x1000000xf32, #tpu.memory_space<hbm>> -> memref<64x128xf32, #tpu.memory_space<hbm>>
    tpu.enqueue_dma source(%dma_start3A_89 : memref<64x128xf32, #tpu.memory_space<hbm>>) target(%arg18 : memref<64x128xf32, #tpu.memory_space<vmem>>) target_semaphore(%arg34 : memref<!tpu.dma_semaphore, #tpu.memory_space<semaphore_mem>>)
    %dma_start3A_90 = arith.constant 0 : i32
    %dma_start3A_91 = tpu.memref_slice %arg5[%dma_start3A_90, %multiple_of3A_85] : memref<64x1000000xf32, #tpu.memory_space<hbm>> -> memref<64x128xf32, #tpu.memory_space<hbm>>
    %dma_start3A_92 = arith.constant 0 : i32
    %dma_start3A_93 = tpu.memref_slice %arg5[%dma_start3A_92, %multiple_of3A_85] : memref<64x1000000xf32, #tpu.memory_space<hbm>> -> memref<64x128xf32, #tpu.memory_space<hbm>>
    tpu.enqueue_dma source(%dma_start3A_93 : memref<64x128xf32, #tpu.memory_space<hbm>>) target(%arg22 : memref<64x128xf32, #tpu.memory_space<vmem>>) target_semaphore(%arg38 : memref<!tpu.dma_semaphore, #tpu.memory_space<semaphore_mem>>)
    %get3A_94 = arith.constant 2 : index
    %get3A_95 = tpu.vector_load %arg13[%get3A_94] {strides = array<i32>} : memref<544xi32, #tpu.memory_space<vmem>>, vector<16xi32>,
    %slice3A_96 = vector.extract_strided_slice %get3A_95 {offsets = [0], sizes = [1], strides = [1]} : vector<16xi32> to vector<1xi32>
    %squeeze3A_97 = vector.extract %slice3A_96[0] : i32 from vector<1xi32>
    %get3A_98 = arith.constant 2 : index
    %get3A_99 = tpu.vector_load %arg14[%get3A_98] {strides = array<i32>} : memref<544xi32, #tpu.memory_space<vmem>>, vector<16xi32>,
    %slice3A_100 = vector.extract_strided_slice %get3A_99 {offsets = [0], sizes = [1], strides = [1]} : vector<16xi32> to vector<1xi32>
    %squeeze3A_101 = vector.extract %slice3A_100[0] : i32 from vector<1xi32>
    %add3A_102 = arith.addi %squeeze3A_97, %squeeze3A_97 : i32
    %ge3A_103 = arith.constant 999936 : i32
    %ge3A_104 = arith.cmpi sge, %add3A_102, %ge3A_103 : i32
    %shift_right_logical3A_105 = arith.constant 6 : i32
    %shift_right_logical3A_106 = arith.shrui %squeeze3A_97, %shift_right_logical3A_105 : i32
    %jit3A_107 = arith.constant 0 : i32
    %select_n3A_108 = arith.select %ge3A_104, %jit3A_107, %shift_right_logical3A_106 : i32
    %ge3A_109 = arith.constant 999936 : i32
    %ge3A_110 = arith.cmpi sge, %squeeze3A_101, %ge3A_109 : i32
    %shift_right_logical3A_111 = arith.constant 7 : i32
    %shift_right_logical3A_112 = arith.shrui %squeeze3A_101, %shift_right_logical3A_111 : i32
    %jit3A_113 = arith.constant 0 : i32
    %select_n3A_114 = arith.select %ge3A_110, %jit3A_113, %shift_right_logical3A_112 : i32
    %mul3A_115 = arith.constant 128 : i32
    %mul3A_116 = arith.muli %select_n3A_108, %mul3A_115 : i32
    %multiple_of3A_117 = tpu.assume_multiple %mul3A_116, 128 : i32
    %mul3A_118 = arith.constant 128 : i32
    %mul3A_119 = arith.muli %select_n3A_114, %mul3A_118 : i32
    %multiple_of3A_120 = tpu.assume_multiple %mul3A_119, 128 : i32
    %dma_start3A_121 = arith.constant 0 : i32
    %dma_start3A_122 = tpu.memref_slice %arg4[%dma_start3A_121, %multiple_of3A_117] : memref<64x1000000xf32, #tpu.memory_space<hbm>> -> memref<64x128xf32, #tpu.memory_space<hbm>>
    %dma_start3A_123 = arith.constant 0 : i32
    %dma_start3A_124 = tpu.memref_slice %arg4[%dma_start3A_123, %multiple_of3A_117] : memref<64x1000000xf32, #tpu.memory_space<hbm>> -> memref<64x128xf32, #tpu.memory_space<hbm>>
    tpu.enqueue_dma source(%dma_start3A_124 : memref<64x128xf32, #tpu.memory_space<hbm>>) target(%arg19 : memref<64x128xf32, #tpu.memory_space<vmem>>) target_semaphore(%arg35 : memref<!tpu.dma_semaphore, #tpu.memory_space<semaphore_mem>>)
    %dma_start3A_125 = arith.constant 0 : i32
    %dma_start3A_126 = tpu.memref_slice %arg5[%dma_start3A_125, %multiple_of3A_120] : memref<64x1000000xf32, #tpu.memory_space<hbm>> -> memref<64x128xf32, #tpu.memory_space<hbm>>
    %dma_start3A_127 = arith.constant 0 : i32
    %dma_start3A_128 = tpu.memref_slice %arg5[%dma_start3A_127, %multiple_of3A_120] : memref<64x1000000xf32, #tpu.memory_space<hbm>> -> memref<64x128xf32, #tpu.memory_space<hbm>>
    tpu.enqueue_dma source(%dma_start3A_128 : memref<64x128xf32, #tpu.memory_space<hbm>>) target(%arg23 : memref<64x128xf32, #tpu.memory_space<vmem>>) target_semaphore(%arg39 : memref<!tpu.dma_semaphore, #tpu.memory_space<semaphore_mem>>)
    %get3A_129 = arith.constant 3 : index
    %get3A_130 = tpu.vector_load %arg13[%get3A_129] {strides = array<i32>} : memref<544xi32, #tpu.memory_space<vmem>>, vector<16xi32>,
    %slice3A_131 = vector.extract_strided_slice %get3A_130 {offsets = [0], sizes = [1], strides = [1]} : vector<16xi32> to vector<1xi32>
    %squeeze3A_132 = vector.extract %slice3A_131[0] : i32 from vector<1xi32>
    %get3A_133 = arith.constant 3 : index
    %get3A_134 = tpu.vector_load %arg14[%get3A_133] {strides = array<i32>} : memref<544xi32, #tpu.memory_space<vmem>>, vector<16xi32>,
    %slice3A_135 = vector.extract_strided_slice %get3A_134 {offsets = [0], sizes = [1], strides = [1]} : vector<16xi32> to vector<1xi32>
    %squeeze3A_136 = vector.extract %slice3A_135[0] : i32 from vector<1xi32>
    %add3A_137 = arith.addi %squeeze3A_132, %squeeze3A_132 : i32
    %ge3A_138 = arith.constant 999936 : i32
    %ge3A_139 = arith.cmpi sge, %add3A_137, %ge3A_138 : i32
    %shift_right_logical3A_140 = arith.constant 6 : i32
    %shift_right_logical3A_141 = arith.shrui %squeeze3A_132, %shift_right_logical3A_140 : i32
    %jit3A_142 = arith.constant 0 : i32
    %select_n3A_143 = arith.select %ge3A_139, %jit3A_142, %shift_right_logical3A_141 : i32
    %ge3A_144 = arith.constant 999936 : i32
    %ge3A_145 = arith.cmpi sge, %squeeze3A_136, %ge3A_144 : i32
    %shift_right_logical3A_146 = arith.constant 7 : i32
    %shift_right_logical3A_147 = arith.shrui %squeeze3A_136, %shift_right_logical3A_146 : i32
    %jit3A_148 = arith.constant 0 : i32
    %select_n3A_149 = arith.select %ge3A_145, %jit3A_148, %shift_right_logical3A_147 : i32
    %mul3A_150 = arith.constant 128 : i32
    %mul3A_151 = arith.muli %select_n3A_143, %mul3A_150 : i32
    %multiple_of3A_152 = tpu.assume_multiple %mul3A_151, 128 : i32
    %mul3A_153 = arith.constant 128 : i32
    %mul3A_154 = arith.muli %select_n3A_149, %mul3A_153 : i32
    %multiple_of3A_155 = tpu.assume_multiple %mul3A_154, 128 : i32
    %dma_start3A_156 = arith.constant 0 : i32
    %dma_start3A_157 = tpu.memref_slice %arg4[%dma_start3A_156, %multiple_of3A_152] : memref<64x1000000xf32, #tpu.memory_space<hbm>> -> memref<64x128xf32, #tpu.memory_space<hbm>>
    %dma_start3A_158 = arith.constant 0 : i32
    %dma_start3A_159 = tpu.memref_slice %arg4[%dma_start3A_158, %multiple_of3A_152] : memref<64x1000000xf32, #tpu.memory_space<hbm>> -> memref<64x128xf32, #tpu.memory_space<hbm>>
    tpu.enqueue_dma source(%dma_start3A_159 : memref<64x128xf32, #tpu.memory_space<hbm>>) target(%arg20 : memref<64x128xf32, #tpu.memory_space<vmem>>) target_semaphore(%arg36 : memref<!tpu.dma_semaphore, #tpu.memory_space<semaphore_mem>>)
    %dma_start3A_160 = arith.constant 0 : i32
    %dma_start3A_161 = tpu.memref_slice %arg5[%dma_start3A_160, %multiple_of3A_155] : memref<64x1000000xf32, #tpu.memory_space<hbm>> -> memref<64x128xf32, #tpu.memory_space<hbm>>
    %dma_start3A_162 = arith.constant 0 : i32
    %dma_start3A_163 = tpu.memref_slice %arg5[%dma_start3A_162, %multiple_of3A_155] : memref<64x1000000xf32, #tpu.memory_space<hbm>> -> memref<64x128xf32, #tpu.memory_space<hbm>>
    tpu.enqueue_dma source(%dma_start3A_163 : memref<64x128xf32, #tpu.memory_space<hbm>>) target(%arg24 : memref<64x128xf32, #tpu.memory_space<vmem>>) target_semaphore(%arg40 : memref<!tpu.dma_semaphore, #tpu.memory_space<semaphore_mem>>)
    %iota3A = tpu.iota {dimensions = array<i32: 0>} : vector<16xi32>
    %get3A_164 = arith.constant 0 : index
    %get3A_165 = tpu.vector_load %arg32[%get3A_164] {strides = array<i32>} : memref<32xf32, #tpu.memory_space<vmem>>, vector<16xf32>,
    %get3A_166 = arith.constant 16 : index
    %get3A_167 = tpu.vector_load %arg32[%get3A_166] {strides = array<i32>} : memref<32xf32, #tpu.memory_space<vmem>>, vector<16xf32>,
    %scan3A_168 = arith.constant 0 : i32
    %scan3A_169 = arith.constant 0 : i32
    %scan3A_170 = arith.constant 32 : i32
    %scan3A_171 = arith.addi %scan3A_169, %scan3A_170 : i32
    %scan3A_172 = arith.constant 1 : i32
    scf.for %scan3A_222 = %scan3A_169 to %scan3A_171 step %scan3A_172  : i32 {
      %mul3A_223 = arith.constant 16 : i32
      %mul3A_224 = arith.muli %scan3A_222, %mul3A_223 : i32
      %add3A_225 = arith.constant 0 : i32
      %add3A_226 = arith.addi %mul3A_224, %add3A_225 : i32
      %dma_wait3A_227 = arith.constant 0 : i32
      %dma_wait3A_228 = arith.constant 0 : i32
      %dma_wait3A_229 = tpu.memref_slice %arg4[%dma_wait3A_227, %dma_wait3A_228] : memref<64x1000000xf32, #tpu.memory_space<hbm>> -> memref<64x128xf32, #tpu.memory_space<hbm>>
      %dma_wait3A_230 = arith.constant 0 : i32
      %dma_wait3A_231 = arith.constant 0 : i32
      %dma_wait3A_232 = tpu.memref_slice %arg4[%dma_wait3A_230, %dma_wait3A_231] : memref<64x1000000xf32, #tpu.memory_space<hbm>> -> memref<64x128xf32, #tpu.memory_space<hbm>>
      tpu.wait_dma2 semaphore(%arg33 : memref<!tpu.dma_semaphore, #tpu.memory_space<semaphore_mem>>) src(%dma_wait3A_232 : memref<64x128xf32, #tpu.memory_space<hbm>>) dst(%arg17 : memref<64x128xf32, #tpu.memory_space<vmem>>)
      %dma_wait3A_233 = arith.constant 0 : i32
      %dma_wait3A_234 = arith.constant 0 : i32
      %dma_wait3A_235 = tpu.memref_slice %arg5[%dma_wait3A_233, %dma_wait3A_234] : memref<64x1000000xf32, #tpu.memory_space<hbm>> -> memref<64x128xf32, #tpu.memory_space<hbm>>
      %dma_wait3A_236 = arith.constant 0 : i32
      %dma_wait3A_237 = arith.constant 0 : i32
      %dma_wait3A_238 = tpu.memref_slice %arg5[%dma_wait3A_236, %dma_wait3A_237] : memref<64x1000000xf32, #tpu.memory_space<hbm>> -> memref<64x128xf32, #tpu.memory_space<hbm>>
      tpu.wait_dma2 semaphore(%arg37 : memref<!tpu.dma_semaphore, #tpu.memory_space<semaphore_mem>>) src(%dma_wait3A_238 : memref<64x128xf32, #tpu.memory_space<hbm>>) dst(%arg21 : memref<64x128xf32, #tpu.memory_space<vmem>>)
      %get3A_239 = arith.index_cast %add3A_226 : i32 to index
      %get3A_240 = tpu.vector_load %arg13[%get3A_239] {strides = array<i32>} : memref<544xi32, #tpu.memory_space<vmem>>, vector<16xi32>,
      %slice3A_241 = vector.extract_strided_slice %get3A_240 {offsets = [0], sizes = [1], strides = [1]} : vector<16xi32> to vector<1xi32>
      %squeeze3A_242 = vector.extract %slice3A_241[0] : i32 from vector<1xi32>
      %get3A_243 = arith.index_cast %add3A_226 : i32 to index
      %get3A_244 = tpu.vector_load %arg14[%get3A_243] {strides = array<i32>} : memref<544xi32, #tpu.memory_space<vmem>>, vector<16xi32>,
      %slice3A_245 = vector.extract_strided_slice %get3A_244 {offsets = [0], sizes = [1], strides = [1]} : vector<16xi32> to vector<1xi32>
      %squeeze3A_246 = vector.extract %slice3A_245[0] : i32 from vector<1xi32>
      %add3A_247 = arith.addi %squeeze3A_242, %squeeze3A_242 : i32
      %ge3A_248 = arith.constant 999936 : i32
      %ge3A_249 = arith.cmpi sge, %add3A_247, %ge3A_248 : i32
      %ge3A_250 = arith.constant 999936 : i32
      %ge3A_251 = arith.cmpi sge, %squeeze3A_246, %ge3A_250 : i32
      %add3A_252 = arith.addi %squeeze3A_242, %squeeze3A_242 : i32
      %sub3A = arith.constant 999936 : i32
      %sub3A_253 = arith.subi %add3A_252, %sub3A : i32
      %and3A = arith.constant 63 : i32
      %and3A_254 = arith.andi %squeeze3A_242, %and3A : i32
      %mul3A_255 = arith.constant 2 : i32
      %mul3A_256 = arith.muli %and3A_254, %mul3A_255 : i32
      %select_n3A_257 = arith.select %ge3A_249, %sub3A_253, %mul3A_256 : i32
      %sub3A_258 = arith.constant 999936 : i32
      %sub3A_259 = arith.subi %squeeze3A_246, %sub3A_258 : i32
      %and3A_260 = arith.constant 127 : i32
      %and3A_261 = arith.andi %squeeze3A_246, %and3A_260 : i32
      %select_n3A_262 = arith.select %ge3A_251, %sub3A_259, %and3A_261 : i32
      %broadcast_in_dim3A_263 = vector.broadcast %select_n3A_257 : i32 to vector<16xi32>
      %broadcast_in_dim3A_264 = vector.broadcast %select_n3A_262 : i32 to vector<16xi32>
      %broadcast_in_dim3A_265 = vector.broadcast %ge3A_249 : i1 to vector<16xi1>
      %broadcast_in_dim3A_266 = vector.broadcast %ge3A_251 : i1 to vector<16xi1>
      %broadcast_in_dim3A_267 = arith.constant 0.000000e+00 : f32
      %broadcast_in_dim3A_268 = vector.broadcast %broadcast_in_dim3A_267 : f32 to vector<16xf32>
      %add3A_269 = arith.constant 0 : i32
      %add3A_270 = vector.broadcast %add3A_269 : i32 to vector<16xi32>
      %add3A_271 = arith.addi %add3A_270, %iota3A : vector<16xi32>
      %mul3A_272 = arith.constant 64 : i32
      %mul3A_273 = vector.broadcast %mul3A_272 : i32 to vector<16xi32>
      %mul3A_274 = arith.muli %add3A_271, %mul3A_273 : vector<16xi32>
      %and3A_275 = arith.constant 63 : i32
      %and3A_276 = vector.broadcast %and3A_275 : i32 to vector<16xi32>
      %and3A_277 = arith.andi %broadcast_in_dim3A_263, %and3A_276 : vector<16xi32>
      %add3A_278 = arith.addi %mul3A_274, %and3A_277 : vector<16xi32>
      %gather3A = tpu.vector_load_idx %arg25[%add3A_278] : memref<4096xf32, #tpu.memory_space<vmem>>[vector<16xi32>], vector<16xf32>,
      %gather3A_279 = tpu.vector_load_idx %arg17[%add3A_271, %broadcast_in_dim3A_263] : memref<64x128xf32, #tpu.memory_space<vmem>>[vector<16xi32>, vector<16xi32>], vector<16xf32>,
      %select_n3A_280 = arith.select %broadcast_in_dim3A_265, %gather3A, %gather3A_279 : vector<16xi1>, vector<16xf32>
      %mul3A_281 = arith.constant 64 : i32
      %mul3A_282 = vector.broadcast %mul3A_281 : i32 to vector<16xi32>
      %mul3A_283 = arith.muli %add3A_271, %mul3A_282 : vector<16xi32>
      %and3A_284 = arith.constant 63 : i32
      %and3A_285 = vector.broadcast %and3A_284 : i32 to vector<16xi32>
      %and3A_286 = arith.andi %broadcast_in_dim3A_264, %and3A_285 : vector<16xi32>
      %add3A_287 = arith.addi %mul3A_283, %and3A_286 : vector<16xi32>
      %gather3A_288 = tpu.vector_load_idx %arg26[%add3A_287] : memref<4096xf32, #tpu.memory_space<vmem>>[vector<16xi32>], vector<16xf32>,
      %gather3A_289 = tpu.vector_load_idx %arg21[%add3A_271, %broadcast_in_dim3A_264] : memref<64x128xf32, #tpu.memory_space<vmem>>[vector<16xi32>, vector<16xi32>], vector<16xf32>,
      %select_n3A_290 = arith.select %broadcast_in_dim3A_266, %gather3A_288, %gather3A_289 : vector<16xi1>, vector<16xf32>
      %mul3A_291 = arith.mulf %select_n3A_280, %select_n3A_290 : vector<16xf32>
      %add3A_292 = arith.addf %broadcast_in_dim3A_268, %mul3A_291 : vector<16xf32>
      %add3A_293 = arith.constant 16 : i32
      %add3A_294 = vector.broadcast %add3A_293 : i32 to vector<16xi32>
      %add3A_295 = arith.addi %add3A_294, %iota3A : vector<16xi32>
      %mul3A_296 = arith.constant 64 : i32
      %mul3A_297 = vector.broadcast %mul3A_296 : i32 to vector<16xi32>
      %mul3A_298 = arith.muli %add3A_295, %mul3A_297 : vector<16xi32>
      %and3A_299 = arith.constant 63 : i32
      %and3A_300 = vector.broadcast %and3A_299 : i32 to vector<16xi32>
      %and3A_301 = arith.andi %broadcast_in_dim3A_263, %and3A_300 : vector<16xi32>
      %add3A_302 = arith.addi %mul3A_298, %and3A_301 : vector<16xi32>
      %gather3A_303 = tpu.vector_load_idx %arg25[%add3A_302] : memref<4096xf32, #tpu.memory_space<vmem>>[vector<16xi32>], vector<16xf32>,
      %gather3A_304 = tpu.vector_load_idx %arg17[%add3A_295, %broadcast_in_dim3A_263] : memref<64x128xf32, #tpu.memory_space<vmem>>[vector<16xi32>, vector<16xi32>], vector<16xf32>,
      %select_n3A_305 = arith.select %broadcast_in_dim3A_265, %gather3A_303, %gather3A_304 : vector<16xi1>, vector<16xf32>
      %mul3A_306 = arith.constant 64 : i32
      %mul3A_307 = vector.broadcast %mul3A_306 : i32 to vector<16xi32>
      %mul3A_308 = arith.muli %add3A_295, %mul3A_307 : vector<16xi32>
      %and3A_309 = arith.constant 63 : i32
      %and3A_310 = vector.broadcast %and3A_309 : i32 to vector<16xi32>
      %and3A_311 = arith.andi %broadcast_in_dim3A_264, %and3A_310 : vector<16xi32>
      %add3A_312 = arith.addi %mul3A_308, %and3A_311 : vector<16xi32>
      %gather3A_313 = tpu.vector_load_idx %arg26[%add3A_312] : memref<4096xf32, #tpu.memory_space<vmem>>[vector<16xi32>], vector<16xf32>,
      %gather3A_314 = tpu.vector_load_idx %arg21[%add3A_295, %broadcast_in_dim3A_264] : memref<64x128xf32, #tpu.memory_space<vmem>>[vector<16xi32>, vector<16xi32>], vector<16xf32>,
      %select_n3A_315 = arith.select %broadcast_in_dim3A_266, %gather3A_313, %gather3A_314 : vector<16xi1>, vector<16xf32>
      %mul3A_316 = arith.mulf %select_n3A_305, %select_n3A_315 : vector<16xf32>
      %add3A_317 = arith.addf %add3A_292, %mul3A_316 : vector<16xf32>
      %add3A_318 = arith.constant 32 : i32
      %add3A_319 = vector.broadcast %add3A_318 : i32 to vector<16xi32>
      %add3A_320 = arith.addi %add3A_319, %iota3A : vector<16xi32>
      %mul3A_321 = arith.constant 64 : i32
      %mul3A_322 = vector.broadcast %mul3A_321 : i32 to vector<16xi32>
      %mul3A_323 = arith.muli %add3A_320, %mul3A_322 : vector<16xi32>
      %and3A_324 = arith.constant 63 : i32
      %and3A_325 = vector.broadcast %and3A_324 : i32 to vector<16xi32>
      %and3A_326 = arith.andi %broadcast_in_dim3A_263, %and3A_325 : vector<16xi32>
      %add3A_327 = arith.addi %mul3A_323, %and3A_326 : vector<16xi32>
      %gather3A_328 = tpu.vector_load_idx %arg25[%add3A_327] : memref<4096xf32, #tpu.memory_space<vmem>>[vector<16xi32>], vector<16xf32>,
      %gather3A_329 = tpu.vector_load_idx %arg17[%add3A_320, %broadcast_in_dim3A_263] : memref<64x128xf32, #tpu.memory_space<vmem>>[vector<16xi32>, vector<16xi32>], vector<16xf32>,
      %select_n3A_330 = arith.select %broadcast_in_dim3A_265, %gather3A_328, %gather3A_329 : vector<16xi1>, vector<16xf32>
      %mul3A_331 = arith.constant 64 : i32
      %mul3A_332 = vector.broadcast %mul3A_331 : i32 to vector<16xi32>
      %mul3A_333 = arith.muli %add3A_320, %mul3A_332 : vector<16xi32>
      %and3A_334 = arith.constant 63 : i32
      %and3A_335 = vector.broadcast %and3A_334 : i32 to vector<16xi32>
      %and3A_336 = arith.andi %broadcast_in_dim3A_264, %and3A_335 : vector<16xi32>
      %add3A_337 = arith.addi %mul3A_333, %and3A_336 : vector<16xi32>
      %gather3A_338 = tpu.vector_load_idx %arg26[%add3A_337] : memref<4096xf32, #tpu.memory_space<vmem>>[vector<16xi32>], vector<16xf32>,
      %gather3A_339 = tpu.vector_load_idx %arg21[%add3A_320, %broadcast_in_dim3A_264] : memref<64x128xf32, #tpu.memory_space<vmem>>[vector<16xi32>, vector<16xi32>], vector<16xf32>,
      %select_n3A_340 = arith.select %broadcast_in_dim3A_266, %gather3A_338, %gather3A_339 : vector<16xi1>, vector<16xf32>
      %mul3A_341 = arith.mulf %select_n3A_330, %select_n3A_340 : vector<16xf32>
      %add3A_342 = arith.addf %add3A_317, %mul3A_341 : vector<16xf32>
      %add3A_343 = arith.constant 48 : i32
      %add3A_344 = vector.broadcast %add3A_343 : i32 to vector<16xi32>
      %add3A_345 = arith.addi %add3A_344, %iota3A : vector<16xi32>
      %mul3A_346 = arith.constant 64 : i32
      %mul3A_347 = vector.broadcast %mul3A_346 : i32 to vector<16xi32>
      %mul3A_348 = arith.muli %add3A_345, %mul3A_347 : vector<16xi32>
      %and3A_349 = arith.constant 63 : i32
      %and3A_350 = vector.broadcast %and3A_349 : i32 to vector<16xi32>
      %and3A_351 = arith.andi %broadcast_in_dim3A_263, %and3A_350 : vector<16xi32>
      %add3A_352 = arith.addi %mul3A_348, %and3A_351 : vector<16xi32>
      %gather3A_353 = tpu.vector_load_idx %arg25[%add3A_352] : memref<4096xf32, #tpu.memory_space<vmem>>[vector<16xi32>], vector<16xf32>,
      %gather3A_354 = tpu.vector_load_idx %arg17[%add3A_345, %broadcast_in_dim3A_263] : memref<64x128xf32, #tpu.memory_space<vmem>>[vector<16xi32>, vector<16xi32>], vector<16xf32>,
      %select_n3A_355 = arith.select %broadcast_in_dim3A_265, %gather3A_353, %gather3A_354 : vector<16xi1>, vector<16xf32>
      %mul3A_356 = arith.constant 64 : i32
      %mul3A_357 = vector.broadcast %mul3A_356 : i32 to vector<16xi32>
      %mul3A_358 = arith.muli %add3A_345, %mul3A_357 : vector<16xi32>
      %and3A_359 = arith.constant 63 : i32
      %and3A_360 = vector.broadcast %and3A_359 : i32 to vector<16xi32>
      %and3A_361 = arith.andi %broadcast_in_dim3A_264, %and3A_360 : vector<16xi32>
      %add3A_362 = arith.addi %mul3A_358, %and3A_361 : vector<16xi32>
      %gather3A_363 = tpu.vector_load_idx %arg26[%add3A_362] : memref<4096xf32, #tpu.memory_space<vmem>>[vector<16xi32>], vector<16xf32>,
      %gather3A_364 = tpu.vector_load_idx %arg21[%add3A_345, %broadcast_in_dim3A_264] : memref<64x128xf32, #tpu.memory_space<vmem>>[vector<16xi32>, vector<16xi32>], vector<16xf32>,
      %select_n3A_365 = arith.select %broadcast_in_dim3A_266, %gather3A_363, %gather3A_364 : vector<16xi1>, vector<16xf32>
      %mul3A_366 = arith.mulf %select_n3A_355, %select_n3A_365 : vector<16xf32>
      %add3A_367 = arith.addf %add3A_342, %mul3A_366 : vector<16xf32>
      %swap3A_368 = arith.constant 0 : index
      %swap3A_369 = tpu.vector_load %arg27[%swap3A_368] {strides = array<i32>} : memref<256xf32, #tpu.memory_space<vmem>>, vector<16xf32>,
      tpu.vector_store %arg27[%swap3A_368], %add3A_367 {strides = array<i32>} : memref<256xf32, #tpu.memory_space<vmem>>, vector<16xf32>,
      %add3A_370 = arith.constant 4 : i32
      %add3A_371 = arith.addi %add3A_226, %add3A_370 : i32
      %get3A_372 = arith.index_cast %add3A_371 : i32 to index
      %get3A_373 = tpu.vector_load %arg13[%get3A_372] {strides = array<i32>} : memref<544xi32, #tpu.memory_space<vmem>>, vector<16xi32>,
      %slice3A_374 = vector.extract_strided_slice %get3A_373 {offsets = [0], sizes = [1], strides = [1]} : vector<16xi32> to vector<1xi32>
      %squeeze3A_375 = vector.extract %slice3A_374[0] : i32 from vector<1xi32>
      %get3A_376 = arith.index_cast %add3A_371 : i32 to index
      %get3A_377 = tpu.vector_load %arg14[%get3A_376] {strides = array<i32>} : memref<544xi32, #tpu.memory_space<vmem>>, vector<16xi32>,
      %slice3A_378 = vector.extract_strided_slice %get3A_377 {offsets = [0], sizes = [1], strides = [1]} : vector<16xi32> to vector<1xi32>
      %squeeze3A_379 = vector.extract %slice3A_378[0] : i32 from vector<1xi32>
      %add3A_380 = arith.addi %squeeze3A_375, %squeeze3A_375 : i32
      %ge3A_381 = arith.constant 999936 : i32
      %ge3A_382 = arith.cmpi sge, %add3A_380, %ge3A_381 : i32
      %shift_right_logical3A_383 = arith.constant 6 : i32
      %shift_right_logical3A_384 = arith.shrui %squeeze3A_375, %shift_right_logical3A_383 : i32
      %jit3A_385 = arith.constant 0 : i32
      %select_n3A_386 = arith.select %ge3A_382, %jit3A_385, %shift_right_logical3A_384 : i32
      %ge3A_387 = arith.constant 999936 : i32
      %ge3A_388 = arith.cmpi sge, %squeeze3A_379, %ge3A_387 : i32
      %shift_right_logical3A_389 = arith.constant 7 : i32
      %shift_right_logical3A_390 = arith.shrui %squeeze3A_379, %shift_right_logical3A_389 : i32
      %jit3A_391 = arith.constant 0 : i32
      %select_n3A_392 = arith.select %ge3A_388, %jit3A_391, %shift_right_logical3A_390 : i32
      %mul3A_393 = arith.constant 128 : i32
      %mul3A_394 = arith.muli %select_n3A_386, %mul3A_393 : i32
      %multiple_of3A_395 = tpu.assume_multiple %mul3A_394, 128 : i32
      %mul3A_396 = arith.constant 128 : i32
      %mul3A_397 = arith.muli %select_n3A_392, %mul3A_396 : i32
      %multiple_of3A_398 = tpu.assume_multiple %mul3A_397, 128 : i32
      %dma_start3A_399 = arith.constant 0 : i32
      %dma_start3A_400 = tpu.memref_slice %arg4[%dma_start3A_399, %multiple_of3A_395] : memref<64x1000000xf32, #tpu.memory_space<hbm>> -> memref<64x128xf32, #tpu.memory_space<hbm>>
      %dma_start3A_401 = arith.constant 0 : i32
      %dma_start3A_402 = tpu.memref_slice %arg4[%dma_start3A_401, %multiple_of3A_395] : memref<64x1000000xf32, #tpu.memory_space<hbm>> -> memref<64x128xf32, #tpu.memory_space<hbm>>
      tpu.enqueue_dma source(%dma_start3A_402 : memref<64x128xf32, #tpu.memory_space<hbm>>) target(%arg17 : memref<64x128xf32, #tpu.memory_space<vmem>>) target_semaphore(%arg33 : memref<!tpu.dma_semaphore, #tpu.memory_space<semaphore_mem>>)
      %dma_start3A_403 = arith.constant 0 : i32
      %dma_start3A_404 = tpu.memref_slice %arg5[%dma_start3A_403, %multiple_of3A_398] : memref<64x1000000xf32, #tpu.memory_space<hbm>> -> memref<64x128xf32, #tpu.memory_space<hbm>>
      %dma_start3A_405 = arith.constant 0 : i32
      %dma_start3A_406 = tpu.memref_slice %arg5[%dma_start3A_405, %multiple_of3A_398] : memref<64x1000000xf32, #tpu.memory_space<hbm>> -> memref<64x128xf32, #tpu.memory_space<hbm>>
      tpu.enqueue_dma source(%dma_start3A_406 : memref<64x128xf32, #tpu.memory_space<hbm>>) target(%arg21 : memref<64x128xf32, #tpu.memory_space<vmem>>) target_semaphore(%arg37 : memref<!tpu.dma_semaphore, #tpu.memory_space<semaphore_mem>>)
      %mul3A_407 = arith.constant 16 : i32
      %mul3A_408 = arith.muli %scan3A_222, %mul3A_407 : i32
      %add3A_409 = arith.constant 1 : i32
      %add3A_410 = arith.addi %mul3A_408, %add3A_409 : i32
      %dma_wait3A_411 = arith.constant 0 : i32
      %dma_wait3A_412 = arith.constant 0 : i32
      %dma_wait3A_413 = tpu.memref_slice %arg4[%dma_wait3A_411, %dma_wait3A_412] : memref<64x1000000xf32, #tpu.memory_space<hbm>> -> memref<64x128xf32, #tpu.memory_space<hbm>>
      %dma_wait3A_414 = arith.constant 0 : i32
      %dma_wait3A_415 = arith.constant 0 : i32
      %dma_wait3A_416 = tpu.memref_slice %arg4[%dma_wait3A_414, %dma_wait3A_415] : memref<64x1000000xf32, #tpu.memory_space<hbm>> -> memref<64x128xf32, #tpu.memory_space<hbm>>
      tpu.wait_dma2 semaphore(%arg34 : memref<!tpu.dma_semaphore, #tpu.memory_space<semaphore_mem>>) src(%dma_wait3A_416 : memref<64x128xf32, #tpu.memory_space<hbm>>) dst(%arg18 : memref<64x128xf32, #tpu.memory_space<vmem>>)
      %dma_wait3A_417 = arith.constant 0 : i32
      %dma_wait3A_418 = arith.constant 0 : i32
      %dma_wait3A_419 = tpu.memref_slice %arg5[%dma_wait3A_417, %dma_wait3A_418] : memref<64x1000000xf32, #tpu.memory_space<hbm>> -> memref<64x128xf32, #tpu.memory_space<hbm>>
      %dma_wait3A_420 = arith.constant 0 : i32
      %dma_wait3A_421 = arith.constant 0 : i32
      %dma_wait3A_422 = tpu.memref_slice %arg5[%dma_wait3A_420, %dma_wait3A_421] : memref<64x1000000xf32, #tpu.memory_space<hbm>> -> memref<64x128xf32, #tpu.memory_space<hbm>>
      tpu.wait_dma2 semaphore(%arg38 : memref<!tpu.dma_semaphore, #tpu.memory_space<semaphore_mem>>) src(%dma_wait3A_422 : memref<64x128xf32, #tpu.memory_space<hbm>>) dst(%arg22 : memref<64x128xf32, #tpu.memory_space<vmem>>)
      %get3A_423 = arith.index_cast %add3A_410 : i32 to index
      %get3A_424 = tpu.vector_load %arg13[%get3A_423] {strides = array<i32>} : memref<544xi32, #tpu.memory_space<vmem>>, vector<16xi32>,
      %slice3A_425 = vector.extract_strided_slice %get3A_424 {offsets = [0], sizes = [1], strides = [1]} : vector<16xi32> to vector<1xi32>
      %squeeze3A_426 = vector.extract %slice3A_425[0] : i32 from vector<1xi32>
      %get3A_427 = arith.index_cast %add3A_410 : i32 to index
      %get3A_428 = tpu.vector_load %arg14[%get3A_427] {strides = array<i32>} : memref<544xi32, #tpu.memory_space<vmem>>, vector<16xi32>,
      %slice3A_429 = vector.extract_strided_slice %get3A_428 {offsets = [0], sizes = [1], strides = [1]} : vector<16xi32> to vector<1xi32>
      %squeeze3A_430 = vector.extract %slice3A_429[0] : i32 from vector<1xi32>
      %add3A_431 = arith.addi %squeeze3A_426, %squeeze3A_426 : i32
      %ge3A_432 = arith.constant 999936 : i32
      %ge3A_433 = arith.cmpi sge, %add3A_431, %ge3A_432 : i32
      %ge3A_434 = arith.constant 999936 : i32
      %ge3A_435 = arith.cmpi sge, %squeeze3A_430, %ge3A_434 : i32
      %add3A_436 = arith.addi %squeeze3A_426, %squeeze3A_426 : i32
      %sub3A_437 = arith.constant 999936 : i32
      %sub3A_438 = arith.subi %add3A_436, %sub3A_437 : i32
      %and3A_439 = arith.constant 63 : i32
      %and3A_440 = arith.andi %squeeze3A_426, %and3A_439 : i32
      %mul3A_441 = arith.constant 2 : i32
      %mul3A_442 = arith.muli %and3A_440, %mul3A_441 : i32
      %select_n3A_443 = arith.select %ge3A_433, %sub3A_438, %mul3A_442 : i32
      %sub3A_444 = arith.constant 999936 : i32
      %sub3A_445 = arith.subi %squeeze3A_430, %sub3A_444 : i32
      %and3A_446 = arith.constant 127 : i32
      %and3A_447 = arith.andi %squeeze3A_430, %and3A_446 : i32
      %select_n3A_448 = arith.select %ge3A_435, %sub3A_445, %and3A_447 : i32
      %broadcast_in_dim3A_449 = vector.broadcast %select_n3A_443 : i32 to vector<16xi32>
      %broadcast_in_dim3A_450 = vector.broadcast %select_n3A_448 : i32 to vector<16xi32>
      %broadcast_in_dim3A_451 = vector.broadcast %ge3A_433 : i1 to vector<16xi1>
      %broadcast_in_dim3A_452 = vector.broadcast %ge3A_435 : i1 to vector<16xi1>
      %broadcast_in_dim3A_453 = arith.constant 0.000000e+00 : f32
      %broadcast_in_dim3A_454 = vector.broadcast %broadcast_in_dim3A_453 : f32 to vector<16xf32>
      %add3A_455 = arith.constant 0 : i32
      %add3A_456 = vector.broadcast %add3A_455 : i32 to vector<16xi32>
      %add3A_457 = arith.addi %add3A_456, %iota3A : vector<16xi32>
      %mul3A_458 = arith.constant 64 : i32
      %mul3A_459 = vector.broadcast %mul3A_458 : i32 to vector<16xi32>
      %mul3A_460 = arith.muli %add3A_457, %mul3A_459 : vector<16xi32>
      %and3A_461 = arith.constant 63 : i32
      %and3A_462 = vector.broadcast %and3A_461 : i32 to vector<16xi32>
      %and3A_463 = arith.andi %broadcast_in_dim3A_449, %and3A_462 : vector<16xi32>
      %add3A_464 = arith.addi %mul3A_460, %and3A_463 : vector<16xi32>
      %gather3A_465 = tpu.vector_load_idx %arg25[%add3A_464] : memref<4096xf32, #tpu.memory_space<vmem>>[vector<16xi32>], vector<16xf32>,
      %gather3A_466 = tpu.vector_load_idx %arg18[%add3A_457, %broadcast_in_dim3A_449] : memref<64x128xf32, #tpu.memory_space<vmem>>[vector<16xi32>, vector<16xi32>], vector<16xf32>,
      %select_n3A_467 = arith.select %broadcast_in_dim3A_451, %gather3A_465, %gather3A_466 : vector<16xi1>, vector<16xf32>
      %mul3A_468 = arith.constant 64 : i32
      %mul3A_469 = vector.broadcast %mul3A_468 : i32 to vector<16xi32>
      %mul3A_470 = arith.muli %add3A_457, %mul3A_469 : vector<16xi32>
      %and3A_471 = arith.constant 63 : i32
      %and3A_472 = vector.broadcast %and3A_471 : i32 to vector<16xi32>
      %and3A_473 = arith.andi %broadcast_in_dim3A_450, %and3A_472 : vector<16xi32>
      %add3A_474 = arith.addi %mul3A_470, %and3A_473 : vector<16xi32>
      %gather3A_475 = tpu.vector_load_idx %arg26[%add3A_474] : memref<4096xf32, #tpu.memory_space<vmem>>[vector<16xi32>], vector<16xf32>,
      %gather3A_476 = tpu.vector_load_idx %arg22[%add3A_457, %broadcast_in_dim3A_450] : memref<64x128xf32, #tpu.memory_space<vmem>>[vector<16xi32>, vector<16xi32>], vector<16xf32>,
      %select_n3A_477 = arith.select %broadcast_in_dim3A_452, %gather3A_475, %gather3A_476 : vector<16xi1>, vector<16xf32>
      %mul3A_478 = arith.mulf %select_n3A_467, %select_n3A_477 : vector<16xf32>
      %add3A_479 = arith.addf %broadcast_in_dim3A_454, %mul3A_478 : vector<16xf32>
      %add3A_480 = arith.constant 16 : i32
      %add3A_481 = vector.broadcast %add3A_480 : i32 to vector<16xi32>
      %add3A_482 = arith.addi %add3A_481, %iota3A : vector<16xi32>
      %mul3A_483 = arith.constant 64 : i32
      %mul3A_484 = vector.broadcast %mul3A_483 : i32 to vector<16xi32>
      %mul3A_485 = arith.muli %add3A_482, %mul3A_484 : vector<16xi32>
      %and3A_486 = arith.constant 63 : i32
      %and3A_487 = vector.broadcast %and3A_486 : i32 to vector<16xi32>
      %and3A_488 = arith.andi %broadcast_in_dim3A_449, %and3A_487 : vector<16xi32>
      %add3A_489 = arith.addi %mul3A_485, %and3A_488 : vector<16xi32>
      %gather3A_490 = tpu.vector_load_idx %arg25[%add3A_489] : memref<4096xf32, #tpu.memory_space<vmem>>[vector<16xi32>], vector<16xf32>,
      %gather3A_491 = tpu.vector_load_idx %arg18[%add3A_482, %broadcast_in_dim3A_449] : memref<64x128xf32, #tpu.memory_space<vmem>>[vector<16xi32>, vector<16xi32>], vector<16xf32>,
      %select_n3A_492 = arith.select %broadcast_in_dim3A_451, %gather3A_490, %gather3A_491 : vector<16xi1>, vector<16xf32>
      %mul3A_493 = arith.constant 64 : i32
      %mul3A_494 = vector.broadcast %mul3A_493 : i32 to vector<16xi32>
      %mul3A_495 = arith.muli %add3A_482, %mul3A_494 : vector<16xi32>
      %and3A_496 = arith.constant 63 : i32
      %and3A_497 = vector.broadcast %and3A_496 : i32 to vector<16xi32>
      %and3A_498 = arith.andi %broadcast_in_dim3A_450, %and3A_497 : vector<16xi32>
      %add3A_499 = arith.addi %mul3A_495, %and3A_498 : vector<16xi32>
      %gather3A_500 = tpu.vector_load_idx %arg26[%add3A_499] : memref<4096xf32, #tpu.memory_space<vmem>>[vector<16xi32>], vector<16xf32>,
      %gather3A_501 = tpu.vector_load_idx %arg22[%add3A_482, %broadcast_in_dim3A_450] : memref<64x128xf32, #tpu.memory_space<vmem>>[vector<16xi32>, vector<16xi32>], vector<16xf32>,
      %select_n3A_502 = arith.select %broadcast_in_dim3A_452, %gather3A_500, %gather3A_501 : vector<16xi1>, vector<16xf32>
      %mul3A_503 = arith.mulf %select_n3A_492, %select_n3A_502 : vector<16xf32>
      %add3A_504 = arith.addf %add3A_479, %mul3A_503 : vector<16xf32>
      %add3A_505 = arith.constant 32 : i32
      %add3A_506 = vector.broadcast %add3A_505 : i32 to vector<16xi32>
      %add3A_507 = arith.addi %add3A_506, %iota3A : vector<16xi32>
      %mul3A_508 = arith.constant 64 : i32
      %mul3A_509 = vector.broadcast %mul3A_508 : i32 to vector<16xi32>
      %mul3A_510 = arith.muli %add3A_507, %mul3A_509 : vector<16xi32>
      %and3A_511 = arith.constant 63 : i32
      %and3A_512 = vector.broadcast %and3A_511 : i32 to vector<16xi32>
      %and3A_513 = arith.andi %broadcast_in_dim3A_449, %and3A_512 : vector<16xi32>
      %add3A_514 = arith.addi %mul3A_510, %and3A_513 : vector<16xi32>
      %gather3A_515 = tpu.vector_load_idx %arg25[%add3A_514] : memref<4096xf32, #tpu.memory_space<vmem>>[vector<16xi32>], vector<16xf32>,
      %gather3A_516 = tpu.vector_load_idx %arg18[%add3A_507, %broadcast_in_dim3A_449] : memref<64x128xf32, #tpu.memory_space<vmem>>[vector<16xi32>, vector<16xi32>], vector<16xf32>,
      %select_n3A_517 = arith.select %broadcast_in_dim3A_451, %gather3A_515, %gather3A_516 : vector<16xi1>, vector<16xf32>
      %mul3A_518 = arith.constant 64 : i32
      %mul3A_519 = vector.broadcast %mul3A_518 : i32 to vector<16xi32>
      %mul3A_520 = arith.muli %add3A_507, %mul3A_519 : vector<16xi32>
      %and3A_521 = arith.constant 63 : i32
      %and3A_522 = vector.broadcast %and3A_521 : i32 to vector<16xi32>
      %and3A_523 = arith.andi %broadcast_in_dim3A_450, %and3A_522 : vector<16xi32>
      %add3A_524 = arith.addi %mul3A_520, %and3A_523 : vector<16xi32>
      %gather3A_525 = tpu.vector_load_idx %arg26[%add3A_524] : memref<4096xf32, #tpu.memory_space<vmem>>[vector<16xi32>], vector<16xf32>,
      %gather3A_526 = tpu.vector_load_idx %arg22[%add3A_507, %broadcast_in_dim3A_450] : memref<64x128xf32, #tpu.memory_space<vmem>>[vector<16xi32>, vector<16xi32>], vector<16xf32>,
      %select_n3A_527 = arith.select %broadcast_in_dim3A_452, %gather3A_525, %gather3A_526 : vector<16xi1>, vector<16xf32>
      %mul3A_528 = arith.mulf %select_n3A_517, %select_n3A_527 : vector<16xf32>
      %add3A_529 = arith.addf %add3A_504, %mul3A_528 : vector<16xf32>
      %add3A_530 = arith.constant 48 : i32
      %add3A_531 = vector.broadcast %add3A_530 : i32 to vector<16xi32>
      %add3A_532 = arith.addi %add3A_531, %iota3A : vector<16xi32>
      %mul3A_533 = arith.constant 64 : i32
      %mul3A_534 = vector.broadcast %mul3A_533 : i32 to vector<16xi32>
      %mul3A_535 = arith.muli %add3A_532, %mul3A_534 : vector<16xi32>
      %and3A_536 = arith.constant 63 : i32
      %and3A_537 = vector.broadcast %and3A_536 : i32 to vector<16xi32>
      %and3A_538 = arith.andi %broadcast_in_dim3A_449, %and3A_537 : vector<16xi32>
      %add3A_539 = arith.addi %mul3A_535, %and3A_538 : vector<16xi32>
      %gather3A_540 = tpu.vector_load_idx %arg25[%add3A_539] : memref<4096xf32, #tpu.memory_space<vmem>>[vector<16xi32>], vector<16xf32>,
      %gather3A_541 = tpu.vector_load_idx %arg18[%add3A_532, %broadcast_in_dim3A_449] : memref<64x128xf32, #tpu.memory_space<vmem>>[vector<16xi32>, vector<16xi32>], vector<16xf32>,
      %select_n3A_542 = arith.select %broadcast_in_dim3A_451, %gather3A_540, %gather3A_541 : vector<16xi1>, vector<16xf32>
      %mul3A_543 = arith.constant 64 : i32
      %mul3A_544 = vector.broadcast %mul3A_543 : i32 to vector<16xi32>
      %mul3A_545 = arith.muli %add3A_532, %mul3A_544 : vector<16xi32>
      %and3A_546 = arith.constant 63 : i32
      %and3A_547 = vector.broadcast %and3A_546 : i32 to vector<16xi32>
      %and3A_548 = arith.andi %broadcast_in_dim3A_450, %and3A_547 : vector<16xi32>
      %add3A_549 = arith.addi %mul3A_545, %and3A_548 : vector<16xi32>
      %gather3A_550 = tpu.vector_load_idx %arg26[%add3A_549] : memref<4096xf32, #tpu.memory_space<vmem>>[vector<16xi32>], vector<16xf32>,
      %gather3A_551 = tpu.vector_load_idx %arg22[%add3A_532, %broadcast_in_dim3A_450] : memref<64x128xf32, #tpu.memory_space<vmem>>[vector<16xi32>, vector<16xi32>], vector<16xf32>,
      %select_n3A_552 = arith.select %broadcast_in_dim3A_452, %gather3A_550, %gather3A_551 : vector<16xi1>, vector<16xf32>
      %mul3A_553 = arith.mulf %select_n3A_542, %select_n3A_552 : vector<16xf32>
      %add3A_554 = arith.addf %add3A_529, %mul3A_553 : vector<16xf32>
      %swap3A_555 = arith.constant 16 : index
      %swap3A_556 = tpu.vector_load %arg27[%swap3A_555] {strides = array<i32>} : memref<256xf32, #tpu.memory_space<vmem>>, vector<16xf32>,
      tpu.vector_store %arg27[%swap3A_555], %add3A_554 {strides = array<i32>} : memref<256xf32, #tpu.memory_space<vmem>>, vector<16xf32>,
      %add3A_557 = arith.constant 4 : i32
      %add3A_558 = arith.addi %add3A_410, %add3A_557 : i32
      %get3A_559 = arith.index_cast %add3A_558 : i32 to index
      %get3A_560 = tpu.vector_load %arg13[%get3A_559] {strides = array<i32>} : memref<544xi32, #tpu.memory_space<vmem>>, vector<16xi32>,
      %slice3A_561 = vector.extract_strided_slice %get3A_560 {offsets = [0], sizes = [1], strides = [1]} : vector<16xi32> to vector<1xi32>
      %squeeze3A_562 = vector.extract %slice3A_561[0] : i32 from vector<1xi32>
      %get3A_563 = arith.index_cast %add3A_558 : i32 to index
      %get3A_564 = tpu.vector_load %arg14[%get3A_563] {strides = array<i32>} : memref<544xi32, #tpu.memory_space<vmem>>, vector<16xi32>,
      %slice3A_565 = vector.extract_strided_slice %get3A_564 {offsets = [0], sizes = [1], strides = [1]} : vector<16xi32> to vector<1xi32>
      %squeeze3A_566 = vector.extract %slice3A_565[0] : i32 from vector<1xi32>
      %add3A_567 = arith.addi %squeeze3A_562, %squeeze3A_562 : i32
      %ge3A_568 = arith.constant 999936 : i32
      %ge3A_569 = arith.cmpi sge, %add3A_567, %ge3A_568 : i32
      %shift_right_logical3A_570 = arith.constant 6 : i32
      %shift_right_logical3A_571 = arith.shrui %squeeze3A_562, %shift_right_logical3A_570 : i32
      %jit3A_572 = arith.constant 0 : i32
      %select_n3A_573 = arith.select %ge3A_569, %jit3A_572, %shift_right_logical3A_571 : i32
      %ge3A_574 = arith.constant 999936 : i32
      %ge3A_575 = arith.cmpi sge, %squeeze3A_566, %ge3A_574 : i32
      %shift_right_logical3A_576 = arith.constant 7 : i32
      %shift_right_logical3A_577 = arith.shrui %squeeze3A_566, %shift_right_logical3A_576 : i32
      %jit3A_578 = arith.constant 0 : i32
      %select_n3A_579 = arith.select %ge3A_575, %jit3A_578, %shift_right_logical3A_577 : i32
      %mul3A_580 = arith.constant 128 : i32
      %mul3A_581 = arith.muli %select_n3A_573, %mul3A_580 : i32
      %multiple_of3A_582 = tpu.assume_multiple %mul3A_581, 128 : i32
      %mul3A_583 = arith.constant 128 : i32
      %mul3A_584 = arith.muli %select_n3A_579, %mul3A_583 : i32
      %multiple_of3A_585 = tpu.assume_multiple %mul3A_584, 128 : i32
      %dma_start3A_586 = arith.constant 0 : i32
      %dma_start3A_587 = tpu.memref_slice %arg4[%dma_start3A_586, %multiple_of3A_582] : memref<64x1000000xf32, #tpu.memory_space<hbm>> -> memref<64x128xf32, #tpu.memory_space<hbm>>
      %dma_start3A_588 = arith.constant 0 : i32
      %dma_start3A_589 = tpu.memref_slice %arg4[%dma_start3A_588, %multiple_of3A_582] : memref<64x1000000xf32, #tpu.memory_space<hbm>> -> memref<64x128xf32, #tpu.memory_space<hbm>>
      tpu.enqueue_dma source(%dma_start3A_589 : memref<64x128xf32, #tpu.memory_space<hbm>>) target(%arg18 : memref<64x128xf32, #tpu.memory_space<vmem>>) target_semaphore(%arg34 : memref<!tpu.dma_semaphore, #tpu.memory_space<semaphore_mem>>)
      %dma_start3A_590 = arith.constant 0 : i32
      %dma_start3A_591 = tpu.memref_slice %arg5[%dma_start3A_590, %multiple_of3A_585] : memref<64x1000000xf32, #tpu.memory_space<hbm>> -> memref<64x128xf32, #tpu.memory_space<hbm>>
      %dma_start3A_592 = arith.constant 0 : i32
      %dma_start3A_593 = tpu.memref_slice %arg5[%dma_start3A_592, %multiple_of3A_585] : memref<64x1000000xf32, #tpu.memory_space<hbm>> -> memref<64x128xf32, #tpu.memory_space<hbm>>
      tpu.enqueue_dma source(%dma_start3A_593 : memref<64x128xf32, #tpu.memory_space<hbm>>) target(%arg22 : memref<64x128xf32, #tpu.memory_space<vmem>>) target_semaphore(%arg38 : memref<!tpu.dma_semaphore, #tpu.memory_space<semaphore_mem>>)
      %mul3A_594 = arith.constant 16 : i32
      %mul3A_595 = arith.muli %scan3A_222, %mul3A_594 : i32
      %add3A_596 = arith.constant 2 : i32
      %add3A_597 = arith.addi %mul3A_595, %add3A_596 : i32
      %dma_wait3A_598 = arith.constant 0 : i32
      %dma_wait3A_599 = arith.constant 0 : i32
      %dma_wait3A_600 = tpu.memref_slice %arg4[%dma_wait3A_598, %dma_wait3A_599] : memref<64x1000000xf32, #tpu.memory_space<hbm>> -> memref<64x128xf32, #tpu.memory_space<hbm>>
      %dma_wait3A_601 = arith.constant 0 : i32
      %dma_wait3A_602 = arith.constant 0 : i32
      %dma_wait3A_603 = tpu.memref_slice %arg4[%dma_wait3A_601, %dma_wait3A_602] : memref<64x1000000xf32, #tpu.memory_space<hbm>> -> memref<64x128xf32, #tpu.memory_space<hbm>>
      tpu.wait_dma2 semaphore(%arg35 : memref<!tpu.dma_semaphore, #tpu.memory_space<semaphore_mem>>) src(%dma_wait3A_603 : memref<64x128xf32, #tpu.memory_space<hbm>>) dst(%arg19 : memref<64x128xf32, #tpu.memory_space<vmem>>)
      %dma_wait3A_604 = arith.constant 0 : i32
      %dma_wait3A_605 = arith.constant 0 : i32
      %dma_wait3A_606 = tpu.memref_slice %arg5[%dma_wait3A_604, %dma_wait3A_605] : memref<64x1000000xf32, #tpu.memory_space<hbm>> -> memref<64x128xf32, #tpu.memory_space<hbm>>
      %dma_wait3A_607 = arith.constant 0 : i32
      %dma_wait3A_608 = arith.constant 0 : i32
      %dma_wait3A_609 = tpu.memref_slice %arg5[%dma_wait3A_607, %dma_wait3A_608] : memref<64x1000000xf32, #tpu.memory_space<hbm>> -> memref<64x128xf32, #tpu.memory_space<hbm>>
      tpu.wait_dma2 semaphore(%arg39 : memref<!tpu.dma_semaphore, #tpu.memory_space<semaphore_mem>>) src(%dma_wait3A_609 : memref<64x128xf32, #tpu.memory_space<hbm>>) dst(%arg23 : memref<64x128xf32, #tpu.memory_space<vmem>>)
      %get3A_610 = arith.index_cast %add3A_597 : i32 to index
      %get3A_611 = tpu.vector_load %arg13[%get3A_610] {strides = array<i32>} : memref<544xi32, #tpu.memory_space<vmem>>, vector<16xi32>,
      %slice3A_612 = vector.extract_strided_slice %get3A_611 {offsets = [0], sizes = [1], strides = [1]} : vector<16xi32> to vector<1xi32>
      %squeeze3A_613 = vector.extract %slice3A_612[0] : i32 from vector<1xi32>
      %get3A_614 = arith.index_cast %add3A_597 : i32 to index
      %get3A_615 = tpu.vector_load %arg14[%get3A_614] {strides = array<i32>} : memref<544xi32, #tpu.memory_space<vmem>>, vector<16xi32>,
      %slice3A_616 = vector.extract_strided_slice %get3A_615 {offsets = [0], sizes = [1], strides = [1]} : vector<16xi32> to vector<1xi32>
      %squeeze3A_617 = vector.extract %slice3A_616[0] : i32 from vector<1xi32>
      %add3A_618 = arith.addi %squeeze3A_613, %squeeze3A_613 : i32
      %ge3A_619 = arith.constant 999936 : i32
      %ge3A_620 = arith.cmpi sge, %add3A_618, %ge3A_619 : i32
      %ge3A_621 = arith.constant 999936 : i32
      %ge3A_622 = arith.cmpi sge, %squeeze3A_617, %ge3A_621 : i32
      %add3A_623 = arith.addi %squeeze3A_613, %squeeze3A_613 : i32
      %sub3A_624 = arith.constant 999936 : i32
      %sub3A_625 = arith.subi %add3A_623, %sub3A_624 : i32
      %and3A_626 = arith.constant 63 : i32
      %and3A_627 = arith.andi %squeeze3A_613, %and3A_626 : i32
      %mul3A_628 = arith.constant 2 : i32
      %mul3A_629 = arith.muli %and3A_627, %mul3A_628 : i32
      %select_n3A_630 = arith.select %ge3A_620, %sub3A_625, %mul3A_629 : i32
      %sub3A_631 = arith.constant 999936 : i32
      %sub3A_632 = arith.subi %squeeze3A_617, %sub3A_631 : i32
      %and3A_633 = arith.constant 127 : i32
      %and3A_634 = arith.andi %squeeze3A_617, %and3A_633 : i32
      %select_n3A_635 = arith.select %ge3A_622, %sub3A_632, %and3A_634 : i32
      %broadcast_in_dim3A_636 = vector.broadcast %select_n3A_630 : i32 to vector<16xi32>
      %broadcast_in_dim3A_637 = vector.broadcast %select_n3A_635 : i32 to vector<16xi32>
      %broadcast_in_dim3A_638 = vector.broadcast %ge3A_620 : i1 to vector<16xi1>
      %broadcast_in_dim3A_639 = vector.broadcast %ge3A_622 : i1 to vector<16xi1>
      %broadcast_in_dim3A_640 = arith.constant 0.000000e+00 : f32
      %broadcast_in_dim3A_641 = vector.broadcast %broadcast_in_dim3A_640 : f32 to vector<16xf32>
      %add3A_642 = arith.constant 0 : i32
      %add3A_643 = vector.broadcast %add3A_642 : i32 to vector<16xi32>
      %add3A_644 = arith.addi %add3A_643, %iota3A : vector<16xi32>
      %mul3A_645 = arith.constant 64 : i32
      %mul3A_646 = vector.broadcast %mul3A_645 : i32 to vector<16xi32>
      %mul3A_647 = arith.muli %add3A_644, %mul3A_646 : vector<16xi32>
      %and3A_648 = arith.constant 63 : i32
      %and3A_649 = vector.broadcast %and3A_648 : i32 to vector<16xi32>
      %and3A_650 = arith.andi %broadcast_in_dim3A_636, %and3A_649 : vector<16xi32>
      %add3A_651 = arith.addi %mul3A_647, %and3A_650 : vector<16xi32>
      %gather3A_652 = tpu.vector_load_idx %arg25[%add3A_651] : memref<4096xf32, #tpu.memory_space<vmem>>[vector<16xi32>], vector<16xf32>,
      %gather3A_653 = tpu.vector_load_idx %arg19[%add3A_644, %broadcast_in_dim3A_636] : memref<64x128xf32, #tpu.memory_space<vmem>>[vector<16xi32>, vector<16xi32>], vector<16xf32>,
      %select_n3A_654 = arith.select %broadcast_in_dim3A_638, %gather3A_652, %gather3A_653 : vector<16xi1>, vector<16xf32>
      %mul3A_655 = arith.constant 64 : i32
      %mul3A_656 = vector.broadcast %mul3A_655 : i32 to vector<16xi32>
      %mul3A_657 = arith.muli %add3A_644, %mul3A_656 : vector<16xi32>
      %and3A_658 = arith.constant 63 : i32
      %and3A_659 = vector.broadcast %and3A_658 : i32 to vector<16xi32>
      %and3A_660 = arith.andi %broadcast_in_dim3A_637, %and3A_659 : vector<16xi32>
      %add3A_661 = arith.addi %mul3A_657, %and3A_660 : vector<16xi32>
      %gather3A_662 = tpu.vector_load_idx %arg26[%add3A_661] : memref<4096xf32, #tpu.memory_space<vmem>>[vector<16xi32>], vector<16xf32>,
      %gather3A_663 = tpu.vector_load_idx %arg23[%add3A_644, %broadcast_in_dim3A_637] : memref<64x128xf32, #tpu.memory_space<vmem>>[vector<16xi32>, vector<16xi32>], vector<16xf32>,
      %select_n3A_664 = arith.select %broadcast_in_dim3A_639, %gather3A_662, %gather3A_663 : vector<16xi1>, vector<16xf32>
      %mul3A_665 = arith.mulf %select_n3A_654, %select_n3A_664 : vector<16xf32>
      %add3A_666 = arith.addf %broadcast_in_dim3A_641, %mul3A_665 : vector<16xf32>
      %add3A_667 = arith.constant 16 : i32
      %add3A_668 = vector.broadcast %add3A_667 : i32 to vector<16xi32>
      %add3A_669 = arith.addi %add3A_668, %iota3A : vector<16xi32>
      %mul3A_670 = arith.constant 64 : i32
      %mul3A_671 = vector.broadcast %mul3A_670 : i32 to vector<16xi32>
      %mul3A_672 = arith.muli %add3A_669, %mul3A_671 : vector<16xi32>
      %and3A_673 = arith.constant 63 : i32
      %and3A_674 = vector.broadcast %and3A_673 : i32 to vector<16xi32>
      %and3A_675 = arith.andi %broadcast_in_dim3A_636, %and3A_674 : vector<16xi32>
      %add3A_676 = arith.addi %mul3A_672, %and3A_675 : vector<16xi32>
      %gather3A_677 = tpu.vector_load_idx %arg25[%add3A_676] : memref<4096xf32, #tpu.memory_space<vmem>>[vector<16xi32>], vector<16xf32>,
      %gather3A_678 = tpu.vector_load_idx %arg19[%add3A_669, %broadcast_in_dim3A_636] : memref<64x128xf32, #tpu.memory_space<vmem>>[vector<16xi32>, vector<16xi32>], vector<16xf32>,
      %select_n3A_679 = arith.select %broadcast_in_dim3A_638, %gather3A_677, %gather3A_678 : vector<16xi1>, vector<16xf32>
      %mul3A_680 = arith.constant 64 : i32
      %mul3A_681 = vector.broadcast %mul3A_680 : i32 to vector<16xi32>
      %mul3A_682 = arith.muli %add3A_669, %mul3A_681 : vector<16xi32>
      %and3A_683 = arith.constant 63 : i32
      %and3A_684 = vector.broadcast %and3A_683 : i32 to vector<16xi32>
      %and3A_685 = arith.andi %broadcast_in_dim3A_637, %and3A_684 : vector<16xi32>
      %add3A_686 = arith.addi %mul3A_682, %and3A_685 : vector<16xi32>
      %gather3A_687 = tpu.vector_load_idx %arg26[%add3A_686] : memref<4096xf32, #tpu.memory_space<vmem>>[vector<16xi32>], vector<16xf32>,
      %gather3A_688 = tpu.vector_load_idx %arg23[%add3A_669, %broadcast_in_dim3A_637] : memref<64x128xf32, #tpu.memory_space<vmem>>[vector<16xi32>, vector<16xi32>], vector<16xf32>,
      %select_n3A_689 = arith.select %broadcast_in_dim3A_639, %gather3A_687, %gather3A_688 : vector<16xi1>, vector<16xf32>
      %mul3A_690 = arith.mulf %select_n3A_679, %select_n3A_689 : vector<16xf32>
      %add3A_691 = arith.addf %add3A_666, %mul3A_690 : vector<16xf32>
      %add3A_692 = arith.constant 32 : i32
      %add3A_693 = vector.broadcast %add3A_692 : i32 to vector<16xi32>
      %add3A_694 = arith.addi %add3A_693, %iota3A : vector<16xi32>
      %mul3A_695 = arith.constant 64 : i32
      %mul3A_696 = vector.broadcast %mul3A_695 : i32 to vector<16xi32>
      %mul3A_697 = arith.muli %add3A_694, %mul3A_696 : vector<16xi32>
      %and3A_698 = arith.constant 63 : i32
      %and3A_699 = vector.broadcast %and3A_698 : i32 to vector<16xi32>
      %and3A_700 = arith.andi %broadcast_in_dim3A_636, %and3A_699 : vector<16xi32>
      %add3A_701 = arith.addi %mul3A_697, %and3A_700 : vector<16xi32>
      %gather3A_702 = tpu.vector_load_idx %arg25[%add3A_701] : memref<4096xf32, #tpu.memory_space<vmem>>[vector<16xi32>], vector<16xf32>,
      %gather3A_703 = tpu.vector_load_idx %arg19[%add3A_694, %broadcast_in_dim3A_636] : memref<64x128xf32, #tpu.memory_space<vmem>>[vector<16xi32>, vector<16xi32>], vector<16xf32>,
      %select_n3A_704 = arith.select %broadcast_in_dim3A_638, %gather3A_702, %gather3A_703 : vector<16xi1>, vector<16xf32>
      %mul3A_705 = arith.constant 64 : i32
      %mul3A_706 = vector.broadcast %mul3A_705 : i32 to vector<16xi32>
      %mul3A_707 = arith.muli %add3A_694, %mul3A_706 : vector<16xi32>
      %and3A_708 = arith.constant 63 : i32
      %and3A_709 = vector.broadcast %and3A_708 : i32 to vector<16xi32>
      %and3A_710 = arith.andi %broadcast_in_dim3A_637, %and3A_709 : vector<16xi32>
      %add3A_711 = arith.addi %mul3A_707, %and3A_710 : vector<16xi32>
      %gather3A_712 = tpu.vector_load_idx %arg26[%add3A_711] : memref<4096xf32, #tpu.memory_space<vmem>>[vector<16xi32>], vector<16xf32>,
      %gather3A_713 = tpu.vector_load_idx %arg23[%add3A_694, %broadcast_in_dim3A_637] : memref<64x128xf32, #tpu.memory_space<vmem>>[vector<16xi32>, vector<16xi32>], vector<16xf32>,
      %select_n3A_714 = arith.select %broadcast_in_dim3A_639, %gather3A_712, %gather3A_713 : vector<16xi1>, vector<16xf32>
      %mul3A_715 = arith.mulf %select_n3A_704, %select_n3A_714 : vector<16xf32>
      %add3A_716 = arith.addf %add3A_691, %mul3A_715 : vector<16xf32>
      %add3A_717 = arith.constant 48 : i32
      %add3A_718 = vector.broadcast %add3A_717 : i32 to vector<16xi32>
      %add3A_719 = arith.addi %add3A_718, %iota3A : vector<16xi32>
      %mul3A_720 = arith.constant 64 : i32
      %mul3A_721 = vector.broadcast %mul3A_720 : i32 to vector<16xi32>
      %mul3A_722 = arith.muli %add3A_719, %mul3A_721 : vector<16xi32>
      %and3A_723 = arith.constant 63 : i32
      %and3A_724 = vector.broadcast %and3A_723 : i32 to vector<16xi32>
      %and3A_725 = arith.andi %broadcast_in_dim3A_636, %and3A_724 : vector<16xi32>
      %add3A_726 = arith.addi %mul3A_722, %and3A_725 : vector<16xi32>
      %gather3A_727 = tpu.vector_load_idx %arg25[%add3A_726] : memref<4096xf32, #tpu.memory_space<vmem>>[vector<16xi32>], vector<16xf32>,
      %gather3A_728 = tpu.vector_load_idx %arg19[%add3A_719, %broadcast_in_dim3A_636] : memref<64x128xf32, #tpu.memory_space<vmem>>[vector<16xi32>, vector<16xi32>], vector<16xf32>,
      %select_n3A_729 = arith.select %broadcast_in_dim3A_638, %gather3A_727, %gather3A_728 : vector<16xi1>, vector<16xf32>
      %mul3A_730 = arith.constant 64 : i32
      %mul3A_731 = vector.broadcast %mul3A_730 : i32 to vector<16xi32>
      %mul3A_732 = arith.muli %add3A_719, %mul3A_731 : vector<16xi32>
      %and3A_733 = arith.constant 63 : i32
      %and3A_734 = vector.broadcast %and3A_733 : i32 to vector<16xi32>
      %and3A_735 = arith.andi %broadcast_in_dim3A_637, %and3A_734 : vector<16xi32>
      %add3A_736 = arith.addi %mul3A_732, %and3A_735 : vector<16xi32>
      %gather3A_737 = tpu.vector_load_idx %arg26[%add3A_736] : memref<4096xf32, #tpu.memory_space<vmem>>[vector<16xi32>], vector<16xf32>,
      %gather3A_738 = tpu.vector_load_idx %arg23[%add3A_719, %broadcast_in_dim3A_637] : memref<64x128xf32, #tpu.memory_space<vmem>>[vector<16xi32>, vector<16xi32>], vector<16xf32>,
      %select_n3A_739 = arith.select %broadcast_in_dim3A_639, %gather3A_737, %gather3A_738 : vector<16xi1>, vector<16xf32>
      %mul3A_740 = arith.mulf %select_n3A_729, %select_n3A_739 : vector<16xf32>
      %add3A_741 = arith.addf %add3A_716, %mul3A_740 : vector<16xf32>
      %swap3A_742 = arith.constant 32 : index
      %swap3A_743 = tpu.vector_load %arg27[%swap3A_742] {strides = array<i32>} : memref<256xf32, #tpu.memory_space<vmem>>, vector<16xf32>,
      tpu.vector_store %arg27[%swap3A_742], %add3A_741 {strides = array<i32>} : memref<256xf32, #tpu.memory_space<vmem>>, vector<16xf32>,
      %add3A_744 = arith.constant 4 : i32
      %add3A_745 = arith.addi %add3A_597, %add3A_744 : i32
      %get3A_746 = arith.index_cast %add3A_745 : i32 to index
      %get3A_747 = tpu.vector_load %arg13[%get3A_746] {strides = array<i32>} : memref<544xi32, #tpu.memory_space<vmem>>, vector<16xi32>,
      %slice3A_748 = vector.extract_strided_slice %get3A_747 {offsets = [0], sizes = [1], strides = [1]} : vector<16xi32> to vector<1xi32>
      %squeeze3A_749 = vector.extract %slice3A_748[0] : i32 from vector<1xi32>
      %get3A_750 = arith.index_cast %add3A_745 : i32 to index
      %get3A_751 = tpu.vector_load %arg14[%get3A_750] {strides = array<i32>} : memref<544xi32, #tpu.memory_space<vmem>>, vector<16xi32>,
      %slice3A_752 = vector.extract_strided_slice %get3A_751 {offsets = [0], sizes = [1], strides = [1]} : vector<16xi32> to vector<1xi32>
      %squeeze3A_753 = vector.extract %slice3A_752[0] : i32 from vector<1xi32>
      %add3A_754 = arith.addi %squeeze3A_749, %squeeze3A_749 : i32
      %ge3A_755 = arith.constant 999936 : i32
      %ge3A_756 = arith.cmpi sge, %add3A_754, %ge3A_755 : i32
      %shift_right_logical3A_757 = arith.constant 6 : i32
      %shift_right_logical3A_758 = arith.shrui %squeeze3A_749, %shift_right_logical3A_757 : i32
      %jit3A_759 = arith.constant 0 : i32
      %select_n3A_760 = arith.select %ge3A_756, %jit3A_759, %shift_right_logical3A_758 : i32
      %ge3A_761 = arith.constant 999936 : i32
      %ge3A_762 = arith.cmpi sge, %squeeze3A_753, %ge3A_761 : i32
      %shift_right_logical3A_763 = arith.constant 7 : i32
      %shift_right_logical3A_764 = arith.shrui %squeeze3A_753, %shift_right_logical3A_763 : i32
      %jit3A_765 = arith.constant 0 : i32
      %select_n3A_766 = arith.select %ge3A_762, %jit3A_765, %shift_right_logical3A_764 : i32
      %mul3A_767 = arith.constant 128 : i32
      %mul3A_768 = arith.muli %select_n3A_760, %mul3A_767 : i32
      %multiple_of3A_769 = tpu.assume_multiple %mul3A_768, 128 : i32
      %mul3A_770 = arith.constant 128 : i32
      %mul3A_771 = arith.muli %select_n3A_766, %mul3A_770 : i32
      %multiple_of3A_772 = tpu.assume_multiple %mul3A_771, 128 : i32
      %dma_start3A_773 = arith.constant 0 : i32
      %dma_start3A_774 = tpu.memref_slice %arg4[%dma_start3A_773, %multiple_of3A_769] : memref<64x1000000xf32, #tpu.memory_space<hbm>> -> memref<64x128xf32, #tpu.memory_space<hbm>>
      %dma_start3A_775 = arith.constant 0 : i32
      %dma_start3A_776 = tpu.memref_slice %arg4[%dma_start3A_775, %multiple_of3A_769] : memref<64x1000000xf32, #tpu.memory_space<hbm>> -> memref<64x128xf32, #tpu.memory_space<hbm>>
      tpu.enqueue_dma source(%dma_start3A_776 : memref<64x128xf32, #tpu.memory_space<hbm>>) target(%arg19 : memref<64x128xf32, #tpu.memory_space<vmem>>) target_semaphore(%arg35 : memref<!tpu.dma_semaphore, #tpu.memory_space<semaphore_mem>>)
      %dma_start3A_777 = arith.constant 0 : i32
      %dma_start3A_778 = tpu.memref_slice %arg5[%dma_start3A_777, %multiple_of3A_772] : memref<64x1000000xf32, #tpu.memory_space<hbm>> -> memref<64x128xf32, #tpu.memory_space<hbm>>
      %dma_start3A_779 = arith.constant 0 : i32
      %dma_start3A_780 = tpu.memref_slice %arg5[%dma_start3A_779, %multiple_of3A_772] : memref<64x1000000xf32, #tpu.memory_space<hbm>> -> memref<64x128xf32, #tpu.memory_space<hbm>>
      tpu.enqueue_dma source(%dma_start3A_780 : memref<64x128xf32, #tpu.memory_space<hbm>>) target(%arg23 : memref<64x128xf32, #tpu.memory_space<vmem>>) target_semaphore(%arg39 : memref<!tpu.dma_semaphore, #tpu.memory_space<semaphore_mem>>)
      %mul3A_781 = arith.constant 16 : i32
      %mul3A_782 = arith.muli %scan3A_222, %mul3A_781 : i32
      %add3A_783 = arith.constant 3 : i32
      %add3A_784 = arith.addi %mul3A_782, %add3A_783 : i32
      %dma_wait3A_785 = arith.constant 0 : i32
      %dma_wait3A_786 = arith.constant 0 : i32
      %dma_wait3A_787 = tpu.memref_slice %arg4[%dma_wait3A_785, %dma_wait3A_786] : memref<64x1000000xf32, #tpu.memory_space<hbm>> -> memref<64x128xf32, #tpu.memory_space<hbm>>
      %dma_wait3A_788 = arith.constant 0 : i32
      %dma_wait3A_789 = arith.constant 0 : i32
      %dma_wait3A_790 = tpu.memref_slice %arg4[%dma_wait3A_788, %dma_wait3A_789] : memref<64x1000000xf32, #tpu.memory_space<hbm>> -> memref<64x128xf32, #tpu.memory_space<hbm>>
      tpu.wait_dma2 semaphore(%arg36 : memref<!tpu.dma_semaphore, #tpu.memory_space<semaphore_mem>>) src(%dma_wait3A_790 : memref<64x128xf32, #tpu.memory_space<hbm>>) dst(%arg20 : memref<64x128xf32, #tpu.memory_space<vmem>>)
      %dma_wait3A_791 = arith.constant 0 : i32
      %dma_wait3A_792 = arith.constant 0 : i32
      %dma_wait3A_793 = tpu.memref_slice %arg5[%dma_wait3A_791, %dma_wait3A_792] : memref<64x1000000xf32, #tpu.memory_space<hbm>> -> memref<64x128xf32, #tpu.memory_space<hbm>>
      %dma_wait3A_794 = arith.constant 0 : i32
      %dma_wait3A_795 = arith.constant 0 : i32
      %dma_wait3A_796 = tpu.memref_slice %arg5[%dma_wait3A_794, %dma_wait3A_795] : memref<64x1000000xf32, #tpu.memory_space<hbm>> -> memref<64x128xf32, #tpu.memory_space<hbm>>
      tpu.wait_dma2 semaphore(%arg40 : memref<!tpu.dma_semaphore, #tpu.memory_space<semaphore_mem>>) src(%dma_wait3A_796 : memref<64x128xf32, #tpu.memory_space<hbm>>) dst(%arg24 : memref<64x128xf32, #tpu.memory_space<vmem>>)
      %get3A_797 = arith.index_cast %add3A_784 : i32 to index
      %get3A_798 = tpu.vector_load %arg13[%get3A_797] {strides = array<i32>} : memref<544xi32, #tpu.memory_space<vmem>>, vector<16xi32>,
      %slice3A_799 = vector.extract_strided_slice %get3A_798 {offsets = [0], sizes = [1], strides = [1]} : vector<16xi32> to vector<1xi32>
      %squeeze3A_800 = vector.extract %slice3A_799[0] : i32 from vector<1xi32>
      %get3A_801 = arith.index_cast %add3A_784 : i32 to index
      %get3A_802 = tpu.vector_load %arg14[%get3A_801] {strides = array<i32>} : memref<544xi32, #tpu.memory_space<vmem>>, vector<16xi32>,
      %slice3A_803 = vector.extract_strided_slice %get3A_802 {offsets = [0], sizes = [1], strides = [1]} : vector<16xi32> to vector<1xi32>
      %squeeze3A_804 = vector.extract %slice3A_803[0] : i32 from vector<1xi32>
      %add3A_805 = arith.addi %squeeze3A_800, %squeeze3A_800 : i32
      %ge3A_806 = arith.constant 999936 : i32
      %ge3A_807 = arith.cmpi sge, %add3A_805, %ge3A_806 : i32
      %ge3A_808 = arith.constant 999936 : i32
      %ge3A_809 = arith.cmpi sge, %squeeze3A_804, %ge3A_808 : i32
      %add3A_810 = arith.addi %squeeze3A_800, %squeeze3A_800 : i32
      %sub3A_811 = arith.constant 999936 : i32
      %sub3A_812 = arith.subi %add3A_810, %sub3A_811 : i32
      %and3A_813 = arith.constant 63 : i32
      %and3A_814 = arith.andi %squeeze3A_800, %and3A_813 : i32
      %mul3A_815 = arith.constant 2 : i32
      %mul3A_816 = arith.muli %and3A_814, %mul3A_815 : i32
      %select_n3A_817 = arith.select %ge3A_807, %sub3A_812, %mul3A_816 : i32
      %sub3A_818 = arith.constant 999936 : i32
      %sub3A_819 = arith.subi %squeeze3A_804, %sub3A_818 : i32
      %and3A_820 = arith.constant 127 : i32
      %and3A_821 = arith.andi %squeeze3A_804, %and3A_820 : i32
      %select_n3A_822 = arith.select %ge3A_809, %sub3A_819, %and3A_821 : i32
      %broadcast_in_dim3A_823 = vector.broadcast %select_n3A_817 : i32 to vector<16xi32>
      %broadcast_in_dim3A_824 = vector.broadcast %select_n3A_822 : i32 to vector<16xi32>
      %broadcast_in_dim3A_825 = vector.broadcast %ge3A_807 : i1 to vector<16xi1>
      %broadcast_in_dim3A_826 = vector.broadcast %ge3A_809 : i1 to vector<16xi1>
      %broadcast_in_dim3A_827 = arith.constant 0.000000e+00 : f32
      %broadcast_in_dim3A_828 = vector.broadcast %broadcast_in_dim3A_827 : f32 to vector<16xf32>
      %add3A_829 = arith.constant 0 : i32
      %add3A_830 = vector.broadcast %add3A_829 : i32 to vector<16xi32>
      %add3A_831 = arith.addi %add3A_830, %iota3A : vector<16xi32>
      %mul3A_832 = arith.constant 64 : i32
      %mul3A_833 = vector.broadcast %mul3A_832 : i32 to vector<16xi32>
      %mul3A_834 = arith.muli %add3A_831, %mul3A_833 : vector<16xi32>
      %and3A_835 = arith.constant 63 : i32
      %and3A_836 = vector.broadcast %and3A_835 : i32 to vector<16xi32>
      %and3A_837 = arith.andi %broadcast_in_dim3A_823, %and3A_836 : vector<16xi32>
      %add3A_838 = arith.addi %mul3A_834, %and3A_837 : vector<16xi32>
      %gather3A_839 = tpu.vector_load_idx %arg25[%add3A_838] : memref<4096xf32, #tpu.memory_space<vmem>>[vector<16xi32>], vector<16xf32>,
      %gather3A_840 = tpu.vector_load_idx %arg20[%add3A_831, %broadcast_in_dim3A_823] : memref<64x128xf32, #tpu.memory_space<vmem>>[vector<16xi32>, vector<16xi32>], vector<16xf32>,
      %select_n3A_841 = arith.select %broadcast_in_dim3A_825, %gather3A_839, %gather3A_840 : vector<16xi1>, vector<16xf32>
      %mul3A_842 = arith.constant 64 : i32
      %mul3A_843 = vector.broadcast %mul3A_842 : i32 to vector<16xi32>
      %mul3A_844 = arith.muli %add3A_831, %mul3A_843 : vector<16xi32>
      %and3A_845 = arith.constant 63 : i32
      %and3A_846 = vector.broadcast %and3A_845 : i32 to vector<16xi32>
      %and3A_847 = arith.andi %broadcast_in_dim3A_824, %and3A_846 : vector<16xi32>
      %add3A_848 = arith.addi %mul3A_844, %and3A_847 : vector<16xi32>
      %gather3A_849 = tpu.vector_load_idx %arg26[%add3A_848] : memref<4096xf32, #tpu.memory_space<vmem>>[vector<16xi32>], vector<16xf32>,
      %gather3A_850 = tpu.vector_load_idx %arg24[%add3A_831, %broadcast_in_dim3A_824] : memref<64x128xf32, #tpu.memory_space<vmem>>[vector<16xi32>, vector<16xi32>], vector<16xf32>,
      %select_n3A_851 = arith.select %broadcast_in_dim3A_826, %gather3A_849, %gather3A_850 : vector<16xi1>, vector<16xf32>
      %mul3A_852 = arith.mulf %select_n3A_841, %select_n3A_851 : vector<16xf32>
      %add3A_853 = arith.addf %broadcast_in_dim3A_828, %mul3A_852 : vector<16xf32>
      %add3A_854 = arith.constant 16 : i32
      %add3A_855 = vector.broadcast %add3A_854 : i32 to vector<16xi32>
      %add3A_856 = arith.addi %add3A_855, %iota3A : vector<16xi32>
      %mul3A_857 = arith.constant 64 : i32
      %mul3A_858 = vector.broadcast %mul3A_857 : i32 to vector<16xi32>
      %mul3A_859 = arith.muli %add3A_856, %mul3A_858 : vector<16xi32>
      %and3A_860 = arith.constant 63 : i32
      %and3A_861 = vector.broadcast %and3A_860 : i32 to vector<16xi32>
      %and3A_862 = arith.andi %broadcast_in_dim3A_823, %and3A_861 : vector<16xi32>
      %add3A_863 = arith.addi %mul3A_859, %and3A_862 : vector<16xi32>
      %gather3A_864 = tpu.vector_load_idx %arg25[%add3A_863] : memref<4096xf32, #tpu.memory_space<vmem>>[vector<16xi32>], vector<16xf32>,
      %gather3A_865 = tpu.vector_load_idx %arg20[%add3A_856, %broadcast_in_dim3A_823] : memref<64x128xf32, #tpu.memory_space<vmem>>[vector<16xi32>, vector<16xi32>], vector<16xf32>,
      %select_n3A_866 = arith.select %broadcast_in_dim3A_825, %gather3A_864, %gather3A_865 : vector<16xi1>, vector<16xf32>
      %mul3A_867 = arith.constant 64 : i32
      %mul3A_868 = vector.broadcast %mul3A_867 : i32 to vector<16xi32>
      %mul3A_869 = arith.muli %add3A_856, %mul3A_868 : vector<16xi32>
      %and3A_870 = arith.constant 63 : i32
      %and3A_871 = vector.broadcast %and3A_870 : i32 to vector<16xi32>
      %and3A_872 = arith.andi %broadcast_in_dim3A_824, %and3A_871 : vector<16xi32>
      %add3A_873 = arith.addi %mul3A_869, %and3A_872 : vector<16xi32>
      %gather3A_874 = tpu.vector_load_idx %arg26[%add3A_873] : memref<4096xf32, #tpu.memory_space<vmem>>[vector<16xi32>], vector<16xf32>,
      %gather3A_875 = tpu.vector_load_idx %arg24[%add3A_856, %broadcast_in_dim3A_824] : memref<64x128xf32, #tpu.memory_space<vmem>>[vector<16xi32>, vector<16xi32>], vector<16xf32>,
      %select_n3A_876 = arith.select %broadcast_in_dim3A_826, %gather3A_874, %gather3A_875 : vector<16xi1>, vector<16xf32>
      %mul3A_877 = arith.mulf %select_n3A_866, %select_n3A_876 : vector<16xf32>
      %add3A_878 = arith.addf %add3A_853, %mul3A_877 : vector<16xf32>
      %add3A_879 = arith.constant 32 : i32
      %add3A_880 = vector.broadcast %add3A_879 : i32 to vector<16xi32>
      %add3A_881 = arith.addi %add3A_880, %iota3A : vector<16xi32>
      %mul3A_882 = arith.constant 64 : i32
      %mul3A_883 = vector.broadcast %mul3A_882 : i32 to vector<16xi32>
      %mul3A_884 = arith.muli %add3A_881, %mul3A_883 : vector<16xi32>
      %and3A_885 = arith.constant 63 : i32
      %and3A_886 = vector.broadcast %and3A_885 : i32 to vector<16xi32>
      %and3A_887 = arith.andi %broadcast_in_dim3A_823, %and3A_886 : vector<16xi32>
      %add3A_888 = arith.addi %mul3A_884, %and3A_887 : vector<16xi32>
      %gather3A_889 = tpu.vector_load_idx %arg25[%add3A_888] : memref<4096xf32, #tpu.memory_space<vmem>>[vector<16xi32>], vector<16xf32>,
      %gather3A_890 = tpu.vector_load_idx %arg20[%add3A_881, %broadcast_in_dim3A_823] : memref<64x128xf32, #tpu.memory_space<vmem>>[vector<16xi32>, vector<16xi32>], vector<16xf32>,
      %select_n3A_891 = arith.select %broadcast_in_dim3A_825, %gather3A_889, %gather3A_890 : vector<16xi1>, vector<16xf32>
      %mul3A_892 = arith.constant 64 : i32
      %mul3A_893 = vector.broadcast %mul3A_892 : i32 to vector<16xi32>
      %mul3A_894 = arith.muli %add3A_881, %mul3A_893 : vector<16xi32>
      %and3A_895 = arith.constant 63 : i32
      %and3A_896 = vector.broadcast %and3A_895 : i32 to vector<16xi32>
      %and3A_897 = arith.andi %broadcast_in_dim3A_824, %and3A_896 : vector<16xi32>
      %add3A_898 = arith.addi %mul3A_894, %and3A_897 : vector<16xi32>
      %gather3A_899 = tpu.vector_load_idx %arg26[%add3A_898] : memref<4096xf32, #tpu.memory_space<vmem>>[vector<16xi32>], vector<16xf32>,
      %gather3A_900 = tpu.vector_load_idx %arg24[%add3A_881, %broadcast_in_dim3A_824] : memref<64x128xf32, #tpu.memory_space<vmem>>[vector<16xi32>, vector<16xi32>], vector<16xf32>,
      %select_n3A_901 = arith.select %broadcast_in_dim3A_826, %gather3A_899, %gather3A_900 : vector<16xi1>, vector<16xf32>
      %mul3A_902 = arith.mulf %select_n3A_891, %select_n3A_901 : vector<16xf32>
      %add3A_903 = arith.addf %add3A_878, %mul3A_902 : vector<16xf32>
      %add3A_904 = arith.constant 48 : i32
      %add3A_905 = vector.broadcast %add3A_904 : i32 to vector<16xi32>
      %add3A_906 = arith.addi %add3A_905, %iota3A : vector<16xi32>
      %mul3A_907 = arith.constant 64 : i32
      %mul3A_908 = vector.broadcast %mul3A_907 : i32 to vector<16xi32>
      %mul3A_909 = arith.muli %add3A_906, %mul3A_908 : vector<16xi32>
      %and3A_910 = arith.constant 63 : i32
      %and3A_911 = vector.broadcast %and3A_910 : i32 to vector<16xi32>
      %and3A_912 = arith.andi %broadcast_in_dim3A_823, %and3A_911 : vector<16xi32>
      %add3A_913 = arith.addi %mul3A_909, %and3A_912 : vector<16xi32>
      %gather3A_914 = tpu.vector_load_idx %arg25[%add3A_913] : memref<4096xf32, #tpu.memory_space<vmem>>[vector<16xi32>], vector<16xf32>,
      %gather3A_915 = tpu.vector_load_idx %arg20[%add3A_906, %broadcast_in_dim3A_823] : memref<64x128xf32, #tpu.memory_space<vmem>>[vector<16xi32>, vector<16xi32>], vector<16xf32>,
      %select_n3A_916 = arith.select %broadcast_in_dim3A_825, %gather3A_914, %gather3A_915 : vector<16xi1>, vector<16xf32>
      %mul3A_917 = arith.constant 64 : i32
      %mul3A_918 = vector.broadcast %mul3A_917 : i32 to vector<16xi32>
      %mul3A_919 = arith.muli %add3A_906, %mul3A_918 : vector<16xi32>
      %and3A_920 = arith.constant 63 : i32
      %and3A_921 = vector.broadcast %and3A_920 : i32 to vector<16xi32>
      %and3A_922 = arith.andi %broadcast_in_dim3A_824, %and3A_921 : vector<16xi32>
      %add3A_923 = arith.addi %mul3A_919, %and3A_922 : vector<16xi32>
      %gather3A_924 = tpu.vector_load_idx %arg26[%add3A_923] : memref<4096xf32, #tpu.memory_space<vmem>>[vector<16xi32>], vector<16xf32>,
      %gather3A_925 = tpu.vector_load_idx %arg24[%add3A_906, %broadcast_in_dim3A_824] : memref<64x128xf32, #tpu.memory_space<vmem>>[vector<16xi32>, vector<16xi32>], vector<16xf32>,
      %select_n3A_926 = arith.select %broadcast_in_dim3A_826, %gather3A_924, %gather3A_925 : vector<16xi1>, vector<16xf32>
      %mul3A_927 = arith.mulf %select_n3A_916, %select_n3A_926 : vector<16xf32>
      %add3A_928 = arith.addf %add3A_903, %mul3A_927 : vector<16xf32>
      %swap3A_929 = arith.constant 48 : index
      %swap3A_930 = tpu.vector_load %arg27[%swap3A_929] {strides = array<i32>} : memref<256xf32, #tpu.memory_space<vmem>>, vector<16xf32>,
      tpu.vector_store %arg27[%swap3A_929], %add3A_928 {strides = array<i32>} : memref<256xf32, #tpu.memory_space<vmem>>, vector<16xf32>,
      %add3A_931 = arith.constant 4 : i32
      %add3A_932 = arith.addi %add3A_784, %add3A_931 : i32
      %get3A_933 = arith.index_cast %add3A_932 : i32 to index
      %get3A_934 = tpu.vector_load %arg13[%get3A_933] {strides = array<i32>} : memref<544xi32, #tpu.memory_space<vmem>>, vector<16xi32>,
      %slice3A_935 = vector.extract_strided_slice %get3A_934 {offsets = [0], sizes = [1], strides = [1]} : vector<16xi32> to vector<1xi32>
      %squeeze3A_936 = vector.extract %slice3A_935[0] : i32 from vector<1xi32>
      %get3A_937 = arith.index_cast %add3A_932 : i32 to index
      %get3A_938 = tpu.vector_load %arg14[%get3A_937] {strides = array<i32>} : memref<544xi32, #tpu.memory_space<vmem>>, vector<16xi32>,
      %slice3A_939 = vector.extract_strided_slice %get3A_938 {offsets = [0], sizes = [1], strides = [1]} : vector<16xi32> to vector<1xi32>
      %squeeze3A_940 = vector.extract %slice3A_939[0] : i32 from vector<1xi32>
      %add3A_941 = arith.addi %squeeze3A_936, %squeeze3A_936 : i32
      %ge3A_942 = arith.constant 999936 : i32
      %ge3A_943 = arith.cmpi sge, %add3A_941, %ge3A_942 : i32
      %shift_right_logical3A_944 = arith.constant 6 : i32
      %shift_right_logical3A_945 = arith.shrui %squeeze3A_936, %shift_right_logical3A_944 : i32
      %jit3A_946 = arith.constant 0 : i32
      %select_n3A_947 = arith.select %ge3A_943, %jit3A_946, %shift_right_logical3A_945 : i32
      %ge3A_948 = arith.constant 999936 : i32
      %ge3A_949 = arith.cmpi sge, %squeeze3A_940, %ge3A_948 : i32
      %shift_right_logical3A_950 = arith.constant 7 : i32
      %shift_right_logical3A_951 = arith.shrui %squeeze3A_940, %shift_right_logical3A_950 : i32
      %jit3A_952 = arith.constant 0 : i32
      %select_n3A_953 = arith.select %ge3A_949, %jit3A_952, %shift_right_logical3A_951 : i32
      %mul3A_954 = arith.constant 128 : i32
      %mul3A_955 = arith.muli %select_n3A_947, %mul3A_954 : i32
      %multiple_of3A_956 = tpu.assume_multiple %mul3A_955, 128 : i32
      %mul3A_957 = arith.constant 128 : i32
      %mul3A_958 = arith.muli %select_n3A_953, %mul3A_957 : i32
      %multiple_of3A_959 = tpu.assume_multiple %mul3A_958, 128 : i32
      %dma_start3A_960 = arith.constant 0 : i32
      %dma_start3A_961 = tpu.memref_slice %arg4[%dma_start3A_960, %multiple_of3A_956] : memref<64x1000000xf32, #tpu.memory_space<hbm>> -> memref<64x128xf32, #tpu.memory_space<hbm>>
      %dma_start3A_962 = arith.constant 0 : i32
      %dma_start3A_963 = tpu.memref_slice %arg4[%dma_start3A_962, %multiple_of3A_956] : memref<64x1000000xf32, #tpu.memory_space<hbm>> -> memref<64x128xf32, #tpu.memory_space<hbm>>
      tpu.enqueue_dma source(%dma_start3A_963 : memref<64x128xf32, #tpu.memory_space<hbm>>) target(%arg20 : memref<64x128xf32, #tpu.memory_space<vmem>>) target_semaphore(%arg36 : memref<!tpu.dma_semaphore, #tpu.memory_space<semaphore_mem>>)
      %dma_start3A_964 = arith.constant 0 : i32
      %dma_start3A_965 = tpu.memref_slice %arg5[%dma_start3A_964, %multiple_of3A_959] : memref<64x1000000xf32, #tpu.memory_space<hbm>> -> memref<64x128xf32, #tpu.memory_space<hbm>>
      %dma_start3A_966 = arith.constant 0 : i32
      %dma_start3A_967 = tpu.memref_slice %arg5[%dma_start3A_966, %multiple_of3A_959] : memref<64x1000000xf32, #tpu.memory_space<hbm>> -> memref<64x128xf32, #tpu.memory_space<hbm>>
      tpu.enqueue_dma source(%dma_start3A_967 : memref<64x128xf32, #tpu.memory_space<hbm>>) target(%arg24 : memref<64x128xf32, #tpu.memory_space<vmem>>) target_semaphore(%arg40 : memref<!tpu.dma_semaphore, #tpu.memory_space<semaphore_mem>>)
      %mul3A_968 = arith.constant 16 : i32
      %mul3A_969 = arith.muli %scan3A_222, %mul3A_968 : i32
      %add3A_970 = arith.constant 4 : i32
      %add3A_971 = arith.addi %mul3A_969, %add3A_970 : i32
      %dma_wait3A_972 = arith.constant 0 : i32
      %dma_wait3A_973 = arith.constant 0 : i32
      %dma_wait3A_974 = tpu.memref_slice %arg4[%dma_wait3A_972, %dma_wait3A_973] : memref<64x1000000xf32, #tpu.memory_space<hbm>> -> memref<64x128xf32, #tpu.memory_space<hbm>>
      %dma_wait3A_975 = arith.constant 0 : i32
      %dma_wait3A_976 = arith.constant 0 : i32
      %dma_wait3A_977 = tpu.memref_slice %arg4[%dma_wait3A_975, %dma_wait3A_976] : memref<64x1000000xf32, #tpu.memory_space<hbm>> -> memref<64x128xf32, #tpu.memory_space<hbm>>
      tpu.wait_dma2 semaphore(%arg33 : memref<!tpu.dma_semaphore, #tpu.memory_space<semaphore_mem>>) src(%dma_wait3A_977 : memref<64x128xf32, #tpu.memory_space<hbm>>) dst(%arg17 : memref<64x128xf32, #tpu.memory_space<vmem>>)
      %dma_wait3A_978 = arith.constant 0 : i32
      %dma_wait3A_979 = arith.constant 0 : i32
      %dma_wait3A_980 = tpu.memref_slice %arg5[%dma_wait3A_978, %dma_wait3A_979] : memref<64x1000000xf32, #tpu.memory_space<hbm>> -> memref<64x128xf32, #tpu.memory_space<hbm>>
      %dma_wait3A_981 = arith.constant 0 : i32
      %dma_wait3A_982 = arith.constant 0 : i32
      %dma_wait3A_983 = tpu.memref_slice %arg5[%dma_wait3A_981, %dma_wait3A_982] : memref<64x1000000xf32, #tpu.memory_space<hbm>> -> memref<64x128xf32, #tpu.memory_space<hbm>>
      tpu.wait_dma2 semaphore(%arg37 : memref<!tpu.dma_semaphore, #tpu.memory_space<semaphore_mem>>) src(%dma_wait3A_983 : memref<64x128xf32, #tpu.memory_space<hbm>>) dst(%arg21 : memref<64x128xf32, #tpu.memory_space<vmem>>)
      %get3A_984 = arith.index_cast %add3A_971 : i32 to index
      %get3A_985 = tpu.vector_load %arg13[%get3A_984] {strides = array<i32>} : memref<544xi32, #tpu.memory_space<vmem>>, vector<16xi32>,
      %slice3A_986 = vector.extract_strided_slice %get3A_985 {offsets = [0], sizes = [1], strides = [1]} : vector<16xi32> to vector<1xi32>
      %squeeze3A_987 = vector.extract %slice3A_986[0] : i32 from vector<1xi32>
      %get3A_988 = arith.index_cast %add3A_971 : i32 to index
      %get3A_989 = tpu.vector_load %arg14[%get3A_988] {strides = array<i32>} : memref<544xi32, #tpu.memory_space<vmem>>, vector<16xi32>,
      %slice3A_990 = vector.extract_strided_slice %get3A_989 {offsets = [0], sizes = [1], strides = [1]} : vector<16xi32> to vector<1xi32>
      %squeeze3A_991 = vector.extract %slice3A_990[0] : i32 from vector<1xi32>
      %add3A_992 = arith.addi %squeeze3A_987, %squeeze3A_987 : i32
      %ge3A_993 = arith.constant 999936 : i32
      %ge3A_994 = arith.cmpi sge, %add3A_992, %ge3A_993 : i32
      %ge3A_995 = arith.constant 999936 : i32
      %ge3A_996 = arith.cmpi sge, %squeeze3A_991, %ge3A_995 : i32
      %add3A_997 = arith.addi %squeeze3A_987, %squeeze3A_987 : i32
      %sub3A_998 = arith.constant 999936 : i32
      %sub3A_999 = arith.subi %add3A_997, %sub3A_998 : i32
      %and3A_1000 = arith.constant 63 : i32
      %and3A_1001 = arith.andi %squeeze3A_987, %and3A_1000 : i32
      %mul3A_1002 = arith.constant 2 : i32
      %mul3A_1003 = arith.muli %and3A_1001, %mul3A_1002 : i32
      %select_n3A_1004 = arith.select %ge3A_994, %sub3A_999, %mul3A_1003 : i32
      %sub3A_1005 = arith.constant 999936 : i32
      %sub3A_1006 = arith.subi %squeeze3A_991, %sub3A_1005 : i32
      %and3A_1007 = arith.constant 127 : i32
      %and3A_1008 = arith.andi %squeeze3A_991, %and3A_1007 : i32
      %select_n3A_1009 = arith.select %ge3A_996, %sub3A_1006, %and3A_1008 : i32
      %broadcast_in_dim3A_1010 = vector.broadcast %select_n3A_1004 : i32 to vector<16xi32>
      %broadcast_in_dim3A_1011 = vector.broadcast %select_n3A_1009 : i32 to vector<16xi32>
      %broadcast_in_dim3A_1012 = vector.broadcast %ge3A_994 : i1 to vector<16xi1>
      %broadcast_in_dim3A_1013 = vector.broadcast %ge3A_996 : i1 to vector<16xi1>
      %broadcast_in_dim3A_1014 = arith.constant 0.000000e+00 : f32
      %broadcast_in_dim3A_1015 = vector.broadcast %broadcast_in_dim3A_1014 : f32 to vector<16xf32>
      %add3A_1016 = arith.constant 0 : i32
      %add3A_1017 = vector.broadcast %add3A_1016 : i32 to vector<16xi32>
      %add3A_1018 = arith.addi %add3A_1017, %iota3A : vector<16xi32>
      %mul3A_1019 = arith.constant 64 : i32
      %mul3A_1020 = vector.broadcast %mul3A_1019 : i32 to vector<16xi32>
      %mul3A_1021 = arith.muli %add3A_1018, %mul3A_1020 : vector<16xi32>
      %and3A_1022 = arith.constant 63 : i32
      %and3A_1023 = vector.broadcast %and3A_1022 : i32 to vector<16xi32>
      %and3A_1024 = arith.andi %broadcast_in_dim3A_1010, %and3A_1023 : vector<16xi32>
      %add3A_1025 = arith.addi %mul3A_1021, %and3A_1024 : vector<16xi32>
      %gather3A_1026 = tpu.vector_load_idx %arg25[%add3A_1025] : memref<4096xf32, #tpu.memory_space<vmem>>[vector<16xi32>], vector<16xf32>,
      %gather3A_1027 = tpu.vector_load_idx %arg17[%add3A_1018, %broadcast_in_dim3A_1010] : memref<64x128xf32, #tpu.memory_space<vmem>>[vector<16xi32>, vector<16xi32>], vector<16xf32>,
      %select_n3A_1028 = arith.select %broadcast_in_dim3A_1012, %gather3A_1026, %gather3A_1027 : vector<16xi1>, vector<16xf32>
      %mul3A_1029 = arith.constant 64 : i32
      %mul3A_1030 = vector.broadcast %mul3A_1029 : i32 to vector<16xi32>
      %mul3A_1031 = arith.muli %add3A_1018, %mul3A_1030 : vector<16xi32>
      %and3A_1032 = arith.constant 63 : i32
      %and3A_1033 = vector.broadcast %and3A_1032 : i32 to vector<16xi32>
      %and3A_1034 = arith.andi %broadcast_in_dim3A_1011, %and3A_1033 : vector<16xi32>
      %add3A_1035 = arith.addi %mul3A_1031, %and3A_1034 : vector<16xi32>
      %gather3A_1036 = tpu.vector_load_idx %arg26[%add3A_1035] : memref<4096xf32, #tpu.memory_space<vmem>>[vector<16xi32>], vector<16xf32>,
      %gather3A_1037 = tpu.vector_load_idx %arg21[%add3A_1018, %broadcast_in_dim3A_1011] : memref<64x128xf32, #tpu.memory_space<vmem>>[vector<16xi32>, vector<16xi32>], vector<16xf32>,
      %select_n3A_1038 = arith.select %broadcast_in_dim3A_1013, %gather3A_1036, %gather3A_1037 : vector<16xi1>, vector<16xf32>
      %mul3A_1039 = arith.mulf %select_n3A_1028, %select_n3A_1038 : vector<16xf32>
      %add3A_1040 = arith.addf %broadcast_in_dim3A_1015, %mul3A_1039 : vector<16xf32>
      %add3A_1041 = arith.constant 16 : i32
      %add3A_1042 = vector.broadcast %add3A_1041 : i32 to vector<16xi32>
      %add3A_1043 = arith.addi %add3A_1042, %iota3A : vector<16xi32>
      %mul3A_1044 = arith.constant 64 : i32
      %mul3A_1045 = vector.broadcast %mul3A_1044 : i32 to vector<16xi32>
      %mul3A_1046 = arith.muli %add3A_1043, %mul3A_1045 : vector<16xi32>
      %and3A_1047 = arith.constant 63 : i32
      %and3A_1048 = vector.broadcast %and3A_1047 : i32 to vector<16xi32>
      %and3A_1049 = arith.andi %broadcast_in_dim3A_1010, %and3A_1048 : vector<16xi32>
      %add3A_1050 = arith.addi %mul3A_1046, %and3A_1049 : vector<16xi32>
      %gather3A_1051 = tpu.vector_load_idx %arg25[%add3A_1050] : memref<4096xf32, #tpu.memory_space<vmem>>[vector<16xi32>], vector<16xf32>,
      %gather3A_1052 = tpu.vector_load_idx %arg17[%add3A_1043, %broadcast_in_dim3A_1010] : memref<64x128xf32, #tpu.memory_space<vmem>>[vector<16xi32>, vector<16xi32>], vector<16xf32>,
      %select_n3A_1053 = arith.select %broadcast_in_dim3A_1012, %gather3A_1051, %gather3A_1052 : vector<16xi1>, vector<16xf32>
      %mul3A_1054 = arith.constant 64 : i32
      %mul3A_1055 = vector.broadcast %mul3A_1054 : i32 to vector<16xi32>
      %mul3A_1056 = arith.muli %add3A_1043, %mul3A_1055 : vector<16xi32>
      %and3A_1057 = arith.constant 63 : i32
      %and3A_1058 = vector.broadcast %and3A_1057 : i32 to vector<16xi32>
      %and3A_1059 = arith.andi %broadcast_in_dim3A_1011, %and3A_1058 : vector<16xi32>
      %add3A_1060 = arith.addi %mul3A_1056, %and3A_1059 : vector<16xi32>
      %gather3A_1061 = tpu.vector_load_idx %arg26[%add3A_1060] : memref<4096xf32, #tpu.memory_space<vmem>>[vector<16xi32>], vector<16xf32>,
      %gather3A_1062 = tpu.vector_load_idx %arg21[%add3A_1043, %broadcast_in_dim3A_1011] : memref<64x128xf32, #tpu.memory_space<vmem>>[vector<16xi32>, vector<16xi32>], vector<16xf32>,
      %select_n3A_1063 = arith.select %broadcast_in_dim3A_1013, %gather3A_1061, %gather3A_1062 : vector<16xi1>, vector<16xf32>
      %mul3A_1064 = arith.mulf %select_n3A_1053, %select_n3A_1063 : vector<16xf32>
      %add3A_1065 = arith.addf %add3A_1040, %mul3A_1064 : vector<16xf32>
      %add3A_1066 = arith.constant 32 : i32
      %add3A_1067 = vector.broadcast %add3A_1066 : i32 to vector<16xi32>
      %add3A_1068 = arith.addi %add3A_1067, %iota3A : vector<16xi32>
      %mul3A_1069 = arith.constant 64 : i32
      %mul3A_1070 = vector.broadcast %mul3A_1069 : i32 to vector<16xi32>
      %mul3A_1071 = arith.muli %add3A_1068, %mul3A_1070 : vector<16xi32>
      %and3A_1072 = arith.constant 63 : i32
      %and3A_1073 = vector.broadcast %and3A_1072 : i32 to vector<16xi32>
      %and3A_1074 = arith.andi %broadcast_in_dim3A_1010, %and3A_1073 : vector<16xi32>
      %add3A_1075 = arith.addi %mul3A_1071, %and3A_1074 : vector<16xi32>
      %gather3A_1076 = tpu.vector_load_idx %arg25[%add3A_1075] : memref<4096xf32, #tpu.memory_space<vmem>>[vector<16xi32>], vector<16xf32>,
      %gather3A_1077 = tpu.vector_load_idx %arg17[%add3A_1068, %broadcast_in_dim3A_1010] : memref<64x128xf32, #tpu.memory_space<vmem>>[vector<16xi32>, vector<16xi32>], vector<16xf32>,
      %select_n3A_1078 = arith.select %broadcast_in_dim3A_1012, %gather3A_1076, %gather3A_1077 : vector<16xi1>, vector<16xf32>
      %mul3A_1079 = arith.constant 64 : i32
      %mul3A_1080 = vector.broadcast %mul3A_1079 : i32 to vector<16xi32>
      %mul3A_1081 = arith.muli %add3A_1068, %mul3A_1080 : vector<16xi32>
      %and3A_1082 = arith.constant 63 : i32
      %and3A_1083 = vector.broadcast %and3A_1082 : i32 to vector<16xi32>
      %and3A_1084 = arith.andi %broadcast_in_dim3A_1011, %and3A_1083 : vector<16xi32>
      %add3A_1085 = arith.addi %mul3A_1081, %and3A_1084 : vector<16xi32>
      %gather3A_1086 = tpu.vector_load_idx %arg26[%add3A_1085] : memref<4096xf32, #tpu.memory_space<vmem>>[vector<16xi32>], vector<16xf32>,
      %gather3A_1087 = tpu.vector_load_idx %arg21[%add3A_1068, %broadcast_in_dim3A_1011] : memref<64x128xf32, #tpu.memory_space<vmem>>[vector<16xi32>, vector<16xi32>], vector<16xf32>,
      %select_n3A_1088 = arith.select %broadcast_in_dim3A_1013, %gather3A_1086, %gather3A_1087 : vector<16xi1>, vector<16xf32>
      %mul3A_1089 = arith.mulf %select_n3A_1078, %select_n3A_1088 : vector<16xf32>
      %add3A_1090 = arith.addf %add3A_1065, %mul3A_1089 : vector<16xf32>
      %add3A_1091 = arith.constant 48 : i32
      %add3A_1092 = vector.broadcast %add3A_1091 : i32 to vector<16xi32>
      %add3A_1093 = arith.addi %add3A_1092, %iota3A : vector<16xi32>
      %mul3A_1094 = arith.constant 64 : i32
      %mul3A_1095 = vector.broadcast %mul3A_1094 : i32 to vector<16xi32>
      %mul3A_1096 = arith.muli %add3A_1093, %mul3A_1095 : vector<16xi32>
      %and3A_1097 = arith.constant 63 : i32
      %and3A_1098 = vector.broadcast %and3A_1097 : i32 to vector<16xi32>
      %and3A_1099 = arith.andi %broadcast_in_dim3A_1010, %and3A_1098 : vector<16xi32>
      %add3A_1100 = arith.addi %mul3A_1096, %and3A_1099 : vector<16xi32>
      %gather3A_1101 = tpu.vector_load_idx %arg25[%add3A_1100] : memref<4096xf32, #tpu.memory_space<vmem>>[vector<16xi32>], vector<16xf32>,
      %gather3A_1102 = tpu.vector_load_idx %arg17[%add3A_1093, %broadcast_in_dim3A_1010] : memref<64x128xf32, #tpu.memory_space<vmem>>[vector<16xi32>, vector<16xi32>], vector<16xf32>,
      %select_n3A_1103 = arith.select %broadcast_in_dim3A_1012, %gather3A_1101, %gather3A_1102 : vector<16xi1>, vector<16xf32>
      %mul3A_1104 = arith.constant 64 : i32
      %mul3A_1105 = vector.broadcast %mul3A_1104 : i32 to vector<16xi32>
      %mul3A_1106 = arith.muli %add3A_1093, %mul3A_1105 : vector<16xi32>
      %and3A_1107 = arith.constant 63 : i32
      %and3A_1108 = vector.broadcast %and3A_1107 : i32 to vector<16xi32>
      %and3A_1109 = arith.andi %broadcast_in_dim3A_1011, %and3A_1108 : vector<16xi32>
      %add3A_1110 = arith.addi %mul3A_1106, %and3A_1109 : vector<16xi32>
      %gather3A_1111 = tpu.vector_load_idx %arg26[%add3A_1110] : memref<4096xf32, #tpu.memory_space<vmem>>[vector<16xi32>], vector<16xf32>,
      %gather3A_1112 = tpu.vector_load_idx %arg21[%add3A_1093, %broadcast_in_dim3A_1011] : memref<64x128xf32, #tpu.memory_space<vmem>>[vector<16xi32>, vector<16xi32>], vector<16xf32>,
      %select_n3A_1113 = arith.select %broadcast_in_dim3A_1013, %gather3A_1111, %gather3A_1112 : vector<16xi1>, vector<16xf32>
      %mul3A_1114 = arith.mulf %select_n3A_1103, %select_n3A_1113 : vector<16xf32>
      %add3A_1115 = arith.addf %add3A_1090, %mul3A_1114 : vector<16xf32>
      %swap3A_1116 = arith.constant 64 : index
      %swap3A_1117 = tpu.vector_load %arg27[%swap3A_1116] {strides = array<i32>} : memref<256xf32, #tpu.memory_space<vmem>>, vector<16xf32>,
      tpu.vector_store %arg27[%swap3A_1116], %add3A_1115 {strides = array<i32>} : memref<256xf32, #tpu.memory_space<vmem>>, vector<16xf32>,
      %add3A_1118 = arith.constant 4 : i32
      %add3A_1119 = arith.addi %add3A_971, %add3A_1118 : i32
      %get3A_1120 = arith.index_cast %add3A_1119 : i32 to index
      %get3A_1121 = tpu.vector_load %arg13[%get3A_1120] {strides = array<i32>} : memref<544xi32, #tpu.memory_space<vmem>>, vector<16xi32>,
      %slice3A_1122 = vector.extract_strided_slice %get3A_1121 {offsets = [0], sizes = [1], strides = [1]} : vector<16xi32> to vector<1xi32>
      %squeeze3A_1123 = vector.extract %slice3A_1122[0] : i32 from vector<1xi32>
      %get3A_1124 = arith.index_cast %add3A_1119 : i32 to index
      %get3A_1125 = tpu.vector_load %arg14[%get3A_1124] {strides = array<i32>} : memref<544xi32, #tpu.memory_space<vmem>>, vector<16xi32>,
      %slice3A_1126 = vector.extract_strided_slice %get3A_1125 {offsets = [0], sizes = [1], strides = [1]} : vector<16xi32> to vector<1xi32>
      %squeeze3A_1127 = vector.extract %slice3A_1126[0] : i32 from vector<1xi32>
      %add3A_1128 = arith.addi %squeeze3A_1123, %squeeze3A_1123 : i32
      %ge3A_1129 = arith.constant 999936 : i32
      %ge3A_1130 = arith.cmpi sge, %add3A_1128, %ge3A_1129 : i32
      %shift_right_logical3A_1131 = arith.constant 6 : i32
      %shift_right_logical3A_1132 = arith.shrui %squeeze3A_1123, %shift_right_logical3A_1131 : i32
      %jit3A_1133 = arith.constant 0 : i32
      %select_n3A_1134 = arith.select %ge3A_1130, %jit3A_1133, %shift_right_logical3A_1132 : i32
      %ge3A_1135 = arith.constant 999936 : i32
      %ge3A_1136 = arith.cmpi sge, %squeeze3A_1127, %ge3A_1135 : i32
      %shift_right_logical3A_1137 = arith.constant 7 : i32
      %shift_right_logical3A_1138 = arith.shrui %squeeze3A_1127, %shift_right_logical3A_1137 : i32
      %jit3A_1139 = arith.constant 0 : i32
      %select_n3A_1140 = arith.select %ge3A_1136, %jit3A_1139, %shift_right_logical3A_1138 : i32
      %mul3A_1141 = arith.constant 128 : i32
      %mul3A_1142 = arith.muli %select_n3A_1134, %mul3A_1141 : i32
      %multiple_of3A_1143 = tpu.assume_multiple %mul3A_1142, 128 : i32
      %mul3A_1144 = arith.constant 128 : i32
      %mul3A_1145 = arith.muli %select_n3A_1140, %mul3A_1144 : i32
      %multiple_of3A_1146 = tpu.assume_multiple %mul3A_1145, 128 : i32
      %dma_start3A_1147 = arith.constant 0 : i32
      %dma_start3A_1148 = tpu.memref_slice %arg4[%dma_start3A_1147, %multiple_of3A_1143] : memref<64x1000000xf32, #tpu.memory_space<hbm>> -> memref<64x128xf32, #tpu.memory_space<hbm>>
      %dma_start3A_1149 = arith.constant 0 : i32
      %dma_start3A_1150 = tpu.memref_slice %arg4[%dma_start3A_1149, %multiple_of3A_1143] : memref<64x1000000xf32, #tpu.memory_space<hbm>> -> memref<64x128xf32, #tpu.memory_space<hbm>>
      tpu.enqueue_dma source(%dma_start3A_1150 : memref<64x128xf32, #tpu.memory_space<hbm>>) target(%arg17 : memref<64x128xf32, #tpu.memory_space<vmem>>) target_semaphore(%arg33 : memref<!tpu.dma_semaphore, #tpu.memory_space<semaphore_mem>>)
      %dma_start3A_1151 = arith.constant 0 : i32
      %dma_start3A_1152 = tpu.memref_slice %arg5[%dma_start3A_1151, %multiple_of3A_1146] : memref<64x1000000xf32, #tpu.memory_space<hbm>> -> memref<64x128xf32, #tpu.memory_space<hbm>>
      %dma_start3A_1153 = arith.constant 0 : i32
      %dma_start3A_1154 = tpu.memref_slice %arg5[%dma_start3A_1153, %multiple_of3A_1146] : memref<64x1000000xf32, #tpu.memory_space<hbm>> -> memref<64x128xf32, #tpu.memory_space<hbm>>
      tpu.enqueue_dma source(%dma_start3A_1154 : memref<64x128xf32, #tpu.memory_space<hbm>>) target(%arg21 : memref<64x128xf32, #tpu.memory_space<vmem>>) target_semaphore(%arg37 : memref<!tpu.dma_semaphore, #tpu.memory_space<semaphore_mem>>)
      %mul3A_1155 = arith.constant 16 : i32
      %mul3A_1156 = arith.muli %scan3A_222, %mul3A_1155 : i32
      %add3A_1157 = arith.constant 5 : i32
      %add3A_1158 = arith.addi %mul3A_1156, %add3A_1157 : i32
      %dma_wait3A_1159 = arith.constant 0 : i32
      %dma_wait3A_1160 = arith.constant 0 : i32
      %dma_wait3A_1161 = tpu.memref_slice %arg4[%dma_wait3A_1159, %dma_wait3A_1160] : memref<64x1000000xf32, #tpu.memory_space<hbm>> -> memref<64x128xf32, #tpu.memory_space<hbm>>
      %dma_wait3A_1162 = arith.constant 0 : i32
      %dma_wait3A_1163 = arith.constant 0 : i32
      %dma_wait3A_1164 = tpu.memref_slice %arg4[%dma_wait3A_1162, %dma_wait3A_1163] : memref<64x1000000xf32, #tpu.memory_space<hbm>> -> memref<64x128xf32, #tpu.memory_space<hbm>>
      tpu.wait_dma2 semaphore(%arg34 : memref<!tpu.dma_semaphore, #tpu.memory_space<semaphore_mem>>) src(%dma_wait3A_1164 : memref<64x128xf32, #tpu.memory_space<hbm>>) dst(%arg18 : memref<64x128xf32, #tpu.memory_space<vmem>>)
      %dma_wait3A_1165 = arith.constant 0 : i32
      %dma_wait3A_1166 = arith.constant 0 : i32
      %dma_wait3A_1167 = tpu.memref_slice %arg5[%dma_wait3A_1165, %dma_wait3A_1166] : memref<64x1000000xf32, #tpu.memory_space<hbm>> -> memref<64x128xf32, #tpu.memory_space<hbm>>
      %dma_wait3A_1168 = arith.constant 0 : i32
      %dma_wait3A_1169 = arith.constant 0 : i32
      %dma_wait3A_1170 = tpu.memref_slice %arg5[%dma_wait3A_1168, %dma_wait3A_1169] : memref<64x1000000xf32, #tpu.memory_space<hbm>> -> memref<64x128xf32, #tpu.memory_space<hbm>>
      tpu.wait_dma2 semaphore(%arg38 : memref<!tpu.dma_semaphore, #tpu.memory_space<semaphore_mem>>) src(%dma_wait3A_1170 : memref<64x128xf32, #tpu.memory_space<hbm>>) dst(%arg22 : memref<64x128xf32, #tpu.memory_space<vmem>>)
      %get3A_1171 = arith.index_cast %add3A_1158 : i32 to index
      %get3A_1172 = tpu.vector_load %arg13[%get3A_1171] {strides = array<i32>} : memref<544xi32, #tpu.memory_space<vmem>>, vector<16xi32>,
      %slice3A_1173 = vector.extract_strided_slice %get3A_1172 {offsets = [0], sizes = [1], strides = [1]} : vector<16xi32> to vector<1xi32>
      %squeeze3A_1174 = vector.extract %slice3A_1173[0] : i32 from vector<1xi32>
      %get3A_1175 = arith.index_cast %add3A_1158 : i32 to index
      %get3A_1176 = tpu.vector_load %arg14[%get3A_1175] {strides = array<i32>} : memref<544xi32, #tpu.memory_space<vmem>>, vector<16xi32>,
      %slice3A_1177 = vector.extract_strided_slice %get3A_1176 {offsets = [0], sizes = [1], strides = [1]} : vector<16xi32> to vector<1xi32>
      %squeeze3A_1178 = vector.extract %slice3A_1177[0] : i32 from vector<1xi32>
      %add3A_1179 = arith.addi %squeeze3A_1174, %squeeze3A_1174 : i32
      %ge3A_1180 = arith.constant 999936 : i32
      %ge3A_1181 = arith.cmpi sge, %add3A_1179, %ge3A_1180 : i32
      %ge3A_1182 = arith.constant 999936 : i32
      %ge3A_1183 = arith.cmpi sge, %squeeze3A_1178, %ge3A_1182 : i32
      %add3A_1184 = arith.addi %squeeze3A_1174, %squeeze3A_1174 : i32
      %sub3A_1185 = arith.constant 999936 : i32
      %sub3A_1186 = arith.subi %add3A_1184, %sub3A_1185 : i32
      %and3A_1187 = arith.constant 63 : i32
      %and3A_1188 = arith.andi %squeeze3A_1174, %and3A_1187 : i32
      %mul3A_1189 = arith.constant 2 : i32
      %mul3A_1190 = arith.muli %and3A_1188, %mul3A_1189 : i32
      %select_n3A_1191 = arith.select %ge3A_1181, %sub3A_1186, %mul3A_1190 : i32
      %sub3A_1192 = arith.constant 999936 : i32
      %sub3A_1193 = arith.subi %squeeze3A_1178, %sub3A_1192 : i32
      %and3A_1194 = arith.constant 127 : i32
      %and3A_1195 = arith.andi %squeeze3A_1178, %and3A_1194 : i32
      %select_n3A_1196 = arith.select %ge3A_1183, %sub3A_1193, %and3A_1195 : i32
      %broadcast_in_dim3A_1197 = vector.broadcast %select_n3A_1191 : i32 to vector<16xi32>
      %broadcast_in_dim3A_1198 = vector.broadcast %select_n3A_1196 : i32 to vector<16xi32>
      %broadcast_in_dim3A_1199 = vector.broadcast %ge3A_1181 : i1 to vector<16xi1>
      %broadcast_in_dim3A_1200 = vector.broadcast %ge3A_1183 : i1 to vector<16xi1>
      %broadcast_in_dim3A_1201 = arith.constant 0.000000e+00 : f32
      %broadcast_in_dim3A_1202 = vector.broadcast %broadcast_in_dim3A_1201 : f32 to vector<16xf32>
      %add3A_1203 = arith.constant 0 : i32
      %add3A_1204 = vector.broadcast %add3A_1203 : i32 to vector<16xi32>
      %add3A_1205 = arith.addi %add3A_1204, %iota3A : vector<16xi32>
      %mul3A_1206 = arith.constant 64 : i32
      %mul3A_1207 = vector.broadcast %mul3A_1206 : i32 to vector<16xi32>
      %mul3A_1208 = arith.muli %add3A_1205, %mul3A_1207 : vector<16xi32>
      %and3A_1209 = arith.constant 63 : i32
      %and3A_1210 = vector.broadcast %and3A_1209 : i32 to vector<16xi32>
      %and3A_1211 = arith.andi %broadcast_in_dim3A_1197, %and3A_1210 : vector<16xi32>
      %add3A_1212 = arith.addi %mul3A_1208, %and3A_1211 : vector<16xi32>
      %gather3A_1213 = tpu.vector_load_idx %arg25[%add3A_1212] : memref<4096xf32, #tpu.memory_space<vmem>>[vector<16xi32>], vector<16xf32>,
      %gather3A_1214 = tpu.vector_load_idx %arg18[%add3A_1205, %broadcast_in_dim3A_1197] : memref<64x128xf32, #tpu.memory_space<vmem>>[vector<16xi32>, vector<16xi32>], vector<16xf32>,
      %select_n3A_1215 = arith.select %broadcast_in_dim3A_1199, %gather3A_1213, %gather3A_1214 : vector<16xi1>, vector<16xf32>
      %mul3A_1216 = arith.constant 64 : i32
      %mul3A_1217 = vector.broadcast %mul3A_1216 : i32 to vector<16xi32>
      %mul3A_1218 = arith.muli %add3A_1205, %mul3A_1217 : vector<16xi32>
      %and3A_1219 = arith.constant 63 : i32
      %and3A_1220 = vector.broadcast %and3A_1219 : i32 to vector<16xi32>
      %and3A_1221 = arith.andi %broadcast_in_dim3A_1198, %and3A_1220 : vector<16xi32>
      %add3A_1222 = arith.addi %mul3A_1218, %and3A_1221 : vector<16xi32>
      %gather3A_1223 = tpu.vector_load_idx %arg26[%add3A_1222] : memref<4096xf32, #tpu.memory_space<vmem>>[vector<16xi32>], vector<16xf32>,
      %gather3A_1224 = tpu.vector_load_idx %arg22[%add3A_1205, %broadcast_in_dim3A_1198] : memref<64x128xf32, #tpu.memory_space<vmem>>[vector<16xi32>, vector<16xi32>], vector<16xf32>,
      %select_n3A_1225 = arith.select %broadcast_in_dim3A_1200, %gather3A_1223, %gather3A_1224 : vector<16xi1>, vector<16xf32>
      %mul3A_1226 = arith.mulf %select_n3A_1215, %select_n3A_1225 : vector<16xf32>
      %add3A_1227 = arith.addf %broadcast_in_dim3A_1202, %mul3A_1226 : vector<16xf32>
      %add3A_1228 = arith.constant 16 : i32
      %add3A_1229 = vector.broadcast %add3A_1228 : i32 to vector<16xi32>
      %add3A_1230 = arith.addi %add3A_1229, %iota3A : vector<16xi32>
      %mul3A_1231 = arith.constant 64 : i32
      %mul3A_1232 = vector.broadcast %mul3A_1231 : i32 to vector<16xi32>
      %mul3A_1233 = arith.muli %add3A_1230, %mul3A_1232 : vector<16xi32>
      %and3A_1234 = arith.constant 63 : i32
      %and3A_1235 = vector.broadcast %and3A_1234 : i32 to vector<16xi32>
      %and3A_1236 = arith.andi %broadcast_in_dim3A_1197, %and3A_1235 : vector<16xi32>
      %add3A_1237 = arith.addi %mul3A_1233, %and3A_1236 : vector<16xi32>
      %gather3A_1238 = tpu.vector_load_idx %arg25[%add3A_1237] : memref<4096xf32, #tpu.memory_space<vmem>>[vector<16xi32>], vector<16xf32>,
      %gather3A_1239 = tpu.vector_load_idx %arg18[%add3A_1230, %broadcast_in_dim3A_1197] : memref<64x128xf32, #tpu.memory_space<vmem>>[vector<16xi32>, vector<16xi32>], vector<16xf32>,
      %select_n3A_1240 = arith.select %broadcast_in_dim3A_1199, %gather3A_1238, %gather3A_1239 : vector<16xi1>, vector<16xf32>
      %mul3A_1241 = arith.constant 64 : i32
      %mul3A_1242 = vector.broadcast %mul3A_1241 : i32 to vector<16xi32>
      %mul3A_1243 = arith.muli %add3A_1230, %mul3A_1242 : vector<16xi32>
      %and3A_1244 = arith.constant 63 : i32
      %and3A_1245 = vector.broadcast %and3A_1244 : i32 to vector<16xi32>
      %and3A_1246 = arith.andi %broadcast_in_dim3A_1198, %and3A_1245 : vector<16xi32>
      %add3A_1247 = arith.addi %mul3A_1243, %and3A_1246 : vector<16xi32>
      %gather3A_1248 = tpu.vector_load_idx %arg26[%add3A_1247] : memref<4096xf32, #tpu.memory_space<vmem>>[vector<16xi32>], vector<16xf32>,
      %gather3A_1249 = tpu.vector_load_idx %arg22[%add3A_1230, %broadcast_in_dim3A_1198] : memref<64x128xf32, #tpu.memory_space<vmem>>[vector<16xi32>, vector<16xi32>], vector<16xf32>,
      %select_n3A_1250 = arith.select %broadcast_in_dim3A_1200, %gather3A_1248, %gather3A_1249 : vector<16xi1>, vector<16xf32>
      %mul3A_1251 = arith.mulf %select_n3A_1240, %select_n3A_1250 : vector<16xf32>
      %add3A_1252 = arith.addf %add3A_1227, %mul3A_1251 : vector<16xf32>
      %add3A_1253 = arith.constant 32 : i32
      %add3A_1254 = vector.broadcast %add3A_1253 : i32 to vector<16xi32>
      %add3A_1255 = arith.addi %add3A_1254, %iota3A : vector<16xi32>
      %mul3A_1256 = arith.constant 64 : i32
      %mul3A_1257 = vector.broadcast %mul3A_1256 : i32 to vector<16xi32>
      %mul3A_1258 = arith.muli %add3A_1255, %mul3A_1257 : vector<16xi32>
      %and3A_1259 = arith.constant 63 : i32
      %and3A_1260 = vector.broadcast %and3A_1259 : i32 to vector<16xi32>
      %and3A_1261 = arith.andi %broadcast_in_dim3A_1197, %and3A_1260 : vector<16xi32>
      %add3A_1262 = arith.addi %mul3A_1258, %and3A_1261 : vector<16xi32>
      %gather3A_1263 = tpu.vector_load_idx %arg25[%add3A_1262] : memref<4096xf32, #tpu.memory_space<vmem>>[vector<16xi32>], vector<16xf32>,
      %gather3A_1264 = tpu.vector_load_idx %arg18[%add3A_1255, %broadcast_in_dim3A_1197] : memref<64x128xf32, #tpu.memory_space<vmem>>[vector<16xi32>, vector<16xi32>], vector<16xf32>,
      %select_n3A_1265 = arith.select %broadcast_in_dim3A_1199, %gather3A_1263, %gather3A_1264 : vector<16xi1>, vector<16xf32>
      %mul3A_1266 = arith.constant 64 : i32
      %mul3A_1267 = vector.broadcast %mul3A_1266 : i32 to vector<16xi32>
      %mul3A_1268 = arith.muli %add3A_1255, %mul3A_1267 : vector<16xi32>
      %and3A_1269 = arith.constant 63 : i32
      %and3A_1270 = vector.broadcast %and3A_1269 : i32 to vector<16xi32>
      %and3A_1271 = arith.andi %broadcast_in_dim3A_1198, %and3A_1270 : vector<16xi32>
      %add3A_1272 = arith.addi %mul3A_1268, %and3A_1271 : vector<16xi32>
      %gather3A_1273 = tpu.vector_load_idx %arg26[%add3A_1272] : memref<4096xf32, #tpu.memory_space<vmem>>[vector<16xi32>], vector<16xf32>,
      %gather3A_1274 = tpu.vector_load_idx %arg22[%add3A_1255, %broadcast_in_dim3A_1198] : memref<64x128xf32, #tpu.memory_space<vmem>>[vector<16xi32>, vector<16xi32>], vector<16xf32>,
      %select_n3A_1275 = arith.select %broadcast_in_dim3A_1200, %gather3A_1273, %gather3A_1274 : vector<16xi1>, vector<16xf32>
      %mul3A_1276 = arith.mulf %select_n3A_1265, %select_n3A_1275 : vector<16xf32>
      %add3A_1277 = arith.addf %add3A_1252, %mul3A_1276 : vector<16xf32>
      %add3A_1278 = arith.constant 48 : i32
      %add3A_1279 = vector.broadcast %add3A_1278 : i32 to vector<16xi32>
      %add3A_1280 = arith.addi %add3A_1279, %iota3A : vector<16xi32>
      %mul3A_1281 = arith.constant 64 : i32
      %mul3A_1282 = vector.broadcast %mul3A_1281 : i32 to vector<16xi32>
      %mul3A_1283 = arith.muli %add3A_1280, %mul3A_1282 : vector<16xi32>
      %and3A_1284 = arith.constant 63 : i32
      %and3A_1285 = vector.broadcast %and3A_1284 : i32 to vector<16xi32>
      %and3A_1286 = arith.andi %broadcast_in_dim3A_1197, %and3A_1285 : vector<16xi32>
      %add3A_1287 = arith.addi %mul3A_1283, %and3A_1286 : vector<16xi32>
      %gather3A_1288 = tpu.vector_load_idx %arg25[%add3A_1287] : memref<4096xf32, #tpu.memory_space<vmem>>[vector<16xi32>], vector<16xf32>,
      %gather3A_1289 = tpu.vector_load_idx %arg18[%add3A_1280, %broadcast_in_dim3A_1197] : memref<64x128xf32, #tpu.memory_space<vmem>>[vector<16xi32>, vector<16xi32>], vector<16xf32>,
      %select_n3A_1290 = arith.select %broadcast_in_dim3A_1199, %gather3A_1288, %gather3A_1289 : vector<16xi1>, vector<16xf32>
      %mul3A_1291 = arith.constant 64 : i32
      %mul3A_1292 = vector.broadcast %mul3A_1291 : i32 to vector<16xi32>
      %mul3A_1293 = arith.muli %add3A_1280, %mul3A_1292 : vector<16xi32>
      %and3A_1294 = arith.constant 63 : i32
      %and3A_1295 = vector.broadcast %and3A_1294 : i32 to vector<16xi32>
      %and3A_1296 = arith.andi %broadcast_in_dim3A_1198, %and3A_1295 : vector<16xi32>
      %add3A_1297 = arith.addi %mul3A_1293, %and3A_1296 : vector<16xi32>
      %gather3A_1298 = tpu.vector_load_idx %arg26[%add3A_1297] : memref<4096xf32, #tpu.memory_space<vmem>>[vector<16xi32>], vector<16xf32>,
      %gather3A_1299 = tpu.vector_load_idx %arg22[%add3A_1280, %broadcast_in_dim3A_1198] : memref<64x128xf32, #tpu.memory_space<vmem>>[vector<16xi32>, vector<16xi32>], vector<16xf32>,
      %select_n3A_1300 = arith.select %broadcast_in_dim3A_1200, %gather3A_1298, %gather3A_1299 : vector<16xi1>, vector<16xf32>
      %mul3A_1301 = arith.mulf %select_n3A_1290, %select_n3A_1300 : vector<16xf32>
      %add3A_1302 = arith.addf %add3A_1277, %mul3A_1301 : vector<16xf32>
      %swap3A_1303 = arith.constant 80 : index
      %swap3A_1304 = tpu.vector_load %arg27[%swap3A_1303] {strides = array<i32>} : memref<256xf32, #tpu.memory_space<vmem>>, vector<16xf32>,
      tpu.vector_store %arg27[%swap3A_1303], %add3A_1302 {strides = array<i32>} : memref<256xf32, #tpu.memory_space<vmem>>, vector<16xf32>,
      %add3A_1305 = arith.constant 4 : i32
      %add3A_1306 = arith.addi %add3A_1158, %add3A_1305 : i32
      %get3A_1307 = arith.index_cast %add3A_1306 : i32 to index
      %get3A_1308 = tpu.vector_load %arg13[%get3A_1307] {strides = array<i32>} : memref<544xi32, #tpu.memory_space<vmem>>, vector<16xi32>,
      %slice3A_1309 = vector.extract_strided_slice %get3A_1308 {offsets = [0], sizes = [1], strides = [1]} : vector<16xi32> to vector<1xi32>
      %squeeze3A_1310 = vector.extract %slice3A_1309[0] : i32 from vector<1xi32>
      %get3A_1311 = arith.index_cast %add3A_1306 : i32 to index
      %get3A_1312 = tpu.vector_load %arg14[%get3A_1311] {strides = array<i32>} : memref<544xi32, #tpu.memory_space<vmem>>, vector<16xi32>,
      %slice3A_1313 = vector.extract_strided_slice %get3A_1312 {offsets = [0], sizes = [1], strides = [1]} : vector<16xi32> to vector<1xi32>
      %squeeze3A_1314 = vector.extract %slice3A_1313[0] : i32 from vector<1xi32>
      %add3A_1315 = arith.addi %squeeze3A_1310, %squeeze3A_1310 : i32
      %ge3A_1316 = arith.constant 999936 : i32
      %ge3A_1317 = arith.cmpi sge, %add3A_1315, %ge3A_1316 : i32
      %shift_right_logical3A_1318 = arith.constant 6 : i32
      %shift_right_logical3A_1319 = arith.shrui %squeeze3A_1310, %shift_right_logical3A_1318 : i32
      %jit3A_1320 = arith.constant 0 : i32
      %select_n3A_1321 = arith.select %ge3A_1317, %jit3A_1320, %shift_right_logical3A_1319 : i32
      %ge3A_1322 = arith.constant 999936 : i32
      %ge3A_1323 = arith.cmpi sge, %squeeze3A_1314, %ge3A_1322 : i32
      %shift_right_logical3A_1324 = arith.constant 7 : i32
      %shift_right_logical3A_1325 = arith.shrui %squeeze3A_1314, %shift_right_logical3A_1324 : i32
      %jit3A_1326 = arith.constant 0 : i32
      %select_n3A_1327 = arith.select %ge3A_1323, %jit3A_1326, %shift_right_logical3A_1325 : i32
      %mul3A_1328 = arith.constant 128 : i32
      %mul3A_1329 = arith.muli %select_n3A_1321, %mul3A_1328 : i32
      %multiple_of3A_1330 = tpu.assume_multiple %mul3A_1329, 128 : i32
      %mul3A_1331 = arith.constant 128 : i32
      %mul3A_1332 = arith.muli %select_n3A_1327, %mul3A_1331 : i32
      %multiple_of3A_1333 = tpu.assume_multiple %mul3A_1332, 128 : i32
      %dma_start3A_1334 = arith.constant 0 : i32
      %dma_start3A_1335 = tpu.memref_slice %arg4[%dma_start3A_1334, %multiple_of3A_1330] : memref<64x1000000xf32, #tpu.memory_space<hbm>> -> memref<64x128xf32, #tpu.memory_space<hbm>>
      %dma_start3A_1336 = arith.constant 0 : i32
      %dma_start3A_1337 = tpu.memref_slice %arg4[%dma_start3A_1336, %multiple_of3A_1330] : memref<64x1000000xf32, #tpu.memory_space<hbm>> -> memref<64x128xf32, #tpu.memory_space<hbm>>
      tpu.enqueue_dma source(%dma_start3A_1337 : memref<64x128xf32, #tpu.memory_space<hbm>>) target(%arg18 : memref<64x128xf32, #tpu.memory_space<vmem>>) target_semaphore(%arg34 : memref<!tpu.dma_semaphore, #tpu.memory_space<semaphore_mem>>)
      %dma_start3A_1338 = arith.constant 0 : i32
      %dma_start3A_1339 = tpu.memref_slice %arg5[%dma_start3A_1338, %multiple_of3A_1333] : memref<64x1000000xf32, #tpu.memory_space<hbm>> -> memref<64x128xf32, #tpu.memory_space<hbm>>
      %dma_start3A_1340 = arith.constant 0 : i32
      %dma_start3A_1341 = tpu.memref_slice %arg5[%dma_start3A_1340, %multiple_of3A_1333] : memref<64x1000000xf32, #tpu.memory_space<hbm>> -> memref<64x128xf32, #tpu.memory_space<hbm>>
      tpu.enqueue_dma source(%dma_start3A_1341 : memref<64x128xf32, #tpu.memory_space<hbm>>) target(%arg22 : memref<64x128xf32, #tpu.memory_space<vmem>>) target_semaphore(%arg38 : memref<!tpu.dma_semaphore, #tpu.memory_space<semaphore_mem>>)
      %mul3A_1342 = arith.constant 16 : i32
      %mul3A_1343 = arith.muli %scan3A_222, %mul3A_1342 : i32
      %add3A_1344 = arith.constant 6 : i32
      %add3A_1345 = arith.addi %mul3A_1343, %add3A_1344 : i32
      %dma_wait3A_1346 = arith.constant 0 : i32
      %dma_wait3A_1347 = arith.constant 0 : i32
      %dma_wait3A_1348 = tpu.memref_slice %arg4[%dma_wait3A_1346, %dma_wait3A_1347] : memref<64x1000000xf32, #tpu.memory_space<hbm>> -> memref<64x128xf32, #tpu.memory_space<hbm>>
      %dma_wait3A_1349 = arith.constant 0 : i32
      %dma_wait3A_1350 = arith.constant 0 : i32
      %dma_wait3A_1351 = tpu.memref_slice %arg4[%dma_wait3A_1349, %dma_wait3A_1350] : memref<64x1000000xf32, #tpu.memory_space<hbm>> -> memref<64x128xf32, #tpu.memory_space<hbm>>
      tpu.wait_dma2 semaphore(%arg35 : memref<!tpu.dma_semaphore, #tpu.memory_space<semaphore_mem>>) src(%dma_wait3A_1351 : memref<64x128xf32, #tpu.memory_space<hbm>>) dst(%arg19 : memref<64x128xf32, #tpu.memory_space<vmem>>)
      %dma_wait3A_1352 = arith.constant 0 : i32
      %dma_wait3A_1353 = arith.constant 0 : i32
      %dma_wait3A_1354 = tpu.memref_slice %arg5[%dma_wait3A_1352, %dma_wait3A_1353] : memref<64x1000000xf32, #tpu.memory_space<hbm>> -> memref<64x128xf32, #tpu.memory_space<hbm>>
      %dma_wait3A_1355 = arith.constant 0 : i32
      %dma_wait3A_1356 = arith.constant 0 : i32
      %dma_wait3A_1357 = tpu.memref_slice %arg5[%dma_wait3A_1355, %dma_wait3A_1356] : memref<64x1000000xf32, #tpu.memory_space<hbm>> -> memref<64x128xf32, #tpu.memory_space<hbm>>
      tpu.wait_dma2 semaphore(%arg39 : memref<!tpu.dma_semaphore, #tpu.memory_space<semaphore_mem>>) src(%dma_wait3A_1357 : memref<64x128xf32, #tpu.memory_space<hbm>>) dst(%arg23 : memref<64x128xf32, #tpu.memory_space<vmem>>)
      %get3A_1358 = arith.index_cast %add3A_1345 : i32 to index
      %get3A_1359 = tpu.vector_load %arg13[%get3A_1358] {strides = array<i32>} : memref<544xi32, #tpu.memory_space<vmem>>, vector<16xi32>,
      %slice3A_1360 = vector.extract_strided_slice %get3A_1359 {offsets = [0], sizes = [1], strides = [1]} : vector<16xi32> to vector<1xi32>
      %squeeze3A_1361 = vector.extract %slice3A_1360[0] : i32 from vector<1xi32>
      %get3A_1362 = arith.index_cast %add3A_1345 : i32 to index
      %get3A_1363 = tpu.vector_load %arg14[%get3A_1362] {strides = array<i32>} : memref<544xi32, #tpu.memory_space<vmem>>, vector<16xi32>,
      %slice3A_1364 = vector.extract_strided_slice %get3A_1363 {offsets = [0], sizes = [1], strides = [1]} : vector<16xi32> to vector<1xi32>
      %squeeze3A_1365 = vector.extract %slice3A_1364[0] : i32 from vector<1xi32>
      %add3A_1366 = arith.addi %squeeze3A_1361, %squeeze3A_1361 : i32
      %ge3A_1367 = arith.constant 999936 : i32
      %ge3A_1368 = arith.cmpi sge, %add3A_1366, %ge3A_1367 : i32
      %ge3A_1369 = arith.constant 999936 : i32
      %ge3A_1370 = arith.cmpi sge, %squeeze3A_1365, %ge3A_1369 : i32
      %add3A_1371 = arith.addi %squeeze3A_1361, %squeeze3A_1361 : i32
      %sub3A_1372 = arith.constant 999936 : i32
      %sub3A_1373 = arith.subi %add3A_1371, %sub3A_1372 : i32
      %and3A_1374 = arith.constant 63 : i32
      %and3A_1375 = arith.andi %squeeze3A_1361, %and3A_1374 : i32
      %mul3A_1376 = arith.constant 2 : i32
      %mul3A_1377 = arith.muli %and3A_1375, %mul3A_1376 : i32
      %select_n3A_1378 = arith.select %ge3A_1368, %sub3A_1373, %mul3A_1377 : i32
      %sub3A_1379 = arith.constant 999936 : i32
      %sub3A_1380 = arith.subi %squeeze3A_1365, %sub3A_1379 : i32
      %and3A_1381 = arith.constant 127 : i32
      %and3A_1382 = arith.andi %squeeze3A_1365, %and3A_1381 : i32
      %select_n3A_1383 = arith.select %ge3A_1370, %sub3A_1380, %and3A_1382 : i32
      %broadcast_in_dim3A_1384 = vector.broadcast %select_n3A_1378 : i32 to vector<16xi32>
      %broadcast_in_dim3A_1385 = vector.broadcast %select_n3A_1383 : i32 to vector<16xi32>
      %broadcast_in_dim3A_1386 = vector.broadcast %ge3A_1368 : i1 to vector<16xi1>
      %broadcast_in_dim3A_1387 = vector.broadcast %ge3A_1370 : i1 to vector<16xi1>
      %broadcast_in_dim3A_1388 = arith.constant 0.000000e+00 : f32
      %broadcast_in_dim3A_1389 = vector.broadcast %broadcast_in_dim3A_1388 : f32 to vector<16xf32>
      %add3A_1390 = arith.constant 0 : i32
      %add3A_1391 = vector.broadcast %add3A_1390 : i32 to vector<16xi32>
      %add3A_1392 = arith.addi %add3A_1391, %iota3A : vector<16xi32>
      %mul3A_1393 = arith.constant 64 : i32
      %mul3A_1394 = vector.broadcast %mul3A_1393 : i32 to vector<16xi32>
      %mul3A_1395 = arith.muli %add3A_1392, %mul3A_1394 : vector<16xi32>
      %and3A_1396 = arith.constant 63 : i32
      %and3A_1397 = vector.broadcast %and3A_1396 : i32 to vector<16xi32>
      %and3A_1398 = arith.andi %broadcast_in_dim3A_1384, %and3A_1397 : vector<16xi32>
      %add3A_1399 = arith.addi %mul3A_1395, %and3A_1398 : vector<16xi32>
      %gather3A_1400 = tpu.vector_load_idx %arg25[%add3A_1399] : memref<4096xf32, #tpu.memory_space<vmem>>[vector<16xi32>], vector<16xf32>,
      %gather3A_1401 = tpu.vector_load_idx %arg19[%add3A_1392, %broadcast_in_dim3A_1384] : memref<64x128xf32, #tpu.memory_space<vmem>>[vector<16xi32>, vector<16xi32>], vector<16xf32>,
      %select_n3A_1402 = arith.select %broadcast_in_dim3A_1386, %gather3A_1400, %gather3A_1401 : vector<16xi1>, vector<16xf32>
      %mul3A_1403 = arith.constant 64 : i32
      %mul3A_1404 = vector.broadcast %mul3A_1403 : i32 to vector<16xi32>
      %mul3A_1405 = arith.muli %add3A_1392, %mul3A_1404 : vector<16xi32>
      %and3A_1406 = arith.constant 63 : i32
      %and3A_1407 = vector.broadcast %and3A_1406 : i32 to vector<16xi32>
      %and3A_1408 = arith.andi %broadcast_in_dim3A_1385, %and3A_1407 : vector<16xi32>
      %add3A_1409 = arith.addi %mul3A_1405, %and3A_1408 : vector<16xi32>
      %gather3A_1410 = tpu.vector_load_idx %arg26[%add3A_1409] : memref<4096xf32, #tpu.memory_space<vmem>>[vector<16xi32>], vector<16xf32>,
      %gather3A_1411 = tpu.vector_load_idx %arg23[%add3A_1392, %broadcast_in_dim3A_1385] : memref<64x128xf32, #tpu.memory_space<vmem>>[vector<16xi32>, vector<16xi32>], vector<16xf32>,
      %select_n3A_1412 = arith.select %broadcast_in_dim3A_1387, %gather3A_1410, %gather3A_1411 : vector<16xi1>, vector<16xf32>
      %mul3A_1413 = arith.mulf %select_n3A_1402, %select_n3A_1412 : vector<16xf32>
      %add3A_1414 = arith.addf %broadcast_in_dim3A_1389, %mul3A_1413 : vector<16xf32>
      %add3A_1415 = arith.constant 16 : i32
      %add3A_1416 = vector.broadcast %add3A_1415 : i32 to vector<16xi32>
      %add3A_1417 = arith.addi %add3A_1416, %iota3A : vector<16xi32>
      %mul3A_1418 = arith.constant 64 : i32
      %mul3A_1419 = vector.broadcast %mul3A_1418 : i32 to vector<16xi32>
      %mul3A_1420 = arith.muli %add3A_1417, %mul3A_1419 : vector<16xi32>
      %and3A_1421 = arith.constant 63 : i32
      %and3A_1422 = vector.broadcast %and3A_1421 : i32 to vector<16xi32>
      %and3A_1423 = arith.andi %broadcast_in_dim3A_1384, %and3A_1422 : vector<16xi32>
      %add3A_1424 = arith.addi %mul3A_1420, %and3A_1423 : vector<16xi32>
      %gather3A_1425 = tpu.vector_load_idx %arg25[%add3A_1424] : memref<4096xf32, #tpu.memory_space<vmem>>[vector<16xi32>], vector<16xf32>,
      %gather3A_1426 = tpu.vector_load_idx %arg19[%add3A_1417, %broadcast_in_dim3A_1384] : memref<64x128xf32, #tpu.memory_space<vmem>>[vector<16xi32>, vector<16xi32>], vector<16xf32>,
      %select_n3A_1427 = arith.select %broadcast_in_dim3A_1386, %gather3A_1425, %gather3A_1426 : vector<16xi1>, vector<16xf32>
      %mul3A_1428 = arith.constant 64 : i32
      %mul3A_1429 = vector.broadcast %mul3A_1428 : i32 to vector<16xi32>
      %mul3A_1430 = arith.muli %add3A_1417, %mul3A_1429 : vector<16xi32>
      %and3A_1431 = arith.constant 63 : i32
      %and3A_1432 = vector.broadcast %and3A_1431 : i32 to vector<16xi32>
      %and3A_1433 = arith.andi %broadcast_in_dim3A_1385, %and3A_1432 : vector<16xi32>
      %add3A_1434 = arith.addi %mul3A_1430, %and3A_1433 : vector<16xi32>
      %gather3A_1435 = tpu.vector_load_idx %arg26[%add3A_1434] : memref<4096xf32, #tpu.memory_space<vmem>>[vector<16xi32>], vector<16xf32>,
      %gather3A_1436 = tpu.vector_load_idx %arg23[%add3A_1417, %broadcast_in_dim3A_1385] : memref<64x128xf32, #tpu.memory_space<vmem>>[vector<16xi32>, vector<16xi32>], vector<16xf32>,
      %select_n3A_1437 = arith.select %broadcast_in_dim3A_1387, %gather3A_1435, %gather3A_1436 : vector<16xi1>, vector<16xf32>
      %mul3A_1438 = arith.mulf %select_n3A_1427, %select_n3A_1437 : vector<16xf32>
      %add3A_1439 = arith.addf %add3A_1414, %mul3A_1438 : vector<16xf32>
      %add3A_1440 = arith.constant 32 : i32
      %add3A_1441 = vector.broadcast %add3A_1440 : i32 to vector<16xi32>
      %add3A_1442 = arith.addi %add3A_1441, %iota3A : vector<16xi32>
      %mul3A_1443 = arith.constant 64 : i32
      %mul3A_1444 = vector.broadcast %mul3A_1443 : i32 to vector<16xi32>
      %mul3A_1445 = arith.muli %add3A_1442, %mul3A_1444 : vector<16xi32>
      %and3A_1446 = arith.constant 63 : i32
      %and3A_1447 = vector.broadcast %and3A_1446 : i32 to vector<16xi32>
      %and3A_1448 = arith.andi %broadcast_in_dim3A_1384, %and3A_1447 : vector<16xi32>
      %add3A_1449 = arith.addi %mul3A_1445, %and3A_1448 : vector<16xi32>
      %gather3A_1450 = tpu.vector_load_idx %arg25[%add3A_1449] : memref<4096xf32, #tpu.memory_space<vmem>>[vector<16xi32>], vector<16xf32>,
      %gather3A_1451 = tpu.vector_load_idx %arg19[%add3A_1442, %broadcast_in_dim3A_1384] : memref<64x128xf32, #tpu.memory_space<vmem>>[vector<16xi32>, vector<16xi32>], vector<16xf32>,
      %select_n3A_1452 = arith.select %broadcast_in_dim3A_1386, %gather3A_1450, %gather3A_1451 : vector<16xi1>, vector<16xf32>
      %mul3A_1453 = arith.constant 64 : i32
      %mul3A_1454 = vector.broadcast %mul3A_1453 : i32 to vector<16xi32>
      %mul3A_1455 = arith.muli %add3A_1442, %mul3A_1454 : vector<16xi32>
      %and3A_1456 = arith.constant 63 : i32
      %and3A_1457 = vector.broadcast %and3A_1456 : i32 to vector<16xi32>
      %and3A_1458 = arith.andi %broadcast_in_dim3A_1385, %and3A_1457 : vector<16xi32>
      %add3A_1459 = arith.addi %mul3A_1455, %and3A_1458 : vector<16xi32>
      %gather3A_1460 = tpu.vector_load_idx %arg26[%add3A_1459] : memref<4096xf32, #tpu.memory_space<vmem>>[vector<16xi32>], vector<16xf32>,
      %gather3A_1461 = tpu.vector_load_idx %arg23[%add3A_1442, %broadcast_in_dim3A_1385] : memref<64x128xf32, #tpu.memory_space<vmem>>[vector<16xi32>, vector<16xi32>], vector<16xf32>,
      %select_n3A_1462 = arith.select %broadcast_in_dim3A_1387, %gather3A_1460, %gather3A_1461 : vector<16xi1>, vector<16xf32>
      %mul3A_1463 = arith.mulf %select_n3A_1452, %select_n3A_1462 : vector<16xf32>
      %add3A_1464 = arith.addf %add3A_1439, %mul3A_1463 : vector<16xf32>
      %add3A_1465 = arith.constant 48 : i32
      %add3A_1466 = vector.broadcast %add3A_1465 : i32 to vector<16xi32>
      %add3A_1467 = arith.addi %add3A_1466, %iota3A : vector<16xi32>
      %mul3A_1468 = arith.constant 64 : i32
      %mul3A_1469 = vector.broadcast %mul3A_1468 : i32 to vector<16xi32>
      %mul3A_1470 = arith.muli %add3A_1467, %mul3A_1469 : vector<16xi32>
      %and3A_1471 = arith.constant 63 : i32
      %and3A_1472 = vector.broadcast %and3A_1471 : i32 to vector<16xi32>
      %and3A_1473 = arith.andi %broadcast_in_dim3A_1384, %and3A_1472 : vector<16xi32>
      %add3A_1474 = arith.addi %mul3A_1470, %and3A_1473 : vector<16xi32>
      %gather3A_1475 = tpu.vector_load_idx %arg25[%add3A_1474] : memref<4096xf32, #tpu.memory_space<vmem>>[vector<16xi32>], vector<16xf32>,
      %gather3A_1476 = tpu.vector_load_idx %arg19[%add3A_1467, %broadcast_in_dim3A_1384] : memref<64x128xf32, #tpu.memory_space<vmem>>[vector<16xi32>, vector<16xi32>], vector<16xf32>,
      %select_n3A_1477 = arith.select %broadcast_in_dim3A_1386, %gather3A_1475, %gather3A_1476 : vector<16xi1>, vector<16xf32>
      %mul3A_1478 = arith.constant 64 : i32
      %mul3A_1479 = vector.broadcast %mul3A_1478 : i32 to vector<16xi32>
      %mul3A_1480 = arith.muli %add3A_1467, %mul3A_1479 : vector<16xi32>
      %and3A_1481 = arith.constant 63 : i32
      %and3A_1482 = vector.broadcast %and3A_1481 : i32 to vector<16xi32>
      %and3A_1483 = arith.andi %broadcast_in_dim3A_1385, %and3A_1482 : vector<16xi32>
      %add3A_1484 = arith.addi %mul3A_1480, %and3A_1483 : vector<16xi32>
      %gather3A_1485 = tpu.vector_load_idx %arg26[%add3A_1484] : memref<4096xf32, #tpu.memory_space<vmem>>[vector<16xi32>], vector<16xf32>,
      %gather3A_1486 = tpu.vector_load_idx %arg23[%add3A_1467, %broadcast_in_dim3A_1385] : memref<64x128xf32, #tpu.memory_space<vmem>>[vector<16xi32>, vector<16xi32>], vector<16xf32>,
      %select_n3A_1487 = arith.select %broadcast_in_dim3A_1387, %gather3A_1485, %gather3A_1486 : vector<16xi1>, vector<16xf32>
      %mul3A_1488 = arith.mulf %select_n3A_1477, %select_n3A_1487 : vector<16xf32>
      %add3A_1489 = arith.addf %add3A_1464, %mul3A_1488 : vector<16xf32>
      %swap3A_1490 = arith.constant 96 : index
      %swap3A_1491 = tpu.vector_load %arg27[%swap3A_1490] {strides = array<i32>} : memref<256xf32, #tpu.memory_space<vmem>>, vector<16xf32>,
      tpu.vector_store %arg27[%swap3A_1490], %add3A_1489 {strides = array<i32>} : memref<256xf32, #tpu.memory_space<vmem>>, vector<16xf32>,
      %add3A_1492 = arith.constant 4 : i32
      %add3A_1493 = arith.addi %add3A_1345, %add3A_1492 : i32
      %get3A_1494 = arith.index_cast %add3A_1493 : i32 to index
      %get3A_1495 = tpu.vector_load %arg13[%get3A_1494] {strides = array<i32>} : memref<544xi32, #tpu.memory_space<vmem>>, vector<16xi32>,
      %slice3A_1496 = vector.extract_strided_slice %get3A_1495 {offsets = [0], sizes = [1], strides = [1]} : vector<16xi32> to vector<1xi32>
      %squeeze3A_1497 = vector.extract %slice3A_1496[0] : i32 from vector<1xi32>
      %get3A_1498 = arith.index_cast %add3A_1493 : i32 to index
      %get3A_1499 = tpu.vector_load %arg14[%get3A_1498] {strides = array<i32>} : memref<544xi32, #tpu.memory_space<vmem>>, vector<16xi32>,
      %slice3A_1500 = vector.extract_strided_slice %get3A_1499 {offsets = [0], sizes = [1], strides = [1]} : vector<16xi32> to vector<1xi32>
      %squeeze3A_1501 = vector.extract %slice3A_1500[0] : i32 from vector<1xi32>
      %add3A_1502 = arith.addi %squeeze3A_1497, %squeeze3A_1497 : i32
      %ge3A_1503 = arith.constant 999936 : i32
      %ge3A_1504 = arith.cmpi sge, %add3A_1502, %ge3A_1503 : i32
      %shift_right_logical3A_1505 = arith.constant 6 : i32
      %shift_right_logical3A_1506 = arith.shrui %squeeze3A_1497, %shift_right_logical3A_1505 : i32
      %jit3A_1507 = arith.constant 0 : i32
      %select_n3A_1508 = arith.select %ge3A_1504, %jit3A_1507, %shift_right_logical3A_1506 : i32
      %ge3A_1509 = arith.constant 999936 : i32
      %ge3A_1510 = arith.cmpi sge, %squeeze3A_1501, %ge3A_1509 : i32
      %shift_right_logical3A_1511 = arith.constant 7 : i32
      %shift_right_logical3A_1512 = arith.shrui %squeeze3A_1501, %shift_right_logical3A_1511 : i32
      %jit3A_1513 = arith.constant 0 : i32
      %select_n3A_1514 = arith.select %ge3A_1510, %jit3A_1513, %shift_right_logical3A_1512 : i32
      %mul3A_1515 = arith.constant 128 : i32
      %mul3A_1516 = arith.muli %select_n3A_1508, %mul3A_1515 : i32
      %multiple_of3A_1517 = tpu.assume_multiple %mul3A_1516, 128 : i32
      %mul3A_1518 = arith.constant 128 : i32
      %mul3A_1519 = arith.muli %select_n3A_1514, %mul3A_1518 : i32
      %multiple_of3A_1520 = tpu.assume_multiple %mul3A_1519, 128 : i32
      %dma_start3A_1521 = arith.constant 0 : i32
      %dma_start3A_1522 = tpu.memref_slice %arg4[%dma_start3A_1521, %multiple_of3A_1517] : memref<64x1000000xf32, #tpu.memory_space<hbm>> -> memref<64x128xf32, #tpu.memory_space<hbm>>
      %dma_start3A_1523 = arith.constant 0 : i32
      %dma_start3A_1524 = tpu.memref_slice %arg4[%dma_start3A_1523, %multiple_of3A_1517] : memref<64x1000000xf32, #tpu.memory_space<hbm>> -> memref<64x128xf32, #tpu.memory_space<hbm>>
      tpu.enqueue_dma source(%dma_start3A_1524 : memref<64x128xf32, #tpu.memory_space<hbm>>) target(%arg19 : memref<64x128xf32, #tpu.memory_space<vmem>>) target_semaphore(%arg35 : memref<!tpu.dma_semaphore, #tpu.memory_space<semaphore_mem>>)
      %dma_start3A_1525 = arith.constant 0 : i32
      %dma_start3A_1526 = tpu.memref_slice %arg5[%dma_start3A_1525, %multiple_of3A_1520] : memref<64x1000000xf32, #tpu.memory_space<hbm>> -> memref<64x128xf32, #tpu.memory_space<hbm>>
      %dma_start3A_1527 = arith.constant 0 : i32
      %dma_start3A_1528 = tpu.memref_slice %arg5[%dma_start3A_1527, %multiple_of3A_1520] : memref<64x1000000xf32, #tpu.memory_space<hbm>> -> memref<64x128xf32, #tpu.memory_space<hbm>>
      tpu.enqueue_dma source(%dma_start3A_1528 : memref<64x128xf32, #tpu.memory_space<hbm>>) target(%arg23 : memref<64x128xf32, #tpu.memory_space<vmem>>) target_semaphore(%arg39 : memref<!tpu.dma_semaphore, #tpu.memory_space<semaphore_mem>>)
      %mul3A_1529 = arith.constant 16 : i32
      %mul3A_1530 = arith.muli %scan3A_222, %mul3A_1529 : i32
      %add3A_1531 = arith.constant 7 : i32
      %add3A_1532 = arith.addi %mul3A_1530, %add3A_1531 : i32
      %dma_wait3A_1533 = arith.constant 0 : i32
      %dma_wait3A_1534 = arith.constant 0 : i32
      %dma_wait3A_1535 = tpu.memref_slice %arg4[%dma_wait3A_1533, %dma_wait3A_1534] : memref<64x1000000xf32, #tpu.memory_space<hbm>> -> memref<64x128xf32, #tpu.memory_space<hbm>>
      %dma_wait3A_1536 = arith.constant 0 : i32
      %dma_wait3A_1537 = arith.constant 0 : i32
      %dma_wait3A_1538 = tpu.memref_slice %arg4[%dma_wait3A_1536, %dma_wait3A_1537] : memref<64x1000000xf32, #tpu.memory_space<hbm>> -> memref<64x128xf32, #tpu.memory_space<hbm>>
      tpu.wait_dma2 semaphore(%arg36 : memref<!tpu.dma_semaphore, #tpu.memory_space<semaphore_mem>>) src(%dma_wait3A_1538 : memref<64x128xf32, #tpu.memory_space<hbm>>) dst(%arg20 : memref<64x128xf32, #tpu.memory_space<vmem>>)
      %dma_wait3A_1539 = arith.constant 0 : i32
      %dma_wait3A_1540 = arith.constant 0 : i32
      %dma_wait3A_1541 = tpu.memref_slice %arg5[%dma_wait3A_1539, %dma_wait3A_1540] : memref<64x1000000xf32, #tpu.memory_space<hbm>> -> memref<64x128xf32, #tpu.memory_space<hbm>>
      %dma_wait3A_1542 = arith.constant 0 : i32
      %dma_wait3A_1543 = arith.constant 0 : i32
      %dma_wait3A_1544 = tpu.memref_slice %arg5[%dma_wait3A_1542, %dma_wait3A_1543] : memref<64x1000000xf32, #tpu.memory_space<hbm>> -> memref<64x128xf32, #tpu.memory_space<hbm>>
      tpu.wait_dma2 semaphore(%arg40 : memref<!tpu.dma_semaphore, #tpu.memory_space<semaphore_mem>>) src(%dma_wait3A_1544 : memref<64x128xf32, #tpu.memory_space<hbm>>) dst(%arg24 : memref<64x128xf32, #tpu.memory_space<vmem>>)
      %get3A_1545 = arith.index_cast %add3A_1532 : i32 to index
      %get3A_1546 = tpu.vector_load %arg13[%get3A_1545] {strides = array<i32>} : memref<544xi32, #tpu.memory_space<vmem>>, vector<16xi32>,
      %slice3A_1547 = vector.extract_strided_slice %get3A_1546 {offsets = [0], sizes = [1], strides = [1]} : vector<16xi32> to vector<1xi32>
      %squeeze3A_1548 = vector.extract %slice3A_1547[0] : i32 from vector<1xi32>
      %get3A_1549 = arith.index_cast %add3A_1532 : i32 to index
      %get3A_1550 = tpu.vector_load %arg14[%get3A_1549] {strides = array<i32>} : memref<544xi32, #tpu.memory_space<vmem>>, vector<16xi32>,
      %slice3A_1551 = vector.extract_strided_slice %get3A_1550 {offsets = [0], sizes = [1], strides = [1]} : vector<16xi32> to vector<1xi32>
      %squeeze3A_1552 = vector.extract %slice3A_1551[0] : i32 from vector<1xi32>
      %add3A_1553 = arith.addi %squeeze3A_1548, %squeeze3A_1548 : i32
      %ge3A_1554 = arith.constant 999936 : i32
      %ge3A_1555 = arith.cmpi sge, %add3A_1553, %ge3A_1554 : i32
      %ge3A_1556 = arith.constant 999936 : i32
      %ge3A_1557 = arith.cmpi sge, %squeeze3A_1552, %ge3A_1556 : i32
      %add3A_1558 = arith.addi %squeeze3A_1548, %squeeze3A_1548 : i32
      %sub3A_1559 = arith.constant 999936 : i32
      %sub3A_1560 = arith.subi %add3A_1558, %sub3A_1559 : i32
      %and3A_1561 = arith.constant 63 : i32
      %and3A_1562 = arith.andi %squeeze3A_1548, %and3A_1561 : i32
      %mul3A_1563 = arith.constant 2 : i32
      %mul3A_1564 = arith.muli %and3A_1562, %mul3A_1563 : i32
      %select_n3A_1565 = arith.select %ge3A_1555, %sub3A_1560, %mul3A_1564 : i32
      %sub3A_1566 = arith.constant 999936 : i32
      %sub3A_1567 = arith.subi %squeeze3A_1552, %sub3A_1566 : i32
      %and3A_1568 = arith.constant 127 : i32
      %and3A_1569 = arith.andi %squeeze3A_1552, %and3A_1568 : i32
      %select_n3A_1570 = arith.select %ge3A_1557, %sub3A_1567, %and3A_1569 : i32
      %broadcast_in_dim3A_1571 = vector.broadcast %select_n3A_1565 : i32 to vector<16xi32>
      %broadcast_in_dim3A_1572 = vector.broadcast %select_n3A_1570 : i32 to vector<16xi32>
      %broadcast_in_dim3A_1573 = vector.broadcast %ge3A_1555 : i1 to vector<16xi1>
      %broadcast_in_dim3A_1574 = vector.broadcast %ge3A_1557 : i1 to vector<16xi1>
      %broadcast_in_dim3A_1575 = arith.constant 0.000000e+00 : f32
      %broadcast_in_dim3A_1576 = vector.broadcast %broadcast_in_dim3A_1575 : f32 to vector<16xf32>
      %add3A_1577 = arith.constant 0 : i32
      %add3A_1578 = vector.broadcast %add3A_1577 : i32 to vector<16xi32>
      %add3A_1579 = arith.addi %add3A_1578, %iota3A : vector<16xi32>
      %mul3A_1580 = arith.constant 64 : i32
      %mul3A_1581 = vector.broadcast %mul3A_1580 : i32 to vector<16xi32>
      %mul3A_1582 = arith.muli %add3A_1579, %mul3A_1581 : vector<16xi32>
      %and3A_1583 = arith.constant 63 : i32
      %and3A_1584 = vector.broadcast %and3A_1583 : i32 to vector<16xi32>
      %and3A_1585 = arith.andi %broadcast_in_dim3A_1571, %and3A_1584 : vector<16xi32>
      %add3A_1586 = arith.addi %mul3A_1582, %and3A_1585 : vector<16xi32>
      %gather3A_1587 = tpu.vector_load_idx %arg25[%add3A_1586] : memref<4096xf32, #tpu.memory_space<vmem>>[vector<16xi32>], vector<16xf32>,
      %gather3A_1588 = tpu.vector_load_idx %arg20[%add3A_1579, %broadcast_in_dim3A_1571] : memref<64x128xf32, #tpu.memory_space<vmem>>[vector<16xi32>, vector<16xi32>], vector<16xf32>,
      %select_n3A_1589 = arith.select %broadcast_in_dim3A_1573, %gather3A_1587, %gather3A_1588 : vector<16xi1>, vector<16xf32>
      %mul3A_1590 = arith.constant 64 : i32
      %mul3A_1591 = vector.broadcast %mul3A_1590 : i32 to vector<16xi32>
      %mul3A_1592 = arith.muli %add3A_1579, %mul3A_1591 : vector<16xi32>
      %and3A_1593 = arith.constant 63 : i32
      %and3A_1594 = vector.broadcast %and3A_1593 : i32 to vector<16xi32>
      %and3A_1595 = arith.andi %broadcast_in_dim3A_1572, %and3A_1594 : vector<16xi32>
      %add3A_1596 = arith.addi %mul3A_1592, %and3A_1595 : vector<16xi32>
      %gather3A_1597 = tpu.vector_load_idx %arg26[%add3A_1596] : memref<4096xf32, #tpu.memory_space<vmem>>[vector<16xi32>], vector<16xf32>,
      %gather3A_1598 = tpu.vector_load_idx %arg24[%add3A_1579, %broadcast_in_dim3A_1572] : memref<64x128xf32, #tpu.memory_space<vmem>>[vector<16xi32>, vector<16xi32>], vector<16xf32>,
      %select_n3A_1599 = arith.select %broadcast_in_dim3A_1574, %gather3A_1597, %gather3A_1598 : vector<16xi1>, vector<16xf32>
      %mul3A_1600 = arith.mulf %select_n3A_1589, %select_n3A_1599 : vector<16xf32>
      %add3A_1601 = arith.addf %broadcast_in_dim3A_1576, %mul3A_1600 : vector<16xf32>
      %add3A_1602 = arith.constant 16 : i32
      %add3A_1603 = vector.broadcast %add3A_1602 : i32 to vector<16xi32>
      %add3A_1604 = arith.addi %add3A_1603, %iota3A : vector<16xi32>
      %mul3A_1605 = arith.constant 64 : i32
      %mul3A_1606 = vector.broadcast %mul3A_1605 : i32 to vector<16xi32>
      %mul3A_1607 = arith.muli %add3A_1604, %mul3A_1606 : vector<16xi32>
      %and3A_1608 = arith.constant 63 : i32
      %and3A_1609 = vector.broadcast %and3A_1608 : i32 to vector<16xi32>
      %and3A_1610 = arith.andi %broadcast_in_dim3A_1571, %and3A_1609 : vector<16xi32>
      %add3A_1611 = arith.addi %mul3A_1607, %and3A_1610 : vector<16xi32>
      %gather3A_1612 = tpu.vector_load_idx %arg25[%add3A_1611] : memref<4096xf32, #tpu.memory_space<vmem>>[vector<16xi32>], vector<16xf32>,
      %gather3A_1613 = tpu.vector_load_idx %arg20[%add3A_1604, %broadcast_in_dim3A_1571] : memref<64x128xf32, #tpu.memory_space<vmem>>[vector<16xi32>, vector<16xi32>], vector<16xf32>,
      %select_n3A_1614 = arith.select %broadcast_in_dim3A_1573, %gather3A_1612, %gather3A_1613 : vector<16xi1>, vector<16xf32>
      %mul3A_1615 = arith.constant 64 : i32
      %mul3A_1616 = vector.broadcast %mul3A_1615 : i32 to vector<16xi32>
      %mul3A_1617 = arith.muli %add3A_1604, %mul3A_1616 : vector<16xi32>
      %and3A_1618 = arith.constant 63 : i32
      %and3A_1619 = vector.broadcast %and3A_1618 : i32 to vector<16xi32>
      %and3A_1620 = arith.andi %broadcast_in_dim3A_1572, %and3A_1619 : vector<16xi32>
      %add3A_1621 = arith.addi %mul3A_1617, %and3A_1620 : vector<16xi32>
      %gather3A_1622 = tpu.vector_load_idx %arg26[%add3A_1621] : memref<4096xf32, #tpu.memory_space<vmem>>[vector<16xi32>], vector<16xf32>,
      %gather3A_1623 = tpu.vector_load_idx %arg24[%add3A_1604, %broadcast_in_dim3A_1572] : memref<64x128xf32, #tpu.memory_space<vmem>>[vector<16xi32>, vector<16xi32>], vector<16xf32>,
      %select_n3A_1624 = arith.select %broadcast_in_dim3A_1574, %gather3A_1622, %gather3A_1623 : vector<16xi1>, vector<16xf32>
      %mul3A_1625 = arith.mulf %select_n3A_1614, %select_n3A_1624 : vector<16xf32>
      %add3A_1626 = arith.addf %add3A_1601, %mul3A_1625 : vector<16xf32>
      %add3A_1627 = arith.constant 32 : i32
      %add3A_1628 = vector.broadcast %add3A_1627 : i32 to vector<16xi32>
      %add3A_1629 = arith.addi %add3A_1628, %iota3A : vector<16xi32>
      %mul3A_1630 = arith.constant 64 : i32
      %mul3A_1631 = vector.broadcast %mul3A_1630 : i32 to vector<16xi32>
      %mul3A_1632 = arith.muli %add3A_1629, %mul3A_1631 : vector<16xi32>
      %and3A_1633 = arith.constant 63 : i32
      %and3A_1634 = vector.broadcast %and3A_1633 : i32 to vector<16xi32>
      %and3A_1635 = arith.andi %broadcast_in_dim3A_1571, %and3A_1634 : vector<16xi32>
      %add3A_1636 = arith.addi %mul3A_1632, %and3A_1635 : vector<16xi32>
      %gather3A_1637 = tpu.vector_load_idx %arg25[%add3A_1636] : memref<4096xf32, #tpu.memory_space<vmem>>[vector<16xi32>], vector<16xf32>,
      %gather3A_1638 = tpu.vector_load_idx %arg20[%add3A_1629, %broadcast_in_dim3A_1571] : memref<64x128xf32, #tpu.memory_space<vmem>>[vector<16xi32>, vector<16xi32>], vector<16xf32>,
      %select_n3A_1639 = arith.select %broadcast_in_dim3A_1573, %gather3A_1637, %gather3A_1638 : vector<16xi1>, vector<16xf32>
      %mul3A_1640 = arith.constant 64 : i32
      %mul3A_1641 = vector.broadcast %mul3A_1640 : i32 to vector<16xi32>
      %mul3A_1642 = arith.muli %add3A_1629, %mul3A_1641 : vector<16xi32>
      %and3A_1643 = arith.constant 63 : i32
      %and3A_1644 = vector.broadcast %and3A_1643 : i32 to vector<16xi32>
      %and3A_1645 = arith.andi %broadcast_in_dim3A_1572, %and3A_1644 : vector<16xi32>
      %add3A_1646 = arith.addi %mul3A_1642, %and3A_1645 : vector<16xi32>
      %gather3A_1647 = tpu.vector_load_idx %arg26[%add3A_1646] : memref<4096xf32, #tpu.memory_space<vmem>>[vector<16xi32>], vector<16xf32>,
      %gather3A_1648 = tpu.vector_load_idx %arg24[%add3A_1629, %broadcast_in_dim3A_1572] : memref<64x128xf32, #tpu.memory_space<vmem>>[vector<16xi32>, vector<16xi32>], vector<16xf32>,
      %select_n3A_1649 = arith.select %broadcast_in_dim3A_1574, %gather3A_1647, %gather3A_1648 : vector<16xi1>, vector<16xf32>
      %mul3A_1650 = arith.mulf %select_n3A_1639, %select_n3A_1649 : vector<16xf32>
      %add3A_1651 = arith.addf %add3A_1626, %mul3A_1650 : vector<16xf32>
      %add3A_1652 = arith.constant 48 : i32
      %add3A_1653 = vector.broadcast %add3A_1652 : i32 to vector<16xi32>
      %add3A_1654 = arith.addi %add3A_1653, %iota3A : vector<16xi32>
      %mul3A_1655 = arith.constant 64 : i32
      %mul3A_1656 = vector.broadcast %mul3A_1655 : i32 to vector<16xi32>
      %mul3A_1657 = arith.muli %add3A_1654, %mul3A_1656 : vector<16xi32>
      %and3A_1658 = arith.constant 63 : i32
      %and3A_1659 = vector.broadcast %and3A_1658 : i32 to vector<16xi32>
      %and3A_1660 = arith.andi %broadcast_in_dim3A_1571, %and3A_1659 : vector<16xi32>
      %add3A_1661 = arith.addi %mul3A_1657, %and3A_1660 : vector<16xi32>
      %gather3A_1662 = tpu.vector_load_idx %arg25[%add3A_1661] : memref<4096xf32, #tpu.memory_space<vmem>>[vector<16xi32>], vector<16xf32>,
      %gather3A_1663 = tpu.vector_load_idx %arg20[%add3A_1654, %broadcast_in_dim3A_1571] : memref<64x128xf32, #tpu.memory_space<vmem>>[vector<16xi32>, vector<16xi32>], vector<16xf32>,
      %select_n3A_1664 = arith.select %broadcast_in_dim3A_1573, %gather3A_1662, %gather3A_1663 : vector<16xi1>, vector<16xf32>
      %mul3A_1665 = arith.constant 64 : i32
      %mul3A_1666 = vector.broadcast %mul3A_1665 : i32 to vector<16xi32>
      %mul3A_1667 = arith.muli %add3A_1654, %mul3A_1666 : vector<16xi32>
      %and3A_1668 = arith.constant 63 : i32
      %and3A_1669 = vector.broadcast %and3A_1668 : i32 to vector<16xi32>
      %and3A_1670 = arith.andi %broadcast_in_dim3A_1572, %and3A_1669 : vector<16xi32>
      %add3A_1671 = arith.addi %mul3A_1667, %and3A_1670 : vector<16xi32>
      %gather3A_1672 = tpu.vector_load_idx %arg26[%add3A_1671] : memref<4096xf32, #tpu.memory_space<vmem>>[vector<16xi32>], vector<16xf32>,
      %gather3A_1673 = tpu.vector_load_idx %arg24[%add3A_1654, %broadcast_in_dim3A_1572] : memref<64x128xf32, #tpu.memory_space<vmem>>[vector<16xi32>, vector<16xi32>], vector<16xf32>,
      %select_n3A_1674 = arith.select %broadcast_in_dim3A_1574, %gather3A_1672, %gather3A_1673 : vector<16xi1>, vector<16xf32>
      %mul3A_1675 = arith.mulf %select_n3A_1664, %select_n3A_1674 : vector<16xf32>
      %add3A_1676 = arith.addf %add3A_1651, %mul3A_1675 : vector<16xf32>
      %swap3A_1677 = arith.constant 112 : index
      %swap3A_1678 = tpu.vector_load %arg27[%swap3A_1677] {strides = array<i32>} : memref<256xf32, #tpu.memory_space<vmem>>, vector<16xf32>,
      tpu.vector_store %arg27[%swap3A_1677], %add3A_1676 {strides = array<i32>} : memref<256xf32, #tpu.memory_space<vmem>>, vector<16xf32>,
      %add3A_1679 = arith.constant 4 : i32
      %add3A_1680 = arith.addi %add3A_1532, %add3A_1679 : i32
      %get3A_1681 = arith.index_cast %add3A_1680 : i32 to index
      %get3A_1682 = tpu.vector_load %arg13[%get3A_1681] {strides = array<i32>} : memref<544xi32, #tpu.memory_space<vmem>>, vector<16xi32>,
      %slice3A_1683 = vector.extract_strided_slice %get3A_1682 {offsets = [0], sizes = [1], strides = [1]} : vector<16xi32> to vector<1xi32>
      %squeeze3A_1684 = vector.extract %slice3A_1683[0] : i32 from vector<1xi32>
      %get3A_1685 = arith.index_cast %add3A_1680 : i32 to index
      %get3A_1686 = tpu.vector_load %arg14[%get3A_1685] {strides = array<i32>} : memref<544xi32, #tpu.memory_space<vmem>>, vector<16xi32>,
      %slice3A_1687 = vector.extract_strided_slice %get3A_1686 {offsets = [0], sizes = [1], strides = [1]} : vector<16xi32> to vector<1xi32>
      %squeeze3A_1688 = vector.extract %slice3A_1687[0] : i32 from vector<1xi32>
      %add3A_1689 = arith.addi %squeeze3A_1684, %squeeze3A_1684 : i32
      %ge3A_1690 = arith.constant 999936 : i32
      %ge3A_1691 = arith.cmpi sge, %add3A_1689, %ge3A_1690 : i32
      %shift_right_logical3A_1692 = arith.constant 6 : i32
      %shift_right_logical3A_1693 = arith.shrui %squeeze3A_1684, %shift_right_logical3A_1692 : i32
      %jit3A_1694 = arith.constant 0 : i32
      %select_n3A_1695 = arith.select %ge3A_1691, %jit3A_1694, %shift_right_logical3A_1693 : i32
      %ge3A_1696 = arith.constant 999936 : i32
      %ge3A_1697 = arith.cmpi sge, %squeeze3A_1688, %ge3A_1696 : i32
      %shift_right_logical3A_1698 = arith.constant 7 : i32
      %shift_right_logical3A_1699 = arith.shrui %squeeze3A_1688, %shift_right_logical3A_1698 : i32
      %jit3A_1700 = arith.constant 0 : i32
      %select_n3A_1701 = arith.select %ge3A_1697, %jit3A_1700, %shift_right_logical3A_1699 : i32
      %mul3A_1702 = arith.constant 128 : i32
      %mul3A_1703 = arith.muli %select_n3A_1695, %mul3A_1702 : i32
      %multiple_of3A_1704 = tpu.assume_multiple %mul3A_1703, 128 : i32
      %mul3A_1705 = arith.constant 128 : i32
      %mul3A_1706 = arith.muli %select_n3A_1701, %mul3A_1705 : i32
      %multiple_of3A_1707 = tpu.assume_multiple %mul3A_1706, 128 : i32
      %dma_start3A_1708 = arith.constant 0 : i32
      %dma_start3A_1709 = tpu.memref_slice %arg4[%dma_start3A_1708, %multiple_of3A_1704] : memref<64x1000000xf32, #tpu.memory_space<hbm>> -> memref<64x128xf32, #tpu.memory_space<hbm>>
      %dma_start3A_1710 = arith.constant 0 : i32
      %dma_start3A_1711 = tpu.memref_slice %arg4[%dma_start3A_1710, %multiple_of3A_1704] : memref<64x1000000xf32, #tpu.memory_space<hbm>> -> memref<64x128xf32, #tpu.memory_space<hbm>>
      tpu.enqueue_dma source(%dma_start3A_1711 : memref<64x128xf32, #tpu.memory_space<hbm>>) target(%arg20 : memref<64x128xf32, #tpu.memory_space<vmem>>) target_semaphore(%arg36 : memref<!tpu.dma_semaphore, #tpu.memory_space<semaphore_mem>>)
      %dma_start3A_1712 = arith.constant 0 : i32
      %dma_start3A_1713 = tpu.memref_slice %arg5[%dma_start3A_1712, %multiple_of3A_1707] : memref<64x1000000xf32, #tpu.memory_space<hbm>> -> memref<64x128xf32, #tpu.memory_space<hbm>>
      %dma_start3A_1714 = arith.constant 0 : i32
      %dma_start3A_1715 = tpu.memref_slice %arg5[%dma_start3A_1714, %multiple_of3A_1707] : memref<64x1000000xf32, #tpu.memory_space<hbm>> -> memref<64x128xf32, #tpu.memory_space<hbm>>
      tpu.enqueue_dma source(%dma_start3A_1715 : memref<64x128xf32, #tpu.memory_space<hbm>>) target(%arg24 : memref<64x128xf32, #tpu.memory_space<vmem>>) target_semaphore(%arg40 : memref<!tpu.dma_semaphore, #tpu.memory_space<semaphore_mem>>)
      %mul3A_1716 = arith.constant 16 : i32
      %mul3A_1717 = arith.muli %scan3A_222, %mul3A_1716 : i32
      %add3A_1718 = arith.constant 8 : i32
      %add3A_1719 = arith.addi %mul3A_1717, %add3A_1718 : i32
      %dma_wait3A_1720 = arith.constant 0 : i32
      %dma_wait3A_1721 = arith.constant 0 : i32
      %dma_wait3A_1722 = tpu.memref_slice %arg4[%dma_wait3A_1720, %dma_wait3A_1721] : memref<64x1000000xf32, #tpu.memory_space<hbm>> -> memref<64x128xf32, #tpu.memory_space<hbm>>
      %dma_wait3A_1723 = arith.constant 0 : i32
      %dma_wait3A_1724 = arith.constant 0 : i32
      %dma_wait3A_1725 = tpu.memref_slice %arg4[%dma_wait3A_1723, %dma_wait3A_1724] : memref<64x1000000xf32, #tpu.memory_space<hbm>> -> memref<64x128xf32, #tpu.memory_space<hbm>>
      tpu.wait_dma2 semaphore(%arg33 : memref<!tpu.dma_semaphore, #tpu.memory_space<semaphore_mem>>) src(%dma_wait3A_1725 : memref<64x128xf32, #tpu.memory_space<hbm>>) dst(%arg17 : memref<64x128xf32, #tpu.memory_space<vmem>>)
      %dma_wait3A_1726 = arith.constant 0 : i32
      %dma_wait3A_1727 = arith.constant 0 : i32
      %dma_wait3A_1728 = tpu.memref_slice %arg5[%dma_wait3A_1726, %dma_wait3A_1727] : memref<64x1000000xf32, #tpu.memory_space<hbm>> -> memref<64x128xf32, #tpu.memory_space<hbm>>
      %dma_wait3A_1729 = arith.constant 0 : i32
      %dma_wait3A_1730 = arith.constant 0 : i32
      %dma_wait3A_1731 = tpu.memref_slice %arg5[%dma_wait3A_1729, %dma_wait3A_1730] : memref<64x1000000xf32, #tpu.memory_space<hbm>> -> memref<64x128xf32, #tpu.memory_space<hbm>>
      tpu.wait_dma2 semaphore(%arg37 : memref<!tpu.dma_semaphore, #tpu.memory_space<semaphore_mem>>) src(%dma_wait3A_1731 : memref<64x128xf32, #tpu.memory_space<hbm>>) dst(%arg21 : memref<64x128xf32, #tpu.memory_space<vmem>>)
      %get3A_1732 = arith.index_cast %add3A_1719 : i32 to index
      %get3A_1733 = tpu.vector_load %arg13[%get3A_1732] {strides = array<i32>} : memref<544xi32, #tpu.memory_space<vmem>>, vector<16xi32>,
      %slice3A_1734 = vector.extract_strided_slice %get3A_1733 {offsets = [0], sizes = [1], strides = [1]} : vector<16xi32> to vector<1xi32>
      %squeeze3A_1735 = vector.extract %slice3A_1734[0] : i32 from vector<1xi32>
      %get3A_1736 = arith.index_cast %add3A_1719 : i32 to index
      %get3A_1737 = tpu.vector_load %arg14[%get3A_1736] {strides = array<i32>} : memref<544xi32, #tpu.memory_space<vmem>>, vector<16xi32>,
      %slice3A_1738 = vector.extract_strided_slice %get3A_1737 {offsets = [0], sizes = [1], strides = [1]} : vector<16xi32> to vector<1xi32>
      %squeeze3A_1739 = vector.extract %slice3A_1738[0] : i32 from vector<1xi32>
      %add3A_1740 = arith.addi %squeeze3A_1735, %squeeze3A_1735 : i32
      %ge3A_1741 = arith.constant 999936 : i32
      %ge3A_1742 = arith.cmpi sge, %add3A_1740, %ge3A_1741 : i32
      %ge3A_1743 = arith.constant 999936 : i32
      %ge3A_1744 = arith.cmpi sge, %squeeze3A_1739, %ge3A_1743 : i32
      %add3A_1745 = arith.addi %squeeze3A_1735, %squeeze3A_1735 : i32
      %sub3A_1746 = arith.constant 999936 : i32
      %sub3A_1747 = arith.subi %add3A_1745, %sub3A_1746 : i32
      %and3A_1748 = arith.constant 63 : i32
      %and3A_1749 = arith.andi %squeeze3A_1735, %and3A_1748 : i32
      %mul3A_1750 = arith.constant 2 : i32
      %mul3A_1751 = arith.muli %and3A_1749, %mul3A_1750 : i32
      %select_n3A_1752 = arith.select %ge3A_1742, %sub3A_1747, %mul3A_1751 : i32
      %sub3A_1753 = arith.constant 999936 : i32
      %sub3A_1754 = arith.subi %squeeze3A_1739, %sub3A_1753 : i32
      %and3A_1755 = arith.constant 127 : i32
      %and3A_1756 = arith.andi %squeeze3A_1739, %and3A_1755 : i32
      %select_n3A_1757 = arith.select %ge3A_1744, %sub3A_1754, %and3A_1756 : i32
      %broadcast_in_dim3A_1758 = vector.broadcast %select_n3A_1752 : i32 to vector<16xi32>
      %broadcast_in_dim3A_1759 = vector.broadcast %select_n3A_1757 : i32 to vector<16xi32>
      %broadcast_in_dim3A_1760 = vector.broadcast %ge3A_1742 : i1 to vector<16xi1>
      %broadcast_in_dim3A_1761 = vector.broadcast %ge3A_1744 : i1 to vector<16xi1>
      %broadcast_in_dim3A_1762 = arith.constant 0.000000e+00 : f32
      %broadcast_in_dim3A_1763 = vector.broadcast %broadcast_in_dim3A_1762 : f32 to vector<16xf32>
      %add3A_1764 = arith.constant 0 : i32
      %add3A_1765 = vector.broadcast %add3A_1764 : i32 to vector<16xi32>
      %add3A_1766 = arith.addi %add3A_1765, %iota3A : vector<16xi32>
      %mul3A_1767 = arith.constant 64 : i32
      %mul3A_1768 = vector.broadcast %mul3A_1767 : i32 to vector<16xi32>
      %mul3A_1769 = arith.muli %add3A_1766, %mul3A_1768 : vector<16xi32>
      %and3A_1770 = arith.constant 63 : i32
      %and3A_1771 = vector.broadcast %and3A_1770 : i32 to vector<16xi32>
      %and3A_1772 = arith.andi %broadcast_in_dim3A_1758, %and3A_1771 : vector<16xi32>
      %add3A_1773 = arith.addi %mul3A_1769, %and3A_1772 : vector<16xi32>
      %gather3A_1774 = tpu.vector_load_idx %arg25[%add3A_1773] : memref<4096xf32, #tpu.memory_space<vmem>>[vector<16xi32>], vector<16xf32>,
      %gather3A_1775 = tpu.vector_load_idx %arg17[%add3A_1766, %broadcast_in_dim3A_1758] : memref<64x128xf32, #tpu.memory_space<vmem>>[vector<16xi32>, vector<16xi32>], vector<16xf32>,
      %select_n3A_1776 = arith.select %broadcast_in_dim3A_1760, %gather3A_1774, %gather3A_1775 : vector<16xi1>, vector<16xf32>
      %mul3A_1777 = arith.constant 64 : i32
      %mul3A_1778 = vector.broadcast %mul3A_1777 : i32 to vector<16xi32>
      %mul3A_1779 = arith.muli %add3A_1766, %mul3A_1778 : vector<16xi32>
      %and3A_1780 = arith.constant 63 : i32
      %and3A_1781 = vector.broadcast %and3A_1780 : i32 to vector<16xi32>
      %and3A_1782 = arith.andi %broadcast_in_dim3A_1759, %and3A_1781 : vector<16xi32>
      %add3A_1783 = arith.addi %mul3A_1779, %and3A_1782 : vector<16xi32>
      %gather3A_1784 = tpu.vector_load_idx %arg26[%add3A_1783] : memref<4096xf32, #tpu.memory_space<vmem>>[vector<16xi32>], vector<16xf32>,
      %gather3A_1785 = tpu.vector_load_idx %arg21[%add3A_1766, %broadcast_in_dim3A_1759] : memref<64x128xf32, #tpu.memory_space<vmem>>[vector<16xi32>, vector<16xi32>], vector<16xf32>,
      %select_n3A_1786 = arith.select %broadcast_in_dim3A_1761, %gather3A_1784, %gather3A_1785 : vector<16xi1>, vector<16xf32>
      %mul3A_1787 = arith.mulf %select_n3A_1776, %select_n3A_1786 : vector<16xf32>
      %add3A_1788 = arith.addf %broadcast_in_dim3A_1763, %mul3A_1787 : vector<16xf32>
      %add3A_1789 = arith.constant 16 : i32
      %add3A_1790 = vector.broadcast %add3A_1789 : i32 to vector<16xi32>
      %add3A_1791 = arith.addi %add3A_1790, %iota3A : vector<16xi32>
      %mul3A_1792 = arith.constant 64 : i32
      %mul3A_1793 = vector.broadcast %mul3A_1792 : i32 to vector<16xi32>
      %mul3A_1794 = arith.muli %add3A_1791, %mul3A_1793 : vector<16xi32>
      %and3A_1795 = arith.constant 63 : i32
      %and3A_1796 = vector.broadcast %and3A_1795 : i32 to vector<16xi32>
      %and3A_1797 = arith.andi %broadcast_in_dim3A_1758, %and3A_1796 : vector<16xi32>
      %add3A_1798 = arith.addi %mul3A_1794, %and3A_1797 : vector<16xi32>
      %gather3A_1799 = tpu.vector_load_idx %arg25[%add3A_1798] : memref<4096xf32, #tpu.memory_space<vmem>>[vector<16xi32>], vector<16xf32>,
      %gather3A_1800 = tpu.vector_load_idx %arg17[%add3A_1791, %broadcast_in_dim3A_1758] : memref<64x128xf32, #tpu.memory_space<vmem>>[vector<16xi32>, vector<16xi32>], vector<16xf32>,
      %select_n3A_1801 = arith.select %broadcast_in_dim3A_1760, %gather3A_1799, %gather3A_1800 : vector<16xi1>, vector<16xf32>
      %mul3A_1802 = arith.constant 64 : i32
      %mul3A_1803 = vector.broadcast %mul3A_1802 : i32 to vector<16xi32>
      %mul3A_1804 = arith.muli %add3A_1791, %mul3A_1803 : vector<16xi32>
      %and3A_1805 = arith.constant 63 : i32
      %and3A_1806 = vector.broadcast %and3A_1805 : i32 to vector<16xi32>
      %and3A_1807 = arith.andi %broadcast_in_dim3A_1759, %and3A_1806 : vector<16xi32>
      %add3A_1808 = arith.addi %mul3A_1804, %and3A_1807 : vector<16xi32>
      %gather3A_1809 = tpu.vector_load_idx %arg26[%add3A_1808] : memref<4096xf32, #tpu.memory_space<vmem>>[vector<16xi32>], vector<16xf32>,
      %gather3A_1810 = tpu.vector_load_idx %arg21[%add3A_1791, %broadcast_in_dim3A_1759] : memref<64x128xf32, #tpu.memory_space<vmem>>[vector<16xi32>, vector<16xi32>], vector<16xf32>,
      %select_n3A_1811 = arith.select %broadcast_in_dim3A_1761, %gather3A_1809, %gather3A_1810 : vector<16xi1>, vector<16xf32>
      %mul3A_1812 = arith.mulf %select_n3A_1801, %select_n3A_1811 : vector<16xf32>
      %add3A_1813 = arith.addf %add3A_1788, %mul3A_1812 : vector<16xf32>
      %add3A_1814 = arith.constant 32 : i32
      %add3A_1815 = vector.broadcast %add3A_1814 : i32 to vector<16xi32>
      %add3A_1816 = arith.addi %add3A_1815, %iota3A : vector<16xi32>
      %mul3A_1817 = arith.constant 64 : i32
      %mul3A_1818 = vector.broadcast %mul3A_1817 : i32 to vector<16xi32>
      %mul3A_1819 = arith.muli %add3A_1816, %mul3A_1818 : vector<16xi32>
      %and3A_1820 = arith.constant 63 : i32
      %and3A_1821 = vector.broadcast %and3A_1820 : i32 to vector<16xi32>
      %and3A_1822 = arith.andi %broadcast_in_dim3A_1758, %and3A_1821 : vector<16xi32>
      %add3A_1823 = arith.addi %mul3A_1819, %and3A_1822 : vector<16xi32>
      %gather3A_1824 = tpu.vector_load_idx %arg25[%add3A_1823] : memref<4096xf32, #tpu.memory_space<vmem>>[vector<16xi32>], vector<16xf32>,
      %gather3A_1825 = tpu.vector_load_idx %arg17[%add3A_1816, %broadcast_in_dim3A_1758] : memref<64x128xf32, #tpu.memory_space<vmem>>[vector<16xi32>, vector<16xi32>], vector<16xf32>,
      %select_n3A_1826 = arith.select %broadcast_in_dim3A_1760, %gather3A_1824, %gather3A_1825 : vector<16xi1>, vector<16xf32>
      %mul3A_1827 = arith.constant 64 : i32
      %mul3A_1828 = vector.broadcast %mul3A_1827 : i32 to vector<16xi32>
      %mul3A_1829 = arith.muli %add3A_1816, %mul3A_1828 : vector<16xi32>
      %and3A_1830 = arith.constant 63 : i32
      %and3A_1831 = vector.broadcast %and3A_1830 : i32 to vector<16xi32>
      %and3A_1832 = arith.andi %broadcast_in_dim3A_1759, %and3A_1831 : vector<16xi32>
      %add3A_1833 = arith.addi %mul3A_1829, %and3A_1832 : vector<16xi32>
      %gather3A_1834 = tpu.vector_load_idx %arg26[%add3A_1833] : memref<4096xf32, #tpu.memory_space<vmem>>[vector<16xi32>], vector<16xf32>,
      %gather3A_1835 = tpu.vector_load_idx %arg21[%add3A_1816, %broadcast_in_dim3A_1759] : memref<64x128xf32, #tpu.memory_space<vmem>>[vector<16xi32>, vector<16xi32>], vector<16xf32>,
      %select_n3A_1836 = arith.select %broadcast_in_dim3A_1761, %gather3A_1834, %gather3A_1835 : vector<16xi1>, vector<16xf32>
      %mul3A_1837 = arith.mulf %select_n3A_1826, %select_n3A_1836 : vector<16xf32>
      %add3A_1838 = arith.addf %add3A_1813, %mul3A_1837 : vector<16xf32>
      %add3A_1839 = arith.constant 48 : i32
      %add3A_1840 = vector.broadcast %add3A_1839 : i32 to vector<16xi32>
      %add3A_1841 = arith.addi %add3A_1840, %iota3A : vector<16xi32>
      %mul3A_1842 = arith.constant 64 : i32
      %mul3A_1843 = vector.broadcast %mul3A_1842 : i32 to vector<16xi32>
      %mul3A_1844 = arith.muli %add3A_1841, %mul3A_1843 : vector<16xi32>
      %and3A_1845 = arith.constant 63 : i32
      %and3A_1846 = vector.broadcast %and3A_1845 : i32 to vector<16xi32>
      %and3A_1847 = arith.andi %broadcast_in_dim3A_1758, %and3A_1846 : vector<16xi32>
      %add3A_1848 = arith.addi %mul3A_1844, %and3A_1847 : vector<16xi32>
      %gather3A_1849 = tpu.vector_load_idx %arg25[%add3A_1848] : memref<4096xf32, #tpu.memory_space<vmem>>[vector<16xi32>], vector<16xf32>,
      %gather3A_1850 = tpu.vector_load_idx %arg17[%add3A_1841, %broadcast_in_dim3A_1758] : memref<64x128xf32, #tpu.memory_space<vmem>>[vector<16xi32>, vector<16xi32>], vector<16xf32>,
      %select_n3A_1851 = arith.select %broadcast_in_dim3A_1760, %gather3A_1849, %gather3A_1850 : vector<16xi1>, vector<16xf32>
      %mul3A_1852 = arith.constant 64 : i32
      %mul3A_1853 = vector.broadcast %mul3A_1852 : i32 to vector<16xi32>
      %mul3A_1854 = arith.muli %add3A_1841, %mul3A_1853 : vector<16xi32>
      %and3A_1855 = arith.constant 63 : i32
      %and3A_1856 = vector.broadcast %and3A_1855 : i32 to vector<16xi32>
      %and3A_1857 = arith.andi %broadcast_in_dim3A_1759, %and3A_1856 : vector<16xi32>
      %add3A_1858 = arith.addi %mul3A_1854, %and3A_1857 : vector<16xi32>
      %gather3A_1859 = tpu.vector_load_idx %arg26[%add3A_1858] : memref<4096xf32, #tpu.memory_space<vmem>>[vector<16xi32>], vector<16xf32>,
      %gather3A_1860 = tpu.vector_load_idx %arg21[%add3A_1841, %broadcast_in_dim3A_1759] : memref<64x128xf32, #tpu.memory_space<vmem>>[vector<16xi32>, vector<16xi32>], vector<16xf32>,
      %select_n3A_1861 = arith.select %broadcast_in_dim3A_1761, %gather3A_1859, %gather3A_1860 : vector<16xi1>, vector<16xf32>
      %mul3A_1862 = arith.mulf %select_n3A_1851, %select_n3A_1861 : vector<16xf32>
      %add3A_1863 = arith.addf %add3A_1838, %mul3A_1862 : vector<16xf32>
      %swap3A_1864 = arith.constant 128 : index
      %swap3A_1865 = tpu.vector_load %arg27[%swap3A_1864] {strides = array<i32>} : memref<256xf32, #tpu.memory_space<vmem>>, vector<16xf32>,
      tpu.vector_store %arg27[%swap3A_1864], %add3A_1863 {strides = array<i32>} : memref<256xf32, #tpu.memory_space<vmem>>, vector<16xf32>,
      %add3A_1866 = arith.constant 4 : i32
      %add3A_1867 = arith.addi %add3A_1719, %add3A_1866 : i32
      %get3A_1868 = arith.index_cast %add3A_1867 : i32 to index
      %get3A_1869 = tpu.vector_load %arg13[%get3A_1868] {strides = array<i32>} : memref<544xi32, #tpu.memory_space<vmem>>, vector<16xi32>,
      %slice3A_1870 = vector.extract_strided_slice %get3A_1869 {offsets = [0], sizes = [1], strides = [1]} : vector<16xi32> to vector<1xi32>
      %squeeze3A_1871 = vector.extract %slice3A_1870[0] : i32 from vector<1xi32>
      %get3A_1872 = arith.index_cast %add3A_1867 : i32 to index
      %get3A_1873 = tpu.vector_load %arg14[%get3A_1872] {strides = array<i32>} : memref<544xi32, #tpu.memory_space<vmem>>, vector<16xi32>,
      %slice3A_1874 = vector.extract_strided_slice %get3A_1873 {offsets = [0], sizes = [1], strides = [1]} : vector<16xi32> to vector<1xi32>
      %squeeze3A_1875 = vector.extract %slice3A_1874[0] : i32 from vector<1xi32>
      %add3A_1876 = arith.addi %squeeze3A_1871, %squeeze3A_1871 : i32
      %ge3A_1877 = arith.constant 999936 : i32
      %ge3A_1878 = arith.cmpi sge, %add3A_1876, %ge3A_1877 : i32
      %shift_right_logical3A_1879 = arith.constant 6 : i32
      %shift_right_logical3A_1880 = arith.shrui %squeeze3A_1871, %shift_right_logical3A_1879 : i32
      %jit3A_1881 = arith.constant 0 : i32
      %select_n3A_1882 = arith.select %ge3A_1878, %jit3A_1881, %shift_right_logical3A_1880 : i32
      %ge3A_1883 = arith.constant 999936 : i32
      %ge3A_1884 = arith.cmpi sge, %squeeze3A_1875, %ge3A_1883 : i32
      %shift_right_logical3A_1885 = arith.constant 7 : i32
      %shift_right_logical3A_1886 = arith.shrui %squeeze3A_1875, %shift_right_logical3A_1885 : i32
      %jit3A_1887 = arith.constant 0 : i32
      %select_n3A_1888 = arith.select %ge3A_1884, %jit3A_1887, %shift_right_logical3A_1886 : i32
      %mul3A_1889 = arith.constant 128 : i32
      %mul3A_1890 = arith.muli %select_n3A_1882, %mul3A_1889 : i32
      %multiple_of3A_1891 = tpu.assume_multiple %mul3A_1890, 128 : i32
      %mul3A_1892 = arith.constant 128 : i32
      %mul3A_1893 = arith.muli %select_n3A_1888, %mul3A_1892 : i32
      %multiple_of3A_1894 = tpu.assume_multiple %mul3A_1893, 128 : i32
      %dma_start3A_1895 = arith.constant 0 : i32
      %dma_start3A_1896 = tpu.memref_slice %arg4[%dma_start3A_1895, %multiple_of3A_1891] : memref<64x1000000xf32, #tpu.memory_space<hbm>> -> memref<64x128xf32, #tpu.memory_space<hbm>>
      %dma_start3A_1897 = arith.constant 0 : i32
      %dma_start3A_1898 = tpu.memref_slice %arg4[%dma_start3A_1897, %multiple_of3A_1891] : memref<64x1000000xf32, #tpu.memory_space<hbm>> -> memref<64x128xf32, #tpu.memory_space<hbm>>
      tpu.enqueue_dma source(%dma_start3A_1898 : memref<64x128xf32, #tpu.memory_space<hbm>>) target(%arg17 : memref<64x128xf32, #tpu.memory_space<vmem>>) target_semaphore(%arg33 : memref<!tpu.dma_semaphore, #tpu.memory_space<semaphore_mem>>)
      %dma_start3A_1899 = arith.constant 0 : i32
      %dma_start3A_1900 = tpu.memref_slice %arg5[%dma_start3A_1899, %multiple_of3A_1894] : memref<64x1000000xf32, #tpu.memory_space<hbm>> -> memref<64x128xf32, #tpu.memory_space<hbm>>
      %dma_start3A_1901 = arith.constant 0 : i32
      %dma_start3A_1902 = tpu.memref_slice %arg5[%dma_start3A_1901, %multiple_of3A_1894] : memref<64x1000000xf32, #tpu.memory_space<hbm>> -> memref<64x128xf32, #tpu.memory_space<hbm>>
      tpu.enqueue_dma source(%dma_start3A_1902 : memref<64x128xf32, #tpu.memory_space<hbm>>) target(%arg21 : memref<64x128xf32, #tpu.memory_space<vmem>>) target_semaphore(%arg37 : memref<!tpu.dma_semaphore, #tpu.memory_space<semaphore_mem>>)
      %mul3A_1903 = arith.constant 16 : i32
      %mul3A_1904 = arith.muli %scan3A_222, %mul3A_1903 : i32
      %add3A_1905 = arith.constant 9 : i32
      %add3A_1906 = arith.addi %mul3A_1904, %add3A_1905 : i32
      %dma_wait3A_1907 = arith.constant 0 : i32
      %dma_wait3A_1908 = arith.constant 0 : i32
      %dma_wait3A_1909 = tpu.memref_slice %arg4[%dma_wait3A_1907, %dma_wait3A_1908] : memref<64x1000000xf32, #tpu.memory_space<hbm>> -> memref<64x128xf32, #tpu.memory_space<hbm>>
      %dma_wait3A_1910 = arith.constant 0 : i32
      %dma_wait3A_1911 = arith.constant 0 : i32
      %dma_wait3A_1912 = tpu.memref_slice %arg4[%dma_wait3A_1910, %dma_wait3A_1911] : memref<64x1000000xf32, #tpu.memory_space<hbm>> -> memref<64x128xf32, #tpu.memory_space<hbm>>
      tpu.wait_dma2 semaphore(%arg34 : memref<!tpu.dma_semaphore, #tpu.memory_space<semaphore_mem>>) src(%dma_wait3A_1912 : memref<64x128xf32, #tpu.memory_space<hbm>>) dst(%arg18 : memref<64x128xf32, #tpu.memory_space<vmem>>)
      %dma_wait3A_1913 = arith.constant 0 : i32
      %dma_wait3A_1914 = arith.constant 0 : i32
      %dma_wait3A_1915 = tpu.memref_slice %arg5[%dma_wait3A_1913, %dma_wait3A_1914] : memref<64x1000000xf32, #tpu.memory_space<hbm>> -> memref<64x128xf32, #tpu.memory_space<hbm>>
      %dma_wait3A_1916 = arith.constant 0 : i32
      %dma_wait3A_1917 = arith.constant 0 : i32
      %dma_wait3A_1918 = tpu.memref_slice %arg5[%dma_wait3A_1916, %dma_wait3A_1917] : memref<64x1000000xf32, #tpu.memory_space<hbm>> -> memref<64x128xf32, #tpu.memory_space<hbm>>
      tpu.wait_dma2 semaphore(%arg38 : memref<!tpu.dma_semaphore, #tpu.memory_space<semaphore_mem>>) src(%dma_wait3A_1918 : memref<64x128xf32, #tpu.memory_space<hbm>>) dst(%arg22 : memref<64x128xf32, #tpu.memory_space<vmem>>)
      %get3A_1919 = arith.index_cast %add3A_1906 : i32 to index
      %get3A_1920 = tpu.vector_load %arg13[%get3A_1919] {strides = array<i32>} : memref<544xi32, #tpu.memory_space<vmem>>, vector<16xi32>,
      %slice3A_1921 = vector.extract_strided_slice %get3A_1920 {offsets = [0], sizes = [1], strides = [1]} : vector<16xi32> to vector<1xi32>
      %squeeze3A_1922 = vector.extract %slice3A_1921[0] : i32 from vector<1xi32>
      %get3A_1923 = arith.index_cast %add3A_1906 : i32 to index
      %get3A_1924 = tpu.vector_load %arg14[%get3A_1923] {strides = array<i32>} : memref<544xi32, #tpu.memory_space<vmem>>, vector<16xi32>,
      %slice3A_1925 = vector.extract_strided_slice %get3A_1924 {offsets = [0], sizes = [1], strides = [1]} : vector<16xi32> to vector<1xi32>
      %squeeze3A_1926 = vector.extract %slice3A_1925[0] : i32 from vector<1xi32>
      %add3A_1927 = arith.addi %squeeze3A_1922, %squeeze3A_1922 : i32
      %ge3A_1928 = arith.constant 999936 : i32
      %ge3A_1929 = arith.cmpi sge, %add3A_1927, %ge3A_1928 : i32
      %ge3A_1930 = arith.constant 999936 : i32
      %ge3A_1931 = arith.cmpi sge, %squeeze3A_1926, %ge3A_1930 : i32
      %add3A_1932 = arith.addi %squeeze3A_1922, %squeeze3A_1922 : i32
      %sub3A_1933 = arith.constant 999936 : i32
      %sub3A_1934 = arith.subi %add3A_1932, %sub3A_1933 : i32
      %and3A_1935 = arith.constant 63 : i32
      %and3A_1936 = arith.andi %squeeze3A_1922, %and3A_1935 : i32
      %mul3A_1937 = arith.constant 2 : i32
      %mul3A_1938 = arith.muli %and3A_1936, %mul3A_1937 : i32
      %select_n3A_1939 = arith.select %ge3A_1929, %sub3A_1934, %mul3A_1938 : i32
      %sub3A_1940 = arith.constant 999936 : i32
      %sub3A_1941 = arith.subi %squeeze3A_1926, %sub3A_1940 : i32
      %and3A_1942 = arith.constant 127 : i32
      %and3A_1943 = arith.andi %squeeze3A_1926, %and3A_1942 : i32
      %select_n3A_1944 = arith.select %ge3A_1931, %sub3A_1941, %and3A_1943 : i32
      %broadcast_in_dim3A_1945 = vector.broadcast %select_n3A_1939 : i32 to vector<16xi32>
      %broadcast_in_dim3A_1946 = vector.broadcast %select_n3A_1944 : i32 to vector<16xi32>
      %broadcast_in_dim3A_1947 = vector.broadcast %ge3A_1929 : i1 to vector<16xi1>
      %broadcast_in_dim3A_1948 = vector.broadcast %ge3A_1931 : i1 to vector<16xi1>
      %broadcast_in_dim3A_1949 = arith.constant 0.000000e+00 : f32
      %broadcast_in_dim3A_1950 = vector.broadcast %broadcast_in_dim3A_1949 : f32 to vector<16xf32>
      %add3A_1951 = arith.constant 0 : i32
      %add3A_1952 = vector.broadcast %add3A_1951 : i32 to vector<16xi32>
      %add3A_1953 = arith.addi %add3A_1952, %iota3A : vector<16xi32>
      %mul3A_1954 = arith.constant 64 : i32
      %mul3A_1955 = vector.broadcast %mul3A_1954 : i32 to vector<16xi32>
      %mul3A_1956 = arith.muli %add3A_1953, %mul3A_1955 : vector<16xi32>
      %and3A_1957 = arith.constant 63 : i32
      %and3A_1958 = vector.broadcast %and3A_1957 : i32 to vector<16xi32>
      %and3A_1959 = arith.andi %broadcast_in_dim3A_1945, %and3A_1958 : vector<16xi32>
      %add3A_1960 = arith.addi %mul3A_1956, %and3A_1959 : vector<16xi32>
      %gather3A_1961 = tpu.vector_load_idx %arg25[%add3A_1960] : memref<4096xf32, #tpu.memory_space<vmem>>[vector<16xi32>], vector<16xf32>,
      %gather3A_1962 = tpu.vector_load_idx %arg18[%add3A_1953, %broadcast_in_dim3A_1945] : memref<64x128xf32, #tpu.memory_space<vmem>>[vector<16xi32>, vector<16xi32>], vector<16xf32>,
      %select_n3A_1963 = arith.select %broadcast_in_dim3A_1947, %gather3A_1961, %gather3A_1962 : vector<16xi1>, vector<16xf32>
      %mul3A_1964 = arith.constant 64 : i32
      %mul3A_1965 = vector.broadcast %mul3A_1964 : i32 to vector<16xi32>
      %mul3A_1966 = arith.muli %add3A_1953, %mul3A_1965 : vector<16xi32>
      %and3A_1967 = arith.constant 63 : i32
      %and3A_1968 = vector.broadcast %and3A_1967 : i32 to vector<16xi32>
      %and3A_1969 = arith.andi %broadcast_in_dim3A_1946, %and3A_1968 : vector<16xi32>
      %add3A_1970 = arith.addi %mul3A_1966, %and3A_1969 : vector<16xi32>
      %gather3A_1971 = tpu.vector_load_idx %arg26[%add3A_1970] : memref<4096xf32, #tpu.memory_space<vmem>>[vector<16xi32>], vector<16xf32>,
      %gather3A_1972 = tpu.vector_load_idx %arg22[%add3A_1953, %broadcast_in_dim3A_1946] : memref<64x128xf32, #tpu.memory_space<vmem>>[vector<16xi32>, vector<16xi32>], vector<16xf32>,
      %select_n3A_1973 = arith.select %broadcast_in_dim3A_1948, %gather3A_1971, %gather3A_1972 : vector<16xi1>, vector<16xf32>
      %mul3A_1974 = arith.mulf %select_n3A_1963, %select_n3A_1973 : vector<16xf32>
      %add3A_1975 = arith.addf %broadcast_in_dim3A_1950, %mul3A_1974 : vector<16xf32>
      %add3A_1976 = arith.constant 16 : i32
      %add3A_1977 = vector.broadcast %add3A_1976 : i32 to vector<16xi32>
      %add3A_1978 = arith.addi %add3A_1977, %iota3A : vector<16xi32>
      %mul3A_1979 = arith.constant 64 : i32
      %mul3A_1980 = vector.broadcast %mul3A_1979 : i32 to vector<16xi32>
      %mul3A_1981 = arith.muli %add3A_1978, %mul3A_1980 : vector<16xi32>
      %and3A_1982 = arith.constant 63 : i32
      %and3A_1983 = vector.broadcast %and3A_1982 : i32 to vector<16xi32>
      %and3A_1984 = arith.andi %broadcast_in_dim3A_1945, %and3A_1983 : vector<16xi32>
      %add3A_1985 = arith.addi %mul3A_1981, %and3A_1984 : vector<16xi32>
      %gather3A_1986 = tpu.vector_load_idx %arg25[%add3A_1985] : memref<4096xf32, #tpu.memory_space<vmem>>[vector<16xi32>], vector<16xf32>,
      %gather3A_1987 = tpu.vector_load_idx %arg18[%add3A_1978, %broadcast_in_dim3A_1945] : memref<64x128xf32, #tpu.memory_space<vmem>>[vector<16xi32>, vector<16xi32>], vector<16xf32>,
      %select_n3A_1988 = arith.select %broadcast_in_dim3A_1947, %gather3A_1986, %gather3A_1987 : vector<16xi1>, vector<16xf32>
      %mul3A_1989 = arith.constant 64 : i32
      %mul3A_1990 = vector.broadcast %mul3A_1989 : i32 to vector<16xi32>
      %mul3A_1991 = arith.muli %add3A_1978, %mul3A_1990 : vector<16xi32>
      %and3A_1992 = arith.constant 63 : i32
      %and3A_1993 = vector.broadcast %and3A_1992 : i32 to vector<16xi32>
      %and3A_1994 = arith.andi %broadcast_in_dim3A_1946, %and3A_1993 : vector<16xi32>
      %add3A_1995 = arith.addi %mul3A_1991, %and3A_1994 : vector<16xi32>
      %gather3A_1996 = tpu.vector_load_idx %arg26[%add3A_1995] : memref<4096xf32, #tpu.memory_space<vmem>>[vector<16xi32>], vector<16xf32>,
      %gather3A_1997 = tpu.vector_load_idx %arg22[%add3A_1978, %broadcast_in_dim3A_1946] : memref<64x128xf32, #tpu.memory_space<vmem>>[vector<16xi32>, vector<16xi32>], vector<16xf32>,
      %select_n3A_1998 = arith.select %broadcast_in_dim3A_1948, %gather3A_1996, %gather3A_1997 : vector<16xi1>, vector<16xf32>
      %mul3A_1999 = arith.mulf %select_n3A_1988, %select_n3A_1998 : vector<16xf32>
      %add3A_2000 = arith.addf %add3A_1975, %mul3A_1999 : vector<16xf32>
      %add3A_2001 = arith.constant 32 : i32
      %add3A_2002 = vector.broadcast %add3A_2001 : i32 to vector<16xi32>
      %add3A_2003 = arith.addi %add3A_2002, %iota3A : vector<16xi32>
      %mul3A_2004 = arith.constant 64 : i32
      %mul3A_2005 = vector.broadcast %mul3A_2004 : i32 to vector<16xi32>
      %mul3A_2006 = arith.muli %add3A_2003, %mul3A_2005 : vector<16xi32>
      %and3A_2007 = arith.constant 63 : i32
      %and3A_2008 = vector.broadcast %and3A_2007 : i32 to vector<16xi32>
      %and3A_2009 = arith.andi %broadcast_in_dim3A_1945, %and3A_2008 : vector<16xi32>
      %add3A_2010 = arith.addi %mul3A_2006, %and3A_2009 : vector<16xi32>
      %gather3A_2011 = tpu.vector_load_idx %arg25[%add3A_2010] : memref<4096xf32, #tpu.memory_space<vmem>>[vector<16xi32>], vector<16xf32>,
      %gather3A_2012 = tpu.vector_load_idx %arg18[%add3A_2003, %broadcast_in_dim3A_1945] : memref<64x128xf32, #tpu.memory_space<vmem>>[vector<16xi32>, vector<16xi32>], vector<16xf32>,
      %select_n3A_2013 = arith.select %broadcast_in_dim3A_1947, %gather3A_2011, %gather3A_2012 : vector<16xi1>, vector<16xf32>
      %mul3A_2014 = arith.constant 64 : i32
      %mul3A_2015 = vector.broadcast %mul3A_2014 : i32 to vector<16xi32>
      %mul3A_2016 = arith.muli %add3A_2003, %mul3A_2015 : vector<16xi32>
      %and3A_2017 = arith.constant 63 : i32
      %and3A_2018 = vector.broadcast %and3A_2017 : i32 to vector<16xi32>
      %and3A_2019 = arith.andi %broadcast_in_dim3A_1946, %and3A_2018 : vector<16xi32>
      %add3A_2020 = arith.addi %mul3A_2016, %and3A_2019 : vector<16xi32>
      %gather3A_2021 = tpu.vector_load_idx %arg26[%add3A_2020] : memref<4096xf32, #tpu.memory_space<vmem>>[vector<16xi32>], vector<16xf32>,
      %gather3A_2022 = tpu.vector_load_idx %arg22[%add3A_2003, %broadcast_in_dim3A_1946] : memref<64x128xf32, #tpu.memory_space<vmem>>[vector<16xi32>, vector<16xi32>], vector<16xf32>,
      %select_n3A_2023 = arith.select %broadcast_in_dim3A_1948, %gather3A_2021, %gather3A_2022 : vector<16xi1>, vector<16xf32>
      %mul3A_2024 = arith.mulf %select_n3A_2013, %select_n3A_2023 : vector<16xf32>
      %add3A_2025 = arith.addf %add3A_2000, %mul3A_2024 : vector<16xf32>
      %add3A_2026 = arith.constant 48 : i32
      %add3A_2027 = vector.broadcast %add3A_2026 : i32 to vector<16xi32>
      %add3A_2028 = arith.addi %add3A_2027, %iota3A : vector<16xi32>
      %mul3A_2029 = arith.constant 64 : i32
      %mul3A_2030 = vector.broadcast %mul3A_2029 : i32 to vector<16xi32>
      %mul3A_2031 = arith.muli %add3A_2028, %mul3A_2030 : vector<16xi32>
      %and3A_2032 = arith.constant 63 : i32
      %and3A_2033 = vector.broadcast %and3A_2032 : i32 to vector<16xi32>
      %and3A_2034 = arith.andi %broadcast_in_dim3A_1945, %and3A_2033 : vector<16xi32>
      %add3A_2035 = arith.addi %mul3A_2031, %and3A_2034 : vector<16xi32>
      %gather3A_2036 = tpu.vector_load_idx %arg25[%add3A_2035] : memref<4096xf32, #tpu.memory_space<vmem>>[vector<16xi32>], vector<16xf32>,
      %gather3A_2037 = tpu.vector_load_idx %arg18[%add3A_2028, %broadcast_in_dim3A_1945] : memref<64x128xf32, #tpu.memory_space<vmem>>[vector<16xi32>, vector<16xi32>], vector<16xf32>,
      %select_n3A_2038 = arith.select %broadcast_in_dim3A_1947, %gather3A_2036, %gather3A_2037 : vector<16xi1>, vector<16xf32>
      %mul3A_2039 = arith.constant 64 : i32
      %mul3A_2040 = vector.broadcast %mul3A_2039 : i32 to vector<16xi32>
      %mul3A_2041 = arith.muli %add3A_2028, %mul3A_2040 : vector<16xi32>
      %and3A_2042 = arith.constant 63 : i32
      %and3A_2043 = vector.broadcast %and3A_2042 : i32 to vector<16xi32>
      %and3A_2044 = arith.andi %broadcast_in_dim3A_1946, %and3A_2043 : vector<16xi32>
      %add3A_2045 = arith.addi %mul3A_2041, %and3A_2044 : vector<16xi32>
      %gather3A_2046 = tpu.vector_load_idx %arg26[%add3A_2045] : memref<4096xf32, #tpu.memory_space<vmem>>[vector<16xi32>], vector<16xf32>,
      %gather3A_2047 = tpu.vector_load_idx %arg22[%add3A_2028, %broadcast_in_dim3A_1946] : memref<64x128xf32, #tpu.memory_space<vmem>>[vector<16xi32>, vector<16xi32>], vector<16xf32>,
      %select_n3A_2048 = arith.select %broadcast_in_dim3A_1948, %gather3A_2046, %gather3A_2047 : vector<16xi1>, vector<16xf32>
      %mul3A_2049 = arith.mulf %select_n3A_2038, %select_n3A_2048 : vector<16xf32>
      %add3A_2050 = arith.addf %add3A_2025, %mul3A_2049 : vector<16xf32>
      %swap3A_2051 = arith.constant 144 : index
      %swap3A_2052 = tpu.vector_load %arg27[%swap3A_2051] {strides = array<i32>} : memref<256xf32, #tpu.memory_space<vmem>>, vector<16xf32>,
      tpu.vector_store %arg27[%swap3A_2051], %add3A_2050 {strides = array<i32>} : memref<256xf32, #tpu.memory_space<vmem>>, vector<16xf32>,
      %add3A_2053 = arith.constant 4 : i32
      %add3A_2054 = arith.addi %add3A_1906, %add3A_2053 : i32
      %get3A_2055 = arith.index_cast %add3A_2054 : i32 to index
      %get3A_2056 = tpu.vector_load %arg13[%get3A_2055] {strides = array<i32>} : memref<544xi32, #tpu.memory_space<vmem>>, vector<16xi32>,
      %slice3A_2057 = vector.extract_strided_slice %get3A_2056 {offsets = [0], sizes = [1], strides = [1]} : vector<16xi32> to vector<1xi32>
      %squeeze3A_2058 = vector.extract %slice3A_2057[0] : i32 from vector<1xi32>
      %get3A_2059 = arith.index_cast %add3A_2054 : i32 to index
      %get3A_2060 = tpu.vector_load %arg14[%get3A_2059] {strides = array<i32>} : memref<544xi32, #tpu.memory_space<vmem>>, vector<16xi32>,
      %slice3A_2061 = vector.extract_strided_slice %get3A_2060 {offsets = [0], sizes = [1], strides = [1]} : vector<16xi32> to vector<1xi32>
      %squeeze3A_2062 = vector.extract %slice3A_2061[0] : i32 from vector<1xi32>
      %add3A_2063 = arith.addi %squeeze3A_2058, %squeeze3A_2058 : i32
      %ge3A_2064 = arith.constant 999936 : i32
      %ge3A_2065 = arith.cmpi sge, %add3A_2063, %ge3A_2064 : i32
      %shift_right_logical3A_2066 = arith.constant 6 : i32
      %shift_right_logical3A_2067 = arith.shrui %squeeze3A_2058, %shift_right_logical3A_2066 : i32
      %jit3A_2068 = arith.constant 0 : i32
      %select_n3A_2069 = arith.select %ge3A_2065, %jit3A_2068, %shift_right_logical3A_2067 : i32
      %ge3A_2070 = arith.constant 999936 : i32
      %ge3A_2071 = arith.cmpi sge, %squeeze3A_2062, %ge3A_2070 : i32
      %shift_right_logical3A_2072 = arith.constant 7 : i32
      %shift_right_logical3A_2073 = arith.shrui %squeeze3A_2062, %shift_right_logical3A_2072 : i32
      %jit3A_2074 = arith.constant 0 : i32
      %select_n3A_2075 = arith.select %ge3A_2071, %jit3A_2074, %shift_right_logical3A_2073 : i32
      %mul3A_2076 = arith.constant 128 : i32
      %mul3A_2077 = arith.muli %select_n3A_2069, %mul3A_2076 : i32
      %multiple_of3A_2078 = tpu.assume_multiple %mul3A_2077, 128 : i32
      %mul3A_2079 = arith.constant 128 : i32
      %mul3A_2080 = arith.muli %select_n3A_2075, %mul3A_2079 : i32
      %multiple_of3A_2081 = tpu.assume_multiple %mul3A_2080, 128 : i32
      %dma_start3A_2082 = arith.constant 0 : i32
      %dma_start3A_2083 = tpu.memref_slice %arg4[%dma_start3A_2082, %multiple_of3A_2078] : memref<64x1000000xf32, #tpu.memory_space<hbm>> -> memref<64x128xf32, #tpu.memory_space<hbm>>
      %dma_start3A_2084 = arith.constant 0 : i32
      %dma_start3A_2085 = tpu.memref_slice %arg4[%dma_start3A_2084, %multiple_of3A_2078] : memref<64x1000000xf32, #tpu.memory_space<hbm>> -> memref<64x128xf32, #tpu.memory_space<hbm>>
      tpu.enqueue_dma source(%dma_start3A_2085 : memref<64x128xf32, #tpu.memory_space<hbm>>) target(%arg18 : memref<64x128xf32, #tpu.memory_space<vmem>>) target_semaphore(%arg34 : memref<!tpu.dma_semaphore, #tpu.memory_space<semaphore_mem>>)
      %dma_start3A_2086 = arith.constant 0 : i32
      %dma_start3A_2087 = tpu.memref_slice %arg5[%dma_start3A_2086, %multiple_of3A_2081] : memref<64x1000000xf32, #tpu.memory_space<hbm>> -> memref<64x128xf32, #tpu.memory_space<hbm>>
      %dma_start3A_2088 = arith.constant 0 : i32
      %dma_start3A_2089 = tpu.memref_slice %arg5[%dma_start3A_2088, %multiple_of3A_2081] : memref<64x1000000xf32, #tpu.memory_space<hbm>> -> memref<64x128xf32, #tpu.memory_space<hbm>>
      tpu.enqueue_dma source(%dma_start3A_2089 : memref<64x128xf32, #tpu.memory_space<hbm>>) target(%arg22 : memref<64x128xf32, #tpu.memory_space<vmem>>) target_semaphore(%arg38 : memref<!tpu.dma_semaphore, #tpu.memory_space<semaphore_mem>>)
      %mul3A_2090 = arith.constant 16 : i32
      %mul3A_2091 = arith.muli %scan3A_222, %mul3A_2090 : i32
      %add3A_2092 = arith.constant 10 : i32
      %add3A_2093 = arith.addi %mul3A_2091, %add3A_2092 : i32
      %dma_wait3A_2094 = arith.constant 0 : i32
      %dma_wait3A_2095 = arith.constant 0 : i32
      %dma_wait3A_2096 = tpu.memref_slice %arg4[%dma_wait3A_2094, %dma_wait3A_2095] : memref<64x1000000xf32, #tpu.memory_space<hbm>> -> memref<64x128xf32, #tpu.memory_space<hbm>>
      %dma_wait3A_2097 = arith.constant 0 : i32
      %dma_wait3A_2098 = arith.constant 0 : i32
      %dma_wait3A_2099 = tpu.memref_slice %arg4[%dma_wait3A_2097, %dma_wait3A_2098] : memref<64x1000000xf32, #tpu.memory_space<hbm>> -> memref<64x128xf32, #tpu.memory_space<hbm>>
      tpu.wait_dma2 semaphore(%arg35 : memref<!tpu.dma_semaphore, #tpu.memory_space<semaphore_mem>>) src(%dma_wait3A_2099 : memref<64x128xf32, #tpu.memory_space<hbm>>) dst(%arg19 : memref<64x128xf32, #tpu.memory_space<vmem>>)
      %dma_wait3A_2100 = arith.constant 0 : i32
      %dma_wait3A_2101 = arith.constant 0 : i32
      %dma_wait3A_2102 = tpu.memref_slice %arg5[%dma_wait3A_2100, %dma_wait3A_2101] : memref<64x1000000xf32, #tpu.memory_space<hbm>> -> memref<64x128xf32, #tpu.memory_space<hbm>>
      %dma_wait3A_2103 = arith.constant 0 : i32
      %dma_wait3A_2104 = arith.constant 0 : i32
      %dma_wait3A_2105 = tpu.memref_slice %arg5[%dma_wait3A_2103, %dma_wait3A_2104] : memref<64x1000000xf32, #tpu.memory_space<hbm>> -> memref<64x128xf32, #tpu.memory_space<hbm>>
      tpu.wait_dma2 semaphore(%arg39 : memref<!tpu.dma_semaphore, #tpu.memory_space<semaphore_mem>>) src(%dma_wait3A_2105 : memref<64x128xf32, #tpu.memory_space<hbm>>) dst(%arg23 : memref<64x128xf32, #tpu.memory_space<vmem>>)
      %get3A_2106 = arith.index_cast %add3A_2093 : i32 to index
      %get3A_2107 = tpu.vector_load %arg13[%get3A_2106] {strides = array<i32>} : memref<544xi32, #tpu.memory_space<vmem>>, vector<16xi32>,
      %slice3A_2108 = vector.extract_strided_slice %get3A_2107 {offsets = [0], sizes = [1], strides = [1]} : vector<16xi32> to vector<1xi32>
      %squeeze3A_2109 = vector.extract %slice3A_2108[0] : i32 from vector<1xi32>
      %get3A_2110 = arith.index_cast %add3A_2093 : i32 to index
      %get3A_2111 = tpu.vector_load %arg14[%get3A_2110] {strides = array<i32>} : memref<544xi32, #tpu.memory_space<vmem>>, vector<16xi32>,
      %slice3A_2112 = vector.extract_strided_slice %get3A_2111 {offsets = [0], sizes = [1], strides = [1]} : vector<16xi32> to vector<1xi32>
      %squeeze3A_2113 = vector.extract %slice3A_2112[0] : i32 from vector<1xi32>
      %add3A_2114 = arith.addi %squeeze3A_2109, %squeeze3A_2109 : i32
      %ge3A_2115 = arith.constant 999936 : i32
      %ge3A_2116 = arith.cmpi sge, %add3A_2114, %ge3A_2115 : i32
      %ge3A_2117 = arith.constant 999936 : i32
      %ge3A_2118 = arith.cmpi sge, %squeeze3A_2113, %ge3A_2117 : i32
      %add3A_2119 = arith.addi %squeeze3A_2109, %squeeze3A_2109 : i32
      %sub3A_2120 = arith.constant 999936 : i32
      %sub3A_2121 = arith.subi %add3A_2119, %sub3A_2120 : i32
      %and3A_2122 = arith.constant 63 : i32
      %and3A_2123 = arith.andi %squeeze3A_2109, %and3A_2122 : i32
      %mul3A_2124 = arith.constant 2 : i32
      %mul3A_2125 = arith.muli %and3A_2123, %mul3A_2124 : i32
      %select_n3A_2126 = arith.select %ge3A_2116, %sub3A_2121, %mul3A_2125 : i32
      %sub3A_2127 = arith.constant 999936 : i32
      %sub3A_2128 = arith.subi %squeeze3A_2113, %sub3A_2127 : i32
      %and3A_2129 = arith.constant 127 : i32
      %and3A_2130 = arith.andi %squeeze3A_2113, %and3A_2129 : i32
      %select_n3A_2131 = arith.select %ge3A_2118, %sub3A_2128, %and3A_2130 : i32
      %broadcast_in_dim3A_2132 = vector.broadcast %select_n3A_2126 : i32 to vector<16xi32>
      %broadcast_in_dim3A_2133 = vector.broadcast %select_n3A_2131 : i32 to vector<16xi32>
      %broadcast_in_dim3A_2134 = vector.broadcast %ge3A_2116 : i1 to vector<16xi1>
      %broadcast_in_dim3A_2135 = vector.broadcast %ge3A_2118 : i1 to vector<16xi1>
      %broadcast_in_dim3A_2136 = arith.constant 0.000000e+00 : f32
      %broadcast_in_dim3A_2137 = vector.broadcast %broadcast_in_dim3A_2136 : f32 to vector<16xf32>
      %add3A_2138 = arith.constant 0 : i32
      %add3A_2139 = vector.broadcast %add3A_2138 : i32 to vector<16xi32>
      %add3A_2140 = arith.addi %add3A_2139, %iota3A : vector<16xi32>
      %mul3A_2141 = arith.constant 64 : i32
      %mul3A_2142 = vector.broadcast %mul3A_2141 : i32 to vector<16xi32>
      %mul3A_2143 = arith.muli %add3A_2140, %mul3A_2142 : vector<16xi32>
      %and3A_2144 = arith.constant 63 : i32
      %and3A_2145 = vector.broadcast %and3A_2144 : i32 to vector<16xi32>
      %and3A_2146 = arith.andi %broadcast_in_dim3A_2132, %and3A_2145 : vector<16xi32>
      %add3A_2147 = arith.addi %mul3A_2143, %and3A_2146 : vector<16xi32>
      %gather3A_2148 = tpu.vector_load_idx %arg25[%add3A_2147] : memref<4096xf32, #tpu.memory_space<vmem>>[vector<16xi32>], vector<16xf32>,
      %gather3A_2149 = tpu.vector_load_idx %arg19[%add3A_2140, %broadcast_in_dim3A_2132] : memref<64x128xf32, #tpu.memory_space<vmem>>[vector<16xi32>, vector<16xi32>], vector<16xf32>,
      %select_n3A_2150 = arith.select %broadcast_in_dim3A_2134, %gather3A_2148, %gather3A_2149 : vector<16xi1>, vector<16xf32>
      %mul3A_2151 = arith.constant 64 : i32
      %mul3A_2152 = vector.broadcast %mul3A_2151 : i32 to vector<16xi32>
      %mul3A_2153 = arith.muli %add3A_2140, %mul3A_2152 : vector<16xi32>
      %and3A_2154 = arith.constant 63 : i32
      %and3A_2155 = vector.broadcast %and3A_2154 : i32 to vector<16xi32>
      %and3A_2156 = arith.andi %broadcast_in_dim3A_2133, %and3A_2155 : vector<16xi32>
      %add3A_2157 = arith.addi %mul3A_2153, %and3A_2156 : vector<16xi32>
      %gather3A_2158 = tpu.vector_load_idx %arg26[%add3A_2157] : memref<4096xf32, #tpu.memory_space<vmem>>[vector<16xi32>], vector<16xf32>,
      %gather3A_2159 = tpu.vector_load_idx %arg23[%add3A_2140, %broadcast_in_dim3A_2133] : memref<64x128xf32, #tpu.memory_space<vmem>>[vector<16xi32>, vector<16xi32>], vector<16xf32>,
      %select_n3A_2160 = arith.select %broadcast_in_dim3A_2135, %gather3A_2158, %gather3A_2159 : vector<16xi1>, vector<16xf32>
      %mul3A_2161 = arith.mulf %select_n3A_2150, %select_n3A_2160 : vector<16xf32>
      %add3A_2162 = arith.addf %broadcast_in_dim3A_2137, %mul3A_2161 : vector<16xf32>
      %add3A_2163 = arith.constant 16 : i32
      %add3A_2164 = vector.broadcast %add3A_2163 : i32 to vector<16xi32>
      %add3A_2165 = arith.addi %add3A_2164, %iota3A : vector<16xi32>
      %mul3A_2166 = arith.constant 64 : i32
      %mul3A_2167 = vector.broadcast %mul3A_2166 : i32 to vector<16xi32>
      %mul3A_2168 = arith.muli %add3A_2165, %mul3A_2167 : vector<16xi32>
      %and3A_2169 = arith.constant 63 : i32
      %and3A_2170 = vector.broadcast %and3A_2169 : i32 to vector<16xi32>
      %and3A_2171 = arith.andi %broadcast_in_dim3A_2132, %and3A_2170 : vector<16xi32>
      %add3A_2172 = arith.addi %mul3A_2168, %and3A_2171 : vector<16xi32>
      %gather3A_2173 = tpu.vector_load_idx %arg25[%add3A_2172] : memref<4096xf32, #tpu.memory_space<vmem>>[vector<16xi32>], vector<16xf32>,
      %gather3A_2174 = tpu.vector_load_idx %arg19[%add3A_2165, %broadcast_in_dim3A_2132] : memref<64x128xf32, #tpu.memory_space<vmem>>[vector<16xi32>, vector<16xi32>], vector<16xf32>,
      %select_n3A_2175 = arith.select %broadcast_in_dim3A_2134, %gather3A_2173, %gather3A_2174 : vector<16xi1>, vector<16xf32>
      %mul3A_2176 = arith.constant 64 : i32
      %mul3A_2177 = vector.broadcast %mul3A_2176 : i32 to vector<16xi32>
      %mul3A_2178 = arith.muli %add3A_2165, %mul3A_2177 : vector<16xi32>
      %and3A_2179 = arith.constant 63 : i32
      %and3A_2180 = vector.broadcast %and3A_2179 : i32 to vector<16xi32>
      %and3A_2181 = arith.andi %broadcast_in_dim3A_2133, %and3A_2180 : vector<16xi32>
      %add3A_2182 = arith.addi %mul3A_2178, %and3A_2181 : vector<16xi32>
      %gather3A_2183 = tpu.vector_load_idx %arg26[%add3A_2182] : memref<4096xf32, #tpu.memory_space<vmem>>[vector<16xi32>], vector<16xf32>,
      %gather3A_2184 = tpu.vector_load_idx %arg23[%add3A_2165, %broadcast_in_dim3A_2133] : memref<64x128xf32, #tpu.memory_space<vmem>>[vector<16xi32>, vector<16xi32>], vector<16xf32>,
      %select_n3A_2185 = arith.select %broadcast_in_dim3A_2135, %gather3A_2183, %gather3A_2184 : vector<16xi1>, vector<16xf32>
      %mul3A_2186 = arith.mulf %select_n3A_2175, %select_n3A_2185 : vector<16xf32>
      %add3A_2187 = arith.addf %add3A_2162, %mul3A_2186 : vector<16xf32>
      %add3A_2188 = arith.constant 32 : i32
      %add3A_2189 = vector.broadcast %add3A_2188 : i32 to vector<16xi32>
      %add3A_2190 = arith.addi %add3A_2189, %iota3A : vector<16xi32>
      %mul3A_2191 = arith.constant 64 : i32
      %mul3A_2192 = vector.broadcast %mul3A_2191 : i32 to vector<16xi32>
      %mul3A_2193 = arith.muli %add3A_2190, %mul3A_2192 : vector<16xi32>
      %and3A_2194 = arith.constant 63 : i32
      %and3A_2195 = vector.broadcast %and3A_2194 : i32 to vector<16xi32>
      %and3A_2196 = arith.andi %broadcast_in_dim3A_2132, %and3A_2195 : vector<16xi32>
      %add3A_2197 = arith.addi %mul3A_2193, %and3A_2196 : vector<16xi32>
      %gather3A_2198 = tpu.vector_load_idx %arg25[%add3A_2197] : memref<4096xf32, #tpu.memory_space<vmem>>[vector<16xi32>], vector<16xf32>,
      %gather3A_2199 = tpu.vector_load_idx %arg19[%add3A_2190, %broadcast_in_dim3A_2132] : memref<64x128xf32, #tpu.memory_space<vmem>>[vector<16xi32>, vector<16xi32>], vector<16xf32>,
      %select_n3A_2200 = arith.select %broadcast_in_dim3A_2134, %gather3A_2198, %gather3A_2199 : vector<16xi1>, vector<16xf32>
      %mul3A_2201 = arith.constant 64 : i32
      %mul3A_2202 = vector.broadcast %mul3A_2201 : i32 to vector<16xi32>
      %mul3A_2203 = arith.muli %add3A_2190, %mul3A_2202 : vector<16xi32>
      %and3A_2204 = arith.constant 63 : i32
      %and3A_2205 = vector.broadcast %and3A_2204 : i32 to vector<16xi32>
      %and3A_2206 = arith.andi %broadcast_in_dim3A_2133, %and3A_2205 : vector<16xi32>
      %add3A_2207 = arith.addi %mul3A_2203, %and3A_2206 : vector<16xi32>
      %gather3A_2208 = tpu.vector_load_idx %arg26[%add3A_2207] : memref<4096xf32, #tpu.memory_space<vmem>>[vector<16xi32>], vector<16xf32>,
      %gather3A_2209 = tpu.vector_load_idx %arg23[%add3A_2190, %broadcast_in_dim3A_2133] : memref<64x128xf32, #tpu.memory_space<vmem>>[vector<16xi32>, vector<16xi32>], vector<16xf32>,
      %select_n3A_2210 = arith.select %broadcast_in_dim3A_2135, %gather3A_2208, %gather3A_2209 : vector<16xi1>, vector<16xf32>
      %mul3A_2211 = arith.mulf %select_n3A_2200, %select_n3A_2210 : vector<16xf32>
      %add3A_2212 = arith.addf %add3A_2187, %mul3A_2211 : vector<16xf32>
      %add3A_2213 = arith.constant 48 : i32
      %add3A_2214 = vector.broadcast %add3A_2213 : i32 to vector<16xi32>
      %add3A_2215 = arith.addi %add3A_2214, %iota3A : vector<16xi32>
      %mul3A_2216 = arith.constant 64 : i32
      %mul3A_2217 = vector.broadcast %mul3A_2216 : i32 to vector<16xi32>
      %mul3A_2218 = arith.muli %add3A_2215, %mul3A_2217 : vector<16xi32>
      %and3A_2219 = arith.constant 63 : i32
      %and3A_2220 = vector.broadcast %and3A_2219 : i32 to vector<16xi32>
      %and3A_2221 = arith.andi %broadcast_in_dim3A_2132, %and3A_2220 : vector<16xi32>
      %add3A_2222 = arith.addi %mul3A_2218, %and3A_2221 : vector<16xi32>
      %gather3A_2223 = tpu.vector_load_idx %arg25[%add3A_2222] : memref<4096xf32, #tpu.memory_space<vmem>>[vector<16xi32>], vector<16xf32>,
      %gather3A_2224 = tpu.vector_load_idx %arg19[%add3A_2215, %broadcast_in_dim3A_2132] : memref<64x128xf32, #tpu.memory_space<vmem>>[vector<16xi32>, vector<16xi32>], vector<16xf32>,
      %select_n3A_2225 = arith.select %broadcast_in_dim3A_2134, %gather3A_2223, %gather3A_2224 : vector<16xi1>, vector<16xf32>
      %mul3A_2226 = arith.constant 64 : i32
      %mul3A_2227 = vector.broadcast %mul3A_2226 : i32 to vector<16xi32>
      %mul3A_2228 = arith.muli %add3A_2215, %mul3A_2227 : vector<16xi32>
      %and3A_2229 = arith.constant 63 : i32
      %and3A_2230 = vector.broadcast %and3A_2229 : i32 to vector<16xi32>
      %and3A_2231 = arith.andi %broadcast_in_dim3A_2133, %and3A_2230 : vector<16xi32>
      %add3A_2232 = arith.addi %mul3A_2228, %and3A_2231 : vector<16xi32>
      %gather3A_2233 = tpu.vector_load_idx %arg26[%add3A_2232] : memref<4096xf32, #tpu.memory_space<vmem>>[vector<16xi32>], vector<16xf32>,
      %gather3A_2234 = tpu.vector_load_idx %arg23[%add3A_2215, %broadcast_in_dim3A_2133] : memref<64x128xf32, #tpu.memory_space<vmem>>[vector<16xi32>, vector<16xi32>], vector<16xf32>,
      %select_n3A_2235 = arith.select %broadcast_in_dim3A_2135, %gather3A_2233, %gather3A_2234 : vector<16xi1>, vector<16xf32>
      %mul3A_2236 = arith.mulf %select_n3A_2225, %select_n3A_2235 : vector<16xf32>
      %add3A_2237 = arith.addf %add3A_2212, %mul3A_2236 : vector<16xf32>
      %swap3A_2238 = arith.constant 160 : index
      %swap3A_2239 = tpu.vector_load %arg27[%swap3A_2238] {strides = array<i32>} : memref<256xf32, #tpu.memory_space<vmem>>, vector<16xf32>,
      tpu.vector_store %arg27[%swap3A_2238], %add3A_2237 {strides = array<i32>} : memref<256xf32, #tpu.memory_space<vmem>>, vector<16xf32>,
      %add3A_2240 = arith.constant 4 : i32
      %add3A_2241 = arith.addi %add3A_2093, %add3A_2240 : i32
      %get3A_2242 = arith.index_cast %add3A_2241 : i32 to index
      %get3A_2243 = tpu.vector_load %arg13[%get3A_2242] {strides = array<i32>} : memref<544xi32, #tpu.memory_space<vmem>>, vector<16xi32>,
      %slice3A_2244 = vector.extract_strided_slice %get3A_2243 {offsets = [0], sizes = [1], strides = [1]} : vector<16xi32> to vector<1xi32>
      %squeeze3A_2245 = vector.extract %slice3A_2244[0] : i32 from vector<1xi32>
      %get3A_2246 = arith.index_cast %add3A_2241 : i32 to index
      %get3A_2247 = tpu.vector_load %arg14[%get3A_2246] {strides = array<i32>} : memref<544xi32, #tpu.memory_space<vmem>>, vector<16xi32>,
      %slice3A_2248 = vector.extract_strided_slice %get3A_2247 {offsets = [0], sizes = [1], strides = [1]} : vector<16xi32> to vector<1xi32>
      %squeeze3A_2249 = vector.extract %slice3A_2248[0] : i32 from vector<1xi32>
      %add3A_2250 = arith.addi %squeeze3A_2245, %squeeze3A_2245 : i32
      %ge3A_2251 = arith.constant 999936 : i32
      %ge3A_2252 = arith.cmpi sge, %add3A_2250, %ge3A_2251 : i32
      %shift_right_logical3A_2253 = arith.constant 6 : i32
      %shift_right_logical3A_2254 = arith.shrui %squeeze3A_2245, %shift_right_logical3A_2253 : i32
      %jit3A_2255 = arith.constant 0 : i32
      %select_n3A_2256 = arith.select %ge3A_2252, %jit3A_2255, %shift_right_logical3A_2254 : i32
      %ge3A_2257 = arith.constant 999936 : i32
      %ge3A_2258 = arith.cmpi sge, %squeeze3A_2249, %ge3A_2257 : i32
      %shift_right_logical3A_2259 = arith.constant 7 : i32
      %shift_right_logical3A_2260 = arith.shrui %squeeze3A_2249, %shift_right_logical3A_2259 : i32
      %jit3A_2261 = arith.constant 0 : i32
      %select_n3A_2262 = arith.select %ge3A_2258, %jit3A_2261, %shift_right_logical3A_2260 : i32
      %mul3A_2263 = arith.constant 128 : i32
      %mul3A_2264 = arith.muli %select_n3A_2256, %mul3A_2263 : i32
      %multiple_of3A_2265 = tpu.assume_multiple %mul3A_2264, 128 : i32
      %mul3A_2266 = arith.constant 128 : i32
      %mul3A_2267 = arith.muli %select_n3A_2262, %mul3A_2266 : i32
      %multiple_of3A_2268 = tpu.assume_multiple %mul3A_2267, 128 : i32
      %dma_start3A_2269 = arith.constant 0 : i32
      %dma_start3A_2270 = tpu.memref_slice %arg4[%dma_start3A_2269, %multiple_of3A_2265] : memref<64x1000000xf32, #tpu.memory_space<hbm>> -> memref<64x128xf32, #tpu.memory_space<hbm>>
      %dma_start3A_2271 = arith.constant 0 : i32
      %dma_start3A_2272 = tpu.memref_slice %arg4[%dma_start3A_2271, %multiple_of3A_2265] : memref<64x1000000xf32, #tpu.memory_space<hbm>> -> memref<64x128xf32, #tpu.memory_space<hbm>>
      tpu.enqueue_dma source(%dma_start3A_2272 : memref<64x128xf32, #tpu.memory_space<hbm>>) target(%arg19 : memref<64x128xf32, #tpu.memory_space<vmem>>) target_semaphore(%arg35 : memref<!tpu.dma_semaphore, #tpu.memory_space<semaphore_mem>>)
      %dma_start3A_2273 = arith.constant 0 : i32
      %dma_start3A_2274 = tpu.memref_slice %arg5[%dma_start3A_2273, %multiple_of3A_2268] : memref<64x1000000xf32, #tpu.memory_space<hbm>> -> memref<64x128xf32, #tpu.memory_space<hbm>>
      %dma_start3A_2275 = arith.constant 0 : i32
      %dma_start3A_2276 = tpu.memref_slice %arg5[%dma_start3A_2275, %multiple_of3A_2268] : memref<64x1000000xf32, #tpu.memory_space<hbm>> -> memref<64x128xf32, #tpu.memory_space<hbm>>
      tpu.enqueue_dma source(%dma_start3A_2276 : memref<64x128xf32, #tpu.memory_space<hbm>>) target(%arg23 : memref<64x128xf32, #tpu.memory_space<vmem>>) target_semaphore(%arg39 : memref<!tpu.dma_semaphore, #tpu.memory_space<semaphore_mem>>)
      %mul3A_2277 = arith.constant 16 : i32
      %mul3A_2278 = arith.muli %scan3A_222, %mul3A_2277 : i32
      %add3A_2279 = arith.constant 11 : i32
      %add3A_2280 = arith.addi %mul3A_2278, %add3A_2279 : i32
      %dma_wait3A_2281 = arith.constant 0 : i32
      %dma_wait3A_2282 = arith.constant 0 : i32
      %dma_wait3A_2283 = tpu.memref_slice %arg4[%dma_wait3A_2281, %dma_wait3A_2282] : memref<64x1000000xf32, #tpu.memory_space<hbm>> -> memref<64x128xf32, #tpu.memory_space<hbm>>
      %dma_wait3A_2284 = arith.constant 0 : i32
      %dma_wait3A_2285 = arith.constant 0 : i32
      %dma_wait3A_2286 = tpu.memref_slice %arg4[%dma_wait3A_2284, %dma_wait3A_2285] : memref<64x1000000xf32, #tpu.memory_space<hbm>> -> memref<64x128xf32, #tpu.memory_space<hbm>>
      tpu.wait_dma2 semaphore(%arg36 : memref<!tpu.dma_semaphore, #tpu.memory_space<semaphore_mem>>) src(%dma_wait3A_2286 : memref<64x128xf32, #tpu.memory_space<hbm>>) dst(%arg20 : memref<64x128xf32, #tpu.memory_space<vmem>>)
      %dma_wait3A_2287 = arith.constant 0 : i32
      %dma_wait3A_2288 = arith.constant 0 : i32
      %dma_wait3A_2289 = tpu.memref_slice %arg5[%dma_wait3A_2287, %dma_wait3A_2288] : memref<64x1000000xf32, #tpu.memory_space<hbm>> -> memref<64x128xf32, #tpu.memory_space<hbm>>
      %dma_wait3A_2290 = arith.constant 0 : i32
      %dma_wait3A_2291 = arith.constant 0 : i32
      %dma_wait3A_2292 = tpu.memref_slice %arg5[%dma_wait3A_2290, %dma_wait3A_2291] : memref<64x1000000xf32, #tpu.memory_space<hbm>> -> memref<64x128xf32, #tpu.memory_space<hbm>>
      tpu.wait_dma2 semaphore(%arg40 : memref<!tpu.dma_semaphore, #tpu.memory_space<semaphore_mem>>) src(%dma_wait3A_2292 : memref<64x128xf32, #tpu.memory_space<hbm>>) dst(%arg24 : memref<64x128xf32, #tpu.memory_space<vmem>>)
      %get3A_2293 = arith.index_cast %add3A_2280 : i32 to index
      %get3A_2294 = tpu.vector_load %arg13[%get3A_2293] {strides = array<i32>} : memref<544xi32, #tpu.memory_space<vmem>>, vector<16xi32>,
      %slice3A_2295 = vector.extract_strided_slice %get3A_2294 {offsets = [0], sizes = [1], strides = [1]} : vector<16xi32> to vector<1xi32>
      %squeeze3A_2296 = vector.extract %slice3A_2295[0] : i32 from vector<1xi32>
      %get3A_2297 = arith.index_cast %add3A_2280 : i32 to index
      %get3A_2298 = tpu.vector_load %arg14[%get3A_2297] {strides = array<i32>} : memref<544xi32, #tpu.memory_space<vmem>>, vector<16xi32>,
      %slice3A_2299 = vector.extract_strided_slice %get3A_2298 {offsets = [0], sizes = [1], strides = [1]} : vector<16xi32> to vector<1xi32>
      %squeeze3A_2300 = vector.extract %slice3A_2299[0] : i32 from vector<1xi32>
      %add3A_2301 = arith.addi %squeeze3A_2296, %squeeze3A_2296 : i32
      %ge3A_2302 = arith.constant 999936 : i32
      %ge3A_2303 = arith.cmpi sge, %add3A_2301, %ge3A_2302 : i32
      %ge3A_2304 = arith.constant 999936 : i32
      %ge3A_2305 = arith.cmpi sge, %squeeze3A_2300, %ge3A_2304 : i32
      %add3A_2306 = arith.addi %squeeze3A_2296, %squeeze3A_2296 : i32
      %sub3A_2307 = arith.constant 999936 : i32
      %sub3A_2308 = arith.subi %add3A_2306, %sub3A_2307 : i32
      %and3A_2309 = arith.constant 63 : i32
      %and3A_2310 = arith.andi %squeeze3A_2296, %and3A_2309 : i32
      %mul3A_2311 = arith.constant 2 : i32
      %mul3A_2312 = arith.muli %and3A_2310, %mul3A_2311 : i32
      %select_n3A_2313 = arith.select %ge3A_2303, %sub3A_2308, %mul3A_2312 : i32
      %sub3A_2314 = arith.constant 999936 : i32
      %sub3A_2315 = arith.subi %squeeze3A_2300, %sub3A_2314 : i32
      %and3A_2316 = arith.constant 127 : i32
      %and3A_2317 = arith.andi %squeeze3A_2300, %and3A_2316 : i32
      %select_n3A_2318 = arith.select %ge3A_2305, %sub3A_2315, %and3A_2317 : i32
      %broadcast_in_dim3A_2319 = vector.broadcast %select_n3A_2313 : i32 to vector<16xi32>
      %broadcast_in_dim3A_2320 = vector.broadcast %select_n3A_2318 : i32 to vector<16xi32>
      %broadcast_in_dim3A_2321 = vector.broadcast %ge3A_2303 : i1 to vector<16xi1>
      %broadcast_in_dim3A_2322 = vector.broadcast %ge3A_2305 : i1 to vector<16xi1>
      %broadcast_in_dim3A_2323 = arith.constant 0.000000e+00 : f32
      %broadcast_in_dim3A_2324 = vector.broadcast %broadcast_in_dim3A_2323 : f32 to vector<16xf32>
      %add3A_2325 = arith.constant 0 : i32
      %add3A_2326 = vector.broadcast %add3A_2325 : i32 to vector<16xi32>
      %add3A_2327 = arith.addi %add3A_2326, %iota3A : vector<16xi32>
      %mul3A_2328 = arith.constant 64 : i32
      %mul3A_2329 = vector.broadcast %mul3A_2328 : i32 to vector<16xi32>
      %mul3A_2330 = arith.muli %add3A_2327, %mul3A_2329 : vector<16xi32>
      %and3A_2331 = arith.constant 63 : i32
      %and3A_2332 = vector.broadcast %and3A_2331 : i32 to vector<16xi32>
      %and3A_2333 = arith.andi %broadcast_in_dim3A_2319, %and3A_2332 : vector<16xi32>
      %add3A_2334 = arith.addi %mul3A_2330, %and3A_2333 : vector<16xi32>
      %gather3A_2335 = tpu.vector_load_idx %arg25[%add3A_2334] : memref<4096xf32, #tpu.memory_space<vmem>>[vector<16xi32>], vector<16xf32>,
      %gather3A_2336 = tpu.vector_load_idx %arg20[%add3A_2327, %broadcast_in_dim3A_2319] : memref<64x128xf32, #tpu.memory_space<vmem>>[vector<16xi32>, vector<16xi32>], vector<16xf32>,
      %select_n3A_2337 = arith.select %broadcast_in_dim3A_2321, %gather3A_2335, %gather3A_2336 : vector<16xi1>, vector<16xf32>
      %mul3A_2338 = arith.constant 64 : i32
      %mul3A_2339 = vector.broadcast %mul3A_2338 : i32 to vector<16xi32>
      %mul3A_2340 = arith.muli %add3A_2327, %mul3A_2339 : vector<16xi32>
      %and3A_2341 = arith.constant 63 : i32
      %and3A_2342 = vector.broadcast %and3A_2341 : i32 to vector<16xi32>
      %and3A_2343 = arith.andi %broadcast_in_dim3A_2320, %and3A_2342 : vector<16xi32>
      %add3A_2344 = arith.addi %mul3A_2340, %and3A_2343 : vector<16xi32>
      %gather3A_2345 = tpu.vector_load_idx %arg26[%add3A_2344] : memref<4096xf32, #tpu.memory_space<vmem>>[vector<16xi32>], vector<16xf32>,
      %gather3A_2346 = tpu.vector_load_idx %arg24[%add3A_2327, %broadcast_in_dim3A_2320] : memref<64x128xf32, #tpu.memory_space<vmem>>[vector<16xi32>, vector<16xi32>], vector<16xf32>,
      %select_n3A_2347 = arith.select %broadcast_in_dim3A_2322, %gather3A_2345, %gather3A_2346 : vector<16xi1>, vector<16xf32>
      %mul3A_2348 = arith.mulf %select_n3A_2337, %select_n3A_2347 : vector<16xf32>
      %add3A_2349 = arith.addf %broadcast_in_dim3A_2324, %mul3A_2348 : vector<16xf32>
      %add3A_2350 = arith.constant 16 : i32
      %add3A_2351 = vector.broadcast %add3A_2350 : i32 to vector<16xi32>
      %add3A_2352 = arith.addi %add3A_2351, %iota3A : vector<16xi32>
      %mul3A_2353 = arith.constant 64 : i32
      %mul3A_2354 = vector.broadcast %mul3A_2353 : i32 to vector<16xi32>
      %mul3A_2355 = arith.muli %add3A_2352, %mul3A_2354 : vector<16xi32>
      %and3A_2356 = arith.constant 63 : i32
      %and3A_2357 = vector.broadcast %and3A_2356 : i32 to vector<16xi32>
      %and3A_2358 = arith.andi %broadcast_in_dim3A_2319, %and3A_2357 : vector<16xi32>
      %add3A_2359 = arith.addi %mul3A_2355, %and3A_2358 : vector<16xi32>
      %gather3A_2360 = tpu.vector_load_idx %arg25[%add3A_2359] : memref<4096xf32, #tpu.memory_space<vmem>>[vector<16xi32>], vector<16xf32>,
      %gather3A_2361 = tpu.vector_load_idx %arg20[%add3A_2352, %broadcast_in_dim3A_2319] : memref<64x128xf32, #tpu.memory_space<vmem>>[vector<16xi32>, vector<16xi32>], vector<16xf32>,
      %select_n3A_2362 = arith.select %broadcast_in_dim3A_2321, %gather3A_2360, %gather3A_2361 : vector<16xi1>, vector<16xf32>
      %mul3A_2363 = arith.constant 64 : i32
      %mul3A_2364 = vector.broadcast %mul3A_2363 : i32 to vector<16xi32>
      %mul3A_2365 = arith.muli %add3A_2352, %mul3A_2364 : vector<16xi32>
      %and3A_2366 = arith.constant 63 : i32
      %and3A_2367 = vector.broadcast %and3A_2366 : i32 to vector<16xi32>
      %and3A_2368 = arith.andi %broadcast_in_dim3A_2320, %and3A_2367 : vector<16xi32>
      %add3A_2369 = arith.addi %mul3A_2365, %and3A_2368 : vector<16xi32>
      %gather3A_2370 = tpu.vector_load_idx %arg26[%add3A_2369] : memref<4096xf32, #tpu.memory_space<vmem>>[vector<16xi32>], vector<16xf32>,
      %gather3A_2371 = tpu.vector_load_idx %arg24[%add3A_2352, %broadcast_in_dim3A_2320] : memref<64x128xf32, #tpu.memory_space<vmem>>[vector<16xi32>, vector<16xi32>], vector<16xf32>,
      %select_n3A_2372 = arith.select %broadcast_in_dim3A_2322, %gather3A_2370, %gather3A_2371 : vector<16xi1>, vector<16xf32>
      %mul3A_2373 = arith.mulf %select_n3A_2362, %select_n3A_2372 : vector<16xf32>
      %add3A_2374 = arith.addf %add3A_2349, %mul3A_2373 : vector<16xf32>
      %add3A_2375 = arith.constant 32 : i32
      %add3A_2376 = vector.broadcast %add3A_2375 : i32 to vector<16xi32>
      %add3A_2377 = arith.addi %add3A_2376, %iota3A : vector<16xi32>
      %mul3A_2378 = arith.constant 64 : i32
      %mul3A_2379 = vector.broadcast %mul3A_2378 : i32 to vector<16xi32>
      %mul3A_2380 = arith.muli %add3A_2377, %mul3A_2379 : vector<16xi32>
      %and3A_2381 = arith.constant 63 : i32
      %and3A_2382 = vector.broadcast %and3A_2381 : i32 to vector<16xi32>
      %and3A_2383 = arith.andi %broadcast_in_dim3A_2319, %and3A_2382 : vector<16xi32>
      %add3A_2384 = arith.addi %mul3A_2380, %and3A_2383 : vector<16xi32>
      %gather3A_2385 = tpu.vector_load_idx %arg25[%add3A_2384] : memref<4096xf32, #tpu.memory_space<vmem>>[vector<16xi32>], vector<16xf32>,
      %gather3A_2386 = tpu.vector_load_idx %arg20[%add3A_2377, %broadcast_in_dim3A_2319] : memref<64x128xf32, #tpu.memory_space<vmem>>[vector<16xi32>, vector<16xi32>], vector<16xf32>,
      %select_n3A_2387 = arith.select %broadcast_in_dim3A_2321, %gather3A_2385, %gather3A_2386 : vector<16xi1>, vector<16xf32>
      %mul3A_2388 = arith.constant 64 : i32
      %mul3A_2389 = vector.broadcast %mul3A_2388 : i32 to vector<16xi32>
      %mul3A_2390 = arith.muli %add3A_2377, %mul3A_2389 : vector<16xi32>
      %and3A_2391 = arith.constant 63 : i32
      %and3A_2392 = vector.broadcast %and3A_2391 : i32 to vector<16xi32>
      %and3A_2393 = arith.andi %broadcast_in_dim3A_2320, %and3A_2392 : vector<16xi32>
      %add3A_2394 = arith.addi %mul3A_2390, %and3A_2393 : vector<16xi32>
      %gather3A_2395 = tpu.vector_load_idx %arg26[%add3A_2394] : memref<4096xf32, #tpu.memory_space<vmem>>[vector<16xi32>], vector<16xf32>,
      %gather3A_2396 = tpu.vector_load_idx %arg24[%add3A_2377, %broadcast_in_dim3A_2320] : memref<64x128xf32, #tpu.memory_space<vmem>>[vector<16xi32>, vector<16xi32>], vector<16xf32>,
      %select_n3A_2397 = arith.select %broadcast_in_dim3A_2322, %gather3A_2395, %gather3A_2396 : vector<16xi1>, vector<16xf32>
      %mul3A_2398 = arith.mulf %select_n3A_2387, %select_n3A_2397 : vector<16xf32>
      %add3A_2399 = arith.addf %add3A_2374, %mul3A_2398 : vector<16xf32>
      %add3A_2400 = arith.constant 48 : i32
      %add3A_2401 = vector.broadcast %add3A_2400 : i32 to vector<16xi32>
      %add3A_2402 = arith.addi %add3A_2401, %iota3A : vector<16xi32>
      %mul3A_2403 = arith.constant 64 : i32
      %mul3A_2404 = vector.broadcast %mul3A_2403 : i32 to vector<16xi32>
      %mul3A_2405 = arith.muli %add3A_2402, %mul3A_2404 : vector<16xi32>
      %and3A_2406 = arith.constant 63 : i32
      %and3A_2407 = vector.broadcast %and3A_2406 : i32 to vector<16xi32>
      %and3A_2408 = arith.andi %broadcast_in_dim3A_2319, %and3A_2407 : vector<16xi32>
      %add3A_2409 = arith.addi %mul3A_2405, %and3A_2408 : vector<16xi32>
      %gather3A_2410 = tpu.vector_load_idx %arg25[%add3A_2409] : memref<4096xf32, #tpu.memory_space<vmem>>[vector<16xi32>], vector<16xf32>,
      %gather3A_2411 = tpu.vector_load_idx %arg20[%add3A_2402, %broadcast_in_dim3A_2319] : memref<64x128xf32, #tpu.memory_space<vmem>>[vector<16xi32>, vector<16xi32>], vector<16xf32>,
      %select_n3A_2412 = arith.select %broadcast_in_dim3A_2321, %gather3A_2410, %gather3A_2411 : vector<16xi1>, vector<16xf32>
      %mul3A_2413 = arith.constant 64 : i32
      %mul3A_2414 = vector.broadcast %mul3A_2413 : i32 to vector<16xi32>
      %mul3A_2415 = arith.muli %add3A_2402, %mul3A_2414 : vector<16xi32>
      %and3A_2416 = arith.constant 63 : i32
      %and3A_2417 = vector.broadcast %and3A_2416 : i32 to vector<16xi32>
      %and3A_2418 = arith.andi %broadcast_in_dim3A_2320, %and3A_2417 : vector<16xi32>
      %add3A_2419 = arith.addi %mul3A_2415, %and3A_2418 : vector<16xi32>
      %gather3A_2420 = tpu.vector_load_idx %arg26[%add3A_2419] : memref<4096xf32, #tpu.memory_space<vmem>>[vector<16xi32>], vector<16xf32>,
      %gather3A_2421 = tpu.vector_load_idx %arg24[%add3A_2402, %broadcast_in_dim3A_2320] : memref<64x128xf32, #tpu.memory_space<vmem>>[vector<16xi32>, vector<16xi32>], vector<16xf32>,
      %select_n3A_2422 = arith.select %broadcast_in_dim3A_2322, %gather3A_2420, %gather3A_2421 : vector<16xi1>, vector<16xf32>
      %mul3A_2423 = arith.mulf %select_n3A_2412, %select_n3A_2422 : vector<16xf32>
      %add3A_2424 = arith.addf %add3A_2399, %mul3A_2423 : vector<16xf32>
      %swap3A_2425 = arith.constant 176 : index
      %swap3A_2426 = tpu.vector_load %arg27[%swap3A_2425] {strides = array<i32>} : memref<256xf32, #tpu.memory_space<vmem>>, vector<16xf32>,
      tpu.vector_store %arg27[%swap3A_2425], %add3A_2424 {strides = array<i32>} : memref<256xf32, #tpu.memory_space<vmem>>, vector<16xf32>,
      %add3A_2427 = arith.constant 4 : i32
      %add3A_2428 = arith.addi %add3A_2280, %add3A_2427 : i32
      %get3A_2429 = arith.index_cast %add3A_2428 : i32 to index
      %get3A_2430 = tpu.vector_load %arg13[%get3A_2429] {strides = array<i32>} : memref<544xi32, #tpu.memory_space<vmem>>, vector<16xi32>,
      %slice3A_2431 = vector.extract_strided_slice %get3A_2430 {offsets = [0], sizes = [1], strides = [1]} : vector<16xi32> to vector<1xi32>
      %squeeze3A_2432 = vector.extract %slice3A_2431[0] : i32 from vector<1xi32>
      %get3A_2433 = arith.index_cast %add3A_2428 : i32 to index
      %get3A_2434 = tpu.vector_load %arg14[%get3A_2433] {strides = array<i32>} : memref<544xi32, #tpu.memory_space<vmem>>, vector<16xi32>,
      %slice3A_2435 = vector.extract_strided_slice %get3A_2434 {offsets = [0], sizes = [1], strides = [1]} : vector<16xi32> to vector<1xi32>
      %squeeze3A_2436 = vector.extract %slice3A_2435[0] : i32 from vector<1xi32>
      %add3A_2437 = arith.addi %squeeze3A_2432, %squeeze3A_2432 : i32
      %ge3A_2438 = arith.constant 999936 : i32
      %ge3A_2439 = arith.cmpi sge, %add3A_2437, %ge3A_2438 : i32
      %shift_right_logical3A_2440 = arith.constant 6 : i32
      %shift_right_logical3A_2441 = arith.shrui %squeeze3A_2432, %shift_right_logical3A_2440 : i32
      %jit3A_2442 = arith.constant 0 : i32
      %select_n3A_2443 = arith.select %ge3A_2439, %jit3A_2442, %shift_right_logical3A_2441 : i32
      %ge3A_2444 = arith.constant 999936 : i32
      %ge3A_2445 = arith.cmpi sge, %squeeze3A_2436, %ge3A_2444 : i32
      %shift_right_logical3A_2446 = arith.constant 7 : i32
      %shift_right_logical3A_2447 = arith.shrui %squeeze3A_2436, %shift_right_logical3A_2446 : i32
      %jit3A_2448 = arith.constant 0 : i32
      %select_n3A_2449 = arith.select %ge3A_2445, %jit3A_2448, %shift_right_logical3A_2447 : i32
      %mul3A_2450 = arith.constant 128 : i32
      %mul3A_2451 = arith.muli %select_n3A_2443, %mul3A_2450 : i32
      %multiple_of3A_2452 = tpu.assume_multiple %mul3A_2451, 128 : i32
      %mul3A_2453 = arith.constant 128 : i32
      %mul3A_2454 = arith.muli %select_n3A_2449, %mul3A_2453 : i32
      %multiple_of3A_2455 = tpu.assume_multiple %mul3A_2454, 128 : i32
      %dma_start3A_2456 = arith.constant 0 : i32
      %dma_start3A_2457 = tpu.memref_slice %arg4[%dma_start3A_2456, %multiple_of3A_2452] : memref<64x1000000xf32, #tpu.memory_space<hbm>> -> memref<64x128xf32, #tpu.memory_space<hbm>>
      %dma_start3A_2458 = arith.constant 0 : i32
      %dma_start3A_2459 = tpu.memref_slice %arg4[%dma_start3A_2458, %multiple_of3A_2452] : memref<64x1000000xf32, #tpu.memory_space<hbm>> -> memref<64x128xf32, #tpu.memory_space<hbm>>
      tpu.enqueue_dma source(%dma_start3A_2459 : memref<64x128xf32, #tpu.memory_space<hbm>>) target(%arg20 : memref<64x128xf32, #tpu.memory_space<vmem>>) target_semaphore(%arg36 : memref<!tpu.dma_semaphore, #tpu.memory_space<semaphore_mem>>)
      %dma_start3A_2460 = arith.constant 0 : i32
      %dma_start3A_2461 = tpu.memref_slice %arg5[%dma_start3A_2460, %multiple_of3A_2455] : memref<64x1000000xf32, #tpu.memory_space<hbm>> -> memref<64x128xf32, #tpu.memory_space<hbm>>
      %dma_start3A_2462 = arith.constant 0 : i32
      %dma_start3A_2463 = tpu.memref_slice %arg5[%dma_start3A_2462, %multiple_of3A_2455] : memref<64x1000000xf32, #tpu.memory_space<hbm>> -> memref<64x128xf32, #tpu.memory_space<hbm>>
      tpu.enqueue_dma source(%dma_start3A_2463 : memref<64x128xf32, #tpu.memory_space<hbm>>) target(%arg24 : memref<64x128xf32, #tpu.memory_space<vmem>>) target_semaphore(%arg40 : memref<!tpu.dma_semaphore, #tpu.memory_space<semaphore_mem>>)
      %mul3A_2464 = arith.constant 16 : i32
      %mul3A_2465 = arith.muli %scan3A_222, %mul3A_2464 : i32
      %add3A_2466 = arith.constant 12 : i32
      %add3A_2467 = arith.addi %mul3A_2465, %add3A_2466 : i32
      %dma_wait3A_2468 = arith.constant 0 : i32
      %dma_wait3A_2469 = arith.constant 0 : i32
      %dma_wait3A_2470 = tpu.memref_slice %arg4[%dma_wait3A_2468, %dma_wait3A_2469] : memref<64x1000000xf32, #tpu.memory_space<hbm>> -> memref<64x128xf32, #tpu.memory_space<hbm>>
      %dma_wait3A_2471 = arith.constant 0 : i32
      %dma_wait3A_2472 = arith.constant 0 : i32
      %dma_wait3A_2473 = tpu.memref_slice %arg4[%dma_wait3A_2471, %dma_wait3A_2472] : memref<64x1000000xf32, #tpu.memory_space<hbm>> -> memref<64x128xf32, #tpu.memory_space<hbm>>
      tpu.wait_dma2 semaphore(%arg33 : memref<!tpu.dma_semaphore, #tpu.memory_space<semaphore_mem>>) src(%dma_wait3A_2473 : memref<64x128xf32, #tpu.memory_space<hbm>>) dst(%arg17 : memref<64x128xf32, #tpu.memory_space<vmem>>)
      %dma_wait3A_2474 = arith.constant 0 : i32
      %dma_wait3A_2475 = arith.constant 0 : i32
      %dma_wait3A_2476 = tpu.memref_slice %arg5[%dma_wait3A_2474, %dma_wait3A_2475] : memref<64x1000000xf32, #tpu.memory_space<hbm>> -> memref<64x128xf32, #tpu.memory_space<hbm>>
      %dma_wait3A_2477 = arith.constant 0 : i32
      %dma_wait3A_2478 = arith.constant 0 : i32
      %dma_wait3A_2479 = tpu.memref_slice %arg5[%dma_wait3A_2477, %dma_wait3A_2478] : memref<64x1000000xf32, #tpu.memory_space<hbm>> -> memref<64x128xf32, #tpu.memory_space<hbm>>
      tpu.wait_dma2 semaphore(%arg37 : memref<!tpu.dma_semaphore, #tpu.memory_space<semaphore_mem>>) src(%dma_wait3A_2479 : memref<64x128xf32, #tpu.memory_space<hbm>>) dst(%arg21 : memref<64x128xf32, #tpu.memory_space<vmem>>)
      %get3A_2480 = arith.index_cast %add3A_2467 : i32 to index
      %get3A_2481 = tpu.vector_load %arg13[%get3A_2480] {strides = array<i32>} : memref<544xi32, #tpu.memory_space<vmem>>, vector<16xi32>,
      %slice3A_2482 = vector.extract_strided_slice %get3A_2481 {offsets = [0], sizes = [1], strides = [1]} : vector<16xi32> to vector<1xi32>
      %squeeze3A_2483 = vector.extract %slice3A_2482[0] : i32 from vector<1xi32>
      %get3A_2484 = arith.index_cast %add3A_2467 : i32 to index
      %get3A_2485 = tpu.vector_load %arg14[%get3A_2484] {strides = array<i32>} : memref<544xi32, #tpu.memory_space<vmem>>, vector<16xi32>,
      %slice3A_2486 = vector.extract_strided_slice %get3A_2485 {offsets = [0], sizes = [1], strides = [1]} : vector<16xi32> to vector<1xi32>
      %squeeze3A_2487 = vector.extract %slice3A_2486[0] : i32 from vector<1xi32>
      %add3A_2488 = arith.addi %squeeze3A_2483, %squeeze3A_2483 : i32
      %ge3A_2489 = arith.constant 999936 : i32
      %ge3A_2490 = arith.cmpi sge, %add3A_2488, %ge3A_2489 : i32
      %ge3A_2491 = arith.constant 999936 : i32
      %ge3A_2492 = arith.cmpi sge, %squeeze3A_2487, %ge3A_2491 : i32
      %add3A_2493 = arith.addi %squeeze3A_2483, %squeeze3A_2483 : i32
      %sub3A_2494 = arith.constant 999936 : i32
      %sub3A_2495 = arith.subi %add3A_2493, %sub3A_2494 : i32
      %and3A_2496 = arith.constant 63 : i32
      %and3A_2497 = arith.andi %squeeze3A_2483, %and3A_2496 : i32
      %mul3A_2498 = arith.constant 2 : i32
      %mul3A_2499 = arith.muli %and3A_2497, %mul3A_2498 : i32
      %select_n3A_2500 = arith.select %ge3A_2490, %sub3A_2495, %mul3A_2499 : i32
      %sub3A_2501 = arith.constant 999936 : i32
      %sub3A_2502 = arith.subi %squeeze3A_2487, %sub3A_2501 : i32
      %and3A_2503 = arith.constant 127 : i32
      %and3A_2504 = arith.andi %squeeze3A_2487, %and3A_2503 : i32
      %select_n3A_2505 = arith.select %ge3A_2492, %sub3A_2502, %and3A_2504 : i32
      %broadcast_in_dim3A_2506 = vector.broadcast %select_n3A_2500 : i32 to vector<16xi32>
      %broadcast_in_dim3A_2507 = vector.broadcast %select_n3A_2505 : i32 to vector<16xi32>
      %broadcast_in_dim3A_2508 = vector.broadcast %ge3A_2490 : i1 to vector<16xi1>
      %broadcast_in_dim3A_2509 = vector.broadcast %ge3A_2492 : i1 to vector<16xi1>
      %broadcast_in_dim3A_2510 = arith.constant 0.000000e+00 : f32
      %broadcast_in_dim3A_2511 = vector.broadcast %broadcast_in_dim3A_2510 : f32 to vector<16xf32>
      %add3A_2512 = arith.constant 0 : i32
      %add3A_2513 = vector.broadcast %add3A_2512 : i32 to vector<16xi32>
      %add3A_2514 = arith.addi %add3A_2513, %iota3A : vector<16xi32>
      %mul3A_2515 = arith.constant 64 : i32
      %mul3A_2516 = vector.broadcast %mul3A_2515 : i32 to vector<16xi32>
      %mul3A_2517 = arith.muli %add3A_2514, %mul3A_2516 : vector<16xi32>
      %and3A_2518 = arith.constant 63 : i32
      %and3A_2519 = vector.broadcast %and3A_2518 : i32 to vector<16xi32>
      %and3A_2520 = arith.andi %broadcast_in_dim3A_2506, %and3A_2519 : vector<16xi32>
      %add3A_2521 = arith.addi %mul3A_2517, %and3A_2520 : vector<16xi32>
      %gather3A_2522 = tpu.vector_load_idx %arg25[%add3A_2521] : memref<4096xf32, #tpu.memory_space<vmem>>[vector<16xi32>], vector<16xf32>,
      %gather3A_2523 = tpu.vector_load_idx %arg17[%add3A_2514, %broadcast_in_dim3A_2506] : memref<64x128xf32, #tpu.memory_space<vmem>>[vector<16xi32>, vector<16xi32>], vector<16xf32>,
      %select_n3A_2524 = arith.select %broadcast_in_dim3A_2508, %gather3A_2522, %gather3A_2523 : vector<16xi1>, vector<16xf32>
      %mul3A_2525 = arith.constant 64 : i32
      %mul3A_2526 = vector.broadcast %mul3A_2525 : i32 to vector<16xi32>
      %mul3A_2527 = arith.muli %add3A_2514, %mul3A_2526 : vector<16xi32>
      %and3A_2528 = arith.constant 63 : i32
      %and3A_2529 = vector.broadcast %and3A_2528 : i32 to vector<16xi32>
      %and3A_2530 = arith.andi %broadcast_in_dim3A_2507, %and3A_2529 : vector<16xi32>
      %add3A_2531 = arith.addi %mul3A_2527, %and3A_2530 : vector<16xi32>
      %gather3A_2532 = tpu.vector_load_idx %arg26[%add3A_2531] : memref<4096xf32, #tpu.memory_space<vmem>>[vector<16xi32>], vector<16xf32>,
      %gather3A_2533 = tpu.vector_load_idx %arg21[%add3A_2514, %broadcast_in_dim3A_2507] : memref<64x128xf32, #tpu.memory_space<vmem>>[vector<16xi32>, vector<16xi32>], vector<16xf32>,
      %select_n3A_2534 = arith.select %broadcast_in_dim3A_2509, %gather3A_2532, %gather3A_2533 : vector<16xi1>, vector<16xf32>
      %mul3A_2535 = arith.mulf %select_n3A_2524, %select_n3A_2534 : vector<16xf32>
      %add3A_2536 = arith.addf %broadcast_in_dim3A_2511, %mul3A_2535 : vector<16xf32>
      %add3A_2537 = arith.constant 16 : i32
      %add3A_2538 = vector.broadcast %add3A_2537 : i32 to vector<16xi32>
      %add3A_2539 = arith.addi %add3A_2538, %iota3A : vector<16xi32>
      %mul3A_2540 = arith.constant 64 : i32
      %mul3A_2541 = vector.broadcast %mul3A_2540 : i32 to vector<16xi32>
      %mul3A_2542 = arith.muli %add3A_2539, %mul3A_2541 : vector<16xi32>
      %and3A_2543 = arith.constant 63 : i32
      %and3A_2544 = vector.broadcast %and3A_2543 : i32 to vector<16xi32>
      %and3A_2545 = arith.andi %broadcast_in_dim3A_2506, %and3A_2544 : vector<16xi32>
      %add3A_2546 = arith.addi %mul3A_2542, %and3A_2545 : vector<16xi32>
      %gather3A_2547 = tpu.vector_load_idx %arg25[%add3A_2546] : memref<4096xf32, #tpu.memory_space<vmem>>[vector<16xi32>], vector<16xf32>,
      %gather3A_2548 = tpu.vector_load_idx %arg17[%add3A_2539, %broadcast_in_dim3A_2506] : memref<64x128xf32, #tpu.memory_space<vmem>>[vector<16xi32>, vector<16xi32>], vector<16xf32>,
      %select_n3A_2549 = arith.select %broadcast_in_dim3A_2508, %gather3A_2547, %gather3A_2548 : vector<16xi1>, vector<16xf32>
      %mul3A_2550 = arith.constant 64 : i32
      %mul3A_2551 = vector.broadcast %mul3A_2550 : i32 to vector<16xi32>
      %mul3A_2552 = arith.muli %add3A_2539, %mul3A_2551 : vector<16xi32>
      %and3A_2553 = arith.constant 63 : i32
      %and3A_2554 = vector.broadcast %and3A_2553 : i32 to vector<16xi32>
      %and3A_2555 = arith.andi %broadcast_in_dim3A_2507, %and3A_2554 : vector<16xi32>
      %add3A_2556 = arith.addi %mul3A_2552, %and3A_2555 : vector<16xi32>
      %gather3A_2557 = tpu.vector_load_idx %arg26[%add3A_2556] : memref<4096xf32, #tpu.memory_space<vmem>>[vector<16xi32>], vector<16xf32>,
      %gather3A_2558 = tpu.vector_load_idx %arg21[%add3A_2539, %broadcast_in_dim3A_2507] : memref<64x128xf32, #tpu.memory_space<vmem>>[vector<16xi32>, vector<16xi32>], vector<16xf32>,
      %select_n3A_2559 = arith.select %broadcast_in_dim3A_2509, %gather3A_2557, %gather3A_2558 : vector<16xi1>, vector<16xf32>
      %mul3A_2560 = arith.mulf %select_n3A_2549, %select_n3A_2559 : vector<16xf32>
      %add3A_2561 = arith.addf %add3A_2536, %mul3A_2560 : vector<16xf32>
      %add3A_2562 = arith.constant 32 : i32
      %add3A_2563 = vector.broadcast %add3A_2562 : i32 to vector<16xi32>
      %add3A_2564 = arith.addi %add3A_2563, %iota3A : vector<16xi32>
      %mul3A_2565 = arith.constant 64 : i32
      %mul3A_2566 = vector.broadcast %mul3A_2565 : i32 to vector<16xi32>
      %mul3A_2567 = arith.muli %add3A_2564, %mul3A_2566 : vector<16xi32>
      %and3A_2568 = arith.constant 63 : i32
      %and3A_2569 = vector.broadcast %and3A_2568 : i32 to vector<16xi32>
      %and3A_2570 = arith.andi %broadcast_in_dim3A_2506, %and3A_2569 : vector<16xi32>
      %add3A_2571 = arith.addi %mul3A_2567, %and3A_2570 : vector<16xi32>
      %gather3A_2572 = tpu.vector_load_idx %arg25[%add3A_2571] : memref<4096xf32, #tpu.memory_space<vmem>>[vector<16xi32>], vector<16xf32>,
      %gather3A_2573 = tpu.vector_load_idx %arg17[%add3A_2564, %broadcast_in_dim3A_2506] : memref<64x128xf32, #tpu.memory_space<vmem>>[vector<16xi32>, vector<16xi32>], vector<16xf32>,
      %select_n3A_2574 = arith.select %broadcast_in_dim3A_2508, %gather3A_2572, %gather3A_2573 : vector<16xi1>, vector<16xf32>
      %mul3A_2575 = arith.constant 64 : i32
      %mul3A_2576 = vector.broadcast %mul3A_2575 : i32 to vector<16xi32>
      %mul3A_2577 = arith.muli %add3A_2564, %mul3A_2576 : vector<16xi32>
      %and3A_2578 = arith.constant 63 : i32
      %and3A_2579 = vector.broadcast %and3A_2578 : i32 to vector<16xi32>
      %and3A_2580 = arith.andi %broadcast_in_dim3A_2507, %and3A_2579 : vector<16xi32>
      %add3A_2581 = arith.addi %mul3A_2577, %and3A_2580 : vector<16xi32>
      %gather3A_2582 = tpu.vector_load_idx %arg26[%add3A_2581] : memref<4096xf32, #tpu.memory_space<vmem>>[vector<16xi32>], vector<16xf32>,
      %gather3A_2583 = tpu.vector_load_idx %arg21[%add3A_2564, %broadcast_in_dim3A_2507] : memref<64x128xf32, #tpu.memory_space<vmem>>[vector<16xi32>, vector<16xi32>], vector<16xf32>,
      %select_n3A_2584 = arith.select %broadcast_in_dim3A_2509, %gather3A_2582, %gather3A_2583 : vector<16xi1>, vector<16xf32>
      %mul3A_2585 = arith.mulf %select_n3A_2574, %select_n3A_2584 : vector<16xf32>
      %add3A_2586 = arith.addf %add3A_2561, %mul3A_2585 : vector<16xf32>
      %add3A_2587 = arith.constant 48 : i32
      %add3A_2588 = vector.broadcast %add3A_2587 : i32 to vector<16xi32>
      %add3A_2589 = arith.addi %add3A_2588, %iota3A : vector<16xi32>
      %mul3A_2590 = arith.constant 64 : i32
      %mul3A_2591 = vector.broadcast %mul3A_2590 : i32 to vector<16xi32>
      %mul3A_2592 = arith.muli %add3A_2589, %mul3A_2591 : vector<16xi32>
      %and3A_2593 = arith.constant 63 : i32
      %and3A_2594 = vector.broadcast %and3A_2593 : i32 to vector<16xi32>
      %and3A_2595 = arith.andi %broadcast_in_dim3A_2506, %and3A_2594 : vector<16xi32>
      %add3A_2596 = arith.addi %mul3A_2592, %and3A_2595 : vector<16xi32>
      %gather3A_2597 = tpu.vector_load_idx %arg25[%add3A_2596] : memref<4096xf32, #tpu.memory_space<vmem>>[vector<16xi32>], vector<16xf32>,
      %gather3A_2598 = tpu.vector_load_idx %arg17[%add3A_2589, %broadcast_in_dim3A_2506] : memref<64x128xf32, #tpu.memory_space<vmem>>[vector<16xi32>, vector<16xi32>], vector<16xf32>,
      %select_n3A_2599 = arith.select %broadcast_in_dim3A_2508, %gather3A_2597, %gather3A_2598 : vector<16xi1>, vector<16xf32>
      %mul3A_2600 = arith.constant 64 : i32
      %mul3A_2601 = vector.broadcast %mul3A_2600 : i32 to vector<16xi32>
      %mul3A_2602 = arith.muli %add3A_2589, %mul3A_2601 : vector<16xi32>
      %and3A_2603 = arith.constant 63 : i32
      %and3A_2604 = vector.broadcast %and3A_2603 : i32 to vector<16xi32>
      %and3A_2605 = arith.andi %broadcast_in_dim3A_2507, %and3A_2604 : vector<16xi32>
      %add3A_2606 = arith.addi %mul3A_2602, %and3A_2605 : vector<16xi32>
      %gather3A_2607 = tpu.vector_load_idx %arg26[%add3A_2606] : memref<4096xf32, #tpu.memory_space<vmem>>[vector<16xi32>], vector<16xf32>,
      %gather3A_2608 = tpu.vector_load_idx %arg21[%add3A_2589, %broadcast_in_dim3A_2507] : memref<64x128xf32, #tpu.memory_space<vmem>>[vector<16xi32>, vector<16xi32>], vector<16xf32>,
      %select_n3A_2609 = arith.select %broadcast_in_dim3A_2509, %gather3A_2607, %gather3A_2608 : vector<16xi1>, vector<16xf32>
      %mul3A_2610 = arith.mulf %select_n3A_2599, %select_n3A_2609 : vector<16xf32>
      %add3A_2611 = arith.addf %add3A_2586, %mul3A_2610 : vector<16xf32>
      %swap3A_2612 = arith.constant 192 : index
      %swap3A_2613 = tpu.vector_load %arg27[%swap3A_2612] {strides = array<i32>} : memref<256xf32, #tpu.memory_space<vmem>>, vector<16xf32>,
      tpu.vector_store %arg27[%swap3A_2612], %add3A_2611 {strides = array<i32>} : memref<256xf32, #tpu.memory_space<vmem>>, vector<16xf32>,
      %add3A_2614 = arith.constant 4 : i32
      %add3A_2615 = arith.addi %add3A_2467, %add3A_2614 : i32
      %get3A_2616 = arith.index_cast %add3A_2615 : i32 to index
      %get3A_2617 = tpu.vector_load %arg13[%get3A_2616] {strides = array<i32>} : memref<544xi32, #tpu.memory_space<vmem>>, vector<16xi32>,
      %slice3A_2618 = vector.extract_strided_slice %get3A_2617 {offsets = [0], sizes = [1], strides = [1]} : vector<16xi32> to vector<1xi32>
      %squeeze3A_2619 = vector.extract %slice3A_2618[0] : i32 from vector<1xi32>
      %get3A_2620 = arith.index_cast %add3A_2615 : i32 to index
      %get3A_2621 = tpu.vector_load %arg14[%get3A_2620] {strides = array<i32>} : memref<544xi32, #tpu.memory_space<vmem>>, vector<16xi32>,
      %slice3A_2622 = vector.extract_strided_slice %get3A_2621 {offsets = [0], sizes = [1], strides = [1]} : vector<16xi32> to vector<1xi32>
      %squeeze3A_2623 = vector.extract %slice3A_2622[0] : i32 from vector<1xi32>
      %add3A_2624 = arith.addi %squeeze3A_2619, %squeeze3A_2619 : i32
      %ge3A_2625 = arith.constant 999936 : i32
      %ge3A_2626 = arith.cmpi sge, %add3A_2624, %ge3A_2625 : i32
      %shift_right_logical3A_2627 = arith.constant 6 : i32
      %shift_right_logical3A_2628 = arith.shrui %squeeze3A_2619, %shift_right_logical3A_2627 : i32
      %jit3A_2629 = arith.constant 0 : i32
      %select_n3A_2630 = arith.select %ge3A_2626, %jit3A_2629, %shift_right_logical3A_2628 : i32
      %ge3A_2631 = arith.constant 999936 : i32
      %ge3A_2632 = arith.cmpi sge, %squeeze3A_2623, %ge3A_2631 : i32
      %shift_right_logical3A_2633 = arith.constant 7 : i32
      %shift_right_logical3A_2634 = arith.shrui %squeeze3A_2623, %shift_right_logical3A_2633 : i32
      %jit3A_2635 = arith.constant 0 : i32
      %select_n3A_2636 = arith.select %ge3A_2632, %jit3A_2635, %shift_right_logical3A_2634 : i32
      %mul3A_2637 = arith.constant 128 : i32
      %mul3A_2638 = arith.muli %select_n3A_2630, %mul3A_2637 : i32
      %multiple_of3A_2639 = tpu.assume_multiple %mul3A_2638, 128 : i32
      %mul3A_2640 = arith.constant 128 : i32
      %mul3A_2641 = arith.muli %select_n3A_2636, %mul3A_2640 : i32
      %multiple_of3A_2642 = tpu.assume_multiple %mul3A_2641, 128 : i32
      %dma_start3A_2643 = arith.constant 0 : i32
      %dma_start3A_2644 = tpu.memref_slice %arg4[%dma_start3A_2643, %multiple_of3A_2639] : memref<64x1000000xf32, #tpu.memory_space<hbm>> -> memref<64x128xf32, #tpu.memory_space<hbm>>
      %dma_start3A_2645 = arith.constant 0 : i32
      %dma_start3A_2646 = tpu.memref_slice %arg4[%dma_start3A_2645, %multiple_of3A_2639] : memref<64x1000000xf32, #tpu.memory_space<hbm>> -> memref<64x128xf32, #tpu.memory_space<hbm>>
      tpu.enqueue_dma source(%dma_start3A_2646 : memref<64x128xf32, #tpu.memory_space<hbm>>) target(%arg17 : memref<64x128xf32, #tpu.memory_space<vmem>>) target_semaphore(%arg33 : memref<!tpu.dma_semaphore, #tpu.memory_space<semaphore_mem>>)
      %dma_start3A_2647 = arith.constant 0 : i32
      %dma_start3A_2648 = tpu.memref_slice %arg5[%dma_start3A_2647, %multiple_of3A_2642] : memref<64x1000000xf32, #tpu.memory_space<hbm>> -> memref<64x128xf32, #tpu.memory_space<hbm>>
      %dma_start3A_2649 = arith.constant 0 : i32
      %dma_start3A_2650 = tpu.memref_slice %arg5[%dma_start3A_2649, %multiple_of3A_2642] : memref<64x1000000xf32, #tpu.memory_space<hbm>> -> memref<64x128xf32, #tpu.memory_space<hbm>>
      tpu.enqueue_dma source(%dma_start3A_2650 : memref<64x128xf32, #tpu.memory_space<hbm>>) target(%arg21 : memref<64x128xf32, #tpu.memory_space<vmem>>) target_semaphore(%arg37 : memref<!tpu.dma_semaphore, #tpu.memory_space<semaphore_mem>>)
      %mul3A_2651 = arith.constant 16 : i32
      %mul3A_2652 = arith.muli %scan3A_222, %mul3A_2651 : i32
      %add3A_2653 = arith.constant 13 : i32
      %add3A_2654 = arith.addi %mul3A_2652, %add3A_2653 : i32
      %dma_wait3A_2655 = arith.constant 0 : i32
      %dma_wait3A_2656 = arith.constant 0 : i32
      %dma_wait3A_2657 = tpu.memref_slice %arg4[%dma_wait3A_2655, %dma_wait3A_2656] : memref<64x1000000xf32, #tpu.memory_space<hbm>> -> memref<64x128xf32, #tpu.memory_space<hbm>>
      %dma_wait3A_2658 = arith.constant 0 : i32
      %dma_wait3A_2659 = arith.constant 0 : i32
      %dma_wait3A_2660 = tpu.memref_slice %arg4[%dma_wait3A_2658, %dma_wait3A_2659] : memref<64x1000000xf32, #tpu.memory_space<hbm>> -> memref<64x128xf32, #tpu.memory_space<hbm>>
      tpu.wait_dma2 semaphore(%arg34 : memref<!tpu.dma_semaphore, #tpu.memory_space<semaphore_mem>>) src(%dma_wait3A_2660 : memref<64x128xf32, #tpu.memory_space<hbm>>) dst(%arg18 : memref<64x128xf32, #tpu.memory_space<vmem>>)
      %dma_wait3A_2661 = arith.constant 0 : i32
      %dma_wait3A_2662 = arith.constant 0 : i32
      %dma_wait3A_2663 = tpu.memref_slice %arg5[%dma_wait3A_2661, %dma_wait3A_2662] : memref<64x1000000xf32, #tpu.memory_space<hbm>> -> memref<64x128xf32, #tpu.memory_space<hbm>>
      %dma_wait3A_2664 = arith.constant 0 : i32
      %dma_wait3A_2665 = arith.constant 0 : i32
      %dma_wait3A_2666 = tpu.memref_slice %arg5[%dma_wait3A_2664, %dma_wait3A_2665] : memref<64x1000000xf32, #tpu.memory_space<hbm>> -> memref<64x128xf32, #tpu.memory_space<hbm>>
      tpu.wait_dma2 semaphore(%arg38 : memref<!tpu.dma_semaphore, #tpu.memory_space<semaphore_mem>>) src(%dma_wait3A_2666 : memref<64x128xf32, #tpu.memory_space<hbm>>) dst(%arg22 : memref<64x128xf32, #tpu.memory_space<vmem>>)
      %get3A_2667 = arith.index_cast %add3A_2654 : i32 to index
      %get3A_2668 = tpu.vector_load %arg13[%get3A_2667] {strides = array<i32>} : memref<544xi32, #tpu.memory_space<vmem>>, vector<16xi32>,
      %slice3A_2669 = vector.extract_strided_slice %get3A_2668 {offsets = [0], sizes = [1], strides = [1]} : vector<16xi32> to vector<1xi32>
      %squeeze3A_2670 = vector.extract %slice3A_2669[0] : i32 from vector<1xi32>
      %get3A_2671 = arith.index_cast %add3A_2654 : i32 to index
      %get3A_2672 = tpu.vector_load %arg14[%get3A_2671] {strides = array<i32>} : memref<544xi32, #tpu.memory_space<vmem>>, vector<16xi32>,
      %slice3A_2673 = vector.extract_strided_slice %get3A_2672 {offsets = [0], sizes = [1], strides = [1]} : vector<16xi32> to vector<1xi32>
      %squeeze3A_2674 = vector.extract %slice3A_2673[0] : i32 from vector<1xi32>
      %add3A_2675 = arith.addi %squeeze3A_2670, %squeeze3A_2670 : i32
      %ge3A_2676 = arith.constant 999936 : i32
      %ge3A_2677 = arith.cmpi sge, %add3A_2675, %ge3A_2676 : i32
      %ge3A_2678 = arith.constant 999936 : i32
      %ge3A_2679 = arith.cmpi sge, %squeeze3A_2674, %ge3A_2678 : i32
      %add3A_2680 = arith.addi %squeeze3A_2670, %squeeze3A_2670 : i32
      %sub3A_2681 = arith.constant 999936 : i32
      %sub3A_2682 = arith.subi %add3A_2680, %sub3A_2681 : i32
      %and3A_2683 = arith.constant 63 : i32
      %and3A_2684 = arith.andi %squeeze3A_2670, %and3A_2683 : i32
      %mul3A_2685 = arith.constant 2 : i32
      %mul3A_2686 = arith.muli %and3A_2684, %mul3A_2685 : i32
      %select_n3A_2687 = arith.select %ge3A_2677, %sub3A_2682, %mul3A_2686 : i32
      %sub3A_2688 = arith.constant 999936 : i32
      %sub3A_2689 = arith.subi %squeeze3A_2674, %sub3A_2688 : i32
      %and3A_2690 = arith.constant 127 : i32
      %and3A_2691 = arith.andi %squeeze3A_2674, %and3A_2690 : i32
      %select_n3A_2692 = arith.select %ge3A_2679, %sub3A_2689, %and3A_2691 : i32
      %broadcast_in_dim3A_2693 = vector.broadcast %select_n3A_2687 : i32 to vector<16xi32>
      %broadcast_in_dim3A_2694 = vector.broadcast %select_n3A_2692 : i32 to vector<16xi32>
      %broadcast_in_dim3A_2695 = vector.broadcast %ge3A_2677 : i1 to vector<16xi1>
      %broadcast_in_dim3A_2696 = vector.broadcast %ge3A_2679 : i1 to vector<16xi1>
      %broadcast_in_dim3A_2697 = arith.constant 0.000000e+00 : f32
      %broadcast_in_dim3A_2698 = vector.broadcast %broadcast_in_dim3A_2697 : f32 to vector<16xf32>
      %add3A_2699 = arith.constant 0 : i32
      %add3A_2700 = vector.broadcast %add3A_2699 : i32 to vector<16xi32>
      %add3A_2701 = arith.addi %add3A_2700, %iota3A : vector<16xi32>
      %mul3A_2702 = arith.constant 64 : i32
      %mul3A_2703 = vector.broadcast %mul3A_2702 : i32 to vector<16xi32>
      %mul3A_2704 = arith.muli %add3A_2701, %mul3A_2703 : vector<16xi32>
      %and3A_2705 = arith.constant 63 : i32
      %and3A_2706 = vector.broadcast %and3A_2705 : i32 to vector<16xi32>
      %and3A_2707 = arith.andi %broadcast_in_dim3A_2693, %and3A_2706 : vector<16xi32>
      %add3A_2708 = arith.addi %mul3A_2704, %and3A_2707 : vector<16xi32>
      %gather3A_2709 = tpu.vector_load_idx %arg25[%add3A_2708] : memref<4096xf32, #tpu.memory_space<vmem>>[vector<16xi32>], vector<16xf32>,
      %gather3A_2710 = tpu.vector_load_idx %arg18[%add3A_2701, %broadcast_in_dim3A_2693] : memref<64x128xf32, #tpu.memory_space<vmem>>[vector<16xi32>, vector<16xi32>], vector<16xf32>,
      %select_n3A_2711 = arith.select %broadcast_in_dim3A_2695, %gather3A_2709, %gather3A_2710 : vector<16xi1>, vector<16xf32>
      %mul3A_2712 = arith.constant 64 : i32
      %mul3A_2713 = vector.broadcast %mul3A_2712 : i32 to vector<16xi32>
      %mul3A_2714 = arith.muli %add3A_2701, %mul3A_2713 : vector<16xi32>
      %and3A_2715 = arith.constant 63 : i32
      %and3A_2716 = vector.broadcast %and3A_2715 : i32 to vector<16xi32>
      %and3A_2717 = arith.andi %broadcast_in_dim3A_2694, %and3A_2716 : vector<16xi32>
      %add3A_2718 = arith.addi %mul3A_2714, %and3A_2717 : vector<16xi32>
      %gather3A_2719 = tpu.vector_load_idx %arg26[%add3A_2718] : memref<4096xf32, #tpu.memory_space<vmem>>[vector<16xi32>], vector<16xf32>,
      %gather3A_2720 = tpu.vector_load_idx %arg22[%add3A_2701, %broadcast_in_dim3A_2694] : memref<64x128xf32, #tpu.memory_space<vmem>>[vector<16xi32>, vector<16xi32>], vector<16xf32>,
      %select_n3A_2721 = arith.select %broadcast_in_dim3A_2696, %gather3A_2719, %gather3A_2720 : vector<16xi1>, vector<16xf32>
      %mul3A_2722 = arith.mulf %select_n3A_2711, %select_n3A_2721 : vector<16xf32>
      %add3A_2723 = arith.addf %broadcast_in_dim3A_2698, %mul3A_2722 : vector<16xf32>
      %add3A_2724 = arith.constant 16 : i32
      %add3A_2725 = vector.broadcast %add3A_2724 : i32 to vector<16xi32>
      %add3A_2726 = arith.addi %add3A_2725, %iota3A : vector<16xi32>
      %mul3A_2727 = arith.constant 64 : i32
      %mul3A_2728 = vector.broadcast %mul3A_2727 : i32 to vector<16xi32>
      %mul3A_2729 = arith.muli %add3A_2726, %mul3A_2728 : vector<16xi32>
      %and3A_2730 = arith.constant 63 : i32
      %and3A_2731 = vector.broadcast %and3A_2730 : i32 to vector<16xi32>
      %and3A_2732 = arith.andi %broadcast_in_dim3A_2693, %and3A_2731 : vector<16xi32>
      %add3A_2733 = arith.addi %mul3A_2729, %and3A_2732 : vector<16xi32>
      %gather3A_2734 = tpu.vector_load_idx %arg25[%add3A_2733] : memref<4096xf32, #tpu.memory_space<vmem>>[vector<16xi32>], vector<16xf32>,
      %gather3A_2735 = tpu.vector_load_idx %arg18[%add3A_2726, %broadcast_in_dim3A_2693] : memref<64x128xf32, #tpu.memory_space<vmem>>[vector<16xi32>, vector<16xi32>], vector<16xf32>,
      %select_n3A_2736 = arith.select %broadcast_in_dim3A_2695, %gather3A_2734, %gather3A_2735 : vector<16xi1>, vector<16xf32>
      %mul3A_2737 = arith.constant 64 : i32
      %mul3A_2738 = vector.broadcast %mul3A_2737 : i32 to vector<16xi32>
      %mul3A_2739 = arith.muli %add3A_2726, %mul3A_2738 : vector<16xi32>
      %and3A_2740 = arith.constant 63 : i32
      %and3A_2741 = vector.broadcast %and3A_2740 : i32 to vector<16xi32>
      %and3A_2742 = arith.andi %broadcast_in_dim3A_2694, %and3A_2741 : vector<16xi32>
      %add3A_2743 = arith.addi %mul3A_2739, %and3A_2742 : vector<16xi32>
      %gather3A_2744 = tpu.vector_load_idx %arg26[%add3A_2743] : memref<4096xf32, #tpu.memory_space<vmem>>[vector<16xi32>], vector<16xf32>,
      %gather3A_2745 = tpu.vector_load_idx %arg22[%add3A_2726, %broadcast_in_dim3A_2694] : memref<64x128xf32, #tpu.memory_space<vmem>>[vector<16xi32>, vector<16xi32>], vector<16xf32>,
      %select_n3A_2746 = arith.select %broadcast_in_dim3A_2696, %gather3A_2744, %gather3A_2745 : vector<16xi1>, vector<16xf32>
      %mul3A_2747 = arith.mulf %select_n3A_2736, %select_n3A_2746 : vector<16xf32>
      %add3A_2748 = arith.addf %add3A_2723, %mul3A_2747 : vector<16xf32>
      %add3A_2749 = arith.constant 32 : i32
      %add3A_2750 = vector.broadcast %add3A_2749 : i32 to vector<16xi32>
      %add3A_2751 = arith.addi %add3A_2750, %iota3A : vector<16xi32>
      %mul3A_2752 = arith.constant 64 : i32
      %mul3A_2753 = vector.broadcast %mul3A_2752 : i32 to vector<16xi32>
      %mul3A_2754 = arith.muli %add3A_2751, %mul3A_2753 : vector<16xi32>
      %and3A_2755 = arith.constant 63 : i32
      %and3A_2756 = vector.broadcast %and3A_2755 : i32 to vector<16xi32>
      %and3A_2757 = arith.andi %broadcast_in_dim3A_2693, %and3A_2756 : vector<16xi32>
      %add3A_2758 = arith.addi %mul3A_2754, %and3A_2757 : vector<16xi32>
      %gather3A_2759 = tpu.vector_load_idx %arg25[%add3A_2758] : memref<4096xf32, #tpu.memory_space<vmem>>[vector<16xi32>], vector<16xf32>,
      %gather3A_2760 = tpu.vector_load_idx %arg18[%add3A_2751, %broadcast_in_dim3A_2693] : memref<64x128xf32, #tpu.memory_space<vmem>>[vector<16xi32>, vector<16xi32>], vector<16xf32>,
      %select_n3A_2761 = arith.select %broadcast_in_dim3A_2695, %gather3A_2759, %gather3A_2760 : vector<16xi1>, vector<16xf32>
      %mul3A_2762 = arith.constant 64 : i32
      %mul3A_2763 = vector.broadcast %mul3A_2762 : i32 to vector<16xi32>
      %mul3A_2764 = arith.muli %add3A_2751, %mul3A_2763 : vector<16xi32>
      %and3A_2765 = arith.constant 63 : i32
      %and3A_2766 = vector.broadcast %and3A_2765 : i32 to vector<16xi32>
      %and3A_2767 = arith.andi %broadcast_in_dim3A_2694, %and3A_2766 : vector<16xi32>
      %add3A_2768 = arith.addi %mul3A_2764, %and3A_2767 : vector<16xi32>
      %gather3A_2769 = tpu.vector_load_idx %arg26[%add3A_2768] : memref<4096xf32, #tpu.memory_space<vmem>>[vector<16xi32>], vector<16xf32>,
      %gather3A_2770 = tpu.vector_load_idx %arg22[%add3A_2751, %broadcast_in_dim3A_2694] : memref<64x128xf32, #tpu.memory_space<vmem>>[vector<16xi32>, vector<16xi32>], vector<16xf32>,
      %select_n3A_2771 = arith.select %broadcast_in_dim3A_2696, %gather3A_2769, %gather3A_2770 : vector<16xi1>, vector<16xf32>
      %mul3A_2772 = arith.mulf %select_n3A_2761, %select_n3A_2771 : vector<16xf32>
      %add3A_2773 = arith.addf %add3A_2748, %mul3A_2772 : vector<16xf32>
      %add3A_2774 = arith.constant 48 : i32
      %add3A_2775 = vector.broadcast %add3A_2774 : i32 to vector<16xi32>
      %add3A_2776 = arith.addi %add3A_2775, %iota3A : vector<16xi32>
      %mul3A_2777 = arith.constant 64 : i32
      %mul3A_2778 = vector.broadcast %mul3A_2777 : i32 to vector<16xi32>
      %mul3A_2779 = arith.muli %add3A_2776, %mul3A_2778 : vector<16xi32>
      %and3A_2780 = arith.constant 63 : i32
      %and3A_2781 = vector.broadcast %and3A_2780 : i32 to vector<16xi32>
      %and3A_2782 = arith.andi %broadcast_in_dim3A_2693, %and3A_2781 : vector<16xi32>
      %add3A_2783 = arith.addi %mul3A_2779, %and3A_2782 : vector<16xi32>
      %gather3A_2784 = tpu.vector_load_idx %arg25[%add3A_2783] : memref<4096xf32, #tpu.memory_space<vmem>>[vector<16xi32>], vector<16xf32>,
      %gather3A_2785 = tpu.vector_load_idx %arg18[%add3A_2776, %broadcast_in_dim3A_2693] : memref<64x128xf32, #tpu.memory_space<vmem>>[vector<16xi32>, vector<16xi32>], vector<16xf32>,
      %select_n3A_2786 = arith.select %broadcast_in_dim3A_2695, %gather3A_2784, %gather3A_2785 : vector<16xi1>, vector<16xf32>
      %mul3A_2787 = arith.constant 64 : i32
      %mul3A_2788 = vector.broadcast %mul3A_2787 : i32 to vector<16xi32>
      %mul3A_2789 = arith.muli %add3A_2776, %mul3A_2788 : vector<16xi32>
      %and3A_2790 = arith.constant 63 : i32
      %and3A_2791 = vector.broadcast %and3A_2790 : i32 to vector<16xi32>
      %and3A_2792 = arith.andi %broadcast_in_dim3A_2694, %and3A_2791 : vector<16xi32>
      %add3A_2793 = arith.addi %mul3A_2789, %and3A_2792 : vector<16xi32>
      %gather3A_2794 = tpu.vector_load_idx %arg26[%add3A_2793] : memref<4096xf32, #tpu.memory_space<vmem>>[vector<16xi32>], vector<16xf32>,
      %gather3A_2795 = tpu.vector_load_idx %arg22[%add3A_2776, %broadcast_in_dim3A_2694] : memref<64x128xf32, #tpu.memory_space<vmem>>[vector<16xi32>, vector<16xi32>], vector<16xf32>,
      %select_n3A_2796 = arith.select %broadcast_in_dim3A_2696, %gather3A_2794, %gather3A_2795 : vector<16xi1>, vector<16xf32>
      %mul3A_2797 = arith.mulf %select_n3A_2786, %select_n3A_2796 : vector<16xf32>
      %add3A_2798 = arith.addf %add3A_2773, %mul3A_2797 : vector<16xf32>
      %swap3A_2799 = arith.constant 208 : index
      %swap3A_2800 = tpu.vector_load %arg27[%swap3A_2799] {strides = array<i32>} : memref<256xf32, #tpu.memory_space<vmem>>, vector<16xf32>,
      tpu.vector_store %arg27[%swap3A_2799], %add3A_2798 {strides = array<i32>} : memref<256xf32, #tpu.memory_space<vmem>>, vector<16xf32>,
      %add3A_2801 = arith.constant 4 : i32
      %add3A_2802 = arith.addi %add3A_2654, %add3A_2801 : i32
      %get3A_2803 = arith.index_cast %add3A_2802 : i32 to index
      %get3A_2804 = tpu.vector_load %arg13[%get3A_2803] {strides = array<i32>} : memref<544xi32, #tpu.memory_space<vmem>>, vector<16xi32>,
      %slice3A_2805 = vector.extract_strided_slice %get3A_2804 {offsets = [0], sizes = [1], strides = [1]} : vector<16xi32> to vector<1xi32>
      %squeeze3A_2806 = vector.extract %slice3A_2805[0] : i32 from vector<1xi32>
      %get3A_2807 = arith.index_cast %add3A_2802 : i32 to index
      %get3A_2808 = tpu.vector_load %arg14[%get3A_2807] {strides = array<i32>} : memref<544xi32, #tpu.memory_space<vmem>>, vector<16xi32>,
      %slice3A_2809 = vector.extract_strided_slice %get3A_2808 {offsets = [0], sizes = [1], strides = [1]} : vector<16xi32> to vector<1xi32>
      %squeeze3A_2810 = vector.extract %slice3A_2809[0] : i32 from vector<1xi32>
      %add3A_2811 = arith.addi %squeeze3A_2806, %squeeze3A_2806 : i32
      %ge3A_2812 = arith.constant 999936 : i32
      %ge3A_2813 = arith.cmpi sge, %add3A_2811, %ge3A_2812 : i32
      %shift_right_logical3A_2814 = arith.constant 6 : i32
      %shift_right_logical3A_2815 = arith.shrui %squeeze3A_2806, %shift_right_logical3A_2814 : i32
      %jit3A_2816 = arith.constant 0 : i32
      %select_n3A_2817 = arith.select %ge3A_2813, %jit3A_2816, %shift_right_logical3A_2815 : i32
      %ge3A_2818 = arith.constant 999936 : i32
      %ge3A_2819 = arith.cmpi sge, %squeeze3A_2810, %ge3A_2818 : i32
      %shift_right_logical3A_2820 = arith.constant 7 : i32
      %shift_right_logical3A_2821 = arith.shrui %squeeze3A_2810, %shift_right_logical3A_2820 : i32
      %jit3A_2822 = arith.constant 0 : i32
      %select_n3A_2823 = arith.select %ge3A_2819, %jit3A_2822, %shift_right_logical3A_2821 : i32
      %mul3A_2824 = arith.constant 128 : i32
      %mul3A_2825 = arith.muli %select_n3A_2817, %mul3A_2824 : i32
      %multiple_of3A_2826 = tpu.assume_multiple %mul3A_2825, 128 : i32
      %mul3A_2827 = arith.constant 128 : i32
      %mul3A_2828 = arith.muli %select_n3A_2823, %mul3A_2827 : i32
      %multiple_of3A_2829 = tpu.assume_multiple %mul3A_2828, 128 : i32
      %dma_start3A_2830 = arith.constant 0 : i32
      %dma_start3A_2831 = tpu.memref_slice %arg4[%dma_start3A_2830, %multiple_of3A_2826] : memref<64x1000000xf32, #tpu.memory_space<hbm>> -> memref<64x128xf32, #tpu.memory_space<hbm>>
      %dma_start3A_2832 = arith.constant 0 : i32
      %dma_start3A_2833 = tpu.memref_slice %arg4[%dma_start3A_2832, %multiple_of3A_2826] : memref<64x1000000xf32, #tpu.memory_space<hbm>> -> memref<64x128xf32, #tpu.memory_space<hbm>>
      tpu.enqueue_dma source(%dma_start3A_2833 : memref<64x128xf32, #tpu.memory_space<hbm>>) target(%arg18 : memref<64x128xf32, #tpu.memory_space<vmem>>) target_semaphore(%arg34 : memref<!tpu.dma_semaphore, #tpu.memory_space<semaphore_mem>>)
      %dma_start3A_2834 = arith.constant 0 : i32
      %dma_start3A_2835 = tpu.memref_slice %arg5[%dma_start3A_2834, %multiple_of3A_2829] : memref<64x1000000xf32, #tpu.memory_space<hbm>> -> memref<64x128xf32, #tpu.memory_space<hbm>>
      %dma_start3A_2836 = arith.constant 0 : i32
      %dma_start3A_2837 = tpu.memref_slice %arg5[%dma_start3A_2836, %multiple_of3A_2829] : memref<64x1000000xf32, #tpu.memory_space<hbm>> -> memref<64x128xf32, #tpu.memory_space<hbm>>
      tpu.enqueue_dma source(%dma_start3A_2837 : memref<64x128xf32, #tpu.memory_space<hbm>>) target(%arg22 : memref<64x128xf32, #tpu.memory_space<vmem>>) target_semaphore(%arg38 : memref<!tpu.dma_semaphore, #tpu.memory_space<semaphore_mem>>)
      %mul3A_2838 = arith.constant 16 : i32
      %mul3A_2839 = arith.muli %scan3A_222, %mul3A_2838 : i32
      %add3A_2840 = arith.constant 14 : i32
      %add3A_2841 = arith.addi %mul3A_2839, %add3A_2840 : i32
      %dma_wait3A_2842 = arith.constant 0 : i32
      %dma_wait3A_2843 = arith.constant 0 : i32
      %dma_wait3A_2844 = tpu.memref_slice %arg4[%dma_wait3A_2842, %dma_wait3A_2843] : memref<64x1000000xf32, #tpu.memory_space<hbm>> -> memref<64x128xf32, #tpu.memory_space<hbm>>
      %dma_wait3A_2845 = arith.constant 0 : i32
      %dma_wait3A_2846 = arith.constant 0 : i32
      %dma_wait3A_2847 = tpu.memref_slice %arg4[%dma_wait3A_2845, %dma_wait3A_2846] : memref<64x1000000xf32, #tpu.memory_space<hbm>> -> memref<64x128xf32, #tpu.memory_space<hbm>>
      tpu.wait_dma2 semaphore(%arg35 : memref<!tpu.dma_semaphore, #tpu.memory_space<semaphore_mem>>) src(%dma_wait3A_2847 : memref<64x128xf32, #tpu.memory_space<hbm>>) dst(%arg19 : memref<64x128xf32, #tpu.memory_space<vmem>>)
      %dma_wait3A_2848 = arith.constant 0 : i32
      %dma_wait3A_2849 = arith.constant 0 : i32
      %dma_wait3A_2850 = tpu.memref_slice %arg5[%dma_wait3A_2848, %dma_wait3A_2849] : memref<64x1000000xf32, #tpu.memory_space<hbm>> -> memref<64x128xf32, #tpu.memory_space<hbm>>
      %dma_wait3A_2851 = arith.constant 0 : i32
      %dma_wait3A_2852 = arith.constant 0 : i32
      %dma_wait3A_2853 = tpu.memref_slice %arg5[%dma_wait3A_2851, %dma_wait3A_2852] : memref<64x1000000xf32, #tpu.memory_space<hbm>> -> memref<64x128xf32, #tpu.memory_space<hbm>>
      tpu.wait_dma2 semaphore(%arg39 : memref<!tpu.dma_semaphore, #tpu.memory_space<semaphore_mem>>) src(%dma_wait3A_2853 : memref<64x128xf32, #tpu.memory_space<hbm>>) dst(%arg23 : memref<64x128xf32, #tpu.memory_space<vmem>>)
      %get3A_2854 = arith.index_cast %add3A_2841 : i32 to index
      %get3A_2855 = tpu.vector_load %arg13[%get3A_2854] {strides = array<i32>} : memref<544xi32, #tpu.memory_space<vmem>>, vector<16xi32>,
      %slice3A_2856 = vector.extract_strided_slice %get3A_2855 {offsets = [0], sizes = [1], strides = [1]} : vector<16xi32> to vector<1xi32>
      %squeeze3A_2857 = vector.extract %slice3A_2856[0] : i32 from vector<1xi32>
      %get3A_2858 = arith.index_cast %add3A_2841 : i32 to index
      %get3A_2859 = tpu.vector_load %arg14[%get3A_2858] {strides = array<i32>} : memref<544xi32, #tpu.memory_space<vmem>>, vector<16xi32>,
      %slice3A_2860 = vector.extract_strided_slice %get3A_2859 {offsets = [0], sizes = [1], strides = [1]} : vector<16xi32> to vector<1xi32>
      %squeeze3A_2861 = vector.extract %slice3A_2860[0] : i32 from vector<1xi32>
      %add3A_2862 = arith.addi %squeeze3A_2857, %squeeze3A_2857 : i32
      %ge3A_2863 = arith.constant 999936 : i32
      %ge3A_2864 = arith.cmpi sge, %add3A_2862, %ge3A_2863 : i32
      %ge3A_2865 = arith.constant 999936 : i32
      %ge3A_2866 = arith.cmpi sge, %squeeze3A_2861, %ge3A_2865 : i32
      %add3A_2867 = arith.addi %squeeze3A_2857, %squeeze3A_2857 : i32
      %sub3A_2868 = arith.constant 999936 : i32
      %sub3A_2869 = arith.subi %add3A_2867, %sub3A_2868 : i32
      %and3A_2870 = arith.constant 63 : i32
      %and3A_2871 = arith.andi %squeeze3A_2857, %and3A_2870 : i32
      %mul3A_2872 = arith.constant 2 : i32
      %mul3A_2873 = arith.muli %and3A_2871, %mul3A_2872 : i32
      %select_n3A_2874 = arith.select %ge3A_2864, %sub3A_2869, %mul3A_2873 : i32
      %sub3A_2875 = arith.constant 999936 : i32
      %sub3A_2876 = arith.subi %squeeze3A_2861, %sub3A_2875 : i32
      %and3A_2877 = arith.constant 127 : i32
      %and3A_2878 = arith.andi %squeeze3A_2861, %and3A_2877 : i32
      %select_n3A_2879 = arith.select %ge3A_2866, %sub3A_2876, %and3A_2878 : i32
      %broadcast_in_dim3A_2880 = vector.broadcast %select_n3A_2874 : i32 to vector<16xi32>
      %broadcast_in_dim3A_2881 = vector.broadcast %select_n3A_2879 : i32 to vector<16xi32>
      %broadcast_in_dim3A_2882 = vector.broadcast %ge3A_2864 : i1 to vector<16xi1>
      %broadcast_in_dim3A_2883 = vector.broadcast %ge3A_2866 : i1 to vector<16xi1>
      %broadcast_in_dim3A_2884 = arith.constant 0.000000e+00 : f32
      %broadcast_in_dim3A_2885 = vector.broadcast %broadcast_in_dim3A_2884 : f32 to vector<16xf32>
      %add3A_2886 = arith.constant 0 : i32
      %add3A_2887 = vector.broadcast %add3A_2886 : i32 to vector<16xi32>
      %add3A_2888 = arith.addi %add3A_2887, %iota3A : vector<16xi32>
      %mul3A_2889 = arith.constant 64 : i32
      %mul3A_2890 = vector.broadcast %mul3A_2889 : i32 to vector<16xi32>
      %mul3A_2891 = arith.muli %add3A_2888, %mul3A_2890 : vector<16xi32>
      %and3A_2892 = arith.constant 63 : i32
      %and3A_2893 = vector.broadcast %and3A_2892 : i32 to vector<16xi32>
      %and3A_2894 = arith.andi %broadcast_in_dim3A_2880, %and3A_2893 : vector<16xi32>
      %add3A_2895 = arith.addi %mul3A_2891, %and3A_2894 : vector<16xi32>
      %gather3A_2896 = tpu.vector_load_idx %arg25[%add3A_2895] : memref<4096xf32, #tpu.memory_space<vmem>>[vector<16xi32>], vector<16xf32>,
      %gather3A_2897 = tpu.vector_load_idx %arg19[%add3A_2888, %broadcast_in_dim3A_2880] : memref<64x128xf32, #tpu.memory_space<vmem>>[vector<16xi32>, vector<16xi32>], vector<16xf32>,
      %select_n3A_2898 = arith.select %broadcast_in_dim3A_2882, %gather3A_2896, %gather3A_2897 : vector<16xi1>, vector<16xf32>
      %mul3A_2899 = arith.constant 64 : i32
      %mul3A_2900 = vector.broadcast %mul3A_2899 : i32 to vector<16xi32>
      %mul3A_2901 = arith.muli %add3A_2888, %mul3A_2900 : vector<16xi32>
      %and3A_2902 = arith.constant 63 : i32
      %and3A_2903 = vector.broadcast %and3A_2902 : i32 to vector<16xi32>
      %and3A_2904 = arith.andi %broadcast_in_dim3A_2881, %and3A_2903 : vector<16xi32>
      %add3A_2905 = arith.addi %mul3A_2901, %and3A_2904 : vector<16xi32>
      %gather3A_2906 = tpu.vector_load_idx %arg26[%add3A_2905] : memref<4096xf32, #tpu.memory_space<vmem>>[vector<16xi32>], vector<16xf32>,
      %gather3A_2907 = tpu.vector_load_idx %arg23[%add3A_2888, %broadcast_in_dim3A_2881] : memref<64x128xf32, #tpu.memory_space<vmem>>[vector<16xi32>, vector<16xi32>], vector<16xf32>,
      %select_n3A_2908 = arith.select %broadcast_in_dim3A_2883, %gather3A_2906, %gather3A_2907 : vector<16xi1>, vector<16xf32>
      %mul3A_2909 = arith.mulf %select_n3A_2898, %select_n3A_2908 : vector<16xf32>
      %add3A_2910 = arith.addf %broadcast_in_dim3A_2885, %mul3A_2909 : vector<16xf32>
      %add3A_2911 = arith.constant 16 : i32
      %add3A_2912 = vector.broadcast %add3A_2911 : i32 to vector<16xi32>
      %add3A_2913 = arith.addi %add3A_2912, %iota3A : vector<16xi32>
      %mul3A_2914 = arith.constant 64 : i32
      %mul3A_2915 = vector.broadcast %mul3A_2914 : i32 to vector<16xi32>
      %mul3A_2916 = arith.muli %add3A_2913, %mul3A_2915 : vector<16xi32>
      %and3A_2917 = arith.constant 63 : i32
      %and3A_2918 = vector.broadcast %and3A_2917 : i32 to vector<16xi32>
      %and3A_2919 = arith.andi %broadcast_in_dim3A_2880, %and3A_2918 : vector<16xi32>
      %add3A_2920 = arith.addi %mul3A_2916, %and3A_2919 : vector<16xi32>
      %gather3A_2921 = tpu.vector_load_idx %arg25[%add3A_2920] : memref<4096xf32, #tpu.memory_space<vmem>>[vector<16xi32>], vector<16xf32>,
      %gather3A_2922 = tpu.vector_load_idx %arg19[%add3A_2913, %broadcast_in_dim3A_2880] : memref<64x128xf32, #tpu.memory_space<vmem>>[vector<16xi32>, vector<16xi32>], vector<16xf32>,
      %select_n3A_2923 = arith.select %broadcast_in_dim3A_2882, %gather3A_2921, %gather3A_2922 : vector<16xi1>, vector<16xf32>
      %mul3A_2924 = arith.constant 64 : i32
      %mul3A_2925 = vector.broadcast %mul3A_2924 : i32 to vector<16xi32>
      %mul3A_2926 = arith.muli %add3A_2913, %mul3A_2925 : vector<16xi32>
      %and3A_2927 = arith.constant 63 : i32
      %and3A_2928 = vector.broadcast %and3A_2927 : i32 to vector<16xi32>
      %and3A_2929 = arith.andi %broadcast_in_dim3A_2881, %and3A_2928 : vector<16xi32>
      %add3A_2930 = arith.addi %mul3A_2926, %and3A_2929 : vector<16xi32>
      %gather3A_2931 = tpu.vector_load_idx %arg26[%add3A_2930] : memref<4096xf32, #tpu.memory_space<vmem>>[vector<16xi32>], vector<16xf32>,
      %gather3A_2932 = tpu.vector_load_idx %arg23[%add3A_2913, %broadcast_in_dim3A_2881] : memref<64x128xf32, #tpu.memory_space<vmem>>[vector<16xi32>, vector<16xi32>], vector<16xf32>,
      %select_n3A_2933 = arith.select %broadcast_in_dim3A_2883, %gather3A_2931, %gather3A_2932 : vector<16xi1>, vector<16xf32>
      %mul3A_2934 = arith.mulf %select_n3A_2923, %select_n3A_2933 : vector<16xf32>
      %add3A_2935 = arith.addf %add3A_2910, %mul3A_2934 : vector<16xf32>
      %add3A_2936 = arith.constant 32 : i32
      %add3A_2937 = vector.broadcast %add3A_2936 : i32 to vector<16xi32>
      %add3A_2938 = arith.addi %add3A_2937, %iota3A : vector<16xi32>
      %mul3A_2939 = arith.constant 64 : i32
      %mul3A_2940 = vector.broadcast %mul3A_2939 : i32 to vector<16xi32>
      %mul3A_2941 = arith.muli %add3A_2938, %mul3A_2940 : vector<16xi32>
      %and3A_2942 = arith.constant 63 : i32
      %and3A_2943 = vector.broadcast %and3A_2942 : i32 to vector<16xi32>
      %and3A_2944 = arith.andi %broadcast_in_dim3A_2880, %and3A_2943 : vector<16xi32>
      %add3A_2945 = arith.addi %mul3A_2941, %and3A_2944 : vector<16xi32>
      %gather3A_2946 = tpu.vector_load_idx %arg25[%add3A_2945] : memref<4096xf32, #tpu.memory_space<vmem>>[vector<16xi32>], vector<16xf32>,
      %gather3A_2947 = tpu.vector_load_idx %arg19[%add3A_2938, %broadcast_in_dim3A_2880] : memref<64x128xf32, #tpu.memory_space<vmem>>[vector<16xi32>, vector<16xi32>], vector<16xf32>,
      %select_n3A_2948 = arith.select %broadcast_in_dim3A_2882, %gather3A_2946, %gather3A_2947 : vector<16xi1>, vector<16xf32>
      %mul3A_2949 = arith.constant 64 : i32
      %mul3A_2950 = vector.broadcast %mul3A_2949 : i32 to vector<16xi32>
      %mul3A_2951 = arith.muli %add3A_2938, %mul3A_2950 : vector<16xi32>
      %and3A_2952 = arith.constant 63 : i32
      %and3A_2953 = vector.broadcast %and3A_2952 : i32 to vector<16xi32>
      %and3A_2954 = arith.andi %broadcast_in_dim3A_2881, %and3A_2953 : vector<16xi32>
      %add3A_2955 = arith.addi %mul3A_2951, %and3A_2954 : vector<16xi32>
      %gather3A_2956 = tpu.vector_load_idx %arg26[%add3A_2955] : memref<4096xf32, #tpu.memory_space<vmem>>[vector<16xi32>], vector<16xf32>,
      %gather3A_2957 = tpu.vector_load_idx %arg23[%add3A_2938, %broadcast_in_dim3A_2881] : memref<64x128xf32, #tpu.memory_space<vmem>>[vector<16xi32>, vector<16xi32>], vector<16xf32>,
      %select_n3A_2958 = arith.select %broadcast_in_dim3A_2883, %gather3A_2956, %gather3A_2957 : vector<16xi1>, vector<16xf32>
      %mul3A_2959 = arith.mulf %select_n3A_2948, %select_n3A_2958 : vector<16xf32>
      %add3A_2960 = arith.addf %add3A_2935, %mul3A_2959 : vector<16xf32>
      %add3A_2961 = arith.constant 48 : i32
      %add3A_2962 = vector.broadcast %add3A_2961 : i32 to vector<16xi32>
      %add3A_2963 = arith.addi %add3A_2962, %iota3A : vector<16xi32>
      %mul3A_2964 = arith.constant 64 : i32
      %mul3A_2965 = vector.broadcast %mul3A_2964 : i32 to vector<16xi32>
      %mul3A_2966 = arith.muli %add3A_2963, %mul3A_2965 : vector<16xi32>
      %and3A_2967 = arith.constant 63 : i32
      %and3A_2968 = vector.broadcast %and3A_2967 : i32 to vector<16xi32>
      %and3A_2969 = arith.andi %broadcast_in_dim3A_2880, %and3A_2968 : vector<16xi32>
      %add3A_2970 = arith.addi %mul3A_2966, %and3A_2969 : vector<16xi32>
      %gather3A_2971 = tpu.vector_load_idx %arg25[%add3A_2970] : memref<4096xf32, #tpu.memory_space<vmem>>[vector<16xi32>], vector<16xf32>,
      %gather3A_2972 = tpu.vector_load_idx %arg19[%add3A_2963, %broadcast_in_dim3A_2880] : memref<64x128xf32, #tpu.memory_space<vmem>>[vector<16xi32>, vector<16xi32>], vector<16xf32>,
      %select_n3A_2973 = arith.select %broadcast_in_dim3A_2882, %gather3A_2971, %gather3A_2972 : vector<16xi1>, vector<16xf32>
      %mul3A_2974 = arith.constant 64 : i32
      %mul3A_2975 = vector.broadcast %mul3A_2974 : i32 to vector<16xi32>
      %mul3A_2976 = arith.muli %add3A_2963, %mul3A_2975 : vector<16xi32>
      %and3A_2977 = arith.constant 63 : i32
      %and3A_2978 = vector.broadcast %and3A_2977 : i32 to vector<16xi32>
      %and3A_2979 = arith.andi %broadcast_in_dim3A_2881, %and3A_2978 : vector<16xi32>
      %add3A_2980 = arith.addi %mul3A_2976, %and3A_2979 : vector<16xi32>
      %gather3A_2981 = tpu.vector_load_idx %arg26[%add3A_2980] : memref<4096xf32, #tpu.memory_space<vmem>>[vector<16xi32>], vector<16xf32>,
      %gather3A_2982 = tpu.vector_load_idx %arg23[%add3A_2963, %broadcast_in_dim3A_2881] : memref<64x128xf32, #tpu.memory_space<vmem>>[vector<16xi32>, vector<16xi32>], vector<16xf32>,
      %select_n3A_2983 = arith.select %broadcast_in_dim3A_2883, %gather3A_2981, %gather3A_2982 : vector<16xi1>, vector<16xf32>
      %mul3A_2984 = arith.mulf %select_n3A_2973, %select_n3A_2983 : vector<16xf32>
      %add3A_2985 = arith.addf %add3A_2960, %mul3A_2984 : vector<16xf32>
      %swap3A_2986 = arith.constant 224 : index
      %swap3A_2987 = tpu.vector_load %arg27[%swap3A_2986] {strides = array<i32>} : memref<256xf32, #tpu.memory_space<vmem>>, vector<16xf32>,
      tpu.vector_store %arg27[%swap3A_2986], %add3A_2985 {strides = array<i32>} : memref<256xf32, #tpu.memory_space<vmem>>, vector<16xf32>,
      %add3A_2988 = arith.constant 4 : i32
      %add3A_2989 = arith.addi %add3A_2841, %add3A_2988 : i32
      %get3A_2990 = arith.index_cast %add3A_2989 : i32 to index
      %get3A_2991 = tpu.vector_load %arg13[%get3A_2990] {strides = array<i32>} : memref<544xi32, #tpu.memory_space<vmem>>, vector<16xi32>,
      %slice3A_2992 = vector.extract_strided_slice %get3A_2991 {offsets = [0], sizes = [1], strides = [1]} : vector<16xi32> to vector<1xi32>
      %squeeze3A_2993 = vector.extract %slice3A_2992[0] : i32 from vector<1xi32>
      %get3A_2994 = arith.index_cast %add3A_2989 : i32 to index
      %get3A_2995 = tpu.vector_load %arg14[%get3A_2994] {strides = array<i32>} : memref<544xi32, #tpu.memory_space<vmem>>, vector<16xi32>,
      %slice3A_2996 = vector.extract_strided_slice %get3A_2995 {offsets = [0], sizes = [1], strides = [1]} : vector<16xi32> to vector<1xi32>
      %squeeze3A_2997 = vector.extract %slice3A_2996[0] : i32 from vector<1xi32>
      %add3A_2998 = arith.addi %squeeze3A_2993, %squeeze3A_2993 : i32
      %ge3A_2999 = arith.constant 999936 : i32
      %ge3A_3000 = arith.cmpi sge, %add3A_2998, %ge3A_2999 : i32
      %shift_right_logical3A_3001 = arith.constant 6 : i32
      %shift_right_logical3A_3002 = arith.shrui %squeeze3A_2993, %shift_right_logical3A_3001 : i32
      %jit3A_3003 = arith.constant 0 : i32
      %select_n3A_3004 = arith.select %ge3A_3000, %jit3A_3003, %shift_right_logical3A_3002 : i32
      %ge3A_3005 = arith.constant 999936 : i32
      %ge3A_3006 = arith.cmpi sge, %squeeze3A_2997, %ge3A_3005 : i32
      %shift_right_logical3A_3007 = arith.constant 7 : i32
      %shift_right_logical3A_3008 = arith.shrui %squeeze3A_2997, %shift_right_logical3A_3007 : i32
      %jit3A_3009 = arith.constant 0 : i32
      %select_n3A_3010 = arith.select %ge3A_3006, %jit3A_3009, %shift_right_logical3A_3008 : i32
      %mul3A_3011 = arith.constant 128 : i32
      %mul3A_3012 = arith.muli %select_n3A_3004, %mul3A_3011 : i32
      %multiple_of3A_3013 = tpu.assume_multiple %mul3A_3012, 128 : i32
      %mul3A_3014 = arith.constant 128 : i32
      %mul3A_3015 = arith.muli %select_n3A_3010, %mul3A_3014 : i32
      %multiple_of3A_3016 = tpu.assume_multiple %mul3A_3015, 128 : i32
      %dma_start3A_3017 = arith.constant 0 : i32
      %dma_start3A_3018 = tpu.memref_slice %arg4[%dma_start3A_3017, %multiple_of3A_3013] : memref<64x1000000xf32, #tpu.memory_space<hbm>> -> memref<64x128xf32, #tpu.memory_space<hbm>>
      %dma_start3A_3019 = arith.constant 0 : i32
      %dma_start3A_3020 = tpu.memref_slice %arg4[%dma_start3A_3019, %multiple_of3A_3013] : memref<64x1000000xf32, #tpu.memory_space<hbm>> -> memref<64x128xf32, #tpu.memory_space<hbm>>
      tpu.enqueue_dma source(%dma_start3A_3020 : memref<64x128xf32, #tpu.memory_space<hbm>>) target(%arg19 : memref<64x128xf32, #tpu.memory_space<vmem>>) target_semaphore(%arg35 : memref<!tpu.dma_semaphore, #tpu.memory_space<semaphore_mem>>)
      %dma_start3A_3021 = arith.constant 0 : i32
      %dma_start3A_3022 = tpu.memref_slice %arg5[%dma_start3A_3021, %multiple_of3A_3016] : memref<64x1000000xf32, #tpu.memory_space<hbm>> -> memref<64x128xf32, #tpu.memory_space<hbm>>
      %dma_start3A_3023 = arith.constant 0 : i32
      %dma_start3A_3024 = tpu.memref_slice %arg5[%dma_start3A_3023, %multiple_of3A_3016] : memref<64x1000000xf32, #tpu.memory_space<hbm>> -> memref<64x128xf32, #tpu.memory_space<hbm>>
      tpu.enqueue_dma source(%dma_start3A_3024 : memref<64x128xf32, #tpu.memory_space<hbm>>) target(%arg23 : memref<64x128xf32, #tpu.memory_space<vmem>>) target_semaphore(%arg39 : memref<!tpu.dma_semaphore, #tpu.memory_space<semaphore_mem>>)
      %mul3A_3025 = arith.constant 16 : i32
      %mul3A_3026 = arith.muli %scan3A_222, %mul3A_3025 : i32
      %add3A_3027 = arith.constant 15 : i32
      %add3A_3028 = arith.addi %mul3A_3026, %add3A_3027 : i32
      %dma_wait3A_3029 = arith.constant 0 : i32
      %dma_wait3A_3030 = arith.constant 0 : i32
      %dma_wait3A_3031 = tpu.memref_slice %arg4[%dma_wait3A_3029, %dma_wait3A_3030] : memref<64x1000000xf32, #tpu.memory_space<hbm>> -> memref<64x128xf32, #tpu.memory_space<hbm>>
      %dma_wait3A_3032 = arith.constant 0 : i32
      %dma_wait3A_3033 = arith.constant 0 : i32
      %dma_wait3A_3034 = tpu.memref_slice %arg4[%dma_wait3A_3032, %dma_wait3A_3033] : memref<64x1000000xf32, #tpu.memory_space<hbm>> -> memref<64x128xf32, #tpu.memory_space<hbm>>
      tpu.wait_dma2 semaphore(%arg36 : memref<!tpu.dma_semaphore, #tpu.memory_space<semaphore_mem>>) src(%dma_wait3A_3034 : memref<64x128xf32, #tpu.memory_space<hbm>>) dst(%arg20 : memref<64x128xf32, #tpu.memory_space<vmem>>)
      %dma_wait3A_3035 = arith.constant 0 : i32
      %dma_wait3A_3036 = arith.constant 0 : i32
      %dma_wait3A_3037 = tpu.memref_slice %arg5[%dma_wait3A_3035, %dma_wait3A_3036] : memref<64x1000000xf32, #tpu.memory_space<hbm>> -> memref<64x128xf32, #tpu.memory_space<hbm>>
      %dma_wait3A_3038 = arith.constant 0 : i32
      %dma_wait3A_3039 = arith.constant 0 : i32
      %dma_wait3A_3040 = tpu.memref_slice %arg5[%dma_wait3A_3038, %dma_wait3A_3039] : memref<64x1000000xf32, #tpu.memory_space<hbm>> -> memref<64x128xf32, #tpu.memory_space<hbm>>
      tpu.wait_dma2 semaphore(%arg40 : memref<!tpu.dma_semaphore, #tpu.memory_space<semaphore_mem>>) src(%dma_wait3A_3040 : memref<64x128xf32, #tpu.memory_space<hbm>>) dst(%arg24 : memref<64x128xf32, #tpu.memory_space<vmem>>)
      %get3A_3041 = arith.index_cast %add3A_3028 : i32 to index
      %get3A_3042 = tpu.vector_load %arg13[%get3A_3041] {strides = array<i32>} : memref<544xi32, #tpu.memory_space<vmem>>, vector<16xi32>,
      %slice3A_3043 = vector.extract_strided_slice %get3A_3042 {offsets = [0], sizes = [1], strides = [1]} : vector<16xi32> to vector<1xi32>
      %squeeze3A_3044 = vector.extract %slice3A_3043[0] : i32 from vector<1xi32>
      %get3A_3045 = arith.index_cast %add3A_3028 : i32 to index
      %get3A_3046 = tpu.vector_load %arg14[%get3A_3045] {strides = array<i32>} : memref<544xi32, #tpu.memory_space<vmem>>, vector<16xi32>,
      %slice3A_3047 = vector.extract_strided_slice %get3A_3046 {offsets = [0], sizes = [1], strides = [1]} : vector<16xi32> to vector<1xi32>
      %squeeze3A_3048 = vector.extract %slice3A_3047[0] : i32 from vector<1xi32>
      %add3A_3049 = arith.addi %squeeze3A_3044, %squeeze3A_3044 : i32
      %ge3A_3050 = arith.constant 999936 : i32
      %ge3A_3051 = arith.cmpi sge, %add3A_3049, %ge3A_3050 : i32
      %ge3A_3052 = arith.constant 999936 : i32
      %ge3A_3053 = arith.cmpi sge, %squeeze3A_3048, %ge3A_3052 : i32
      %add3A_3054 = arith.addi %squeeze3A_3044, %squeeze3A_3044 : i32
      %sub3A_3055 = arith.constant 999936 : i32
      %sub3A_3056 = arith.subi %add3A_3054, %sub3A_3055 : i32
      %and3A_3057 = arith.constant 63 : i32
      %and3A_3058 = arith.andi %squeeze3A_3044, %and3A_3057 : i32
      %mul3A_3059 = arith.constant 2 : i32
      %mul3A_3060 = arith.muli %and3A_3058, %mul3A_3059 : i32
      %select_n3A_3061 = arith.select %ge3A_3051, %sub3A_3056, %mul3A_3060 : i32
      %sub3A_3062 = arith.constant 999936 : i32
      %sub3A_3063 = arith.subi %squeeze3A_3048, %sub3A_3062 : i32
      %and3A_3064 = arith.constant 127 : i32
      %and3A_3065 = arith.andi %squeeze3A_3048, %and3A_3064 : i32
      %select_n3A_3066 = arith.select %ge3A_3053, %sub3A_3063, %and3A_3065 : i32
      %broadcast_in_dim3A_3067 = vector.broadcast %select_n3A_3061 : i32 to vector<16xi32>
      %broadcast_in_dim3A_3068 = vector.broadcast %select_n3A_3066 : i32 to vector<16xi32>
      %broadcast_in_dim3A_3069 = vector.broadcast %ge3A_3051 : i1 to vector<16xi1>
      %broadcast_in_dim3A_3070 = vector.broadcast %ge3A_3053 : i1 to vector<16xi1>
      %broadcast_in_dim3A_3071 = arith.constant 0.000000e+00 : f32
      %broadcast_in_dim3A_3072 = vector.broadcast %broadcast_in_dim3A_3071 : f32 to vector<16xf32>
      %add3A_3073 = arith.constant 0 : i32
      %add3A_3074 = vector.broadcast %add3A_3073 : i32 to vector<16xi32>
      %add3A_3075 = arith.addi %add3A_3074, %iota3A : vector<16xi32>
      %mul3A_3076 = arith.constant 64 : i32
      %mul3A_3077 = vector.broadcast %mul3A_3076 : i32 to vector<16xi32>
      %mul3A_3078 = arith.muli %add3A_3075, %mul3A_3077 : vector<16xi32>
      %and3A_3079 = arith.constant 63 : i32
      %and3A_3080 = vector.broadcast %and3A_3079 : i32 to vector<16xi32>
      %and3A_3081 = arith.andi %broadcast_in_dim3A_3067, %and3A_3080 : vector<16xi32>
      %add3A_3082 = arith.addi %mul3A_3078, %and3A_3081 : vector<16xi32>
      %gather3A_3083 = tpu.vector_load_idx %arg25[%add3A_3082] : memref<4096xf32, #tpu.memory_space<vmem>>[vector<16xi32>], vector<16xf32>,
      %gather3A_3084 = tpu.vector_load_idx %arg20[%add3A_3075, %broadcast_in_dim3A_3067] : memref<64x128xf32, #tpu.memory_space<vmem>>[vector<16xi32>, vector<16xi32>], vector<16xf32>,
      %select_n3A_3085 = arith.select %broadcast_in_dim3A_3069, %gather3A_3083, %gather3A_3084 : vector<16xi1>, vector<16xf32>
      %mul3A_3086 = arith.constant 64 : i32
      %mul3A_3087 = vector.broadcast %mul3A_3086 : i32 to vector<16xi32>
      %mul3A_3088 = arith.muli %add3A_3075, %mul3A_3087 : vector<16xi32>
      %and3A_3089 = arith.constant 63 : i32
      %and3A_3090 = vector.broadcast %and3A_3089 : i32 to vector<16xi32>
      %and3A_3091 = arith.andi %broadcast_in_dim3A_3068, %and3A_3090 : vector<16xi32>
      %add3A_3092 = arith.addi %mul3A_3088, %and3A_3091 : vector<16xi32>
      %gather3A_3093 = tpu.vector_load_idx %arg26[%add3A_3092] : memref<4096xf32, #tpu.memory_space<vmem>>[vector<16xi32>], vector<16xf32>,
      %gather3A_3094 = tpu.vector_load_idx %arg24[%add3A_3075, %broadcast_in_dim3A_3068] : memref<64x128xf32, #tpu.memory_space<vmem>>[vector<16xi32>, vector<16xi32>], vector<16xf32>,
      %select_n3A_3095 = arith.select %broadcast_in_dim3A_3070, %gather3A_3093, %gather3A_3094 : vector<16xi1>, vector<16xf32>
      %mul3A_3096 = arith.mulf %select_n3A_3085, %select_n3A_3095 : vector<16xf32>
      %add3A_3097 = arith.addf %broadcast_in_dim3A_3072, %mul3A_3096 : vector<16xf32>
      %add3A_3098 = arith.constant 16 : i32
      %add3A_3099 = vector.broadcast %add3A_3098 : i32 to vector<16xi32>
      %add3A_3100 = arith.addi %add3A_3099, %iota3A : vector<16xi32>
      %mul3A_3101 = arith.constant 64 : i32
      %mul3A_3102 = vector.broadcast %mul3A_3101 : i32 to vector<16xi32>
      %mul3A_3103 = arith.muli %add3A_3100, %mul3A_3102 : vector<16xi32>
      %and3A_3104 = arith.constant 63 : i32
      %and3A_3105 = vector.broadcast %and3A_3104 : i32 to vector<16xi32>
      %and3A_3106 = arith.andi %broadcast_in_dim3A_3067, %and3A_3105 : vector<16xi32>
      %add3A_3107 = arith.addi %mul3A_3103, %and3A_3106 : vector<16xi32>
      %gather3A_3108 = tpu.vector_load_idx %arg25[%add3A_3107] : memref<4096xf32, #tpu.memory_space<vmem>>[vector<16xi32>], vector<16xf32>,
      %gather3A_3109 = tpu.vector_load_idx %arg20[%add3A_3100, %broadcast_in_dim3A_3067] : memref<64x128xf32, #tpu.memory_space<vmem>>[vector<16xi32>, vector<16xi32>], vector<16xf32>,
      %select_n3A_3110 = arith.select %broadcast_in_dim3A_3069, %gather3A_3108, %gather3A_3109 : vector<16xi1>, vector<16xf32>
      %mul3A_3111 = arith.constant 64 : i32
      %mul3A_3112 = vector.broadcast %mul3A_3111 : i32 to vector<16xi32>
      %mul3A_3113 = arith.muli %add3A_3100, %mul3A_3112 : vector<16xi32>
      %and3A_3114 = arith.constant 63 : i32
      %and3A_3115 = vector.broadcast %and3A_3114 : i32 to vector<16xi32>
      %and3A_3116 = arith.andi %broadcast_in_dim3A_3068, %and3A_3115 : vector<16xi32>
      %add3A_3117 = arith.addi %mul3A_3113, %and3A_3116 : vector<16xi32>
      %gather3A_3118 = tpu.vector_load_idx %arg26[%add3A_3117] : memref<4096xf32, #tpu.memory_space<vmem>>[vector<16xi32>], vector<16xf32>,
      %gather3A_3119 = tpu.vector_load_idx %arg24[%add3A_3100, %broadcast_in_dim3A_3068] : memref<64x128xf32, #tpu.memory_space<vmem>>[vector<16xi32>, vector<16xi32>], vector<16xf32>,
      %select_n3A_3120 = arith.select %broadcast_in_dim3A_3070, %gather3A_3118, %gather3A_3119 : vector<16xi1>, vector<16xf32>
      %mul3A_3121 = arith.mulf %select_n3A_3110, %select_n3A_3120 : vector<16xf32>
      %add3A_3122 = arith.addf %add3A_3097, %mul3A_3121 : vector<16xf32>
      %add3A_3123 = arith.constant 32 : i32
      %add3A_3124 = vector.broadcast %add3A_3123 : i32 to vector<16xi32>
      %add3A_3125 = arith.addi %add3A_3124, %iota3A : vector<16xi32>
      %mul3A_3126 = arith.constant 64 : i32
      %mul3A_3127 = vector.broadcast %mul3A_3126 : i32 to vector<16xi32>
      %mul3A_3128 = arith.muli %add3A_3125, %mul3A_3127 : vector<16xi32>
      %and3A_3129 = arith.constant 63 : i32
      %and3A_3130 = vector.broadcast %and3A_3129 : i32 to vector<16xi32>
      %and3A_3131 = arith.andi %broadcast_in_dim3A_3067, %and3A_3130 : vector<16xi32>
      %add3A_3132 = arith.addi %mul3A_3128, %and3A_3131 : vector<16xi32>
      %gather3A_3133 = tpu.vector_load_idx %arg25[%add3A_3132] : memref<4096xf32, #tpu.memory_space<vmem>>[vector<16xi32>], vector<16xf32>,
      %gather3A_3134 = tpu.vector_load_idx %arg20[%add3A_3125, %broadcast_in_dim3A_3067] : memref<64x128xf32, #tpu.memory_space<vmem>>[vector<16xi32>, vector<16xi32>], vector<16xf32>,
      %select_n3A_3135 = arith.select %broadcast_in_dim3A_3069, %gather3A_3133, %gather3A_3134 : vector<16xi1>, vector<16xf32>
      %mul3A_3136 = arith.constant 64 : i32
      %mul3A_3137 = vector.broadcast %mul3A_3136 : i32 to vector<16xi32>
      %mul3A_3138 = arith.muli %add3A_3125, %mul3A_3137 : vector<16xi32>
      %and3A_3139 = arith.constant 63 : i32
      %and3A_3140 = vector.broadcast %and3A_3139 : i32 to vector<16xi32>
      %and3A_3141 = arith.andi %broadcast_in_dim3A_3068, %and3A_3140 : vector<16xi32>
      %add3A_3142 = arith.addi %mul3A_3138, %and3A_3141 : vector<16xi32>
      %gather3A_3143 = tpu.vector_load_idx %arg26[%add3A_3142] : memref<4096xf32, #tpu.memory_space<vmem>>[vector<16xi32>], vector<16xf32>,
      %gather3A_3144 = tpu.vector_load_idx %arg24[%add3A_3125, %broadcast_in_dim3A_3068] : memref<64x128xf32, #tpu.memory_space<vmem>>[vector<16xi32>, vector<16xi32>], vector<16xf32>,
      %select_n3A_3145 = arith.select %broadcast_in_dim3A_3070, %gather3A_3143, %gather3A_3144 : vector<16xi1>, vector<16xf32>
      %mul3A_3146 = arith.mulf %select_n3A_3135, %select_n3A_3145 : vector<16xf32>
      %add3A_3147 = arith.addf %add3A_3122, %mul3A_3146 : vector<16xf32>
      %add3A_3148 = arith.constant 48 : i32
      %add3A_3149 = vector.broadcast %add3A_3148 : i32 to vector<16xi32>
      %add3A_3150 = arith.addi %add3A_3149, %iota3A : vector<16xi32>
      %mul3A_3151 = arith.constant 64 : i32
      %mul3A_3152 = vector.broadcast %mul3A_3151 : i32 to vector<16xi32>
      %mul3A_3153 = arith.muli %add3A_3150, %mul3A_3152 : vector<16xi32>
      %and3A_3154 = arith.constant 63 : i32
      %and3A_3155 = vector.broadcast %and3A_3154 : i32 to vector<16xi32>
      %and3A_3156 = arith.andi %broadcast_in_dim3A_3067, %and3A_3155 : vector<16xi32>
      %add3A_3157 = arith.addi %mul3A_3153, %and3A_3156 : vector<16xi32>
      %gather3A_3158 = tpu.vector_load_idx %arg25[%add3A_3157] : memref<4096xf32, #tpu.memory_space<vmem>>[vector<16xi32>], vector<16xf32>,
      %gather3A_3159 = tpu.vector_load_idx %arg20[%add3A_3150, %broadcast_in_dim3A_3067] : memref<64x128xf32, #tpu.memory_space<vmem>>[vector<16xi32>, vector<16xi32>], vector<16xf32>,
      %select_n3A_3160 = arith.select %broadcast_in_dim3A_3069, %gather3A_3158, %gather3A_3159 : vector<16xi1>, vector<16xf32>
      %mul3A_3161 = arith.constant 64 : i32
      %mul3A_3162 = vector.broadcast %mul3A_3161 : i32 to vector<16xi32>
      %mul3A_3163 = arith.muli %add3A_3150, %mul3A_3162 : vector<16xi32>
      %and3A_3164 = arith.constant 63 : i32
      %and3A_3165 = vector.broadcast %and3A_3164 : i32 to vector<16xi32>
      %and3A_3166 = arith.andi %broadcast_in_dim3A_3068, %and3A_3165 : vector<16xi32>
      %add3A_3167 = arith.addi %mul3A_3163, %and3A_3166 : vector<16xi32>
      %gather3A_3168 = tpu.vector_load_idx %arg26[%add3A_3167] : memref<4096xf32, #tpu.memory_space<vmem>>[vector<16xi32>], vector<16xf32>,
      %gather3A_3169 = tpu.vector_load_idx %arg24[%add3A_3150, %broadcast_in_dim3A_3068] : memref<64x128xf32, #tpu.memory_space<vmem>>[vector<16xi32>, vector<16xi32>], vector<16xf32>,
      %select_n3A_3170 = arith.select %broadcast_in_dim3A_3070, %gather3A_3168, %gather3A_3169 : vector<16xi1>, vector<16xf32>
      %mul3A_3171 = arith.mulf %select_n3A_3160, %select_n3A_3170 : vector<16xf32>
      %add3A_3172 = arith.addf %add3A_3147, %mul3A_3171 : vector<16xf32>
      %swap3A_3173 = arith.constant 240 : index
      %swap3A_3174 = tpu.vector_load %arg27[%swap3A_3173] {strides = array<i32>} : memref<256xf32, #tpu.memory_space<vmem>>, vector<16xf32>,
      tpu.vector_store %arg27[%swap3A_3173], %add3A_3172 {strides = array<i32>} : memref<256xf32, #tpu.memory_space<vmem>>, vector<16xf32>,
      %add3A_3175 = arith.constant 4 : i32
      %add3A_3176 = arith.addi %add3A_3028, %add3A_3175 : i32
      %get3A_3177 = arith.index_cast %add3A_3176 : i32 to index
      %get3A_3178 = tpu.vector_load %arg13[%get3A_3177] {strides = array<i32>} : memref<544xi32, #tpu.memory_space<vmem>>, vector<16xi32>,
      %slice3A_3179 = vector.extract_strided_slice %get3A_3178 {offsets = [0], sizes = [1], strides = [1]} : vector<16xi32> to vector<1xi32>
      %squeeze3A_3180 = vector.extract %slice3A_3179[0] : i32 from vector<1xi32>
      %get3A_3181 = arith.index_cast %add3A_3176 : i32 to index
      %get3A_3182 = tpu.vector_load %arg14[%get3A_3181] {strides = array<i32>} : memref<544xi32, #tpu.memory_space<vmem>>, vector<16xi32>,
      %slice3A_3183 = vector.extract_strided_slice %get3A_3182 {offsets = [0], sizes = [1], strides = [1]} : vector<16xi32> to vector<1xi32>
      %squeeze3A_3184 = vector.extract %slice3A_3183[0] : i32 from vector<1xi32>
      %add3A_3185 = arith.addi %squeeze3A_3180, %squeeze3A_3180 : i32
      %ge3A_3186 = arith.constant 999936 : i32
      %ge3A_3187 = arith.cmpi sge, %add3A_3185, %ge3A_3186 : i32
      %shift_right_logical3A_3188 = arith.constant 6 : i32
      %shift_right_logical3A_3189 = arith.shrui %squeeze3A_3180, %shift_right_logical3A_3188 : i32
      %jit3A_3190 = arith.constant 0 : i32
      %select_n3A_3191 = arith.select %ge3A_3187, %jit3A_3190, %shift_right_logical3A_3189 : i32
      %ge3A_3192 = arith.constant 999936 : i32
      %ge3A_3193 = arith.cmpi sge, %squeeze3A_3184, %ge3A_3192 : i32
      %shift_right_logical3A_3194 = arith.constant 7 : i32
      %shift_right_logical3A_3195 = arith.shrui %squeeze3A_3184, %shift_right_logical3A_3194 : i32
      %jit3A_3196 = arith.constant 0 : i32
      %select_n3A_3197 = arith.select %ge3A_3193, %jit3A_3196, %shift_right_logical3A_3195 : i32
      %mul3A_3198 = arith.constant 128 : i32
      %mul3A_3199 = arith.muli %select_n3A_3191, %mul3A_3198 : i32
      %multiple_of3A_3200 = tpu.assume_multiple %mul3A_3199, 128 : i32
      %mul3A_3201 = arith.constant 128 : i32
      %mul3A_3202 = arith.muli %select_n3A_3197, %mul3A_3201 : i32
      %multiple_of3A_3203 = tpu.assume_multiple %mul3A_3202, 128 : i32
      %dma_start3A_3204 = arith.constant 0 : i32
      %dma_start3A_3205 = tpu.memref_slice %arg4[%dma_start3A_3204, %multiple_of3A_3200] : memref<64x1000000xf32, #tpu.memory_space<hbm>> -> memref<64x128xf32, #tpu.memory_space<hbm>>
      %dma_start3A_3206 = arith.constant 0 : i32
      %dma_start3A_3207 = tpu.memref_slice %arg4[%dma_start3A_3206, %multiple_of3A_3200] : memref<64x1000000xf32, #tpu.memory_space<hbm>> -> memref<64x128xf32, #tpu.memory_space<hbm>>
      tpu.enqueue_dma source(%dma_start3A_3207 : memref<64x128xf32, #tpu.memory_space<hbm>>) target(%arg20 : memref<64x128xf32, #tpu.memory_space<vmem>>) target_semaphore(%arg36 : memref<!tpu.dma_semaphore, #tpu.memory_space<semaphore_mem>>)
      %dma_start3A_3208 = arith.constant 0 : i32
      %dma_start3A_3209 = tpu.memref_slice %arg5[%dma_start3A_3208, %multiple_of3A_3203] : memref<64x1000000xf32, #tpu.memory_space<hbm>> -> memref<64x128xf32, #tpu.memory_space<hbm>>
      %dma_start3A_3210 = arith.constant 0 : i32
      %dma_start3A_3211 = tpu.memref_slice %arg5[%dma_start3A_3210, %multiple_of3A_3203] : memref<64x1000000xf32, #tpu.memory_space<hbm>> -> memref<64x128xf32, #tpu.memory_space<hbm>>
      tpu.enqueue_dma source(%dma_start3A_3211 : memref<64x128xf32, #tpu.memory_space<hbm>>) target(%arg24 : memref<64x128xf32, #tpu.memory_space<vmem>>) target_semaphore(%arg40 : memref<!tpu.dma_semaphore, #tpu.memory_space<semaphore_mem>>)
      %broadcast_in_dim3A_3212 = arith.constant 0.000000e+00 : f32
      %broadcast_in_dim3A_3213 = vector.broadcast %broadcast_in_dim3A_3212 : f32 to vector<16xf32>
      %mul3A_3214 = arith.constant 16 : i32
      %mul3A_3215 = vector.broadcast %mul3A_3214 : i32 to vector<16xi32>
      %mul3A_3216 = arith.muli %iota3A, %mul3A_3215 : vector<16xi32>
      %add3A_3217 = arith.constant 0 : i32
      %add3A_3218 = vector.broadcast %add3A_3217 : i32 to vector<16xi32>
      %add3A_3219 = arith.addi %mul3A_3216, %add3A_3218 : vector<16xi32>
      %gather3A_3220 = tpu.vector_load_idx %arg27[%add3A_3219] : memref<256xf32, #tpu.memory_space<vmem>>[vector<16xi32>], vector<16xf32>,
      %add3A_3221 = arith.addf %broadcast_in_dim3A_3213, %gather3A_3220 : vector<16xf32>
      %mul3A_3222 = arith.constant 16 : i32
      %mul3A_3223 = vector.broadcast %mul3A_3222 : i32 to vector<16xi32>
      %mul3A_3224 = arith.muli %iota3A, %mul3A_3223 : vector<16xi32>
      %add3A_3225 = arith.constant 1 : i32
      %add3A_3226 = vector.broadcast %add3A_3225 : i32 to vector<16xi32>
      %add3A_3227 = arith.addi %mul3A_3224, %add3A_3226 : vector<16xi32>
      %gather3A_3228 = tpu.vector_load_idx %arg27[%add3A_3227] : memref<256xf32, #tpu.memory_space<vmem>>[vector<16xi32>], vector<16xf32>,
      %add3A_3229 = arith.addf %add3A_3221, %gather3A_3228 : vector<16xf32>
      %mul3A_3230 = arith.constant 16 : i32
      %mul3A_3231 = vector.broadcast %mul3A_3230 : i32 to vector<16xi32>
      %mul3A_3232 = arith.muli %iota3A, %mul3A_3231 : vector<16xi32>
      %add3A_3233 = arith.constant 2 : i32
      %add3A_3234 = vector.broadcast %add3A_3233 : i32 to vector<16xi32>
      %add3A_3235 = arith.addi %mul3A_3232, %add3A_3234 : vector<16xi32>
      %gather3A_3236 = tpu.vector_load_idx %arg27[%add3A_3235] : memref<256xf32, #tpu.memory_space<vmem>>[vector<16xi32>], vector<16xf32>,
      %add3A_3237 = arith.addf %add3A_3229, %gather3A_3236 : vector<16xf32>
      %mul3A_3238 = arith.constant 16 : i32
      %mul3A_3239 = vector.broadcast %mul3A_3238 : i32 to vector<16xi32>
      %mul3A_3240 = arith.muli %iota3A, %mul3A_3239 : vector<16xi32>
      %add3A_3241 = arith.constant 3 : i32
      %add3A_3242 = vector.broadcast %add3A_3241 : i32 to vector<16xi32>
      %add3A_3243 = arith.addi %mul3A_3240, %add3A_3242 : vector<16xi32>
      %gather3A_3244 = tpu.vector_load_idx %arg27[%add3A_3243] : memref<256xf32, #tpu.memory_space<vmem>>[vector<16xi32>], vector<16xf32>,
      %add3A_3245 = arith.addf %add3A_3237, %gather3A_3244 : vector<16xf32>
      %mul3A_3246 = arith.constant 16 : i32
      %mul3A_3247 = vector.broadcast %mul3A_3246 : i32 to vector<16xi32>
      %mul3A_3248 = arith.muli %iota3A, %mul3A_3247 : vector<16xi32>
      %add3A_3249 = arith.constant 4 : i32
      %add3A_3250 = vector.broadcast %add3A_3249 : i32 to vector<16xi32>
      %add3A_3251 = arith.addi %mul3A_3248, %add3A_3250 : vector<16xi32>
      %gather3A_3252 = tpu.vector_load_idx %arg27[%add3A_3251] : memref<256xf32, #tpu.memory_space<vmem>>[vector<16xi32>], vector<16xf32>,
      %add3A_3253 = arith.addf %add3A_3245, %gather3A_3252 : vector<16xf32>
      %mul3A_3254 = arith.constant 16 : i32
      %mul3A_3255 = vector.broadcast %mul3A_3254 : i32 to vector<16xi32>
      %mul3A_3256 = arith.muli %iota3A, %mul3A_3255 : vector<16xi32>
      %add3A_3257 = arith.constant 5 : i32
      %add3A_3258 = vector.broadcast %add3A_3257 : i32 to vector<16xi32>
      %add3A_3259 = arith.addi %mul3A_3256, %add3A_3258 : vector<16xi32>
      %gather3A_3260 = tpu.vector_load_idx %arg27[%add3A_3259] : memref<256xf32, #tpu.memory_space<vmem>>[vector<16xi32>], vector<16xf32>,
      %add3A_3261 = arith.addf %add3A_3253, %gather3A_3260 : vector<16xf32>
      %mul3A_3262 = arith.constant 16 : i32
      %mul3A_3263 = vector.broadcast %mul3A_3262 : i32 to vector<16xi32>
      %mul3A_3264 = arith.muli %iota3A, %mul3A_3263 : vector<16xi32>
      %add3A_3265 = arith.constant 6 : i32
      %add3A_3266 = vector.broadcast %add3A_3265 : i32 to vector<16xi32>
      %add3A_3267 = arith.addi %mul3A_3264, %add3A_3266 : vector<16xi32>
      %gather3A_3268 = tpu.vector_load_idx %arg27[%add3A_3267] : memref<256xf32, #tpu.memory_space<vmem>>[vector<16xi32>], vector<16xf32>,
      %add3A_3269 = arith.addf %add3A_3261, %gather3A_3268 : vector<16xf32>
      %mul3A_3270 = arith.constant 16 : i32
      %mul3A_3271 = vector.broadcast %mul3A_3270 : i32 to vector<16xi32>
      %mul3A_3272 = arith.muli %iota3A, %mul3A_3271 : vector<16xi32>
      %add3A_3273 = arith.constant 7 : i32
      %add3A_3274 = vector.broadcast %add3A_3273 : i32 to vector<16xi32>
      %add3A_3275 = arith.addi %mul3A_3272, %add3A_3274 : vector<16xi32>
      %gather3A_3276 = tpu.vector_load_idx %arg27[%add3A_3275] : memref<256xf32, #tpu.memory_space<vmem>>[vector<16xi32>], vector<16xf32>,
      %add3A_3277 = arith.addf %add3A_3269, %gather3A_3276 : vector<16xf32>
      %mul3A_3278 = arith.constant 16 : i32
      %mul3A_3279 = vector.broadcast %mul3A_3278 : i32 to vector<16xi32>
      %mul3A_3280 = arith.muli %iota3A, %mul3A_3279 : vector<16xi32>
      %add3A_3281 = arith.constant 8 : i32
      %add3A_3282 = vector.broadcast %add3A_3281 : i32 to vector<16xi32>
      %add3A_3283 = arith.addi %mul3A_3280, %add3A_3282 : vector<16xi32>
      %gather3A_3284 = tpu.vector_load_idx %arg27[%add3A_3283] : memref<256xf32, #tpu.memory_space<vmem>>[vector<16xi32>], vector<16xf32>,
      %add3A_3285 = arith.addf %add3A_3277, %gather3A_3284 : vector<16xf32>
      %mul3A_3286 = arith.constant 16 : i32
      %mul3A_3287 = vector.broadcast %mul3A_3286 : i32 to vector<16xi32>
      %mul3A_3288 = arith.muli %iota3A, %mul3A_3287 : vector<16xi32>
      %add3A_3289 = arith.constant 9 : i32
      %add3A_3290 = vector.broadcast %add3A_3289 : i32 to vector<16xi32>
      %add3A_3291 = arith.addi %mul3A_3288, %add3A_3290 : vector<16xi32>
      %gather3A_3292 = tpu.vector_load_idx %arg27[%add3A_3291] : memref<256xf32, #tpu.memory_space<vmem>>[vector<16xi32>], vector<16xf32>,
      %add3A_3293 = arith.addf %add3A_3285, %gather3A_3292 : vector<16xf32>
      %mul3A_3294 = arith.constant 16 : i32
      %mul3A_3295 = vector.broadcast %mul3A_3294 : i32 to vector<16xi32>
      %mul3A_3296 = arith.muli %iota3A, %mul3A_3295 : vector<16xi32>
      %add3A_3297 = arith.constant 10 : i32
      %add3A_3298 = vector.broadcast %add3A_3297 : i32 to vector<16xi32>
      %add3A_3299 = arith.addi %mul3A_3296, %add3A_3298 : vector<16xi32>
      %gather3A_3300 = tpu.vector_load_idx %arg27[%add3A_3299] : memref<256xf32, #tpu.memory_space<vmem>>[vector<16xi32>], vector<16xf32>,
      %add3A_3301 = arith.addf %add3A_3293, %gather3A_3300 : vector<16xf32>
      %mul3A_3302 = arith.constant 16 : i32
      %mul3A_3303 = vector.broadcast %mul3A_3302 : i32 to vector<16xi32>
      %mul3A_3304 = arith.muli %iota3A, %mul3A_3303 : vector<16xi32>
      %add3A_3305 = arith.constant 11 : i32
      %add3A_3306 = vector.broadcast %add3A_3305 : i32 to vector<16xi32>
      %add3A_3307 = arith.addi %mul3A_3304, %add3A_3306 : vector<16xi32>
      %gather3A_3308 = tpu.vector_load_idx %arg27[%add3A_3307] : memref<256xf32, #tpu.memory_space<vmem>>[vector<16xi32>], vector<16xf32>,
      %add3A_3309 = arith.addf %add3A_3301, %gather3A_3308 : vector<16xf32>
      %mul3A_3310 = arith.constant 16 : i32
      %mul3A_3311 = vector.broadcast %mul3A_3310 : i32 to vector<16xi32>
      %mul3A_3312 = arith.muli %iota3A, %mul3A_3311 : vector<16xi32>
      %add3A_3313 = arith.constant 12 : i32
      %add3A_3314 = vector.broadcast %add3A_3313 : i32 to vector<16xi32>
      %add3A_3315 = arith.addi %mul3A_3312, %add3A_3314 : vector<16xi32>
      %gather3A_3316 = tpu.vector_load_idx %arg27[%add3A_3315] : memref<256xf32, #tpu.memory_space<vmem>>[vector<16xi32>], vector<16xf32>,
      %add3A_3317 = arith.addf %add3A_3309, %gather3A_3316 : vector<16xf32>
      %mul3A_3318 = arith.constant 16 : i32
      %mul3A_3319 = vector.broadcast %mul3A_3318 : i32 to vector<16xi32>
      %mul3A_3320 = arith.muli %iota3A, %mul3A_3319 : vector<16xi32>
      %add3A_3321 = arith.constant 13 : i32
      %add3A_3322 = vector.broadcast %add3A_3321 : i32 to vector<16xi32>
      %add3A_3323 = arith.addi %mul3A_3320, %add3A_3322 : vector<16xi32>
      %gather3A_3324 = tpu.vector_load_idx %arg27[%add3A_3323] : memref<256xf32, #tpu.memory_space<vmem>>[vector<16xi32>], vector<16xf32>,
      %add3A_3325 = arith.addf %add3A_3317, %gather3A_3324 : vector<16xf32>
      %mul3A_3326 = arith.constant 16 : i32
      %mul3A_3327 = vector.broadcast %mul3A_3326 : i32 to vector<16xi32>
      %mul3A_3328 = arith.muli %iota3A, %mul3A_3327 : vector<16xi32>
      %add3A_3329 = arith.constant 14 : i32
      %add3A_3330 = vector.broadcast %add3A_3329 : i32 to vector<16xi32>
      %add3A_3331 = arith.addi %mul3A_3328, %add3A_3330 : vector<16xi32>
      %gather3A_3332 = tpu.vector_load_idx %arg27[%add3A_3331] : memref<256xf32, #tpu.memory_space<vmem>>[vector<16xi32>], vector<16xf32>,
      %add3A_3333 = arith.addf %add3A_3325, %gather3A_3332 : vector<16xf32>
      %mul3A_3334 = arith.constant 16 : i32
      %mul3A_3335 = vector.broadcast %mul3A_3334 : i32 to vector<16xi32>
      %mul3A_3336 = arith.muli %iota3A, %mul3A_3335 : vector<16xi32>
      %add3A_3337 = arith.constant 15 : i32
      %add3A_3338 = vector.broadcast %add3A_3337 : i32 to vector<16xi32>
      %add3A_3339 = arith.addi %mul3A_3336, %add3A_3338 : vector<16xi32>
      %gather3A_3340 = tpu.vector_load_idx %arg27[%add3A_3339] : memref<256xf32, #tpu.memory_space<vmem>>[vector<16xi32>], vector<16xf32>,
      %add3A_3341 = arith.addf %add3A_3333, %gather3A_3340 : vector<16xf32>
      %mul3A_3342 = arith.constant 16 : i32
      %mul3A_3343 = arith.muli %scan3A_222, %mul3A_3342 : i32
      %mul3A_3344 = arith.mulf %get3A_165, %add3A_3341 : vector<16xf32>
      %get3A_3345 = arith.index_cast %mul3A_3343 : i32 to index
      %get3A_3346 = tpu.vector_load %arg28[%get3A_3345] {strides = array<i32>} : memref<512xf32, #tpu.memory_space<vmem>>, vector<16xf32>,
      %add3A_3347 = arith.addf %mul3A_3344, %get3A_3346 : vector<16xf32>
      %get3A_3348 = arith.index_cast %mul3A_3343 : i32 to index
      %get3A_3349 = tpu.vector_load %arg29[%get3A_3348] {strides = array<i32>} : memref<512xf32, #tpu.memory_space<vmem>>, vector<16xf32>,
      %add3A_3350 = arith.addf %add3A_3347, %get3A_3349 : vector<16xf32>
      %add3A_3351 = arith.addf %add3A_3350, %get3A_167 : vector<16xf32>
      %swap3A_3352 = arith.index_cast %mul3A_3343 : i32 to index
      %swap3A_3353 = tpu.vector_load %arg30[%swap3A_3352] {strides = array<i32>} : memref<512xf32, #tpu.memory_space<vmem>>, vector<16xf32>,
      tpu.vector_store %arg30[%swap3A_3352], %add3A_3351 {strides = array<i32>} : memref<512xf32, #tpu.memory_space<vmem>>, vector<16xf32>,
      %neg3A = arith.constant 0.000000e+00 : f32
      %neg3A_3354 = vector.broadcast %neg3A : f32 to vector<16xf32>
      %neg3A_3355 = arith.subf %neg3A_3354, %add3A_3351 : vector<16xf32>
      %exp3A = math.exp %neg3A_3355 : vector<16xf32>
      %add3A_3356 = arith.constant 1.000000e+00 : f32
      %add3A_3357 = vector.broadcast %add3A_3356 : f32 to vector<16xf32>
      %add3A_3358 = arith.addf %add3A_3357, %exp3A : vector<16xf32>
      %div3A = arith.constant 1.000000e+00 : f32
      %div3A_3359 = vector.broadcast %div3A : f32 to vector<16xf32>
      %div3A_3360 = arith.divf %div3A_3359, %add3A_3358 : vector<16xf32>
      %swap3A_3361 = arith.index_cast %mul3A_3343 : i32 to index
      %swap3A_3362 = tpu.vector_load %arg31[%swap3A_3361] {strides = array<i32>} : memref<512xf32, #tpu.memory_space<vmem>>, vector<16xf32>,
      tpu.vector_store %arg31[%swap3A_3361], %div3A_3360 {strides = array<i32>} : memref<512xf32, #tpu.memory_space<vmem>>, vector<16xf32>,
    }
    %scan3A_173 = arith.constant 32 : i32
    %dma_wait3A_174 = arith.constant 0 : i32
    %dma_wait3A_175 = arith.constant 0 : i32
    %dma_wait3A_176 = tpu.memref_slice %arg4[%dma_wait3A_174, %dma_wait3A_175] : memref<64x1000000xf32, #tpu.memory_space<hbm>> -> memref<64x128xf32, #tpu.memory_space<hbm>>
    %dma_wait3A_177 = arith.constant 0 : i32
    %dma_wait3A_178 = arith.constant 0 : i32
    %dma_wait3A_179 = tpu.memref_slice %arg4[%dma_wait3A_177, %dma_wait3A_178] : memref<64x1000000xf32, #tpu.memory_space<hbm>> -> memref<64x128xf32, #tpu.memory_space<hbm>>
    tpu.wait_dma2 semaphore(%arg33 : memref<!tpu.dma_semaphore, #tpu.memory_space<semaphore_mem>>) src(%dma_wait3A_179 : memref<64x128xf32, #tpu.memory_space<hbm>>) dst(%arg17 : memref<64x128xf32, #tpu.memory_space<vmem>>)
    %dma_wait3A_180 = arith.constant 0 : i32
    %dma_wait3A_181 = arith.constant 0 : i32
    %dma_wait3A_182 = tpu.memref_slice %arg5[%dma_wait3A_180, %dma_wait3A_181] : memref<64x1000000xf32, #tpu.memory_space<hbm>> -> memref<64x128xf32, #tpu.memory_space<hbm>>
    %dma_wait3A_183 = arith.constant 0 : i32
    %dma_wait3A_184 = arith.constant 0 : i32
    %dma_wait3A_185 = tpu.memref_slice %arg5[%dma_wait3A_183, %dma_wait3A_184] : memref<64x1000000xf32, #tpu.memory_space<hbm>> -> memref<64x128xf32, #tpu.memory_space<hbm>>
    tpu.wait_dma2 semaphore(%arg37 : memref<!tpu.dma_semaphore, #tpu.memory_space<semaphore_mem>>) src(%dma_wait3A_185 : memref<64x128xf32, #tpu.memory_space<hbm>>) dst(%arg21 : memref<64x128xf32, #tpu.memory_space<vmem>>)
    %dma_wait3A_186 = arith.constant 0 : i32
    %dma_wait3A_187 = arith.constant 0 : i32
    %dma_wait3A_188 = tpu.memref_slice %arg4[%dma_wait3A_186, %dma_wait3A_187] : memref<64x1000000xf32, #tpu.memory_space<hbm>> -> memref<64x128xf32, #tpu.memory_space<hbm>>
    %dma_wait3A_189 = arith.constant 0 : i32
    %dma_wait3A_190 = arith.constant 0 : i32
    %dma_wait3A_191 = tpu.memref_slice %arg4[%dma_wait3A_189, %dma_wait3A_190] : memref<64x1000000xf32, #tpu.memory_space<hbm>> -> memref<64x128xf32, #tpu.memory_space<hbm>>
    tpu.wait_dma2 semaphore(%arg34 : memref<!tpu.dma_semaphore, #tpu.memory_space<semaphore_mem>>) src(%dma_wait3A_191 : memref<64x128xf32, #tpu.memory_space<hbm>>) dst(%arg18 : memref<64x128xf32, #tpu.memory_space<vmem>>)
    %dma_wait3A_192 = arith.constant 0 : i32
    %dma_wait3A_193 = arith.constant 0 : i32
    %dma_wait3A_194 = tpu.memref_slice %arg5[%dma_wait3A_192, %dma_wait3A_193] : memref<64x1000000xf32, #tpu.memory_space<hbm>> -> memref<64x128xf32, #tpu.memory_space<hbm>>
    %dma_wait3A_195 = arith.constant 0 : i32
    %dma_wait3A_196 = arith.constant 0 : i32
    %dma_wait3A_197 = tpu.memref_slice %arg5[%dma_wait3A_195, %dma_wait3A_196] : memref<64x1000000xf32, #tpu.memory_space<hbm>> -> memref<64x128xf32, #tpu.memory_space<hbm>>
    tpu.wait_dma2 semaphore(%arg38 : memref<!tpu.dma_semaphore, #tpu.memory_space<semaphore_mem>>) src(%dma_wait3A_197 : memref<64x128xf32, #tpu.memory_space<hbm>>) dst(%arg22 : memref<64x128xf32, #tpu.memory_space<vmem>>)
    %dma_wait3A_198 = arith.constant 0 : i32
    %dma_wait3A_199 = arith.constant 0 : i32
    %dma_wait3A_200 = tpu.memref_slice %arg4[%dma_wait3A_198, %dma_wait3A_199] : memref<64x1000000xf32, #tpu.memory_space<hbm>> -> memref<64x128xf32, #tpu.memory_space<hbm>>
    %dma_wait3A_201 = arith.constant 0 : i32
    %dma_wait3A_202 = arith.constant 0 : i32
    %dma_wait3A_203 = tpu.memref_slice %arg4[%dma_wait3A_201, %dma_wait3A_202] : memref<64x1000000xf32, #tpu.memory_space<hbm>> -> memref<64x128xf32, #tpu.memory_space<hbm>>
    tpu.wait_dma2 semaphore(%arg35 : memref<!tpu.dma_semaphore, #tpu.memory_space<semaphore_mem>>) src(%dma_wait3A_203 : memref<64x128xf32, #tpu.memory_space<hbm>>) dst(%arg19 : memref<64x128xf32, #tpu.memory_space<vmem>>)
    %dma_wait3A_204 = arith.constant 0 : i32
    %dma_wait3A_205 = arith.constant 0 : i32
    %dma_wait3A_206 = tpu.memref_slice %arg5[%dma_wait3A_204, %dma_wait3A_205] : memref<64x1000000xf32, #tpu.memory_space<hbm>> -> memref<64x128xf32, #tpu.memory_space<hbm>>
    %dma_wait3A_207 = arith.constant 0 : i32
    %dma_wait3A_208 = arith.constant 0 : i32
    %dma_wait3A_209 = tpu.memref_slice %arg5[%dma_wait3A_207, %dma_wait3A_208] : memref<64x1000000xf32, #tpu.memory_space<hbm>> -> memref<64x128xf32, #tpu.memory_space<hbm>>
    tpu.wait_dma2 semaphore(%arg39 : memref<!tpu.dma_semaphore, #tpu.memory_space<semaphore_mem>>) src(%dma_wait3A_209 : memref<64x128xf32, #tpu.memory_space<hbm>>) dst(%arg23 : memref<64x128xf32, #tpu.memory_space<vmem>>)
    %dma_wait3A_210 = arith.constant 0 : i32
    %dma_wait3A_211 = arith.constant 0 : i32
    %dma_wait3A_212 = tpu.memref_slice %arg4[%dma_wait3A_210, %dma_wait3A_211] : memref<64x1000000xf32, #tpu.memory_space<hbm>> -> memref<64x128xf32, #tpu.memory_space<hbm>>
    %dma_wait3A_213 = arith.constant 0 : i32
    %dma_wait3A_214 = arith.constant 0 : i32
    %dma_wait3A_215 = tpu.memref_slice %arg4[%dma_wait3A_213, %dma_wait3A_214] : memref<64x1000000xf32, #tpu.memory_space<hbm>> -> memref<64x128xf32, #tpu.memory_space<hbm>>
    tpu.wait_dma2 semaphore(%arg36 : memref<!tpu.dma_semaphore, #tpu.memory_space<semaphore_mem>>) src(%dma_wait3A_215 : memref<64x128xf32, #tpu.memory_space<hbm>>) dst(%arg20 : memref<64x128xf32, #tpu.memory_space<vmem>>)
    %dma_wait3A_216 = arith.constant 0 : i32
    %dma_wait3A_217 = arith.constant 0 : i32
    %dma_wait3A_218 = tpu.memref_slice %arg5[%dma_wait3A_216, %dma_wait3A_217] : memref<64x1000000xf32, #tpu.memory_space<hbm>> -> memref<64x128xf32, #tpu.memory_space<hbm>>
    %dma_wait3A_219 = arith.constant 0 : i32
    %dma_wait3A_220 = arith.constant 0 : i32
    %dma_wait3A_221 = tpu.memref_slice %arg5[%dma_wait3A_219, %dma_wait3A_220] : memref<64x1000000xf32, #tpu.memory_space<hbm>> -> memref<64x128xf32, #tpu.memory_space<hbm>>
    tpu.wait_dma2 semaphore(%arg40 : memref<!tpu.dma_semaphore, #tpu.memory_space<semaphore_mem>>) src(%dma_wait3A_221 : memref<64x128xf32, #tpu.memory_space<hbm>>) dst(%arg24 : memref<64x128xf32, #tpu.memory_space<vmem>>)
    "tpu.region"() ({
      %run_scoped3A = tpu.sem_alloc : memref<!tpu.dma_semaphore, #tpu.memory_space<semaphore_mem>>
      %dma_start3A_222 = tpu.memref_slice %arg12[%mul3A_2] : memref<16384xf32, #tpu.memory_space<hbm>> -> memref<512xf32, #tpu.memory_space<hbm>>
      %dma_start3A_223 = tpu.memref_slice %arg12[%mul3A_2] : memref<16384xf32, #tpu.memory_space<hbm>> -> memref<512xf32, #tpu.memory_space<hbm>>
      tpu.enqueue_dma source(%arg30 : memref<512xf32, #tpu.memory_space<vmem>>) target(%dma_start3A_223 : memref<512xf32, #tpu.memory_space<hbm>>) target_semaphore(%run_scoped3A : memref<!tpu.dma_semaphore, #tpu.memory_space<semaphore_mem>>)
      %dma_wait3A_224 = tpu.memref_slice %arg12[%mul3A_2] : memref<16384xf32, #tpu.memory_space<hbm>> -> memref<512xf32, #tpu.memory_space<hbm>>
      %dma_wait3A_225 = tpu.memref_slice %arg12[%mul3A_2] : memref<16384xf32, #tpu.memory_space<hbm>> -> memref<512xf32, #tpu.memory_space<hbm>>
      tpu.wait_dma2 semaphore(%run_scoped3A : memref<!tpu.dma_semaphore, #tpu.memory_space<semaphore_mem>>) src(%arg30 : memref<512xf32, #tpu.memory_space<vmem>>) dst(%dma_wait3A_225 : memref<512xf32, #tpu.memory_space<hbm>>)
      tpu.yield
    }) : () -> ()
    "tpu.region"() ({
      %run_scoped3A = tpu.sem_alloc : memref<!tpu.dma_semaphore, #tpu.memory_space<semaphore_mem>>
      %dma_start3A_222 = tpu.memref_slice %arg11[%mul3A_2] : memref<16384xf32, #tpu.memory_space<hbm>> -> memref<512xf32, #tpu.memory_space<hbm>>
      %dma_start3A_223 = tpu.memref_slice %arg11[%mul3A_2] : memref<16384xf32, #tpu.memory_space<hbm>> -> memref<512xf32, #tpu.memory_space<hbm>>
      tpu.enqueue_dma source(%arg31 : memref<512xf32, #tpu.memory_space<vmem>>) target(%dma_start3A_223 : memref<512xf32, #tpu.memory_space<hbm>>) target_semaphore(%run_scoped3A : memref<!tpu.dma_semaphore, #tpu.memory_space<semaphore_mem>>)
      %dma_wait3A_224 = tpu.memref_slice %arg11[%mul3A_2] : memref<16384xf32, #tpu.memory_space<hbm>> -> memref<512xf32, #tpu.memory_space<hbm>>
      %dma_wait3A_225 = tpu.memref_slice %arg11[%mul3A_2] : memref<16384xf32, #tpu.memory_space<hbm>> -> memref<512xf32, #tpu.memory_space<hbm>>
      tpu.wait_dma2 semaphore(%run_scoped3A : memref<!tpu.dma_semaphore, #tpu.memory_space<semaphore_mem>>) src(%arg31 : memref<512xf32, #tpu.memory_space<vmem>>) dst(%dma_wait3A_225 : memref<512xf32, #tpu.memory_space<hbm>>)
      tpu.yield
    }) : () -> ()
    return
  }
}

</mosaic_0001>

<sc_bundles>
// kernel: kernel.3.cloned.1.call-start
scs
__scs_entry_jumppad:
0x0: {  	(pc) =	sbr.rel $0x88, $3  }
0x1: {  	(tag) =	ssettag $0x0;
	lr =	simm.s32 $0x1  }
0x2: {  	[smem:$0x3F99] =	sst lr;
	_ =	strace $0xD0000000  }
0x3: {  	_ = 	snop  }
0x4: {  	_ = 	snop  }
0x5: {  	_ = 	snop  }
0x6: {  	_ = 	snop  }
0x7: {  	_ = 	snop  }
__scs_overlays_trampoline_lowered:
0x8: {  	[smem:$0x3FA8] =	sst s0  }
0x9: {  	[smem:$0x3FA9] =	sst s1  }
0xa: {  	[smem:$0x3FAA] =	sst s2  }
0xb: {  	[smem:$0x3FAB] =	sst s3  }
0xc: {  	[smem:$0x3FAC] =	sst s4  }
0xd: {  	[smem:$0x3FAD] =	sst s5  }
0xe: {  	[smem:$0x3FAE] =	sst s6  }
0xf: {  	[smem:$0x3FAF] =	sst s7  }
0x10: {  	[smem:$0x3FB0] =	sst s8  }
0x11: {  	[smem:$0x3FB1] =	sst s9;
	s0 =	simm.s32 @!p0 $0x0  }
0x12: {  	s1 =	sld [smem:$0x3F97];
	s0 =	simm.s32 @p0 $0x1  }
0x13: {  	[smem:$0x3FB2] =	sst s0;
	s0 =	simm.s32 @!p1 $0x0  }
0x14: {  	s2 =	sld [smem:$0x3F96];
	s0 =	simm.s32 @p1 $0x1  }
0x15: {  	[smem:$0x3FB3] =	sst s0;
	s0 =	simm.s32 @!p2 $0x0  }
0x16: {  	s3 =	sld [smem:$0x3FDB];
	s0 =	simm.s32 @p2 $0x1  }
0x17: {  	s4 =	simm.s32 $0x1BF5;
	[smem:$0x3FB5] =	sst s0  }
0x18: {  	s0 =	sld [smem:$0x3F98];
	_ =	swait.ge [sflag:s4], $0x0  }
0x19: {  	s7 =	sld [smem:$0x3F99]  }
0x1a: {  	s8 =	sadd.s32 $0xFFFFE003, lr  }
0x1b: {  	s9 =	sadd.s32 $0xFFFFFEF7, lr;
	s5 =	simm.s32 $0xFFFFFFFF;
	p2 =	slt.u32 s8, $0xFFFFF086  }
0x1c: {  	p1 =	slt.u32 s9, $0xF7A;
	s5 =	simm.s32 @!p2 $0x0  }
0x1d: {  	s5 =	simm.s32 @p1 $0x1;
	p0 =	seq.s32 s7, s2  }
0x1e: {  	s7 =	smul.u32 @!p0 $0xF7A, s2;
	p2 =	seq.s32 @!p0 s5, $0x0  }
0x1f: {  	s9 =	smul.u32 $0xF7A, s1;
	s8 =	simm.s32 @!p0 $0x1BF5;
	p2 =	por !p2, p0  }
0x20: {  	[sflag:s8] =	ssyncset.s32 @!p0 $0xFFFFF086;
	s6 =	sadd.s32 @!p0 s3, s7;
	s7 =	simm.s32 @!p0 $0x108  }
0x21: {  	s3 =	sadd.s32 s3, s9;
	s6 =	sadd.s32 @!p0 $0x88, s6;
	s7 =	simm.s32 @p2 $0x1082  }
0x22: {  	[simem:s7], [sflag:s8] =	dma.local @!p0 [hbm:s6], $0xF7A  }
0x23: {  	s9 =	sor.u32 $0xD0000000, s2;
	s6 =	simm.s32 $0x108;
	_ =	swait.ge @!p0 [sflag:s8], $0x0  }
0x24: {  	s3 =	sadd.s32 $0x88, s3;
	s6 =	simm.s32 @!p1 $0x1082;
	[sflag:s4] =	ssyncset.s32 $0xFFFFF086  }
0x25: {  	[simem:s6], [sflag:s4] =	dma.local [hbm:s3], $0xF7A  }
0x26: {  	[smem:$0x3F99] =	sst s1;
	(tag) =	ssettag s2;
	_ =	strace s9  }
0x27: {  	s1 =	sld [smem:$0x3FA9]  }
0x28: {  	s2 =	sld [smem:$0x3FAA]  }
0x29: {  	s4 =	sld [smem:$0x3FAC]  }
0x2a: {  	p0 =	seq.s32 s5, $0x0;
	s5 =	sld [smem:$0x3FAD]  }
0x2b: {  	s6 =	sld [smem:$0x3FAE]  }
0x2c: {  	s7 =	sld [smem:$0x3FAF]  }
0x2d: {  	s3 =	simm.s32 $0x108;
	s8 =	sld [smem:$0x3FB0]  }
0x2e: {  	s3 =	simm.s32 @!p0 $0x1082;
	s9 =	sld [smem:$0x3FB1]  }
0x2f: {  	lr =	sadd.s32 s0, s3;
	s0 =	sld [smem:$0x3FA8]  }
0x30: {  	s3 =	sld [smem:$0x3FAB]  }
0x31: {  	[smem:$0x3FB4] =	sst s10  }
0x32: {  	s10 =	sld [smem:$0x3FB2];
	_ =	sdelay $0x3  }
0x33: {  	p0 =	seq.s32 s10, $0x1;
	s10 =	sld [smem:$0x3FB4];
	_ =	sdelay $0x3  }
0x34: {  	[smem:$0x3FB4] =	sst s10  }
0x35: {  	s10 =	sld [smem:$0x3FB3];
	_ =	sdelay $0x3  }
0x36: {  	p1 =	seq.s32 s10, $0x1;
	s10 =	sld [smem:$0x3FB4];
	_ =	sdelay $0x3  }
0x37: {  	[smem:$0x3FB4] =	sst s10  }
0x38: {  	s10 =	sld [smem:$0x3FB5]  }
0x39: {  	_ = 	snop;
	(pc) =	sbr.ind lr, $3  }
0x3a: {  	_ = 	snop  }
0x3b: {  	_ = 	snop  }
0x3c: {  	p2 =	seq.s32 s10, $0x1;
	s10 =	sld [smem:$0x3FB4]  }
0x3d: {  	_ =	shalt  }
0x3e: {  	_ =	shalt  }
0x3f: {  	_ =	shalt  }
0x40: {  	_ =	shalt  }
0x41: {  	_ =	shalt  }
0x42: {  	_ =	shalt  }
0x43: {  	_ =	shalt  }
0x44: {  	_ =	shalt  }
0x45: {  	_ =	shalt  }
0x46: {  	_ =	shalt  }
0x47: {  	_ =	shalt  }
0x48: {  	_ =	shalt  }
0x49: {  	_ =	shalt  }
0x4a: {  	_ =	shalt  }
0x4b: {  	_ =	shalt  }
0x4c: {  	_ =	shalt  }
0x4d: {  	_ =	shalt  }
0x4e: {  	_ =	shalt  }
0x4f: {  	_ =	shalt  }
0x50: {  	_ =	shalt  }
0x51: {  	_ =	shalt  }
0x52: {  	_ =	shalt  }
0x53: {  	_ =	shalt  }
0x54: {  	_ =	shalt  }
0x55: {  	_ =	shalt  }
0x56: {  	_ =	shalt  }
0x57: {  	_ =	shalt  }
0x58: {  	_ =	shalt  }
0x59: {  	_ =	shalt  }
0x5a: {  	_ =	shalt  }
0x5b: {  	_ =	shalt  }
0x5c: {  	_ =	shalt  }
0x5d: {  	_ =	shalt  }
0x5e: {  	_ =	shalt  }
0x5f: {  	_ =	shalt  }
0x60: {  	_ =	shalt  }
0x61: {  	_ =	shalt  }
0x62: {  	_ =	shalt  }
0x63: {  	_ =	shalt  }
0x64: {  	_ =	shalt  }
0x65: {  	_ =	shalt  }
0x66: {  	_ =	shalt  }
0x67: {  	_ =	shalt  }
0x68: {  	_ =	shalt  }
0x69: {  	_ =	shalt  }
0x6a: {  	_ =	shalt  }
0x6b: {  	_ =	shalt  }
0x6c: {  	_ =	shalt  }
0x6d: {  	_ =	shalt  }
0x6e: {  	_ =	shalt  }
0x6f: {  	_ =	shalt  }
0x70: {  	_ =	shalt  }
0x71: {  	_ =	shalt  }
0x72: {  	_ =	shalt  }
0x73: {  	_ =	shalt  }
0x74: {  	_ =	shalt  }
0x75: {  	_ =	shalt  }
0x76: {  	_ =	shalt  }
0x77: {  	_ =	shalt  }
0x78: {  	_ =	shalt  }
0x79: {  	_ =	shalt  }
0x7a: {  	_ =	shalt  }
0x7b: {  	_ =	shalt  }
0x7c: {  	_ =	shalt  }
0x7d: {  	_ =	shalt  }
0x7e: {  	_ =	shalt  }
0x7f: {  	_ =	shalt  }
0x80: {  	_ =	shalt  }
0x81: {  	_ =	shalt  }
0x82: {  	_ =	shalt  }
0x83: {  	_ =	shalt  }
0x84: {  	_ =	shalt  }
0x85: {  	_ =	shalt  }
0x86: {  	_ =	shalt  }
0x87: {  	_ =	shalt  }
.Lfunc_end0:
.L_simem_size_0:
called_computation_lowered:
.L_overlay_start_0:
0x88: {  	s2 =	sld [smem:$0x3FD9]  }
0x89: {  	s3 =	sld [smem:$0x3FFE];
	_ =	sdelay $0x1  }
0x8a: {  	s1 =	srdreg.scid  }
0x8b: {  	s0 =	sand.u32 $0x1, s1  }
0x8c: {  	s14 =	sshll.u32 s0, $0xA;
	s2 =	sadd.s32 s3, s2  }
0x8d: {  	s2 =	sadd.s32 s2, s14  }
0x8e: {  	[smem:$0x3FC0] =	sst s2  }
0x8f: {  	_ = 	snop  }
0x90: {  	s2 =	sld [smem:$0x3FC9]  }
0x91: {  	s15 =	sld [smem:$0x3FC8]  }
0x92: {  	s4 =	sld [smem:$0x3FC7]  }
0x93: {  	s5 =	sld [smem:$0x3FD0]  }
0x94: {  	s6 =	sld [smem:$0x3FC6]  }
0x95: {  	s7 =	sld [smem:$0x3FC3]  }
0x96: {  	s9 =	simm.s32 $0xA;
	s10 =	simm.s32 $0x10;
	s8 =	sld [smem:$0x3FC2]  }
0x97: {  	[smem:s10], [sflag:s9] =	dma.local [hbm:s5], $0x1  }
0x98: {  	_ =	swait.eq [sflag:s9], $0x1  }
0x99: {  	[sflag:s9] =	ssyncset.done $0x0  }
0x9a: {  	s16 =	sld [smem:$0x10];
	[sflag:s9] =	ssyncadd.s32 $0xFFFFFFFF  }
0x9b: {  	s17 =	sld [smem:$0x11];
	(tm) =	ssettm $0x1  }
0x9c: {  	s18 =	sld [smem:$0x3FFB];
	_ =	sdelay $0x3  }
0x9d: {  	_ =	strace s18  }
0x9e: {  	s10 =	sld [smem:$0x3FFC];
	_ =	sdelay $0x3  }
0x9f: {  	_ =	strace s10  }
0xa0: {  	s10 =	sld [smem:$0x3FFD];
	_ =	sdelay $0x3  }
0xa1: {  	_ =	strace s10  }
0xa2: {  	_ =	strace $0x8FFFFFFF  }
0xa3: {  	s19 =	sld [smem:$0x3FDB];
	_ =	sdelay $0x1  }
0xa4: {  	s11 =	simm.s32 $_scs_section_size  }
0xa5: {  	s12 =	simm.s32 $_size__tile_overlayer_lowered;
	s13 =	simm.s32 $_tile_overlayer_lowered  }
0xa6: {  	s22 =	simm.s32 $0x1BFF;
	s21 =	sshll.u32 s13, $0x1;
	s10 =	sadd.s32 s11, s19  }
0xa7: {  	s20 =	sshll.u32 s12, $0x1;
	s14 =	simm.s32 $0x0;
	s12 =	sadd.s32 s21, s10  }
0xa8: {  	[timem:s14], [sflag:s22] =	dma.local [hbm:s12], s20  }
0xa9: {  	_ =	swait.ge [sflag:s22], s20  }
0xaa: {  	s11 =	ssub.s32 $0x0, s20;
	[sflag:s22] =	ssyncset.done $0x0  }
0xab: {  	[sflag:s22] =	ssyncadd.s32 s11;
	_ =	sdelay $0x1  }
0xac: {  	s23 =	simm.s32 $0x1B8B  }
0xad: {  	_ =	swait.ge [sflag:s23], $0x1  }
0xae: {  	[sflag:s23] =	ssyncset.done $0x0  }
0xaf: {  	s25 =	simm.s32 $0x1B8E;
	s24 =	sld [smem:$0x3FFE];
	[sflag:s23] =	ssyncadd.s32 $0xFFFFFFFF  }
0xb0: {  	s26 =	simm.s32 $execute0_lowered;
	[smem:$0x3FD2] =	sst s25  }
0xb1: {  	s12 =	sshll.u32 s26, $0x1;
	_ =	strace $0x80000046;
	[dreg:$0x1] =	wrdreg $0xFFFFFFFF  }
0xb2: {  	s28 =	simm.s32 $_size_execute0_lowered;
	s10 =	sadd.s32 s10, s12;
	[dreg:$0x0] =	wrdreg $0x0  }
0xb3: {  	s12 =	sshll.u32 s28, $0x1;
	[dreg:$0x2] =	wrdreg s10  }
0xb4: {  	[dreg:$0x3] =	wrdreg s12  }
0xb5: {  	[dreg:$0x4] =	wrdreg $0xC0  }
0xb6: {  	_ =	task [dreg:s14], $0x5FFFF  }
0xb7: {  	[dreg:$0x1] =	wrdreg $0xFFFFFFFF  }
0xb8: {  	[dreg:$0x0] =	wrdreg $0x60  }
0xb9: {  	[dreg:$0x2] =	wrdreg s2  }
0xba: {  	[dreg:$0x3] =	wrdreg s15  }
0xbb: {  	[dreg:$0x4] =	wrdreg s4  }
0xbc: {  	[dreg:$0x5] =	wrdreg s6  }
0xbd: {  	[dreg:$0x6] =	wrdreg s24  }
0xbe: {  	[dreg:$0x7] =	wrdreg s7  }
0xbf: {  	[dreg:$0x8] =	wrdreg s8  }
0xc0: {  	[dreg:$0x9] =	wrdreg s16  }
0xc1: {  	[dreg:$0xa] =	wrdreg s17  }
0xc2: {  	[dreg:$0xb] =	wrdreg $0x9  }
0xc3: {  	_ =	task.clear_ibuf [dreg:s14], $0xCFFFF;
	_ =	strace $0x90000046  }
0xc4: {  	s29 =	simm.s32 $0x9;
	_ =	strace $0x80000048  }
0xc5: {  	_ =	swait.ge [sflag:s29], $0x1  }
0xc6: {  	[sflag:s29] =	ssyncadd.s32 $0xFFFFFFFF  }
0xc7: {  	_ =	strace $0x90000048  }
0xc8: {  	_ =	sfence  }
0xc9: {  	s30 =	sld [smem:$0x0];
	_ =	sdelay $0x2  }
0xca: {  	s31 =	sshll.u32 s1, $0xD;
	s1 =	sshrl.u32 s1, $0x2  }
0xcb: {  	s3 =	sand.u32 $0x4000, s31;
	s1 =	sadd.s32 s1, s30  }
0xcc: {  	s0 =	sor.u32 s3, s0;
	s1 =	sshll.u32 s1, $0x11  }
0xcd: {  	s0 =	sor.u32 s1, s0  }
0xce: {  	s0 =	sadd.s32 $0x8F2B, s0  }
0xcf: {  	[sflag:s0] =	ssyncadd.remote.s32 $0x1  }
0xd0: {  	_ =	sfence.sel $0xFFFF  }
0xd1: {  	[dreg:$0x0] =	wrdreg $0xFFFFFFFF;
	(pc) =	sbr.abs _section_cstart, $3  }
0xd2: {  	[dreg:$0x1] =	wrdreg $0xFFFFFFFF  }
0xd3: {  	_ =	task.clear_ibuf [dreg:s14], $0x2FFFF;
	_ =	strace $0x9FFFFFFF  }
0xd4: {  	(tm) =	ssettm $0x7FFFFFFF  }
0xd5: {  	_ =	shalt  }
tec
execute0_lowered:
.L_overlay_start_1:
0x0: {  	(tag) =	ssettag $0x1  }
0x1: {  	s1 =	rddreg [dreg:$0x0]  }
0x2: {  	s3 =	rddreg [dreg:$0x1]  }
0x3: {  	s0 =	rddreg [dreg:$0x2]  }
0x4: {  	s2 =	rddreg [dreg:$0x3]  }
0x5: {  	s4 =	rddreg [dreg:$0x4]  }
0x6: {  	s6 =	rddreg [dreg:$0x7]  }
0x7: {  	s7 =	rddreg [dreg:$0x8];
	s5 =	simm.s32 $0x0  }
0x8: {  	s8 =	srdreg.scid;
	s11 =	stileid.u32;
	s16 =	simm.s32 $0xB  }
0x9: {  	s28 =	simm.s32 $0x400;
	s29 =	simm.s32 $0x7A1400;
	s30 =	simm.s32 $0x900  }
0xa: {  	s31 =	simm.s32 $0x8900;
	s18 =	simm.s32 $0x6900;
	s19 =	simm.s32 $0xE900  }
0xb: {  	s15 =	simm.s32 $0x2;
	s17 =	simm.s32 $0x6;
	s12 =	simm.s32 $0x12900  }
0xc: {  	s13 =	simm.s32 $0x0;
	[smem:$0x7FF] =	sst s5;
	s9 =	sadd.s32 $0x800, s4  }
0xd: {  	s8 =	sand.u32 $0x1, s8;
	s20 =	sadd.s32 $0xA00, s4;
	s11 =	sshll.u32 s11, $0x7  }
0xe: {  	s4 =	sadd.s32 $0xC00, s4;
	_ =	strace $0x80000047;
	[dreg:$0xa] =	wrdreg s9  }
0xf: {  	v5 =	vlaneseq.u32;
	[dreg:$0xb] =	wrdreg s20;
	s21 =	ssub.s32 $0x2, s8;
	s8 =	sshll.u32 s8, $0x6  }
0x10: {  	v0 =	vmul.u32 $0x40, v5;
	v1 =	vmul.u32 $0x80, v5;
	[dreg:$0xc] =	wrdreg s4;
	s20 =	simm.s32 $0x10900;
	s4 =	simm.s32 $0xC900  }
0x11: {  	v5 =	vmul.u32 $0x10, v5;
	s9 =	simm.s32 $0x8;
	s10 =	sshrl.u32 s21, $0x1;
	s8 =	sor.u32 s8, s11  }
0x12: {  	v2 =	vor.u32 $0x400, v0;
	v3 =	vor.u32 $0x800, v1;
	v4 =	vor.u32 $0x800, v0;
	s22 =	ssub.s32 s21, s10;
	s1 =	sadd.s32 s1, s8;
	s23 =	sadd.s32 s3, s8  }
0x13: {  	v6 =	vor.u32 $0x1000, v1;
	v7 =	vor.u32 $0xC00, v0;
	v8 =	vor.u32 $0x1800, v1;
	s24 =	sadd.s32 s7, s8;
	s25 =	sadd.s32 s6, s8;
	[dreg:$0xd] =	wrdreg s1  }
0x14: {  	v9 =	vor.u32 $0x1, v5;
	v10 =	vor.u32 $0x2, v5;
	v11 =	vor.u32 $0x3, v5;
	s21 =	simm.s32 $0x11900;
	s6 =	simm.s32 $0xA900;
	[dreg:$0xe] =	wrdreg s23  }
0x15: {  	v12 =	vor.u32 $0x4, v5;
	v13 =	vor.u32 $0x5, v5;
	v14 =	vor.u32 $0x6, v5;
	s3 =	simm.s32 $0x4900;
	s7 =	simm.s32 $0x7;
	[dreg:$0xf] =	wrdreg s24  }
0x16: {  	v15 =	vor.u32 $0x7, v5;
	v16 =	vor.u32 $0x8, v5;
	v17 =	vor.u32 $0x9, v5;
	s8 =	simm.s32 $0x4;
	[dreg:$0x10] =	wrdreg s25;
	s26 =	smax.u32 s22, $0x1  }
0x17: {  	v18 =	vor.u32 $0xA, v5;
	v19 =	vor.u32 $0xB, v5;
	v20 =	vor.u32 $0xC, v5;
	s1 =	simm.s32 $0x2900;
	s23 =	simm.s32 $0x1;
	s24 =	simm.s32 $0x5  }
0x18: {  	v21 =	vor.u32 $0xD, v5;
	v22 =	vor.u32 $0xE, v5;
	v23 =	vor.u32 $0xF, v5;
	s22 =	simm.s32 $0x3;
	[dreg:$0x11] =	wrdreg s26;
	s26 =	simm.s32 $0x500  }
.LBB2_1:
0x19: {  	s10 =	rddreg [dreg:$0xd]  }
0x1a: {  	[tilespmem:s26], [sflag:$0xB] =	stream.linear.gather [hbm4b:s10+s5], $0x200, $0x38;
	[tilespmem:$0x13280] =	vst v63  }
0x1b: {  	_ =	swait.ge [sflag:s16], $0x200  }
0x1c: {  	[sflag:s16] =	ssyncset.done $0x0  }
0x1d: {  	s14 =	simm.s32 $0x700;
	s11 =	rddreg [dreg:$0xe];
	[sflag:s16] =	ssyncadd.s32 $0xFFFFFE00  }
0x1e: {  	[tilespmem:s14], [sflag:$0xB] =	stream.linear.gather [hbm4b:s11+s5], $0x200, $0x38;
	[tilespmem:$0x13280] =	vst v63  }
0x1f: {  	_ =	swait.ge [sflag:s16], $0x200  }
0x20: {  	[sflag:s16] =	ssyncset.done $0x0  }
0x21: {  	[sflag:s16] =	ssyncadd.s32 $0xFFFFFE00  }
0x22: {  	[tilespmem:s5], [sflag:$0xB] =	stream.linear.gather [hbm4b:s10+s5], $0x200, $0x38;
	[tilespmem:$0x13280] =	vst v63  }
0x23: {  	_ =	swait.ge [sflag:s16], $0x200  }
0x24: {  	[sflag:s16] =	ssyncset.done $0x0  }
0x25: {  	s25 =	simm.s32 $0x280;
	[sflag:s16] =	ssyncadd.s32 $0xFFFFFE00  }
0x26: {  	[tilespmem:s25], [sflag:$0xB] =	stream.linear.gather [hbm4b:s11+s5], $0x200, $0x38;
	[tilespmem:$0x13280] =	vst v63  }
0x27: {  	_ =	swait.ge [sflag:s16], $0x200  }
0x28: {  	[sflag:s16] =	ssyncset.done $0x0  }
0x29: {  	[sflag:s16] =	ssyncadd.s32 $0xFFFFFE00  }
0x2a: {  	v24 =	vld [tilespmem:$0x1F0];
	_ =	sdelay $0x1  }
0x2b: {  	v25 =	vld [tilespmem:$0x470];
	_ =	sdelay $0x2  }
0x2c: {  	v24 =	vbroadcast v24, $0xF;
	_ =	sdelay $0x1  }
0x2d: {  	v25 =	vbroadcast v25, $0xF;
	[tilespmem:$0x200] =	vst v24  }
0x2e: {  	[tilespmem:$0x210] =	vst v24  }
0x2f: {  	[tilespmem:$0x480] =	vst v25  }
0x30: {  	s25 =	simm.s32 $0x13200;
	s14 =	rddreg [dreg:$0xc];
	[tilespmem:$0x490] =	vst v25  }
0x31: {  	[tilespmem:s25], [sflag:$0xB] =	stream.linear.gather [hbm4b:s14+s5], $0x80, $0x38;
	[tilespmem:$0x13280] =	vst v63  }
0x32: {  	_ =	swait.ge [sflag:s16], $0x80  }
0x33: {  	[sflag:s16] =	ssyncset.done $0x0  }
0x34: {  	s14 =	rddreg [dreg:$0xa];
	[sflag:s16] =	ssyncadd.s32 $0xFFFFFF80  }
0x35: {  	[tilespmem:s20], [sflag:$0xB] =	stream.linear.gather [hbm4b:s14+s5], $0x1000, $0x38;
	[tilespmem:$0x13280] =	vst v63  }
0x36: {  	_ =	swait.ge [sflag:s16], $0x1000  }
0x37: {  	[sflag:s16] =	ssyncset.done $0x0  }
0x38: {  	s25 =	rddreg [dreg:$0xb];
	[sflag:s16] =	ssyncadd.s32 $0xFFFFF000  }
0x39: {  	[tilespmem:s21], [sflag:$0xB] =	stream.linear.gather [hbm4b:s25+s5], $0x1000, $0x38;
	[tilespmem:$0x13280] =	vst v63  }
0x3a: {  	_ =	swait.ge [sflag:s16], $0x1000  }
0x3b: {  	[sflag:s16] =	ssyncset.done $0x0  }
0x3c: {  	s14 =	simm.s32 $0x0;
	s25 =	simm.s32 $0x40;
	[sflag:s16] =	ssyncadd.s32 $0xFFFFF000  }
.LBB2_2:
0x3d: {  	p0 =	sne.s32 s25, $0x7C0;
	v24 =	vld [tilespmem:s14+$0x500];
	_ =	sdelay $0x1  }
.Ltmp0:
0x3e: {  	(pc) =	sbr.rel @p0 .LBB2_2-.Ltmp0, $3  }
0x3f: {  	_ =	sdelay $0x1  }
0x40: {  	v24 =	vshll.u32 v24, $0x1  }
0x41: {  	[tilespmem:s14+$0x500] =	vst v24;
	s14 =	sshra.s32 s25, $0x2;
	s25 =	sadd.s32 $0x40, s25  }
0x42: {  	v24 =	vld [tilespmem:s14+$0x500];
	_ =	sdelay $0x4  }
0x43: {  	v24 =	vshll.u32 v24, $0x1  }
0x44: {  	s10 =	rddreg [dreg:$0x5];
	s11 =	simm.s32 $0x12A00;
	[tilespmem:s14+$0x500] =	vst v24;
	s14 =	simm.s32 $0x200  }
0x45: {  	[tilespmem:s11], [sflag:$0x9] =	stream.indirect.gather [hbm4b:s10+s14], $0x1, s26, s14, $0xb8;
	[tilespmem:$0x13280] =	vst v63  }
0x46: {  	s25 =	simm.s32 $0x12C00;
	s11 =	rddreg [dreg:$0x6];
	s26 =	simm.s32 $0x700  }
0x47: {  	[tilespmem:s25], [sflag:$0xA] =	stream.indirect.gather [hbm4b:s11+s14], $0x1, s26, s14, $0xb8;
	[tilespmem:$0x13280] =	vst v63  }
0x48: {  	s25 =	simm.s32 $0x9  }
0x49: {  	_ =	swait.ge [sflag:s25], $0x200  }
0x4a: {  	[sflag:s25] =	ssyncset.done $0x0  }
0x4b: {  	s26 =	simm.s32 $0xA;
	[sflag:s25] =	ssyncadd.s32 $0xFFFFFE00  }
0x4c: {  	_ =	swait.ge [sflag:s26], $0x200  }
0x4d: {  	[sflag:s26] =	ssyncset.done $0x0  }
0x4e: {  	[sflag:s26] =	ssyncadd.s32 $0xFFFFFE00  }
0x4f: {  	v24 =	vld [tilespmem:$0x0];
	_ =	sdelay $0x4  }
0x50: {  	(v2sf) =	vpush v24, $0x0  }
0x51: {  	v24 =	vld [tilespmem:$0x280];
	_ =	sdelay $0x4  }
0x52: {  	(v2sf) =	vpush v24, $0x0;
	_ =	sdelay $0x8  }
0x53: {  	s10 =	spop (v2sf)  }
0x54: {  	s14 =	sshll.u32 s10, $0x1  }
0x55: {  	p0 =	sgt.s32 s14, $0xF41FF;
	s14 =	sand.u32 $0x1FFFFF80, s14  }
0x56: {  	s14 =	simm.s32 @p0 $0x0  }
0x57: {  	s14 =	sadd.s32 s0, s14  }
0x58: {  	[tilespmem:s30], [sflag:$0x1] =	stream.strided.gather [hbm4b:s14+s28], $0x2000, s29, s28, $0x38;
	[tilespmem:$0x13280] =	vst v63  }
0x59: {  	s11 =	spop (v2sf)  }
0x5a: {  	p0 =	sgt.s32 s11, $0xF41FF;
	s14 =	sand.u32 $0xFFFFF80, s11  }
0x5b: {  	s14 =	simm.s32 @p0 $0x0  }
0x5c: {  	s14 =	sadd.s32 s2, s14  }
0x5d: {  	[tilespmem:s31], [sflag:$0x5] =	stream.strided.gather [hbm4b:s14+s28], $0x2000, s29, s28, $0x38;
	[tilespmem:$0x13280] =	vst v63  }
0x5e: {  	v24 =	vld [tilespmem:$0x1];
	_ =	sdelay $0x4  }
0x5f: {  	(v2sf) =	vpush v24, $0x0  }
0x60: {  	v24 =	vld [tilespmem:$0x281];
	_ =	sdelay $0x4  }
0x61: {  	(v2sf) =	vpush v24, $0x0;
	_ =	sdelay $0x8  }
0x62: {  	s25 =	spop (v2sf)  }
0x63: {  	s14 =	sshll.u32 s25, $0x1  }
0x64: {  	p0 =	sgt.s32 s14, $0xF41FF;
	s14 =	sand.u32 $0x1FFFFF80, s14  }
0x65: {  	s14 =	simm.s32 @p0 $0x0  }
0x66: {  	s14 =	sadd.s32 s0, s14  }
0x67: {  	[tilespmem:s1], [sflag:$0x2] =	stream.strided.gather [hbm4b:s14+s28], $0x2000, s29, s28, $0x38;
	[tilespmem:$0x13280] =	vst v63  }
0x68: {  	s26 =	spop (v2sf)  }
0x69: {  	p0 =	sgt.s32 s26, $0xF41FF;
	s14 =	sand.u32 $0xFFFFF80, s26  }
0x6a: {  	s14 =	simm.s32 @p0 $0x0  }
0x6b: {  	s14 =	sadd.s32 s2, s14  }
0x6c: {  	[tilespmem:s6], [sflag:$0x6] =	stream.strided.gather [hbm4b:s14+s28], $0x2000, s29, s28, $0x38;
	[tilespmem:$0x13280] =	vst v63  }
0x6d: {  	v24 =	vld [tilespmem:$0x2];
	_ =	sdelay $0x4  }
0x6e: {  	(v2sf) =	vpush v24, $0x0  }
0x6f: {  	v24 =	vld [tilespmem:$0x282];
	_ =	sdelay $0x4  }
0x70: {  	(v2sf) =	vpush v24, $0x0;
	_ =	sdelay $0x8  }
0x71: {  	s10 =	spop (v2sf)  }
0x72: {  	s14 =	sshll.u32 s10, $0x1  }
0x73: {  	p0 =	sgt.s32 s14, $0xF41FF;
	s14 =	sand.u32 $0x1FFFFF80, s14  }
0x74: {  	s14 =	simm.s32 @p0 $0x0  }
0x75: {  	s14 =	sadd.s32 s0, s14  }
0x76: {  	[tilespmem:s3], [sflag:$0x3] =	stream.strided.gather [hbm4b:s14+s28], $0x2000, s29, s28, $0x38;
	[tilespmem:$0x13280] =	vst v63  }
0x77: {  	s11 =	spop (v2sf)  }
0x78: {  	p0 =	sgt.s32 s11, $0xF41FF;
	s14 =	sand.u32 $0xFFFFF80, s11  }
0x79: {  	s14 =	simm.s32 @p0 $0x0  }
0x7a: {  	s14 =	sadd.s32 s2, s14  }
0x7b: {  	[tilespmem:s4], [sflag:$0x7] =	stream.strided.gather [hbm4b:s14+s28], $0x2000, s29, s28, $0x38;
	[tilespmem:$0x13280] =	vst v63  }
0x7c: {  	v24 =	vld [tilespmem:$0x3];
	_ =	sdelay $0x4  }
0x7d: {  	(v2sf) =	vpush v24, $0x0  }
0x7e: {  	v24 =	vld [tilespmem:$0x283];
	_ =	sdelay $0x4  }
0x7f: {  	(v2sf) =	vpush v24, $0x0;
	_ =	sdelay $0x8  }
0x80: {  	s25 =	spop (v2sf)  }
0x81: {  	s14 =	sshll.u32 s25, $0x1  }
0x82: {  	p0 =	sgt.s32 s14, $0xF41FF;
	s14 =	sand.u32 $0x1FFFFF80, s14  }
0x83: {  	s14 =	simm.s32 @p0 $0x0  }
0x84: {  	s14 =	sadd.s32 s0, s14  }
0x85: {  	[tilespmem:s18], [sflag:$0x4] =	stream.strided.gather [hbm4b:s14+s28], $0x2000, s29, s28, $0x38;
	[tilespmem:$0x13280] =	vst v63  }
0x86: {  	s26 =	spop (v2sf)  }
0x87: {  	p0 =	sgt.s32 s26, $0xF41FF;
	s14 =	sand.u32 $0xFFFFF80, s26  }
0x88: {  	s14 =	simm.s32 @p0 $0x0  }
0x89: {  	s14 =	sadd.s32 s2, s14  }
0x8a: {  	[tilespmem:s19], [sflag:$0x8] =	stream.strided.gather [hbm4b:s14+s28], $0x2000, s29, s28, $0x38;
	[tilespmem:$0x13280] =	vst v63  }
0x8b: {  	v24 =	vld [tilespmem:$0x13200]  }
0x8c: {  	s14 =	simm.s32 $0x0;
	v25 =	vld [tilespmem:$0x13210]  }
.LBB2_4:
0x8d: {  	_ =	swait.ge [sflag:s23], $0x2000  }
0x8e: {  	[sflag:s23] =	ssyncset.done $0x0  }
0x8f: {  	[sflag:s23] =	ssyncadd.s32 $0xFFFFE000  }
0x90: {  	_ =	swait.ge [sflag:s24], $0x2000  }
0x91: {  	[sflag:s24] =	ssyncset.done $0x0  }
0x92: {  	s25 =	sshra.s32 s14, $0x2;
	[sflag:s24] =	ssyncadd.s32 $0xFFFFE000  }
0x93: {  	v26 =	vld [tilespmem:s25+$0x0];
	_ =	sdelay $0x4  }
0x94: {  	v27 =	vld [tilespmem:s25+$0x280];
	(v2sf) =	vpush v26, $0x0;
	_ =	sdelay $0x4  }
0x95: {  	(v2sf) =	vpush v27, $0x0;
	_ =	sdelay $0x9  }
0x96: {  	s26 =	spop (v2sf)  }
0x97: {  	s26 =	sshll.u32 s26, $0x1  }
0x98: {  	p0 =	sgt.s32 s26, $0xF41FF;
	s10 =	sadd.s32 $0xFFF0BE00, s26;
	s26 =	sand.u32 $0x7E, s26  }
0x99: {  	s26 =	smov.u32 @p0 s10  }
0x9a: {  	v29 =	vadd.s32 s26, v1  }
0x9b: {  	s11 =	spop (v2sf);
	v33 =	vadd.s32 s26, v3  }
0x9c: {  	p1 =	sgt.s32 s11, $0xF41FF;
	s10 =	sadd.s32 $0xFFF0BE00, s11;
	s11 =	sand.u32 $0x7F, s11;
	v37 =	vadd.s32 s26, v6  }
0x9d: {  	s11 =	smov.u32 @p1 s10;
	v40 =	vadd.s32 s26, v8  }
0x9e: {  	v31 =	vadd.s32 s11, v1  }
0x9f: {  	v35 =	vadd.s32 s11, v3;
	v29 =	vld.idx.msk [tilespmem:v29+s30+$0x0], $0xffff  }
0xa0: {  	v26 =	vmov s26;
	v39 =	vadd.s32 s11, v6;
	v33 =	vld.idx.msk [tilespmem:v33+s30+$0x0], $0xffff  }
0xa1: {  	v26 =	vand.u32 $0x3E, v26;
	v27 =	vmov s11;
	v41 =	vadd.s32 s11, v8;
	v37 =	vld.idx.msk [tilespmem:v37+s30+$0x0], $0xffff  }
0xa2: {  	v28 =	vor.u32 v0, v26;
	v27 =	vand.u32 $0x3F, v27;
	v40 =	vld.idx.msk [tilespmem:v40+s30+$0x0], $0xffff  }
0xa3: {  	v30 =	vor.u32 v0, v27;
	v31 =	vld.idx.msk [tilespmem:v31+s31+$0x0], $0xffff  }
0xa4: {  	v32 =	vor.u32 v2, v26;
	v35 =	vld.idx.msk [tilespmem:v35+s31+$0x0], $0xffff  }
0xa5: {  	v34 =	vor.u32 v2, v27;
	v39 =	vld.idx.msk [tilespmem:v39+s31+$0x0], $0xffff  }
0xa6: {  	v36 =	vor.u32 v4, v26;
	v44 =	vld.idx.msk [tilespmem:v41+s31+$0x0], $0xffff  }
0xa7: {  	v38 =	vor.u32 v4, v27;
	v28 =	vld.idx.msk [tilespmem:v28+s20+$0x0], $0xffff  }
0xa8: {  	v26 =	vor.u32 v7, v26;
	v30 =	vld.idx.msk [tilespmem:v30+s21+$0x0], $0xffff  }
0xa9: {  	v27 =	vor.u32 v7, v27;
	v32 =	vld.idx.msk [tilespmem:v32+s20+$0x0], $0xffff  }
0xaa: {  	v34 =	vld.idx.msk [tilespmem:v34+s21+$0x0], $0xffff  }
0xab: {  	v36 =	vld.idx.msk [tilespmem:v36+s20+$0x0], $0xffff  }
0xac: {  	v38 =	vld.idx.msk [tilespmem:v38+s21+$0x0], $0xffff  }
0xad: {  	v26 =	vld.idx.msk [tilespmem:v26+s20+$0x0], $0xffff;
	v28 =	vpsel p0, v28, v29;
	v43 =	vpsel p1, v30, v31  }
0xae: {  	v27 =	vld.idx.msk [tilespmem:v27+s21+$0x0], $0xffff;
	v28 =	vmul.f32 v43, v28  }
0xaf: {  	v45 =	vpsel p0, v32, v33;
	v46 =	vpsel p1, v34, v35  }
0xb0: {  	v30 =	vmul.f32 v46, v45;
	v28 =	vadd.f32 $0.0e+00, v28  }
0xb1: {  	v47 =	vpsel p0, v36, v37;
	v48 =	vpsel p1, v38, v39  }
0xb2: {  	v49 =	vmul.f32 v48, v47;
	v28 =	vadd.f32 v30, v28  }
0xb3: {  	v26 =	vpsel p0, v26, v40;
	v27 =	vpsel p1, v27, v44  }
0xb4: {  	v26 =	vmul.f32 v27, v26;
	v28 =	vadd.f32 v49, v28;
	_ =	sdelay $0x1  }
0xb5: {  	v26 =	vadd.f32 v26, v28;
	_ =	sdelay $0x1  }
0xb6: {  	[tilespmem:$0x12900] =	vst v26  }
0xb7: {  	v26 =	vld [tilespmem:s25+$0x4];
	_ =	sdelay $0x4  }
0xb8: {  	(v2sf) =	vpush v26, $0x0  }
0xb9: {  	v26 =	vld [tilespmem:s25+$0x284];
	_ =	sdelay $0x4  }
0xba: {  	(v2sf) =	vpush v26, $0x0;
	_ =	sdelay $0x8  }
0xbb: {  	s26 =	spop (v2sf)  }
0xbc: {  	s10 =	sshll.u32 s26, $0x1  }
0xbd: {  	p0 =	sgt.s32 s10, $0xF41FF;
	s10 =	sand.u32 $0x1FFFFF80, s10  }
0xbe: {  	s10 =	simm.s32 @p0 $0x0  }
0xbf: {  	s10 =	sadd.s32 s0, s10  }
0xc0: {  	[tilespmem:s30], [sflag:$0x1] =	stream.strided.gather [hbm4b:s10+s28], $0x2000, s29, s28, $0x38;
	[tilespmem:$0x13280] =	vst v63  }
0xc1: {  	s11 =	spop (v2sf)  }
0xc2: {  	p0 =	sgt.s32 s11, $0xF41FF;
	s10 =	sand.u32 $0xFFFFF80, s11  }
0xc3: {  	s10 =	simm.s32 @p0 $0x0  }
0xc4: {  	s10 =	sadd.s32 s2, s10  }
0xc5: {  	[tilespmem:s31], [sflag:$0x5] =	stream.strided.gather [hbm4b:s10+s28], $0x2000, s29, s28, $0x38;
	[tilespmem:$0x13280] =	vst v63  }
0xc6: {  	_ =	swait.ge [sflag:s15], $0x2000  }
0xc7: {  	[sflag:s15] =	ssyncset.done $0x0  }
0xc8: {  	[sflag:s15] =	ssyncadd.s32 $0xFFFFE000  }
0xc9: {  	_ =	swait.ge [sflag:s17], $0x2000  }
0xca: {  	[sflag:s17] =	ssyncset.done $0x0  }
0xcb: {  	[sflag:s17] =	ssyncadd.s32 $0xFFFFE000  }
0xcc: {  	v26 =	vld [tilespmem:s25+$0x1];
	_ =	sdelay $0x4  }
0xcd: {  	v27 =	vld [tilespmem:s25+$0x281];
	(v2sf) =	vpush v26, $0x0;
	_ =	sdelay $0x4  }
0xce: {  	(v2sf) =	vpush v27, $0x0;
	_ =	sdelay $0x9  }
0xcf: {  	s26 =	spop (v2sf)  }
0xd0: {  	s10 =	sshll.u32 s26, $0x1  }
0xd1: {  	p0 =	sgt.s32 s10, $0xF41FF;
	s11 =	sadd.s32 $0xFFF0BE00, s10;
	s10 =	sand.u32 $0x7E, s10  }
0xd2: {  	s10 =	smov.u32 @p0 s11  }
0xd3: {  	v51 =	vadd.s32 s10, v1  }
0xd4: {  	s26 =	spop (v2sf);
	v55 =	vadd.s32 s10, v3  }
0xd5: {  	p1 =	sgt.s32 s26, $0xF41FF;
	s11 =	sadd.s32 $0xFFF0BE00, s26;
	s26 =	sand.u32 $0x7F, s26;
	v59 =	vadd.s32 s10, v6  }
0xd6: {  	s26 =	smov.u32 @p1 s11;
	v62 =	vadd.s32 s10, v8  }
0xd7: {  	v53 =	vadd.s32 s26, v1  }
0xd8: {  	v57 =	vadd.s32 s26, v3;
	v29 =	vld.idx.msk [tilespmem:v51+s1+$0x0], $0xffff  }
0xd9: {  	v26 =	vmov s10;
	v61 =	vadd.s32 s26, v6;
	v33 =	vld.idx.msk [tilespmem:v55+s1+$0x0], $0xffff  }
0xda: {  	v26 =	vand.u32 $0x3E, v26;
	v27 =	vmov s26;
	v63 =	vadd.s32 s26, v8;
	v37 =	vld.idx.msk [tilespmem:v59+s1+$0x0], $0xffff  }
0xdb: {  	v50 =	vor.u32 v0, v26;
	v27 =	vand.u32 $0x3F, v27;
	v40 =	vld.idx.msk [tilespmem:v62+s1+$0x0], $0xffff  }
0xdc: {  	v52 =	vor.u32 v0, v27;
	v31 =	vld.idx.msk [tilespmem:v53+s6+$0x0], $0xffff  }
0xdd: {  	v54 =	vor.u32 v2, v26;
	v35 =	vld.idx.msk [tilespmem:v57+s6+$0x0], $0xffff  }
0xde: {  	v56 =	vor.u32 v2, v27;
	v39 =	vld.idx.msk [tilespmem:v61+s6+$0x0], $0xffff  }
0xdf: {  	v58 =	vor.u32 v4, v26;
	v44 =	vld.idx.msk [tilespmem:v63+s6+$0x0], $0xffff  }
0xe0: {  	v60 =	vor.u32 v4, v27;
	v28 =	vld.idx.msk [tilespmem:v50+s20+$0x0], $0xffff  }
0xe1: {  	v26 =	vor.u32 v7, v26;
	v30 =	vld.idx.msk [tilespmem:v52+s21+$0x0], $0xffff  }
0xe2: {  	v27 =	vor.u32 v7, v27;
	v32 =	vld.idx.msk [tilespmem:v54+s20+$0x0], $0xffff  }
0xe3: {  	v34 =	vld.idx.msk [tilespmem:v56+s21+$0x0], $0xffff  }
0xe4: {  	v36 =	vld.idx.msk [tilespmem:v58+s20+$0x0], $0xffff  }
0xe5: {  	v38 =	vld.idx.msk [tilespmem:v60+s21+$0x0], $0xffff  }
0xe6: {  	v26 =	vld.idx.msk [tilespmem:v26+s20+$0x0], $0xffff;
	v28 =	vpsel p0, v28, v29;
	v43 =	vpsel p1, v30, v31  }
0xe7: {  	v27 =	vld.idx.msk [tilespmem:v27+s21+$0x0], $0xffff;
	v28 =	vmul.f32 v43, v28  }
0xe8: {  	v45 =	vpsel p0, v32, v33;
	v46 =	vpsel p1, v34, v35  }
0xe9: {  	v30 =	vmul.f32 v46, v45;
	v28 =	vadd.f32 $0.0e+00, v28  }
0xea: {  	v47 =	vpsel p0, v36, v37;
	v48 =	vpsel p1, v38, v39  }
0xeb: {  	v49 =	vmul.f32 v48, v47;
	v28 =	vadd.f32 v30, v28  }
0xec: {  	v26 =	vpsel p0, v26, v40;
	v27 =	vpsel p1, v27, v44  }
0xed: {  	v26 =	vmul.f32 v27, v26;
	v28 =	vadd.f32 v49, v28;
	_ =	sdelay $0x1  }
0xee: {  	v26 =	vadd.f32 v26, v28;
	_ =	sdelay $0x1  }
0xef: {  	[tilespmem:$0x12910] =	vst v26  }
0xf0: {  	v26 =	vld [tilespmem:s25+$0x5];
	_ =	sdelay $0x4  }
0xf1: {  	(v2sf) =	vpush v26, $0x0  }
0xf2: {  	v26 =	vld [tilespmem:s25+$0x285];
	_ =	sdelay $0x4  }
0xf3: {  	(v2sf) =	vpush v26, $0x0;
	_ =	sdelay $0x8  }
0xf4: {  	s11 =	spop (v2sf)  }
0xf5: {  	s10 =	sshll.u32 s11, $0x1  }
0xf6: {  	p0 =	sgt.s32 s10, $0xF41FF;
	s10 =	sand.u32 $0x1FFFFF80, s10  }
0xf7: {  	s10 =	simm.s32 @p0 $0x0  }
0xf8: {  	s10 =	sadd.s32 s0, s10  }
0xf9: {  	[tilespmem:s1], [sflag:$0x2] =	stream.strided.gather [hbm4b:s10+s28], $0x2000, s29, s28, $0x38;
	[tilespmem:$0x13280] =	vst v63  }
0xfa: {  	s26 =	spop (v2sf)  }
0xfb: {  	p0 =	sgt.s32 s26, $0xF41FF;
	s10 =	sand.u32 $0xFFFFF80, s26  }
0xfc: {  	s10 =	simm.s32 @p0 $0x0  }
0xfd: {  	s10 =	sadd.s32 s2, s10  }
0xfe: {  	[tilespmem:s6], [sflag:$0x6] =	stream.strided.gather [hbm4b:s10+s28], $0x2000, s29, s28, $0x38;
	[tilespmem:$0x13280] =	vst v63  }
0xff: {  	_ =	swait.ge [sflag:s22], $0x2000  }
0x100: {  	[sflag:s22] =	ssyncset.done $0x0  }
0x101: {  	[sflag:s22] =	ssyncadd.s32 $0xFFFFE000  }
0x102: {  	_ =	swait.ge [sflag:s7], $0x2000  }
0x103: {  	[sflag:s7] =	ssyncset.done $0x0  }
0x104: {  	[sflag:s7] =	ssyncadd.s32 $0xFFFFE000  }
0x105: {  	v26 =	vld [tilespmem:s25+$0x2];
	_ =	sdelay $0x1  }
0x106: {  	v27 =	vld [tilespmem:s25+$0x282];
	_ =	sdelay $0x2  }
0x107: {  	(v2sf) =	vpush v26, $0x0;
	_ =	sdelay $0x1  }
0x108: {  	(v2sf) =	vpush v27, $0x0;
	_ =	sdelay $0xc  }
0x109: {  	s11 =	spop (v2sf)  }
0x10a: {  	s10 =	sshll.u32 s11, $0x1  }
0x10b: {  	s26 =	spop (v2sf);
	p0 =	sgt.s32 s10, $0xF41FF  }
0x10c: {  	s11 =	sadd.s32 $0xFFF0BE00, s10;
	s10 =	sand.u32 $0x7E, s10;
	p1 =	sgt.s32 s26, $0xF41FF  }
0x10d: {  	s10 =	smov.u32 @p0 s11;
	s11 =	sadd.s32 $0xFFF0BE00, s26;
	s26 =	sand.u32 $0x7F, s26  }
0x10e: {  	v26 =	vmov s10;
	s26 =	smov.u32 @p1 s11;
	v51 =	vadd.s32 s10, v1  }
0x10f: {  	v26 =	vand.u32 $0x3E, v26;
	v27 =	vmov s26;
	v53 =	vadd.s32 s26, v1  }
0x110: {  	v50 =	vor.u32 v0, v26;
	v27 =	vand.u32 $0x3F, v27  }
0x111: {  	v52 =	vor.u32 v0, v27  }
0x112: {  	v54 =	vor.u32 v2, v26  }
0x113: {  	v55 =	vadd.s32 s10, v3;
	v29 =	vld.idx.msk [tilespmem:v51+s3+$0x0], $0xffff  }
0x114: {  	v56 =	vor.u32 v2, v27;
	v31 =	vld.idx.msk [tilespmem:v53+s4+$0x0], $0xffff  }
0x115: {  	v57 =	vadd.s32 s26, v3;
	v28 =	vld.idx.msk [tilespmem:v50+s20+$0x0], $0xffff  }
0x116: {  	v58 =	vor.u32 v4, v26;
	v30 =	vld.idx.msk [tilespmem:v52+s21+$0x0], $0xffff  }
0x117: {  	v59 =	vadd.s32 s10, v6;
	v32 =	vld.idx.msk [tilespmem:v54+s20+$0x0], $0xffff  }
0x118: {  	v60 =	vor.u32 v4, v27;
	v33 =	vld.idx.msk [tilespmem:v55+s3+$0x0], $0xffff  }
0x119: {  	v61 =	vadd.s32 s26, v6;
	v34 =	vld.idx.msk [tilespmem:v56+s21+$0x0], $0xffff  }
0x11a: {  	v26 =	vor.u32 v7, v26;
	v35 =	vld.idx.msk [tilespmem:v57+s4+$0x0], $0xffff  }
0x11b: {  	v62 =	vadd.s32 s10, v8;
	v36 =	vld.idx.msk [tilespmem:v58+s20+$0x0], $0xffff  }
0x11c: {  	v27 =	vor.u32 v7, v27;
	v37 =	vld.idx.msk [tilespmem:v59+s3+$0x0], $0xffff  }
0x11d: {  	v63 =	vadd.s32 s26, v8;
	v38 =	vld.idx.msk [tilespmem:v60+s21+$0x0], $0xffff  }
0x11e: {  	v39 =	vld.idx.msk [tilespmem:v61+s4+$0x0], $0xffff  }
0x11f: {  	v26 =	vld.idx.msk [tilespmem:v26+s20+$0x0], $0xffff  }
0x120: {  	v40 =	vld.idx.msk [tilespmem:v62+s3+$0x0], $0xffff  }
0x121: {  	v27 =	vld.idx.msk [tilespmem:v27+s21+$0x0], $0xffff;
	v28 =	vpsel p0, v28, v29;
	v43 =	vpsel p1, v30, v31  }
0x122: {  	v44 =	vld.idx.msk [tilespmem:v63+s4+$0x0], $0xffff;
	v28 =	vmul.f32 v43, v28  }
0x123: {  	v45 =	vpsel p0, v32, v33;
	v46 =	vpsel p1, v34, v35  }
0x124: {  	v30 =	vmul.f32 v46, v45;
	v28 =	vadd.f32 $0.0e+00, v28  }
0x125: {  	v47 =	vpsel p0, v36, v37;
	v48 =	vpsel p1, v38, v39  }
0x126: {  	v49 =	vmul.f32 v48, v47;
	v28 =	vadd.f32 v30, v28  }
0x127: {  	v26 =	vpsel p0, v26, v40;
	v27 =	vpsel p1, v27, v44  }
0x128: {  	v26 =	vmul.f32 v27, v26;
	v28 =	vadd.f32 v49, v28;
	_ =	sdelay $0x1  }
0x129: {  	v26 =	vadd.f32 v26, v28;
	_ =	sdelay $0x1  }
0x12a: {  	[tilespmem:$0x12920] =	vst v26  }
0x12b: {  	v26 =	vld [tilespmem:s25+$0x6];
	_ =	sdelay $0x4  }
0x12c: {  	(v2sf) =	vpush v26, $0x0  }
0x12d: {  	v26 =	vld [tilespmem:s25+$0x286];
	_ =	sdelay $0x4  }
0x12e: {  	(v2sf) =	vpush v26, $0x0;
	_ =	sdelay $0x8  }
0x12f: {  	s26 =	spop (v2sf)  }
0x130: {  	s10 =	sshll.u32 s26, $0x1  }
0x131: {  	p0 =	sgt.s32 s10, $0xF41FF;
	s10 =	sand.u32 $0x1FFFFF80, s10  }
0x132: {  	s10 =	simm.s32 @p0 $0x0  }
0x133: {  	s10 =	sadd.s32 s0, s10  }
0x134: {  	[tilespmem:s3], [sflag:$0x3] =	stream.strided.gather [hbm4b:s10+s28], $0x2000, s29, s28, $0x38;
	[tilespmem:$0x13280] =	vst v63  }
0x135: {  	s11 =	spop (v2sf)  }
0x136: {  	p0 =	sgt.s32 s11, $0xF41FF;
	s10 =	sand.u32 $0xFFFFF80, s11  }
0x137: {  	s10 =	simm.s32 @p0 $0x0  }
0x138: {  	s10 =	sadd.s32 s2, s10  }
0x139: {  	[tilespmem:s4], [sflag:$0x7] =	stream.strided.gather [hbm4b:s10+s28], $0x2000, s29, s28, $0x38;
	[tilespmem:$0x13280] =	vst v63  }
0x13a: {  	_ =	swait.ge [sflag:s8], $0x2000  }
0x13b: {  	[sflag:s8] =	ssyncset.done $0x0  }
0x13c: {  	[sflag:s8] =	ssyncadd.s32 $0xFFFFE000  }
0x13d: {  	_ =	swait.ge [sflag:s9], $0x2000  }
0x13e: {  	[sflag:s9] =	ssyncset.done $0x0  }
0x13f: {  	[sflag:s9] =	ssyncadd.s32 $0xFFFFE000  }
0x140: {  	v26 =	vld [tilespmem:s25+$0x3];
	_ =	sdelay $0x4  }
0x141: {  	v27 =	vld [tilespmem:s25+$0x283];
	(v2sf) =	vpush v26, $0x0;
	_ =	sdelay $0x4  }
0x142: {  	(v2sf) =	vpush v27, $0x0;
	_ =	sdelay $0x9  }
0x143: {  	s26 =	spop (v2sf)  }
0x144: {  	s10 =	sshll.u32 s26, $0x1  }
0x145: {  	p0 =	sgt.s32 s10, $0xF41FF;
	s11 =	sadd.s32 $0xFFF0BE00, s10;
	s10 =	sand.u32 $0x7E, s10  }
0x146: {  	s10 =	smov.u32 @p0 s11  }
0x147: {  	v51 =	vadd.s32 s10, v1  }
0x148: {  	s26 =	spop (v2sf);
	v55 =	vadd.s32 s10, v3  }
0x149: {  	p1 =	sgt.s32 s26, $0xF41FF;
	s11 =	sadd.s32 $0xFFF0BE00, s26;
	s26 =	sand.u32 $0x7F, s26;
	v59 =	vadd.s32 s10, v6  }
0x14a: {  	s26 =	smov.u32 @p1 s11;
	v62 =	vadd.s32 s10, v8  }
0x14b: {  	v53 =	vadd.s32 s26, v1  }
0x14c: {  	v57 =	vadd.s32 s26, v3;
	v29 =	vld.idx.msk [tilespmem:v51+s18+$0x0], $0xffff  }
0x14d: {  	v26 =	vmov s10;
	v61 =	vadd.s32 s26, v6;
	v33 =	vld.idx.msk [tilespmem:v55+s18+$0x0], $0xffff  }
0x14e: {  	v26 =	vand.u32 $0x3E, v26;
	v27 =	vmov s26;
	v63 =	vadd.s32 s26, v8;
	v37 =	vld.idx.msk [tilespmem:v59+s18+$0x0], $0xffff  }
0x14f: {  	v50 =	vor.u32 v0, v26;
	v27 =	vand.u32 $0x3F, v27;
	v40 =	vld.idx.msk [tilespmem:v62+s18+$0x0], $0xffff  }
0x150: {  	v52 =	vor.u32 v0, v27;
	v31 =	vld.idx.msk [tilespmem:v53+s19+$0x0], $0xffff  }
0x151: {  	v54 =	vor.u32 v2, v26;
	v35 =	vld.idx.msk [tilespmem:v57+s19+$0x0], $0xffff  }
0x152: {  	v56 =	vor.u32 v2, v27;
	v39 =	vld.idx.msk [tilespmem:v61+s19+$0x0], $0xffff  }
0x153: {  	v58 =	vor.u32 v4, v26;
	v44 =	vld.idx.msk [tilespmem:v63+s19+$0x0], $0xffff  }
0x154: {  	v60 =	vor.u32 v4, v27;
	v28 =	vld.idx.msk [tilespmem:v50+s20+$0x0], $0xffff  }
0x155: {  	v26 =	vor.u32 v7, v26;
	v30 =	vld.idx.msk [tilespmem:v52+s21+$0x0], $0xffff  }
0x156: {  	v27 =	vor.u32 v7, v27;
	v32 =	vld.idx.msk [tilespmem:v54+s20+$0x0], $0xffff  }
0x157: {  	v34 =	vld.idx.msk [tilespmem:v56+s21+$0x0], $0xffff  }
0x158: {  	v36 =	vld.idx.msk [tilespmem:v58+s20+$0x0], $0xffff  }
0x159: {  	v38 =	vld.idx.msk [tilespmem:v60+s21+$0x0], $0xffff  }
0x15a: {  	v26 =	vld.idx.msk [tilespmem:v26+s20+$0x0], $0xffff;
	v28 =	vpsel p0, v28, v29;
	v43 =	vpsel p1, v30, v31  }
0x15b: {  	v27 =	vld.idx.msk [tilespmem:v27+s21+$0x0], $0xffff;
	v28 =	vmul.f32 v43, v28  }
0x15c: {  	v45 =	vpsel p0, v32, v33;
	v46 =	vpsel p1, v34, v35  }
0x15d: {  	v30 =	vmul.f32 v46, v45;
	v28 =	vadd.f32 $0.0e+00, v28  }
0x15e: {  	v47 =	vpsel p0, v36, v37;
	v48 =	vpsel p1, v38, v39  }
0x15f: {  	v49 =	vmul.f32 v48, v47;
	v28 =	vadd.f32 v30, v28  }
0x160: {  	v26 =	vpsel p0, v26, v40;
	v27 =	vpsel p1, v27, v44  }
0x161: {  	v26 =	vmul.f32 v27, v26;
	v28 =	vadd.f32 v49, v28;
	_ =	sdelay $0x1  }
0x162: {  	v26 =	vadd.f32 v26, v28;
	_ =	sdelay $0x1  }
0x163: {  	[tilespmem:$0x12930] =	vst v26  }
0x164: {  	v26 =	vld [tilespmem:s25+$0x7];
	_ =	sdelay $0x4  }
0x165: {  	(v2sf) =	vpush v26, $0x0  }
0x166: {  	v26 =	vld [tilespmem:s25+$0x287];
	_ =	sdelay $0x4  }
0x167: {  	(v2sf) =	vpush v26, $0x0;
	_ =	sdelay $0x8  }
0x168: {  	s11 =	spop (v2sf)  }
0x169: {  	s10 =	sshll.u32 s11, $0x1  }
0x16a: {  	p0 =	sgt.s32 s10, $0xF41FF;
	s10 =	sand.u32 $0x1FFFFF80, s10  }
0x16b: {  	s10 =	simm.s32 @p0 $0x0  }
0x16c: {  	s10 =	sadd.s32 s0, s10  }
0x16d: {  	[tilespmem:s18], [sflag:$0x4] =	stream.strided.gather [hbm4b:s10+s28], $0x2000, s29, s28, $0x38;
	[tilespmem:$0x13280] =	vst v63  }
0x16e: {  	s26 =	spop (v2sf)  }
0x16f: {  	p0 =	sgt.s32 s26, $0xF41FF;
	s10 =	sand.u32 $0xFFFFF80, s26  }
0x170: {  	s10 =	simm.s32 @p0 $0x0  }
0x171: {  	s10 =	sadd.s32 s2, s10  }
0x172: {  	[tilespmem:s19], [sflag:$0x8] =	stream.strided.gather [hbm4b:s10+s28], $0x2000, s29, s28, $0x38;
	[tilespmem:$0x13280] =	vst v63  }
0x173: {  	_ =	swait.ge [sflag:s23], $0x2000  }
0x174: {  	[sflag:s23] =	ssyncset.done $0x0  }
0x175: {  	[sflag:s23] =	ssyncadd.s32 $0xFFFFE000  }
0x176: {  	_ =	swait.ge [sflag:s24], $0x2000  }
0x177: {  	[sflag:s24] =	ssyncset.done $0x0  }
0x178: {  	[sflag:s24] =	ssyncadd.s32 $0xFFFFE000  }
0x179: {  	v26 =	vld [tilespmem:s25+$0x4];
	_ =	sdelay $0x4  }
0x17a: {  	v27 =	vld [tilespmem:s25+$0x284];
	(v2sf) =	vpush v26, $0x0;
	_ =	sdelay $0x4  }
0x17b: {  	(v2sf) =	vpush v27, $0x0;
	_ =	sdelay $0x9  }
0x17c: {  	s11 =	spop (v2sf)  }
0x17d: {  	s10 =	sshll.u32 s11, $0x1  }
0x17e: {  	p0 =	sgt.s32 s10, $0xF41FF;
	s11 =	sadd.s32 $0xFFF0BE00, s10;
	s10 =	sand.u32 $0x7E, s10  }
0x17f: {  	s10 =	smov.u32 @p0 s11  }
0x180: {  	v51 =	vadd.s32 s10, v1  }
0x181: {  	s26 =	spop (v2sf);
	v55 =	vadd.s32 s10, v3  }
0x182: {  	p1 =	sgt.s32 s26, $0xF41FF;
	s11 =	sadd.s32 $0xFFF0BE00, s26;
	s26 =	sand.u32 $0x7F, s26;
	v59 =	vadd.s32 s10, v6  }
0x183: {  	s26 =	smov.u32 @p1 s11;
	v62 =	vadd.s32 s10, v8  }
0x184: {  	v53 =	vadd.s32 s26, v1  }
0x185: {  	v57 =	vadd.s32 s26, v3;
	v29 =	vld.idx.msk [tilespmem:v51+s30+$0x0], $0xffff  }
0x186: {  	v26 =	vmov s10;
	v61 =	vadd.s32 s26, v6;
	v33 =	vld.idx.msk [tilespmem:v55+s30+$0x0], $0xffff  }
0x187: {  	v26 =	vand.u32 $0x3E, v26;
	v27 =	vmov s26;
	v63 =	vadd.s32 s26, v8;
	v37 =	vld.idx.msk [tilespmem:v59+s30+$0x0], $0xffff  }
0x188: {  	v50 =	vor.u32 v0, v26;
	v27 =	vand.u32 $0x3F, v27;
	v40 =	vld.idx.msk [tilespmem:v62+s30+$0x0], $0xffff  }
0x189: {  	v52 =	vor.u32 v0, v27;
	v31 =	vld.idx.msk [tilespmem:v53+s31+$0x0], $0xffff  }
0x18a: {  	v54 =	vor.u32 v2, v26;
	v35 =	vld.idx.msk [tilespmem:v57+s31+$0x0], $0xffff  }
0x18b: {  	v56 =	vor.u32 v2, v27;
	v39 =	vld.idx.msk [tilespmem:v61+s31+$0x0], $0xffff  }
0x18c: {  	v58 =	vor.u32 v4, v26;
	v44 =	vld.idx.msk [tilespmem:v63+s31+$0x0], $0xffff  }
0x18d: {  	v60 =	vor.u32 v4, v27;
	v28 =	vld.idx.msk [tilespmem:v50+s20+$0x0], $0xffff  }
0x18e: {  	v26 =	vor.u32 v7, v26;
	v30 =	vld.idx.msk [tilespmem:v52+s21+$0x0], $0xffff  }
0x18f: {  	v27 =	vor.u32 v7, v27;
	v32 =	vld.idx.msk [tilespmem:v54+s20+$0x0], $0xffff  }
0x190: {  	v34 =	vld.idx.msk [tilespmem:v56+s21+$0x0], $0xffff  }
0x191: {  	v36 =	vld.idx.msk [tilespmem:v58+s20+$0x0], $0xffff  }
0x192: {  	v38 =	vld.idx.msk [tilespmem:v60+s21+$0x0], $0xffff  }
0x193: {  	v26 =	vld.idx.msk [tilespmem:v26+s20+$0x0], $0xffff;
	v28 =	vpsel p0, v28, v29;
	v43 =	vpsel p1, v30, v31  }
0x194: {  	v27 =	vld.idx.msk [tilespmem:v27+s21+$0x0], $0xffff;
	v28 =	vmul.f32 v43, v28  }
0x195: {  	v45 =	vpsel p0, v32, v33;
	v46 =	vpsel p1, v34, v35  }
0x196: {  	v30 =	vmul.f32 v46, v45;
	v28 =	vadd.f32 $0.0e+00, v28  }
0x197: {  	v47 =	vpsel p0, v36, v37;
	v48 =	vpsel p1, v38, v39  }
0x198: {  	v49 =	vmul.f32 v48, v47;
	v28 =	vadd.f32 v30, v28  }
0x199: {  	v26 =	vpsel p0, v26, v40;
	v27 =	vpsel p1, v27, v44  }
0x19a: {  	v26 =	vmul.f32 v27, v26;
	v28 =	vadd.f32 v49, v28;
	_ =	sdelay $0x1  }
0x19b: {  	v26 =	vadd.f32 v26, v28;
	_ =	sdelay $0x1  }
0x19c: {  	[tilespmem:$0x12940] =	vst v26  }
0x19d: {  	v26 =	vld [tilespmem:s25+$0x8];
	_ =	sdelay $0x4  }
0x19e: {  	(v2sf) =	vpush v26, $0x0  }
0x19f: {  	v26 =	vld [tilespmem:s25+$0x288];
	_ =	sdelay $0x4  }
0x1a0: {  	(v2sf) =	vpush v26, $0x0;
	_ =	sdelay $0x8  }
0x1a1: {  	s26 =	spop (v2sf)  }
0x1a2: {  	s10 =	sshll.u32 s26, $0x1  }
0x1a3: {  	p0 =	sgt.s32 s10, $0xF41FF;
	s10 =	sand.u32 $0x1FFFFF80, s10  }
0x1a4: {  	s10 =	simm.s32 @p0 $0x0  }
0x1a5: {  	s10 =	sadd.s32 s0, s10  }
0x1a6: {  	[tilespmem:s30], [sflag:$0x1] =	stream.strided.gather [hbm4b:s10+s28], $0x2000, s29, s28, $0x38;
	[tilespmem:$0x13280] =	vst v63  }
0x1a7: {  	s11 =	spop (v2sf)  }
0x1a8: {  	p0 =	sgt.s32 s11, $0xF41FF;
	s10 =	sand.u32 $0xFFFFF80, s11  }
0x1a9: {  	s10 =	simm.s32 @p0 $0x0  }
0x1aa: {  	s10 =	sadd.s32 s2, s10  }
0x1ab: {  	[tilespmem:s31], [sflag:$0x5] =	stream.strided.gather [hbm4b:s10+s28], $0x2000, s29, s28, $0x38;
	[tilespmem:$0x13280] =	vst v63  }
0x1ac: {  	_ =	swait.ge [sflag:s15], $0x2000  }
0x1ad: {  	[sflag:s15] =	ssyncset.done $0x0  }
0x1ae: {  	[sflag:s15] =	ssyncadd.s32 $0xFFFFE000  }
0x1af: {  	_ =	swait.ge [sflag:s17], $0x2000  }
0x1b0: {  	[sflag:s17] =	ssyncset.done $0x0  }
0x1b1: {  	[sflag:s17] =	ssyncadd.s32 $0xFFFFE000  }
0x1b2: {  	v26 =	vld [tilespmem:s25+$0x5];
	_ =	sdelay $0x4  }
0x1b3: {  	v27 =	vld [tilespmem:s25+$0x285];
	(v2sf) =	vpush v26, $0x0;
	_ =	sdelay $0x4  }
0x1b4: {  	(v2sf) =	vpush v27, $0x0;
	_ =	sdelay $0x9  }
0x1b5: {  	s26 =	spop (v2sf)  }
0x1b6: {  	s10 =	sshll.u32 s26, $0x1  }
0x1b7: {  	p0 =	sgt.s32 s10, $0xF41FF;
	s11 =	sadd.s32 $0xFFF0BE00, s10;
	s10 =	sand.u32 $0x7E, s10  }
0x1b8: {  	s10 =	smov.u32 @p0 s11  }
0x1b9: {  	v51 =	vadd.s32 s10, v1  }
0x1ba: {  	s26 =	spop (v2sf);
	v55 =	vadd.s32 s10, v3  }
0x1bb: {  	p1 =	sgt.s32 s26, $0xF41FF;
	s11 =	sadd.s32 $0xFFF0BE00, s26;
	s26 =	sand.u32 $0x7F, s26;
	v59 =	vadd.s32 s10, v6  }
0x1bc: {  	s26 =	smov.u32 @p1 s11;
	v62 =	vadd.s32 s10, v8  }
0x1bd: {  	v53 =	vadd.s32 s26, v1  }
0x1be: {  	v57 =	vadd.s32 s26, v3;
	v29 =	vld.idx.msk [tilespmem:v51+s1+$0x0], $0xffff  }
0x1bf: {  	v26 =	vmov s10;
	v61 =	vadd.s32 s26, v6;
	v33 =	vld.idx.msk [tilespmem:v55+s1+$0x0], $0xffff  }
0x1c0: {  	v26 =	vand.u32 $0x3E, v26;
	v27 =	vmov s26;
	v63 =	vadd.s32 s26, v8;
	v37 =	vld.idx.msk [tilespmem:v59+s1+$0x0], $0xffff  }
0x1c1: {  	v50 =	vor.u32 v0, v26;
	v27 =	vand.u32 $0x3F, v27;
	v40 =	vld.idx.msk [tilespmem:v62+s1+$0x0], $0xffff  }
0x1c2: {  	v52 =	vor.u32 v0, v27;
	v31 =	vld.idx.msk [tilespmem:v53+s6+$0x0], $0xffff  }
0x1c3: {  	v54 =	vor.u32 v2, v26;
	v35 =	vld.idx.msk [tilespmem:v57+s6+$0x0], $0xffff  }
0x1c4: {  	v56 =	vor.u32 v2, v27;
	v39 =	vld.idx.msk [tilespmem:v61+s6+$0x0], $0xffff  }
0x1c5: {  	v58 =	vor.u32 v4, v26;
	v44 =	vld.idx.msk [tilespmem:v63+s6+$0x0], $0xffff  }
0x1c6: {  	v60 =	vor.u32 v4, v27;
	v28 =	vld.idx.msk [tilespmem:v50+s20+$0x0], $0xffff  }
0x1c7: {  	v26 =	vor.u32 v7, v26;
	v30 =	vld.idx.msk [tilespmem:v52+s21+$0x0], $0xffff  }
0x1c8: {  	v27 =	vor.u32 v7, v27;
	v32 =	vld.idx.msk [tilespmem:v54+s20+$0x0], $0xffff  }
0x1c9: {  	v34 =	vld.idx.msk [tilespmem:v56+s21+$0x0], $0xffff  }
0x1ca: {  	v36 =	vld.idx.msk [tilespmem:v58+s20+$0x0], $0xffff  }
0x1cb: {  	v38 =	vld.idx.msk [tilespmem:v60+s21+$0x0], $0xffff  }
0x1cc: {  	v26 =	vld.idx.msk [tilespmem:v26+s20+$0x0], $0xffff;
	v28 =	vpsel p0, v28, v29;
	v43 =	vpsel p1, v30, v31  }
0x1cd: {  	v27 =	vld.idx.msk [tilespmem:v27+s21+$0x0], $0xffff;
	v28 =	vmul.f32 v43, v28  }
0x1ce: {  	v45 =	vpsel p0, v32, v33;
	v46 =	vpsel p1, v34, v35  }
0x1cf: {  	v30 =	vmul.f32 v46, v45;
	v28 =	vadd.f32 $0.0e+00, v28  }
0x1d0: {  	v47 =	vpsel p0, v36, v37;
	v48 =	vpsel p1, v38, v39  }
0x1d1: {  	v49 =	vmul.f32 v48, v47;
	v28 =	vadd.f32 v30, v28  }
0x1d2: {  	v26 =	vpsel p0, v26, v40;
	v27 =	vpsel p1, v27, v44  }
0x1d3: {  	v26 =	vmul.f32 v27, v26;
	v28 =	vadd.f32 v49, v28;
	_ =	sdelay $0x1  }
0x1d4: {  	v26 =	vadd.f32 v26, v28;
	_ =	sdelay $0x1  }
0x1d5: {  	[tilespmem:$0x12950] =	vst v26  }
0x1d6: {  	v26 =	vld [tilespmem:s25+$0x9];
	_ =	sdelay $0x4  }
0x1d7: {  	(v2sf) =	vpush v26, $0x0  }
0x1d8: {  	v26 =	vld [tilespmem:s25+$0x289];
	_ =	sdelay $0x4  }
0x1d9: {  	(v2sf) =	vpush v26, $0x0;
	_ =	sdelay $0x8  }
0x1da: {  	s11 =	spop (v2sf)  }
0x1db: {  	s10 =	sshll.u32 s11, $0x1  }
0x1dc: {  	p0 =	sgt.s32 s10, $0xF41FF;
	s10 =	sand.u32 $0x1FFFFF80, s10  }
0x1dd: {  	s10 =	simm.s32 @p0 $0x0  }
0x1de: {  	s10 =	sadd.s32 s0, s10  }
0x1df: {  	[tilespmem:s1], [sflag:$0x2] =	stream.strided.gather [hbm4b:s10+s28], $0x2000, s29, s28, $0x38;
	[tilespmem:$0x13280] =	vst v63  }
0x1e0: {  	s26 =	spop (v2sf)  }
0x1e1: {  	p0 =	sgt.s32 s26, $0xF41FF;
	s10 =	sand.u32 $0xFFFFF80, s26  }
0x1e2: {  	s10 =	simm.s32 @p0 $0x0  }
0x1e3: {  	s10 =	sadd.s32 s2, s10  }
0x1e4: {  	[tilespmem:s6], [sflag:$0x6] =	stream.strided.gather [hbm4b:s10+s28], $0x2000, s29, s28, $0x38;
	[tilespmem:$0x13280] =	vst v63  }
0x1e5: {  	_ =	swait.ge [sflag:s22], $0x2000  }
0x1e6: {  	[sflag:s22] =	ssyncset.done $0x0  }
0x1e7: {  	[sflag:s22] =	ssyncadd.s32 $0xFFFFE000  }
0x1e8: {  	_ =	swait.ge [sflag:s7], $0x2000  }
0x1e9: {  	[sflag:s7] =	ssyncset.done $0x0  }
0x1ea: {  	[sflag:s7] =	ssyncadd.s32 $0xFFFFE000  }
0x1eb: {  	v26 =	vld [tilespmem:s25+$0x6];
	_ =	sdelay $0x4  }
0x1ec: {  	v27 =	vld [tilespmem:s25+$0x286];
	(v2sf) =	vpush v26, $0x0;
	_ =	sdelay $0x4  }
0x1ed: {  	(v2sf) =	vpush v27, $0x0;
	_ =	sdelay $0x9  }
0x1ee: {  	s11 =	spop (v2sf)  }
0x1ef: {  	s10 =	sshll.u32 s11, $0x1  }
0x1f0: {  	p0 =	sgt.s32 s10, $0xF41FF;
	s11 =	sadd.s32 $0xFFF0BE00, s10;
	s10 =	sand.u32 $0x7E, s10  }
0x1f1: {  	s10 =	smov.u32 @p0 s11  }
0x1f2: {  	v51 =	vadd.s32 s10, v1  }
0x1f3: {  	s26 =	spop (v2sf);
	v55 =	vadd.s32 s10, v3  }
0x1f4: {  	p1 =	sgt.s32 s26, $0xF41FF;
	s11 =	sadd.s32 $0xFFF0BE00, s26;
	s26 =	sand.u32 $0x7F, s26;
	v59 =	vadd.s32 s10, v6  }
0x1f5: {  	s26 =	smov.u32 @p1 s11;
	v62 =	vadd.s32 s10, v8  }
0x1f6: {  	v53 =	vadd.s32 s26, v1  }
0x1f7: {  	v57 =	vadd.s32 s26, v3;
	v29 =	vld.idx.msk [tilespmem:v51+s3+$0x0], $0xffff  }
0x1f8: {  	v26 =	vmov s10;
	v61 =	vadd.s32 s26, v6;
	v33 =	vld.idx.msk [tilespmem:v55+s3+$0x0], $0xffff  }
0x1f9: {  	v26 =	vand.u32 $0x3E, v26;
	v27 =	vmov s26;
	v63 =	vadd.s32 s26, v8;
	v37 =	vld.idx.msk [tilespmem:v59+s3+$0x0], $0xffff  }
0x1fa: {  	v50 =	vor.u32 v0, v26;
	v27 =	vand.u32 $0x3F, v27;
	v40 =	vld.idx.msk [tilespmem:v62+s3+$0x0], $0xffff  }
0x1fb: {  	v52 =	vor.u32 v0, v27;
	v31 =	vld.idx.msk [tilespmem:v53+s4+$0x0], $0xffff  }
0x1fc: {  	v54 =	vor.u32 v2, v26;
	v35 =	vld.idx.msk [tilespmem:v57+s4+$0x0], $0xffff  }
0x1fd: {  	v56 =	vor.u32 v2, v27;
	v39 =	vld.idx.msk [tilespmem:v61+s4+$0x0], $0xffff  }
0x1fe: {  	v58 =	vor.u32 v4, v26;
	v44 =	vld.idx.msk [tilespmem:v63+s4+$0x0], $0xffff  }
0x1ff: {  	v60 =	vor.u32 v4, v27;
	v28 =	vld.idx.msk [tilespmem:v50+s20+$0x0], $0xffff  }
0x200: {  	v26 =	vor.u32 v7, v26;
	v30 =	vld.idx.msk [tilespmem:v52+s21+$0x0], $0xffff  }
0x201: {  	v27 =	vor.u32 v7, v27;
	v32 =	vld.idx.msk [tilespmem:v54+s20+$0x0], $0xffff  }
0x202: {  	v34 =	vld.idx.msk [tilespmem:v56+s21+$0x0], $0xffff  }
0x203: {  	v36 =	vld.idx.msk [tilespmem:v58+s20+$0x0], $0xffff  }
0x204: {  	v38 =	vld.idx.msk [tilespmem:v60+s21+$0x0], $0xffff  }
0x205: {  	v26 =	vld.idx.msk [tilespmem:v26+s20+$0x0], $0xffff;
	v28 =	vpsel p0, v28, v29;
	v43 =	vpsel p1, v30, v31  }
0x206: {  	v27 =	vld.idx.msk [tilespmem:v27+s21+$0x0], $0xffff;
	v28 =	vmul.f32 v43, v28  }
0x207: {  	v45 =	vpsel p0, v32, v33;
	v46 =	vpsel p1, v34, v35  }
0x208: {  	v30 =	vmul.f32 v46, v45;
	v28 =	vadd.f32 $0.0e+00, v28  }
0x209: {  	v47 =	vpsel p0, v36, v37;
	v48 =	vpsel p1, v38, v39  }
0x20a: {  	v49 =	vmul.f32 v48, v47;
	v28 =	vadd.f32 v30, v28  }
0x20b: {  	v26 =	vpsel p0, v26, v40;
	v27 =	vpsel p1, v27, v44  }
0x20c: {  	v26 =	vmul.f32 v27, v26;
	v28 =	vadd.f32 v49, v28;
	_ =	sdelay $0x1  }
0x20d: {  	v26 =	vadd.f32 v26, v28;
	_ =	sdelay $0x1  }
0x20e: {  	[tilespmem:$0x12960] =	vst v26  }
0x20f: {  	v26 =	vld [tilespmem:s25+$0xA];
	_ =	sdelay $0x4  }
0x210: {  	(v2sf) =	vpush v26, $0x0  }
0x211: {  	v26 =	vld [tilespmem:s25+$0x28A];
	_ =	sdelay $0x4  }
0x212: {  	(v2sf) =	vpush v26, $0x0;
	_ =	sdelay $0x8  }
0x213: {  	s26 =	spop (v2sf)  }
0x214: {  	s10 =	sshll.u32 s26, $0x1  }
0x215: {  	p0 =	sgt.s32 s10, $0xF41FF;
	s10 =	sand.u32 $0x1FFFFF80, s10  }
0x216: {  	s10 =	simm.s32 @p0 $0x0  }
0x217: {  	s10 =	sadd.s32 s0, s10  }
0x218: {  	[tilespmem:s3], [sflag:$0x3] =	stream.strided.gather [hbm4b:s10+s28], $0x2000, s29, s28, $0x38;
	[tilespmem:$0x13280] =	vst v63  }
0x219: {  	s11 =	spop (v2sf)  }
0x21a: {  	p0 =	sgt.s32 s11, $0xF41FF;
	s10 =	sand.u32 $0xFFFFF80, s11  }
0x21b: {  	s10 =	simm.s32 @p0 $0x0  }
0x21c: {  	s10 =	sadd.s32 s2, s10  }
0x21d: {  	[tilespmem:s4], [sflag:$0x7] =	stream.strided.gather [hbm4b:s10+s28], $0x2000, s29, s28, $0x38;
	[tilespmem:$0x13280] =	vst v63  }
0x21e: {  	_ =	swait.ge [sflag:s8], $0x2000  }
0x21f: {  	[sflag:s8] =	ssyncset.done $0x0  }
0x220: {  	[sflag:s8] =	ssyncadd.s32 $0xFFFFE000  }
0x221: {  	_ =	swait.ge [sflag:s9], $0x2000  }
0x222: {  	[sflag:s9] =	ssyncset.done $0x0  }
0x223: {  	[sflag:s9] =	ssyncadd.s32 $0xFFFFE000  }
0x224: {  	v26 =	vld [tilespmem:s25+$0x7];
	_ =	sdelay $0x4  }
0x225: {  	v27 =	vld [tilespmem:s25+$0x287];
	(v2sf) =	vpush v26, $0x0;
	_ =	sdelay $0x4  }
0x226: {  	(v2sf) =	vpush v27, $0x0;
	_ =	sdelay $0x9  }
0x227: {  	s26 =	spop (v2sf)  }
0x228: {  	s10 =	sshll.u32 s26, $0x1  }
0x229: {  	p0 =	sgt.s32 s10, $0xF41FF;
	s11 =	sadd.s32 $0xFFF0BE00, s10;
	s10 =	sand.u32 $0x7E, s10  }
0x22a: {  	s10 =	smov.u32 @p0 s11  }
0x22b: {  	v51 =	vadd.s32 s10, v1  }
0x22c: {  	s26 =	spop (v2sf);
	v55 =	vadd.s32 s10, v3  }
0x22d: {  	p1 =	sgt.s32 s26, $0xF41FF;
	s11 =	sadd.s32 $0xFFF0BE00, s26;
	s26 =	sand.u32 $0x7F, s26;
	v59 =	vadd.s32 s10, v6  }
0x22e: {  	s26 =	smov.u32 @p1 s11;
	v62 =	vadd.s32 s10, v8  }
0x22f: {  	v53 =	vadd.s32 s26, v1  }
0x230: {  	v57 =	vadd.s32 s26, v3;
	v29 =	vld.idx.msk [tilespmem:v51+s18+$0x0], $0xffff  }
0x231: {  	v26 =	vmov s10;
	v61 =	vadd.s32 s26, v6;
	v33 =	vld.idx.msk [tilespmem:v55+s18+$0x0], $0xffff  }
0x232: {  	v26 =	vand.u32 $0x3E, v26;
	v27 =	vmov s26;
	v63 =	vadd.s32 s26, v8;
	v37 =	vld.idx.msk [tilespmem:v59+s18+$0x0], $0xffff  }
0x233: {  	v50 =	vor.u32 v0, v26;
	v27 =	vand.u32 $0x3F, v27;
	v40 =	vld.idx.msk [tilespmem:v62+s18+$0x0], $0xffff  }
0x234: {  	v52 =	vor.u32 v0, v27;
	v31 =	vld.idx.msk [tilespmem:v53+s19+$0x0], $0xffff  }
0x235: {  	v54 =	vor.u32 v2, v26;
	v35 =	vld.idx.msk [tilespmem:v57+s19+$0x0], $0xffff  }
0x236: {  	v56 =	vor.u32 v2, v27;
	v39 =	vld.idx.msk [tilespmem:v61+s19+$0x0], $0xffff  }
0x237: {  	v58 =	vor.u32 v4, v26;
	v44 =	vld.idx.msk [tilespmem:v63+s19+$0x0], $0xffff  }
0x238: {  	v60 =	vor.u32 v4, v27;
	v28 =	vld.idx.msk [tilespmem:v50+s20+$0x0], $0xffff  }
0x239: {  	v26 =	vor.u32 v7, v26;
	v30 =	vld.idx.msk [tilespmem:v52+s21+$0x0], $0xffff  }
0x23a: {  	v27 =	vor.u32 v7, v27;
	v32 =	vld.idx.msk [tilespmem:v54+s20+$0x0], $0xffff  }
0x23b: {  	v34 =	vld.idx.msk [tilespmem:v56+s21+$0x0], $0xffff  }
0x23c: {  	v36 =	vld.idx.msk [tilespmem:v58+s20+$0x0], $0xffff  }
0x23d: {  	v38 =	vld.idx.msk [tilespmem:v60+s21+$0x0], $0xffff  }
0x23e: {  	v26 =	vld.idx.msk [tilespmem:v26+s20+$0x0], $0xffff;
	v28 =	vpsel p0, v28, v29;
	v43 =	vpsel p1, v30, v31  }
0x23f: {  	v27 =	vld.idx.msk [tilespmem:v27+s21+$0x0], $0xffff;
	v28 =	vmul.f32 v43, v28  }
0x240: {  	v45 =	vpsel p0, v32, v33;
	v46 =	vpsel p1, v34, v35  }
0x241: {  	v30 =	vmul.f32 v46, v45;
	v28 =	vadd.f32 $0.0e+00, v28  }
0x242: {  	v47 =	vpsel p0, v36, v37;
	v48 =	vpsel p1, v38, v39  }
0x243: {  	v49 =	vmul.f32 v48, v47;
	v28 =	vadd.f32 v30, v28  }
0x244: {  	v26 =	vpsel p0, v26, v40;
	v27 =	vpsel p1, v27, v44  }
0x245: {  	v26 =	vmul.f32 v27, v26;
	v28 =	vadd.f32 v49, v28;
	_ =	sdelay $0x1  }
0x246: {  	v26 =	vadd.f32 v26, v28;
	_ =	sdelay $0x1  }
0x247: {  	[tilespmem:$0x12970] =	vst v26  }
0x248: {  	v26 =	vld [tilespmem:s25+$0xB];
	_ =	sdelay $0x4  }
0x249: {  	(v2sf) =	vpush v26, $0x0  }
0x24a: {  	v26 =	vld [tilespmem:s25+$0x28B];
	_ =	sdelay $0x4  }
0x24b: {  	(v2sf) =	vpush v26, $0x0;
	_ =	sdelay $0x8  }
0x24c: {  	s11 =	spop (v2sf)  }
0x24d: {  	s10 =	sshll.u32 s11, $0x1  }
0x24e: {  	p0 =	sgt.s32 s10, $0xF41FF;
	s10 =	sand.u32 $0x1FFFFF80, s10  }
0x24f: {  	s10 =	simm.s32 @p0 $0x0  }
0x250: {  	s10 =	sadd.s32 s0, s10  }
0x251: {  	[tilespmem:s18], [sflag:$0x4] =	stream.strided.gather [hbm4b:s10+s28], $0x2000, s29, s28, $0x38;
	[tilespmem:$0x13280] =	vst v63  }
0x252: {  	s26 =	spop (v2sf)  }
0x253: {  	p0 =	sgt.s32 s26, $0xF41FF;
	s10 =	sand.u32 $0xFFFFF80, s26  }
0x254: {  	s10 =	simm.s32 @p0 $0x0  }
0x255: {  	s10 =	sadd.s32 s2, s10  }
0x256: {  	[tilespmem:s19], [sflag:$0x8] =	stream.strided.gather [hbm4b:s10+s28], $0x2000, s29, s28, $0x38;
	[tilespmem:$0x13280] =	vst v63  }
0x257: {  	_ =	swait.ge [sflag:s23], $0x2000  }
0x258: {  	[sflag:s23] =	ssyncset.done $0x0  }
0x259: {  	[sflag:s23] =	ssyncadd.s32 $0xFFFFE000  }
0x25a: {  	_ =	swait.ge [sflag:s24], $0x2000  }
0x25b: {  	[sflag:s24] =	ssyncset.done $0x0  }
0x25c: {  	[sflag:s24] =	ssyncadd.s32 $0xFFFFE000  }
0x25d: {  	v26 =	vld [tilespmem:s25+$0x8];
	_ =	sdelay $0x4  }
0x25e: {  	v27 =	vld [tilespmem:s25+$0x288];
	(v2sf) =	vpush v26, $0x0;
	_ =	sdelay $0x4  }
0x25f: {  	(v2sf) =	vpush v27, $0x0;
	_ =	sdelay $0x9  }
0x260: {  	s11 =	spop (v2sf)  }
0x261: {  	s10 =	sshll.u32 s11, $0x1  }
0x262: {  	p0 =	sgt.s32 s10, $0xF41FF;
	s11 =	sadd.s32 $0xFFF0BE00, s10;
	s10 =	sand.u32 $0x7E, s10  }
0x263: {  	s10 =	smov.u32 @p0 s11  }
0x264: {  	v51 =	vadd.s32 s10, v1  }
0x265: {  	s26 =	spop (v2sf);
	v55 =	vadd.s32 s10, v3  }
0x266: {  	p1 =	sgt.s32 s26, $0xF41FF;
	s11 =	sadd.s32 $0xFFF0BE00, s26;
	s26 =	sand.u32 $0x7F, s26;
	v59 =	vadd.s32 s10, v6  }
0x267: {  	s26 =	smov.u32 @p1 s11;
	v62 =	vadd.s32 s10, v8  }
0x268: {  	v53 =	vadd.s32 s26, v1  }
0x269: {  	v57 =	vadd.s32 s26, v3;
	v29 =	vld.idx.msk [tilespmem:v51+s30+$0x0], $0xffff  }
0x26a: {  	v26 =	vmov s10;
	v61 =	vadd.s32 s26, v6;
	v33 =	vld.idx.msk [tilespmem:v55+s30+$0x0], $0xffff  }
0x26b: {  	v26 =	vand.u32 $0x3E, v26;
	v27 =	vmov s26;
	v63 =	vadd.s32 s26, v8;
	v37 =	vld.idx.msk [tilespmem:v59+s30+$0x0], $0xffff  }
0x26c: {  	v50 =	vor.u32 v0, v26;
	v27 =	vand.u32 $0x3F, v27;
	v40 =	vld.idx.msk [tilespmem:v62+s30+$0x0], $0xffff  }
0x26d: {  	v52 =	vor.u32 v0, v27;
	v31 =	vld.idx.msk [tilespmem:v53+s31+$0x0], $0xffff  }
0x26e: {  	v54 =	vor.u32 v2, v26;
	v35 =	vld.idx.msk [tilespmem:v57+s31+$0x0], $0xffff  }
0x26f: {  	v56 =	vor.u32 v2, v27;
	v39 =	vld.idx.msk [tilespmem:v61+s31+$0x0], $0xffff  }
0x270: {  	v58 =	vor.u32 v4, v26;
	v44 =	vld.idx.msk [tilespmem:v63+s31+$0x0], $0xffff  }
0x271: {  	v60 =	vor.u32 v4, v27;
	v28 =	vld.idx.msk [tilespmem:v50+s20+$0x0], $0xffff  }
0x272: {  	v26 =	vor.u32 v7, v26;
	v30 =	vld.idx.msk [tilespmem:v52+s21+$0x0], $0xffff  }
0x273: {  	v27 =	vor.u32 v7, v27;
	v32 =	vld.idx.msk [tilespmem:v54+s20+$0x0], $0xffff  }
0x274: {  	v34 =	vld.idx.msk [tilespmem:v56+s21+$0x0], $0xffff  }
0x275: {  	v36 =	vld.idx.msk [tilespmem:v58+s20+$0x0], $0xffff  }
0x276: {  	v38 =	vld.idx.msk [tilespmem:v60+s21+$0x0], $0xffff  }
0x277: {  	v26 =	vld.idx.msk [tilespmem:v26+s20+$0x0], $0xffff;
	v28 =	vpsel p0, v28, v29;
	v43 =	vpsel p1, v30, v31  }
0x278: {  	v27 =	vld.idx.msk [tilespmem:v27+s21+$0x0], $0xffff;
	v28 =	vmul.f32 v43, v28  }
0x279: {  	v45 =	vpsel p0, v32, v33;
	v46 =	vpsel p1, v34, v35  }
0x27a: {  	v30 =	vmul.f32 v46, v45;
	v28 =	vadd.f32 $0.0e+00, v28  }
0x27b: {  	v47 =	vpsel p0, v36, v37;
	v48 =	vpsel p1, v38, v39  }
0x27c: {  	v49 =	vmul.f32 v48, v47;
	v28 =	vadd.f32 v30, v28  }
0x27d: {  	v26 =	vpsel p0, v26, v40;
	v27 =	vpsel p1, v27, v44  }
0x27e: {  	v26 =	vmul.f32 v27, v26;
	v28 =	vadd.f32 v49, v28;
	_ =	sdelay $0x1  }
0x27f: {  	v26 =	vadd.f32 v26, v28;
	_ =	sdelay $0x1  }
0x280: {  	[tilespmem:$0x12980] =	vst v26  }
0x281: {  	v26 =	vld [tilespmem:s25+$0xC];
	_ =	sdelay $0x4  }
0x282: {  	(v2sf) =	vpush v26, $0x0  }
0x283: {  	v26 =	vld [tilespmem:s25+$0x28C];
	_ =	sdelay $0x4  }
0x284: {  	(v2sf) =	vpush v26, $0x0;
	_ =	sdelay $0x8  }
0x285: {  	s26 =	spop (v2sf)  }
0x286: {  	s10 =	sshll.u32 s26, $0x1  }
0x287: {  	p0 =	sgt.s32 s10, $0xF41FF;
	s10 =	sand.u32 $0x1FFFFF80, s10  }
0x288: {  	s10 =	simm.s32 @p0 $0x0  }
0x289: {  	s10 =	sadd.s32 s0, s10  }
0x28a: {  	[tilespmem:s30], [sflag:$0x1] =	stream.strided.gather [hbm4b:s10+s28], $0x2000, s29, s28, $0x38;
	[tilespmem:$0x13280] =	vst v63  }
0x28b: {  	s11 =	spop (v2sf)  }
0x28c: {  	p0 =	sgt.s32 s11, $0xF41FF;
	s10 =	sand.u32 $0xFFFFF80, s11  }
0x28d: {  	s10 =	simm.s32 @p0 $0x0  }
0x28e: {  	s10 =	sadd.s32 s2, s10  }
0x28f: {  	[tilespmem:s31], [sflag:$0x5] =	stream.strided.gather [hbm4b:s10+s28], $0x2000, s29, s28, $0x38;
	[tilespmem:$0x13280] =	vst v63  }
0x290: {  	_ =	swait.ge [sflag:s15], $0x2000  }
0x291: {  	[sflag:s15] =	ssyncset.done $0x0  }
0x292: {  	[sflag:s15] =	ssyncadd.s32 $0xFFFFE000  }
0x293: {  	_ =	swait.ge [sflag:s17], $0x2000  }
0x294: {  	[sflag:s17] =	ssyncset.done $0x0  }
0x295: {  	[sflag:s17] =	ssyncadd.s32 $0xFFFFE000  }
0x296: {  	v26 =	vld [tilespmem:s25+$0x9];
	_ =	sdelay $0x4  }
0x297: {  	v27 =	vld [tilespmem:s25+$0x289];
	(v2sf) =	vpush v26, $0x0;
	_ =	sdelay $0x4  }
0x298: {  	(v2sf) =	vpush v27, $0x0;
	_ =	sdelay $0x9  }
0x299: {  	s26 =	spop (v2sf)  }
0x29a: {  	s10 =	sshll.u32 s26, $0x1  }
0x29b: {  	p0 =	sgt.s32 s10, $0xF41FF;
	s11 =	sadd.s32 $0xFFF0BE00, s10;
	s10 =	sand.u32 $0x7E, s10  }
0x29c: {  	s10 =	smov.u32 @p0 s11  }
0x29d: {  	v51 =	vadd.s32 s10, v1  }
0x29e: {  	s26 =	spop (v2sf);
	v55 =	vadd.s32 s10, v3  }
0x29f: {  	p1 =	sgt.s32 s26, $0xF41FF;
	s11 =	sadd.s32 $0xFFF0BE00, s26;
	s26 =	sand.u32 $0x7F, s26;
	v59 =	vadd.s32 s10, v6  }
0x2a0: {  	s26 =	smov.u32 @p1 s11;
	v62 =	vadd.s32 s10, v8  }
0x2a1: {  	v53 =	vadd.s32 s26, v1  }
0x2a2: {  	v57 =	vadd.s32 s26, v3;
	v29 =	vld.idx.msk [tilespmem:v51+s1+$0x0], $0xffff  }
0x2a3: {  	v26 =	vmov s10;
	v61 =	vadd.s32 s26, v6;
	v33 =	vld.idx.msk [tilespmem:v55+s1+$0x0], $0xffff  }
0x2a4: {  	v26 =	vand.u32 $0x3E, v26;
	v27 =	vmov s26;
	v63 =	vadd.s32 s26, v8;
	v37 =	vld.idx.msk [tilespmem:v59+s1+$0x0], $0xffff  }
0x2a5: {  	v50 =	vor.u32 v0, v26;
	v27 =	vand.u32 $0x3F, v27;
	v40 =	vld.idx.msk [tilespmem:v62+s1+$0x0], $0xffff  }
0x2a6: {  	v52 =	vor.u32 v0, v27;
	v31 =	vld.idx.msk [tilespmem:v53+s6+$0x0], $0xffff  }
0x2a7: {  	v54 =	vor.u32 v2, v26;
	v35 =	vld.idx.msk [tilespmem:v57+s6+$0x0], $0xffff  }
0x2a8: {  	v56 =	vor.u32 v2, v27;
	v39 =	vld.idx.msk [tilespmem:v61+s6+$0x0], $0xffff  }
0x2a9: {  	v58 =	vor.u32 v4, v26;
	v44 =	vld.idx.msk [tilespmem:v63+s6+$0x0], $0xffff  }
0x2aa: {  	v60 =	vor.u32 v4, v27;
	v28 =	vld.idx.msk [tilespmem:v50+s20+$0x0], $0xffff  }
0x2ab: {  	v26 =	vor.u32 v7, v26;
	v30 =	vld.idx.msk [tilespmem:v52+s21+$0x0], $0xffff  }
0x2ac: {  	v27 =	vor.u32 v7, v27;
	v32 =	vld.idx.msk [tilespmem:v54+s20+$0x0], $0xffff  }
0x2ad: {  	v34 =	vld.idx.msk [tilespmem:v56+s21+$0x0], $0xffff  }
0x2ae: {  	v36 =	vld.idx.msk [tilespmem:v58+s20+$0x0], $0xffff  }
0x2af: {  	v38 =	vld.idx.msk [tilespmem:v60+s21+$0x0], $0xffff  }
0x2b0: {  	v26 =	vld.idx.msk [tilespmem:v26+s20+$0x0], $0xffff;
	v28 =	vpsel p0, v28, v29;
	v43 =	vpsel p1, v30, v31  }
0x2b1: {  	v27 =	vld.idx.msk [tilespmem:v27+s21+$0x0], $0xffff;
	v28 =	vmul.f32 v43, v28  }
0x2b2: {  	v45 =	vpsel p0, v32, v33;
	v46 =	vpsel p1, v34, v35  }
0x2b3: {  	v30 =	vmul.f32 v46, v45;
	v28 =	vadd.f32 $0.0e+00, v28  }
0x2b4: {  	v47 =	vpsel p0, v36, v37;
	v48 =	vpsel p1, v38, v39  }
0x2b5: {  	v49 =	vmul.f32 v48, v47;
	v28 =	vadd.f32 v30, v28  }
0x2b6: {  	v26 =	vpsel p0, v26, v40;
	v27 =	vpsel p1, v27, v44  }
0x2b7: {  	v26 =	vmul.f32 v27, v26;
	v28 =	vadd.f32 v49, v28;
	_ =	sdelay $0x1  }
0x2b8: {  	v26 =	vadd.f32 v26, v28;
	_ =	sdelay $0x1  }
0x2b9: {  	[tilespmem:$0x12990] =	vst v26  }
0x2ba: {  	v26 =	vld [tilespmem:s25+$0xD];
	_ =	sdelay $0x4  }
0x2bb: {  	(v2sf) =	vpush v26, $0x0  }
0x2bc: {  	v26 =	vld [tilespmem:s25+$0x28D];
	_ =	sdelay $0x4  }
0x2bd: {  	(v2sf) =	vpush v26, $0x0;
	_ =	sdelay $0x8  }
0x2be: {  	s11 =	spop (v2sf)  }
0x2bf: {  	s10 =	sshll.u32 s11, $0x1  }
0x2c0: {  	p0 =	sgt.s32 s10, $0xF41FF;
	s10 =	sand.u32 $0x1FFFFF80, s10  }
0x2c1: {  	s10 =	simm.s32 @p0 $0x0  }
0x2c2: {  	s10 =	sadd.s32 s0, s10  }
0x2c3: {  	[tilespmem:s1], [sflag:$0x2] =	stream.strided.gather [hbm4b:s10+s28], $0x2000, s29, s28, $0x38;
	[tilespmem:$0x13280] =	vst v63  }
0x2c4: {  	s26 =	spop (v2sf)  }
0x2c5: {  	p0 =	sgt.s32 s26, $0xF41FF;
	s10 =	sand.u32 $0xFFFFF80, s26  }
0x2c6: {  	s10 =	simm.s32 @p0 $0x0  }
0x2c7: {  	s10 =	sadd.s32 s2, s10  }
0x2c8: {  	[tilespmem:s6], [sflag:$0x6] =	stream.strided.gather [hbm4b:s10+s28], $0x2000, s29, s28, $0x38;
	[tilespmem:$0x13280] =	vst v63  }
0x2c9: {  	_ =	swait.ge [sflag:s22], $0x2000  }
0x2ca: {  	[sflag:s22] =	ssyncset.done $0x0  }
0x2cb: {  	[sflag:s22] =	ssyncadd.s32 $0xFFFFE000  }
0x2cc: {  	_ =	swait.ge [sflag:s7], $0x2000  }
0x2cd: {  	[sflag:s7] =	ssyncset.done $0x0  }
0x2ce: {  	[sflag:s7] =	ssyncadd.s32 $0xFFFFE000  }
0x2cf: {  	v26 =	vld [tilespmem:s25+$0xA];
	_ =	sdelay $0x4  }
0x2d0: {  	v27 =	vld [tilespmem:s25+$0x28A];
	(v2sf) =	vpush v26, $0x0;
	_ =	sdelay $0x4  }
0x2d1: {  	(v2sf) =	vpush v27, $0x0;
	_ =	sdelay $0x9  }
0x2d2: {  	s11 =	spop (v2sf)  }
0x2d3: {  	s10 =	sshll.u32 s11, $0x1  }
0x2d4: {  	p0 =	sgt.s32 s10, $0xF41FF;
	s11 =	sadd.s32 $0xFFF0BE00, s10;
	s10 =	sand.u32 $0x7E, s10  }
0x2d5: {  	s10 =	smov.u32 @p0 s11  }
0x2d6: {  	v51 =	vadd.s32 s10, v1  }
0x2d7: {  	s26 =	spop (v2sf);
	v55 =	vadd.s32 s10, v3  }
0x2d8: {  	p1 =	sgt.s32 s26, $0xF41FF;
	s11 =	sadd.s32 $0xFFF0BE00, s26;
	s26 =	sand.u32 $0x7F, s26;
	v59 =	vadd.s32 s10, v6  }
0x2d9: {  	s26 =	smov.u32 @p1 s11;
	v62 =	vadd.s32 s10, v8  }
0x2da: {  	v53 =	vadd.s32 s26, v1  }
0x2db: {  	v57 =	vadd.s32 s26, v3;
	v29 =	vld.idx.msk [tilespmem:v51+s3+$0x0], $0xffff  }
0x2dc: {  	v26 =	vmov s10;
	v61 =	vadd.s32 s26, v6;
	v33 =	vld.idx.msk [tilespmem:v55+s3+$0x0], $0xffff  }
0x2dd: {  	v26 =	vand.u32 $0x3E, v26;
	v27 =	vmov s26;
	v63 =	vadd.s32 s26, v8;
	v37 =	vld.idx.msk [tilespmem:v59+s3+$0x0], $0xffff  }
0x2de: {  	v50 =	vor.u32 v0, v26;
	v27 =	vand.u32 $0x3F, v27;
	v40 =	vld.idx.msk [tilespmem:v62+s3+$0x0], $0xffff  }
0x2df: {  	v52 =	vor.u32 v0, v27;
	v31 =	vld.idx.msk [tilespmem:v53+s4+$0x0], $0xffff  }
0x2e0: {  	v54 =	vor.u32 v2, v26;
	v35 =	vld.idx.msk [tilespmem:v57+s4+$0x0], $0xffff  }
0x2e1: {  	v56 =	vor.u32 v2, v27;
	v39 =	vld.idx.msk [tilespmem:v61+s4+$0x0], $0xffff  }
0x2e2: {  	v58 =	vor.u32 v4, v26;
	v44 =	vld.idx.msk [tilespmem:v63+s4+$0x0], $0xffff  }
0x2e3: {  	v60 =	vor.u32 v4, v27;
	v28 =	vld.idx.msk [tilespmem:v50+s20+$0x0], $0xffff  }
0x2e4: {  	v26 =	vor.u32 v7, v26;
	v30 =	vld.idx.msk [tilespmem:v52+s21+$0x0], $0xffff  }
0x2e5: {  	v27 =	vor.u32 v7, v27;
	v32 =	vld.idx.msk [tilespmem:v54+s20+$0x0], $0xffff  }
0x2e6: {  	v34 =	vld.idx.msk [tilespmem:v56+s21+$0x0], $0xffff  }
0x2e7: {  	v36 =	vld.idx.msk [tilespmem:v58+s20+$0x0], $0xffff  }
0x2e8: {  	v38 =	vld.idx.msk [tilespmem:v60+s21+$0x0], $0xffff  }
0x2e9: {  	v26 =	vld.idx.msk [tilespmem:v26+s20+$0x0], $0xffff;
	v28 =	vpsel p0, v28, v29;
	v43 =	vpsel p1, v30, v31  }
0x2ea: {  	v27 =	vld.idx.msk [tilespmem:v27+s21+$0x0], $0xffff;
	v28 =	vmul.f32 v43, v28  }
0x2eb: {  	v45 =	vpsel p0, v32, v33;
	v46 =	vpsel p1, v34, v35  }
0x2ec: {  	v30 =	vmul.f32 v46, v45;
	v28 =	vadd.f32 $0.0e+00, v28  }
0x2ed: {  	v47 =	vpsel p0, v36, v37;
	v48 =	vpsel p1, v38, v39  }
0x2ee: {  	v49 =	vmul.f32 v48, v47;
	v28 =	vadd.f32 v30, v28  }
0x2ef: {  	v26 =	vpsel p0, v26, v40;
	v27 =	vpsel p1, v27, v44  }
0x2f0: {  	v26 =	vmul.f32 v27, v26;
	v28 =	vadd.f32 v49, v28;
	_ =	sdelay $0x1  }
0x2f1: {  	v26 =	vadd.f32 v26, v28;
	_ =	sdelay $0x1  }
0x2f2: {  	[tilespmem:$0x129A0] =	vst v26  }
0x2f3: {  	v26 =	vld [tilespmem:s25+$0xE];
	_ =	sdelay $0x4  }
0x2f4: {  	(v2sf) =	vpush v26, $0x0  }
0x2f5: {  	v26 =	vld [tilespmem:s25+$0x28E];
	_ =	sdelay $0x4  }
0x2f6: {  	(v2sf) =	vpush v26, $0x0;
	_ =	sdelay $0x8  }
0x2f7: {  	s26 =	spop (v2sf)  }
0x2f8: {  	s10 =	sshll.u32 s26, $0x1  }
0x2f9: {  	p0 =	sgt.s32 s10, $0xF41FF;
	s10 =	sand.u32 $0x1FFFFF80, s10  }
0x2fa: {  	s10 =	simm.s32 @p0 $0x0  }
0x2fb: {  	s10 =	sadd.s32 s0, s10  }
0x2fc: {  	[tilespmem:s3], [sflag:$0x3] =	stream.strided.gather [hbm4b:s10+s28], $0x2000, s29, s28, $0x38;
	[tilespmem:$0x13280] =	vst v63  }
0x2fd: {  	s11 =	spop (v2sf)  }
0x2fe: {  	p0 =	sgt.s32 s11, $0xF41FF;
	s10 =	sand.u32 $0xFFFFF80, s11  }
0x2ff: {  	s10 =	simm.s32 @p0 $0x0  }
0x300: {  	s10 =	sadd.s32 s2, s10  }
0x301: {  	[tilespmem:s4], [sflag:$0x7] =	stream.strided.gather [hbm4b:s10+s28], $0x2000, s29, s28, $0x38;
	[tilespmem:$0x13280] =	vst v63  }
0x302: {  	_ =	swait.ge [sflag:s8], $0x2000  }
0x303: {  	[sflag:s8] =	ssyncset.done $0x0  }
0x304: {  	[sflag:s8] =	ssyncadd.s32 $0xFFFFE000  }
0x305: {  	_ =	swait.ge [sflag:s9], $0x2000  }
0x306: {  	[sflag:s9] =	ssyncset.done $0x0  }
0x307: {  	[sflag:s9] =	ssyncadd.s32 $0xFFFFE000  }
0x308: {  	v26 =	vld [tilespmem:s25+$0xB];
	_ =	sdelay $0x4  }
0x309: {  	v27 =	vld [tilespmem:s25+$0x28B];
	(v2sf) =	vpush v26, $0x0;
	_ =	sdelay $0x4  }
0x30a: {  	(v2sf) =	vpush v27, $0x0;
	_ =	sdelay $0x9  }
0x30b: {  	s26 =	spop (v2sf)  }
0x30c: {  	s10 =	sshll.u32 s26, $0x1  }
0x30d: {  	p0 =	sgt.s32 s10, $0xF41FF;
	s11 =	sadd.s32 $0xFFF0BE00, s10;
	s10 =	sand.u32 $0x7E, s10  }
0x30e: {  	s10 =	smov.u32 @p0 s11  }
0x30f: {  	v51 =	vadd.s32 s10, v1  }
0x310: {  	s26 =	spop (v2sf);
	v55 =	vadd.s32 s10, v3  }
0x311: {  	p1 =	sgt.s32 s26, $0xF41FF;
	s11 =	sadd.s32 $0xFFF0BE00, s26;
	s26 =	sand.u32 $0x7F, s26;
	v59 =	vadd.s32 s10, v6  }
0x312: {  	s26 =	smov.u32 @p1 s11;
	v62 =	vadd.s32 s10, v8  }
0x313: {  	v53 =	vadd.s32 s26, v1  }
0x314: {  	v57 =	vadd.s32 s26, v3;
	v29 =	vld.idx.msk [tilespmem:v51+s18+$0x0], $0xffff  }
0x315: {  	v26 =	vmov s10;
	v61 =	vadd.s32 s26, v6;
	v33 =	vld.idx.msk [tilespmem:v55+s18+$0x0], $0xffff  }
0x316: {  	v26 =	vand.u32 $0x3E, v26;
	v27 =	vmov s26;
	v63 =	vadd.s32 s26, v8;
	v37 =	vld.idx.msk [tilespmem:v59+s18+$0x0], $0xffff  }
0x317: {  	v50 =	vor.u32 v0, v26;
	v27 =	vand.u32 $0x3F, v27;
	v40 =	vld.idx.msk [tilespmem:v62+s18+$0x0], $0xffff  }
0x318: {  	v52 =	vor.u32 v0, v27;
	v31 =	vld.idx.msk [tilespmem:v53+s19+$0x0], $0xffff  }
0x319: {  	v54 =	vor.u32 v2, v26;
	v35 =	vld.idx.msk [tilespmem:v57+s19+$0x0], $0xffff  }
0x31a: {  	v56 =	vor.u32 v2, v27;
	v39 =	vld.idx.msk [tilespmem:v61+s19+$0x0], $0xffff  }
0x31b: {  	v58 =	vor.u32 v4, v26;
	v44 =	vld.idx.msk [tilespmem:v63+s19+$0x0], $0xffff  }
0x31c: {  	v60 =	vor.u32 v4, v27;
	v28 =	vld.idx.msk [tilespmem:v50+s20+$0x0], $0xffff  }
0x31d: {  	v26 =	vor.u32 v7, v26;
	v30 =	vld.idx.msk [tilespmem:v52+s21+$0x0], $0xffff  }
0x31e: {  	v27 =	vor.u32 v7, v27;
	v32 =	vld.idx.msk [tilespmem:v54+s20+$0x0], $0xffff  }
0x31f: {  	v34 =	vld.idx.msk [tilespmem:v56+s21+$0x0], $0xffff  }
0x320: {  	v36 =	vld.idx.msk [tilespmem:v58+s20+$0x0], $0xffff  }
0x321: {  	v38 =	vld.idx.msk [tilespmem:v60+s21+$0x0], $0xffff  }
0x322: {  	v26 =	vld.idx.msk [tilespmem:v26+s20+$0x0], $0xffff;
	v28 =	vpsel p0, v28, v29;
	v43 =	vpsel p1, v30, v31  }
0x323: {  	v27 =	vld.idx.msk [tilespmem:v27+s21+$0x0], $0xffff;
	v28 =	vmul.f32 v43, v28  }
0x324: {  	v45 =	vpsel p0, v32, v33;
	v46 =	vpsel p1, v34, v35  }
0x325: {  	v30 =	vmul.f32 v46, v45;
	v28 =	vadd.f32 $0.0e+00, v28  }
0x326: {  	v47 =	vpsel p0, v36, v37;
	v48 =	vpsel p1, v38, v39  }
0x327: {  	v49 =	vmul.f32 v48, v47;
	v28 =	vadd.f32 v30, v28  }
0x328: {  	v26 =	vpsel p0, v26, v40;
	v27 =	vpsel p1, v27, v44  }
0x329: {  	v26 =	vmul.f32 v27, v26;
	v28 =	vadd.f32 v49, v28;
	_ =	sdelay $0x1  }
0x32a: {  	v26 =	vadd.f32 v26, v28;
	_ =	sdelay $0x1  }
0x32b: {  	[tilespmem:$0x129B0] =	vst v26  }
0x32c: {  	v26 =	vld [tilespmem:s25+$0xF];
	_ =	sdelay $0x4  }
0x32d: {  	(v2sf) =	vpush v26, $0x0  }
0x32e: {  	v26 =	vld [tilespmem:s25+$0x28F];
	_ =	sdelay $0x4  }
0x32f: {  	(v2sf) =	vpush v26, $0x0;
	_ =	sdelay $0x8  }
0x330: {  	s11 =	spop (v2sf)  }
0x331: {  	s10 =	sshll.u32 s11, $0x1  }
0x332: {  	p0 =	sgt.s32 s10, $0xF41FF;
	s10 =	sand.u32 $0x1FFFFF80, s10  }
0x333: {  	s10 =	simm.s32 @p0 $0x0  }
0x334: {  	s10 =	sadd.s32 s0, s10  }
0x335: {  	[tilespmem:s18], [sflag:$0x4] =	stream.strided.gather [hbm4b:s10+s28], $0x2000, s29, s28, $0x38;
	[tilespmem:$0x13280] =	vst v63  }
0x336: {  	s26 =	spop (v2sf)  }
0x337: {  	p0 =	sgt.s32 s26, $0xF41FF;
	s10 =	sand.u32 $0xFFFFF80, s26  }
0x338: {  	s10 =	simm.s32 @p0 $0x0  }
0x339: {  	s10 =	sadd.s32 s2, s10  }
0x33a: {  	[tilespmem:s19], [sflag:$0x8] =	stream.strided.gather [hbm4b:s10+s28], $0x2000, s29, s28, $0x38;
	[tilespmem:$0x13280] =	vst v63  }
0x33b: {  	_ =	swait.ge [sflag:s23], $0x2000  }
0x33c: {  	[sflag:s23] =	ssyncset.done $0x0  }
0x33d: {  	[sflag:s23] =	ssyncadd.s32 $0xFFFFE000  }
0x33e: {  	_ =	swait.ge [sflag:s24], $0x2000  }
0x33f: {  	[sflag:s24] =	ssyncset.done $0x0  }
0x340: {  	[sflag:s24] =	ssyncadd.s32 $0xFFFFE000  }
0x341: {  	v26 =	vld [tilespmem:s25+$0xC];
	_ =	sdelay $0x4  }
0x342: {  	v27 =	vld [tilespmem:s25+$0x28C];
	(v2sf) =	vpush v26, $0x0;
	_ =	sdelay $0x4  }
0x343: {  	(v2sf) =	vpush v27, $0x0;
	_ =	sdelay $0x9  }
0x344: {  	s11 =	spop (v2sf)  }
0x345: {  	s10 =	sshll.u32 s11, $0x1  }
0x346: {  	p0 =	sgt.s32 s10, $0xF41FF;
	s11 =	sadd.s32 $0xFFF0BE00, s10;
	s10 =	sand.u32 $0x7E, s10  }
0x347: {  	s10 =	smov.u32 @p0 s11  }
0x348: {  	v51 =	vadd.s32 s10, v1  }
0x349: {  	s26 =	spop (v2sf);
	v55 =	vadd.s32 s10, v3  }
0x34a: {  	p1 =	sgt.s32 s26, $0xF41FF;
	s11 =	sadd.s32 $0xFFF0BE00, s26;
	s26 =	sand.u32 $0x7F, s26;
	v59 =	vadd.s32 s10, v6  }
0x34b: {  	s26 =	smov.u32 @p1 s11;
	v62 =	vadd.s32 s10, v8  }
0x34c: {  	v53 =	vadd.s32 s26, v1  }
0x34d: {  	v57 =	vadd.s32 s26, v3;
	v29 =	vld.idx.msk [tilespmem:v51+s30+$0x0], $0xffff  }
0x34e: {  	v26 =	vmov s10;
	v61 =	vadd.s32 s26, v6;
	v33 =	vld.idx.msk [tilespmem:v55+s30+$0x0], $0xffff  }
0x34f: {  	v26 =	vand.u32 $0x3E, v26;
	v27 =	vmov s26;
	v63 =	vadd.s32 s26, v8;
	v37 =	vld.idx.msk [tilespmem:v59+s30+$0x0], $0xffff  }
0x350: {  	v50 =	vor.u32 v0, v26;
	v27 =	vand.u32 $0x3F, v27;
	v40 =	vld.idx.msk [tilespmem:v62+s30+$0x0], $0xffff  }
0x351: {  	v52 =	vor.u32 v0, v27;
	v31 =	vld.idx.msk [tilespmem:v53+s31+$0x0], $0xffff  }
0x352: {  	v54 =	vor.u32 v2, v26;
	v35 =	vld.idx.msk [tilespmem:v57+s31+$0x0], $0xffff  }
0x353: {  	v56 =	vor.u32 v2, v27;
	v39 =	vld.idx.msk [tilespmem:v61+s31+$0x0], $0xffff  }
0x354: {  	v58 =	vor.u32 v4, v26;
	v44 =	vld.idx.msk [tilespmem:v63+s31+$0x0], $0xffff  }
0x355: {  	v60 =	vor.u32 v4, v27;
	v28 =	vld.idx.msk [tilespmem:v50+s20+$0x0], $0xffff  }
0x356: {  	v26 =	vor.u32 v7, v26;
	v30 =	vld.idx.msk [tilespmem:v52+s21+$0x0], $0xffff  }
0x357: {  	v27 =	vor.u32 v7, v27;
	v32 =	vld.idx.msk [tilespmem:v54+s20+$0x0], $0xffff  }
0x358: {  	v34 =	vld.idx.msk [tilespmem:v56+s21+$0x0], $0xffff  }
0x359: {  	v36 =	vld.idx.msk [tilespmem:v58+s20+$0x0], $0xffff  }
0x35a: {  	v38 =	vld.idx.msk [tilespmem:v60+s21+$0x0], $0xffff  }
0x35b: {  	v26 =	vld.idx.msk [tilespmem:v26+s20+$0x0], $0xffff;
	v28 =	vpsel p0, v28, v29;
	v43 =	vpsel p1, v30, v31  }
0x35c: {  	v27 =	vld.idx.msk [tilespmem:v27+s21+$0x0], $0xffff;
	v28 =	vmul.f32 v43, v28  }
0x35d: {  	v45 =	vpsel p0, v32, v33;
	v46 =	vpsel p1, v34, v35  }
0x35e: {  	v30 =	vmul.f32 v46, v45;
	v28 =	vadd.f32 $0.0e+00, v28  }
0x35f: {  	v47 =	vpsel p0, v36, v37;
	v48 =	vpsel p1, v38, v39  }
0x360: {  	v49 =	vmul.f32 v48, v47;
	v28 =	vadd.f32 v30, v28  }
0x361: {  	v26 =	vpsel p0, v26, v40;
	v27 =	vpsel p1, v27, v44  }
0x362: {  	v26 =	vmul.f32 v27, v26;
	v28 =	vadd.f32 v49, v28;
	_ =	sdelay $0x1  }
0x363: {  	v26 =	vadd.f32 v26, v28;
	_ =	sdelay $0x1  }
0x364: {  	[tilespmem:$0x129C0] =	vst v26  }
0x365: {  	v26 =	vld [tilespmem:s25+$0x10];
	_ =	sdelay $0x4  }
0x366: {  	(v2sf) =	vpush v26, $0x0  }
0x367: {  	v26 =	vld [tilespmem:s25+$0x290];
	_ =	sdelay $0x4  }
0x368: {  	(v2sf) =	vpush v26, $0x0;
	_ =	sdelay $0x8  }
0x369: {  	s26 =	spop (v2sf)  }
0x36a: {  	s10 =	sshll.u32 s26, $0x1  }
0x36b: {  	p0 =	sgt.s32 s10, $0xF41FF;
	s10 =	sand.u32 $0x1FFFFF80, s10  }
0x36c: {  	s10 =	simm.s32 @p0 $0x0  }
0x36d: {  	s10 =	sadd.s32 s0, s10  }
0x36e: {  	[tilespmem:s30], [sflag:$0x1] =	stream.strided.gather [hbm4b:s10+s28], $0x2000, s29, s28, $0x38;
	[tilespmem:$0x13280] =	vst v63  }
0x36f: {  	s11 =	spop (v2sf)  }
0x370: {  	p0 =	sgt.s32 s11, $0xF41FF;
	s10 =	sand.u32 $0xFFFFF80, s11  }
0x371: {  	s10 =	simm.s32 @p0 $0x0  }
0x372: {  	s10 =	sadd.s32 s2, s10  }
0x373: {  	[tilespmem:s31], [sflag:$0x5] =	stream.strided.gather [hbm4b:s10+s28], $0x2000, s29, s28, $0x38;
	[tilespmem:$0x13280] =	vst v63  }
0x374: {  	_ =	swait.ge [sflag:s15], $0x2000  }
0x375: {  	[sflag:s15] =	ssyncset.done $0x0  }
0x376: {  	[sflag:s15] =	ssyncadd.s32 $0xFFFFE000  }
0x377: {  	_ =	swait.ge [sflag:s17], $0x2000  }
0x378: {  	[sflag:s17] =	ssyncset.done $0x0  }
0x379: {  	[sflag:s17] =	ssyncadd.s32 $0xFFFFE000  }
0x37a: {  	v26 =	vld [tilespmem:s25+$0xD];
	_ =	sdelay $0x4  }
0x37b: {  	v27 =	vld [tilespmem:s25+$0x28D];
	(v2sf) =	vpush v26, $0x0;
	_ =	sdelay $0x4  }
0x37c: {  	(v2sf) =	vpush v27, $0x0;
	_ =	sdelay $0x9  }
0x37d: {  	s26 =	spop (v2sf)  }
0x37e: {  	s10 =	sshll.u32 s26, $0x1  }
0x37f: {  	p0 =	sgt.s32 s10, $0xF41FF;
	s11 =	sadd.s32 $0xFFF0BE00, s10;
	s10 =	sand.u32 $0x7E, s10  }
0x380: {  	s10 =	smov.u32 @p0 s11  }
0x381: {  	v51 =	vadd.s32 s10, v1  }
0x382: {  	s26 =	spop (v2sf);
	v55 =	vadd.s32 s10, v3  }
0x383: {  	p1 =	sgt.s32 s26, $0xF41FF;
	s11 =	sadd.s32 $0xFFF0BE00, s26;
	s26 =	sand.u32 $0x7F, s26;
	v59 =	vadd.s32 s10, v6  }
0x384: {  	s26 =	smov.u32 @p1 s11;
	v62 =	vadd.s32 s10, v8  }
0x385: {  	v53 =	vadd.s32 s26, v1  }
0x386: {  	v57 =	vadd.s32 s26, v3;
	v29 =	vld.idx.msk [tilespmem:v51+s1+$0x0], $0xffff  }
0x387: {  	v26 =	vmov s10;
	v61 =	vadd.s32 s26, v6;
	v33 =	vld.idx.msk [tilespmem:v55+s1+$0x0], $0xffff  }
0x388: {  	v26 =	vand.u32 $0x3E, v26;
	v27 =	vmov s26;
	v63 =	vadd.s32 s26, v8;
	v37 =	vld.idx.msk [tilespmem:v59+s1+$0x0], $0xffff  }
0x389: {  	v50 =	vor.u32 v0, v26;
	v27 =	vand.u32 $0x3F, v27;
	v40 =	vld.idx.msk [tilespmem:v62+s1+$0x0], $0xffff  }
0x38a: {  	v52 =	vor.u32 v0, v27;
	v31 =	vld.idx.msk [tilespmem:v53+s6+$0x0], $0xffff  }
0x38b: {  	v54 =	vor.u32 v2, v26;
	v35 =	vld.idx.msk [tilespmem:v57+s6+$0x0], $0xffff  }
0x38c: {  	v56 =	vor.u32 v2, v27;
	v39 =	vld.idx.msk [tilespmem:v61+s6+$0x0], $0xffff  }
0x38d: {  	v58 =	vor.u32 v4, v26;
	v45 =	vld.idx.msk [tilespmem:v63+s6+$0x0], $0xffff  }
0x38e: {  	v60 =	vor.u32 v4, v27;
	v28 =	vld.idx.msk [tilespmem:v50+s20+$0x0], $0xffff  }
0x38f: {  	v26 =	vor.u32 v7, v26;
	v30 =	vld.idx.msk [tilespmem:v52+s21+$0x0], $0xffff  }
0x390: {  	v27 =	vor.u32 v7, v27;
	v32 =	vld.idx.msk [tilespmem:v54+s20+$0x0], $0xffff  }
0x391: {  	v34 =	vld.idx.msk [tilespmem:v56+s21+$0x0], $0xffff  }
0x392: {  	v36 =	vld.idx.msk [tilespmem:v58+s20+$0x0], $0xffff  }
0x393: {  	v38 =	vld.idx.msk [tilespmem:v60+s21+$0x0], $0xffff  }
0x394: {  	v26 =	vld.idx.msk [tilespmem:v26+s20+$0x0], $0xffff;
	v28 =	vpsel p0, v28, v29;
	v44 =	vpsel p1, v30, v31  }
0x395: {  	v27 =	vld.idx.msk [tilespmem:v27+s21+$0x0], $0xffff;
	v28 =	vmul.f32 v44, v28  }
0x396: {  	v46 =	vpsel p0, v32, v33;
	v47 =	vpsel p1, v34, v35  }
0x397: {  	v30 =	vmul.f32 v47, v46;
	v28 =	vadd.f32 $0.0e+00, v28  }
0x398: {  	v48 =	vpsel p0, v36, v37;
	v49 =	vpsel p1, v38, v39  }
0x399: {  	v50 =	vmul.f32 v49, v48;
	v28 =	vadd.f32 v30, v28  }
0x39a: {  	v26 =	vpsel p0, v26, v40;
	v27 =	vpsel p1, v27, v45  }
0x39b: {  	v26 =	vmul.f32 v27, v26;
	v28 =	vadd.f32 v50, v28;
	_ =	sdelay $0x1  }
0x39c: {  	v26 =	vadd.f32 v26, v28;
	_ =	sdelay $0x1  }
0x39d: {  	[tilespmem:$0x129D0] =	vst v26  }
0x39e: {  	v26 =	vld [tilespmem:s25+$0x11];
	_ =	sdelay $0x4  }
0x39f: {  	(v2sf) =	vpush v26, $0x0  }
0x3a0: {  	v26 =	vld [tilespmem:s25+$0x291];
	_ =	sdelay $0x4  }
0x3a1: {  	(v2sf) =	vpush v26, $0x0;
	_ =	sdelay $0x8  }
0x3a2: {  	s11 =	spop (v2sf)  }
0x3a3: {  	s10 =	sshll.u32 s11, $0x1  }
0x3a4: {  	p0 =	sgt.s32 s10, $0xF41FF;
	s10 =	sand.u32 $0x1FFFFF80, s10  }
0x3a5: {  	s10 =	simm.s32 @p0 $0x0  }
0x3a6: {  	s10 =	sadd.s32 s0, s10  }
0x3a7: {  	[tilespmem:s1], [sflag:$0x2] =	stream.strided.gather [hbm4b:s10+s28], $0x2000, s29, s28, $0x38;
	[tilespmem:$0x13280] =	vst v63  }
0x3a8: {  	s26 =	spop (v2sf)  }
0x3a9: {  	p0 =	sgt.s32 s26, $0xF41FF;
	s10 =	sand.u32 $0xFFFFF80, s26  }
0x3aa: {  	s10 =	simm.s32 @p0 $0x0  }
0x3ab: {  	s10 =	sadd.s32 s2, s10  }
0x3ac: {  	[tilespmem:s6], [sflag:$0x6] =	stream.strided.gather [hbm4b:s10+s28], $0x2000, s29, s28, $0x38;
	[tilespmem:$0x13280] =	vst v63  }
0x3ad: {  	_ =	swait.ge [sflag:s22], $0x2000  }
0x3ae: {  	[sflag:s22] =	ssyncset.done $0x0  }
0x3af: {  	[sflag:s22] =	ssyncadd.s32 $0xFFFFE000  }
0x3b0: {  	_ =	swait.ge [sflag:s7], $0x2000  }
0x3b1: {  	[sflag:s7] =	ssyncset.done $0x0  }
0x3b2: {  	[sflag:s7] =	ssyncadd.s32 $0xFFFFE000  }
0x3b3: {  	v26 =	vld [tilespmem:s25+$0xE];
	_ =	sdelay $0x4  }
0x3b4: {  	v27 =	vld [tilespmem:s25+$0x28E];
	(v2sf) =	vpush v26, $0x0;
	_ =	sdelay $0x4  }
0x3b5: {  	(v2sf) =	vpush v27, $0x0;
	_ =	sdelay $0x9  }
0x3b6: {  	s11 =	spop (v2sf)  }
0x3b7: {  	s10 =	sshll.u32 s11, $0x1  }
0x3b8: {  	p0 =	sgt.s32 s10, $0xF41FF;
	s11 =	sadd.s32 $0xFFF0BE00, s10;
	s10 =	sand.u32 $0x7E, s10  }
0x3b9: {  	s10 =	smov.u32 @p0 s11  }
0x3ba: {  	v52 =	vadd.s32 s10, v1  }
0x3bb: {  	s26 =	spop (v2sf);
	v56 =	vadd.s32 s10, v3  }
0x3bc: {  	p1 =	sgt.s32 s26, $0xF41FF;
	s11 =	sadd.s32 $0xFFF0BE00, s26;
	s26 =	sand.u32 $0x7F, s26;
	v60 =	vadd.s32 s10, v6  }
0x3bd: {  	s26 =	smov.u32 @p1 s11;
	v63 =	vadd.s32 s10, v8  }
0x3be: {  	v54 =	vadd.s32 s26, v1  }
0x3bf: {  	v58 =	vadd.s32 s26, v3;
	v29 =	vld.idx.msk [tilespmem:v52+s3+$0x0], $0xffff  }
0x3c0: {  	v26 =	vmov s10;
	v62 =	vadd.s32 s26, v6;
	v33 =	vld.idx.msk [tilespmem:v56+s3+$0x0], $0xffff  }
0x3c1: {  	v26 =	vand.u32 $0x3E, v26;
	v27 =	vmov s26;
	v44 =	vadd.s32 s26, v8;
	v37 =	vld.idx.msk [tilespmem:v60+s3+$0x0], $0xffff  }
0x3c2: {  	v51 =	vor.u32 v0, v26;
	v27 =	vand.u32 $0x3F, v27;
	v40 =	vld.idx.msk [tilespmem:v63+s3+$0x0], $0xffff  }
0x3c3: {  	v53 =	vor.u32 v0, v27;
	v31 =	vld.idx.msk [tilespmem:v54+s4+$0x0], $0xffff  }
0x3c4: {  	v55 =	vor.u32 v2, v26;
	v35 =	vld.idx.msk [tilespmem:v58+s4+$0x0], $0xffff  }
0x3c5: {  	v57 =	vor.u32 v2, v27;
	v39 =	vld.idx.msk [tilespmem:v62+s4+$0x0], $0xffff  }
0x3c6: {  	v59 =	vor.u32 v4, v26;
	v46 =	vld.idx.msk [tilespmem:v44+s4+$0x0], $0xffff  }
0x3c7: {  	v61 =	vor.u32 v4, v27;
	v28 =	vld.idx.msk [tilespmem:v51+s20+$0x0], $0xffff  }
0x3c8: {  	v26 =	vor.u32 v7, v26;
	v30 =	vld.idx.msk [tilespmem:v53+s21+$0x0], $0xffff  }
0x3c9: {  	v27 =	vor.u32 v7, v27;
	v32 =	vld.idx.msk [tilespmem:v55+s20+$0x0], $0xffff  }
0x3ca: {  	v34 =	vld.idx.msk [tilespmem:v57+s21+$0x0], $0xffff  }
0x3cb: {  	v36 =	vld.idx.msk [tilespmem:v59+s20+$0x0], $0xffff  }
0x3cc: {  	v38 =	vld.idx.msk [tilespmem:v61+s21+$0x0], $0xffff  }
0x3cd: {  	v26 =	vld.idx.msk [tilespmem:v26+s20+$0x0], $0xffff;
	v28 =	vpsel p0, v28, v29;
	v45 =	vpsel p1, v30, v31  }
0x3ce: {  	v27 =	vld.idx.msk [tilespmem:v27+s21+$0x0], $0xffff;
	v28 =	vmul.f32 v45, v28  }
0x3cf: {  	v47 =	vpsel p0, v32, v33;
	v48 =	vpsel p1, v34, v35  }
0x3d0: {  	v30 =	vmul.f32 v48, v47;
	v28 =	vadd.f32 $0.0e+00, v28  }
0x3d1: {  	v49 =	vpsel p0, v36, v37;
	v50 =	vpsel p1, v38, v39  }
0x3d2: {  	v51 =	vmul.f32 v50, v49;
	v28 =	vadd.f32 v30, v28  }
0x3d3: {  	v26 =	vpsel p0, v26, v40;
	v27 =	vpsel p1, v27, v46  }
0x3d4: {  	v26 =	vmul.f32 v27, v26;
	v28 =	vadd.f32 v51, v28;
	_ =	sdelay $0x1  }
0x3d5: {  	v26 =	vadd.f32 v26, v28;
	_ =	sdelay $0x1  }
0x3d6: {  	[tilespmem:$0x129E0] =	vst v26  }
0x3d7: {  	v26 =	vld [tilespmem:s25+$0x12];
	_ =	sdelay $0x4  }
0x3d8: {  	(v2sf) =	vpush v26, $0x0  }
0x3d9: {  	v26 =	vld [tilespmem:s25+$0x292];
	_ =	sdelay $0x4  }
0x3da: {  	(v2sf) =	vpush v26, $0x0;
	_ =	sdelay $0x8  }
0x3db: {  	s26 =	spop (v2sf)  }
0x3dc: {  	s10 =	sshll.u32 s26, $0x1  }
0x3dd: {  	p0 =	sgt.s32 s10, $0xF41FF;
	s10 =	sand.u32 $0x1FFFFF80, s10  }
0x3de: {  	s10 =	simm.s32 @p0 $0x0  }
0x3df: {  	s10 =	sadd.s32 s0, s10  }
0x3e0: {  	[tilespmem:s3], [sflag:$0x3] =	stream.strided.gather [hbm4b:s10+s28], $0x2000, s29, s28, $0x38;
	[tilespmem:$0x13280] =	vst v63  }
0x3e1: {  	s11 =	spop (v2sf)  }
0x3e2: {  	p0 =	sgt.s32 s11, $0xF41FF;
	s10 =	sand.u32 $0xFFFFF80, s11  }
0x3e3: {  	s10 =	simm.s32 @p0 $0x0  }
0x3e4: {  	s10 =	sadd.s32 s2, s10  }
0x3e5: {  	[tilespmem:s4], [sflag:$0x7] =	stream.strided.gather [hbm4b:s10+s28], $0x2000, s29, s28, $0x38;
	[tilespmem:$0x13280] =	vst v63  }
0x3e6: {  	_ =	swait.ge [sflag:s8], $0x2000  }
0x3e7: {  	[sflag:s8] =	ssyncset.done $0x0  }
0x3e8: {  	[sflag:s8] =	ssyncadd.s32 $0xFFFFE000  }
0x3e9: {  	_ =	swait.ge [sflag:s9], $0x2000  }
0x3ea: {  	[sflag:s9] =	ssyncset.done $0x0  }
0x3eb: {  	[sflag:s9] =	ssyncadd.s32 $0xFFFFE000  }
0x3ec: {  	v26 =	vld [tilespmem:s25+$0xF];
	_ =	sdelay $0x4  }
0x3ed: {  	v27 =	vld [tilespmem:s25+$0x28F];
	(v2sf) =	vpush v26, $0x0;
	_ =	sdelay $0x4  }
0x3ee: {  	(v2sf) =	vpush v27, $0x0;
	_ =	sdelay $0x9  }
0x3ef: {  	s26 =	spop (v2sf)  }
0x3f0: {  	s10 =	sshll.u32 s26, $0x1  }
0x3f1: {  	p0 =	sgt.s32 s10, $0xF41FF;
	s11 =	sadd.s32 $0xFFF0BE00, s10;
	s10 =	sand.u32 $0x7E, s10  }
0x3f2: {  	s10 =	smov.u32 @p0 s11  }
0x3f3: {  	v53 =	vadd.s32 s10, v1  }
0x3f4: {  	s26 =	spop (v2sf);
	v57 =	vadd.s32 s10, v3  }
0x3f5: {  	p1 =	sgt.s32 s26, $0xF41FF;
	s11 =	sadd.s32 $0xFFF0BE00, s26;
	s26 =	sand.u32 $0x7F, s26;
	v61 =	vadd.s32 s10, v6  }
0x3f6: {  	s26 =	smov.u32 @p1 s11;
	v44 =	vadd.s32 s10, v8  }
0x3f7: {  	v55 =	vadd.s32 s26, v1  }
0x3f8: {  	v59 =	vadd.s32 s26, v3;
	v29 =	vld.idx.msk [tilespmem:v53+s18+$0x0], $0xffff  }
0x3f9: {  	v26 =	vmov s10;
	v63 =	vadd.s32 s26, v6;
	v33 =	vld.idx.msk [tilespmem:v57+s18+$0x0], $0xffff  }
0x3fa: {  	v26 =	vand.u32 $0x3E, v26;
	v27 =	vmov s26;
	v45 =	vadd.s32 s26, v8;
	v37 =	vld.idx.msk [tilespmem:v61+s18+$0x0], $0xffff  }
0x3fb: {  	v52 =	vor.u32 v0, v26;
	v27 =	vand.u32 $0x3F, v27;
	v40 =	vld.idx.msk [tilespmem:v44+s18+$0x0], $0xffff  }
0x3fc: {  	v54 =	vor.u32 v0, v27;
	v31 =	vld.idx.msk [tilespmem:v55+s19+$0x0], $0xffff  }
0x3fd: {  	v56 =	vor.u32 v2, v26;
	v35 =	vld.idx.msk [tilespmem:v59+s19+$0x0], $0xffff  }
0x3fe: {  	v58 =	vor.u32 v2, v27;
	v39 =	vld.idx.msk [tilespmem:v63+s19+$0x0], $0xffff  }
0x3ff: {  	v60 =	vor.u32 v4, v26;
	v47 =	vld.idx.msk [tilespmem:v45+s19+$0x0], $0xffff  }
0x400: {  	v62 =	vor.u32 v4, v27;
	v28 =	vld.idx.msk [tilespmem:v52+s20+$0x0], $0xffff  }
0x401: {  	v26 =	vor.u32 v7, v26;
	v30 =	vld.idx.msk [tilespmem:v54+s21+$0x0], $0xffff  }
0x402: {  	v27 =	vor.u32 v7, v27;
	v32 =	vld.idx.msk [tilespmem:v56+s20+$0x0], $0xffff  }
0x403: {  	v34 =	vld.idx.msk [tilespmem:v58+s21+$0x0], $0xffff  }
0x404: {  	v36 =	vld.idx.msk [tilespmem:v60+s20+$0x0], $0xffff  }
0x405: {  	v38 =	vld.idx.msk [tilespmem:v62+s21+$0x0], $0xffff  }
0x406: {  	v26 =	vld.idx.msk [tilespmem:v26+s20+$0x0], $0xffff;
	v28 =	vpsel p0, v28, v29;
	v46 =	vpsel p1, v30, v31  }
0x407: {  	v27 =	vld.idx.msk [tilespmem:v27+s21+$0x0], $0xffff;
	v28 =	vmul.f32 v46, v28  }
0x408: {  	v48 =	vpsel p0, v32, v33;
	v49 =	vpsel p1, v34, v35  }
0x409: {  	v30 =	vmul.f32 v49, v48;
	v28 =	vadd.f32 $0.0e+00, v28  }
0x40a: {  	v50 =	vpsel p0, v36, v37;
	v51 =	vpsel p1, v38, v39  }
0x40b: {  	v52 =	vmul.f32 v51, v50;
	v28 =	vadd.f32 v30, v28  }
0x40c: {  	v26 =	vpsel p0, v26, v40;
	v27 =	vpsel p1, v27, v47  }
0x40d: {  	v26 =	vmul.f32 v27, v26;
	v28 =	vadd.f32 v52, v28;
	_ =	sdelay $0x1  }
0x40e: {  	v26 =	vadd.f32 v26, v28;
	_ =	sdelay $0x1  }
0x40f: {  	[tilespmem:$0x129F0] =	vst v26  }
0x410: {  	v26 =	vld [tilespmem:s25+$0x13];
	_ =	sdelay $0x4  }
0x411: {  	(v2sf) =	vpush v26, $0x0  }
0x412: {  	v26 =	vld [tilespmem:s25+$0x293];
	_ =	sdelay $0x4  }
0x413: {  	(v2sf) =	vpush v26, $0x0;
	_ =	sdelay $0x8  }
0x414: {  	s11 =	spop (v2sf)  }
0x415: {  	s10 =	sshll.u32 s11, $0x1  }
0x416: {  	p0 =	sgt.s32 s10, $0xF41FF;
	s10 =	sand.u32 $0x1FFFFF80, s10  }
0x417: {  	s10 =	simm.s32 @p0 $0x0  }
0x418: {  	s10 =	sadd.s32 s0, s10  }
0x419: {  	[tilespmem:s18], [sflag:$0x4] =	stream.strided.gather [hbm4b:s10+s28], $0x2000, s29, s28, $0x38;
	[tilespmem:$0x13280] =	vst v63  }
0x41a: {  	s26 =	spop (v2sf)  }
0x41b: {  	p0 =	sgt.s32 s26, $0xF41FF;
	s10 =	sand.u32 $0xFFFFF80, s26  }
0x41c: {  	s10 =	simm.s32 @p0 $0x0  }
0x41d: {  	s10 =	sadd.s32 s2, s10  }
0x41e: {  	[tilespmem:s19], [sflag:$0x8] =	stream.strided.gather [hbm4b:s10+s28], $0x2000, s29, s28, $0x38;
	[tilespmem:$0x13280] =	vst v63  }
0x41f: {  	v26 =	vld.idx.msk [tilespmem:v5+s12+$0x0], $0xffff;
	_ =	sdelay $0x1  }
0x420: {  	v27 =	vld.idx.msk [tilespmem:v9+s12+$0x0], $0xffff;
	_ =	sdelay $0x1  }
0x421: {  	v53 =	vld.idx.msk [tilespmem:v10+s12+$0x0], $0xffff  }
0x422: {  	v26 =	vadd.f32 $0.0e+00, v26  }
0x423: {  	v54 =	vld.idx.msk [tilespmem:v11+s12+$0x0], $0xffff  }
0x424: {  	v26 =	vadd.f32 v27, v26  }
0x425: {  	v27 =	vld.idx.msk [tilespmem:v12+s12+$0x0], $0xffff  }
0x426: {  	v26 =	vadd.f32 v53, v26  }
0x427: {  	v55 =	vld.idx.msk [tilespmem:v13+s12+$0x0], $0xffff  }
0x428: {  	v26 =	vadd.f32 v54, v26  }
0x429: {  	v56 =	vld.idx.msk [tilespmem:v14+s12+$0x0], $0xffff  }
0x42a: {  	v26 =	vadd.f32 v27, v26  }
0x42b: {  	v27 =	vld.idx.msk [tilespmem:v15+s12+$0x0], $0xffff  }
0x42c: {  	v26 =	vadd.f32 v55, v26  }
0x42d: {  	v57 =	vld.idx.msk [tilespmem:v16+s12+$0x0], $0xffff  }
0x42e: {  	v26 =	vadd.f32 v56, v26  }
0x42f: {  	v58 =	vld.idx.msk [tilespmem:v17+s12+$0x0], $0xffff  }
0x430: {  	v26 =	vadd.f32 v27, v26  }
0x431: {  	v27 =	vld.idx.msk [tilespmem:v18+s12+$0x0], $0xffff  }
0x432: {  	v26 =	vadd.f32 v57, v26  }
0x433: {  	v59 =	vld.idx.msk [tilespmem:v19+s12+$0x0], $0xffff  }
0x434: {  	v26 =	vadd.f32 v58, v26  }
0x435: {  	v60 =	vld.idx.msk [tilespmem:v20+s12+$0x0], $0xffff  }
0x436: {  	v26 =	vadd.f32 v27, v26  }
0x437: {  	v27 =	vld.idx.msk [tilespmem:v21+s12+$0x0], $0xffff  }
0x438: {  	v26 =	vadd.f32 v59, v26  }
0x439: {  	v61 =	vld.idx.msk [tilespmem:v22+s12+$0x0], $0xffff  }
0x43a: {  	v26 =	vadd.f32 v60, v26  }
0x43b: {  	v62 =	vld.idx.msk [tilespmem:v23+s12+$0x0], $0xffff  }
0x43c: {  	v26 =	vadd.f32 v27, v26;
	_ =	sdelay $0x1  }
0x43d: {  	v26 =	vadd.f32 v61, v26  }
0x43e: {  	v27 =	vld [tilespmem:s25+$0x12A00]  }
0x43f: {  	v26 =	vadd.f32 v62, v26  }
0x440: {  	v63 =	vld [tilespmem:s25+$0x12C00]  }
0x441: {  	v26 =	vmul.f32 v26, v24;
	_ =	sdelay $0x1  }
0x442: {  	v26 =	vadd.f32 v26, v27;
	_ =	sdelay $0x1  }
0x443: {  	v26 =	vadd.f32 v26, v63;
	_ =	sdelay $0x1  }
0x444: {  	v26 =	vadd.f32 v26, v25;
	_ =	sdelay $0x1  }
0x445: {  	v27 =	vsub.f32 $0.0e+00, v26;
	_ =	sdelay $0x1  }
0x446: {  	v27 =	vmul.f32 $1.442695020e+00, v27;
	_ =	sdelay $0x1  }
0x447: {  	(erf) = vpow2.f32 v27;
	_ =	sdelay $0x8  }
0x448: {  	v27 =	vpop (erf)  }
0x449: {  	v27 =	vadd.f32 $1.000000000e+00, v27;
	_ =	sdelay $0x1  }
0x44a: {  	(erf) = vrcp.f32 v27;
	_ =	sdelay $0x4  }
0x44b: {  	p0 =	sne.s32 s14, $0x7C0  }
.Ltmp1:
0x44c: {  	_ = 	snop;
	(pc) =	sbr.rel @p0 .LBB2_4-.Ltmp1, $3  }
0x44d: {  	_ =	sdelay $0x1  }
0x44e: {  	[tilespmem:s25+$0x12E00] =	vst v26;
	v26 =	vpop (erf)  }
0x44f: {  	s14 =	sadd.s32 $0x40, s14;
	[tilespmem:s25+$0x13000] =	vst v26  }
0x450: {  	_ =	swait.ge [sflag:s23], $0x2000  }
0x451: {  	[sflag:s23] =	ssyncset.done $0x0  }
0x452: {  	[sflag:s23] =	ssyncadd.s32 $0xFFFFE000  }
0x453: {  	_ =	swait.ge [sflag:s24], $0x2000  }
0x454: {  	[sflag:s24] =	ssyncset.done $0x0  }
0x455: {  	[sflag:s24] =	ssyncadd.s32 $0xFFFFE000  }
0x456: {  	_ =	swait.ge [sflag:s15], $0x2000  }
0x457: {  	[sflag:s15] =	ssyncset.done $0x0  }
0x458: {  	[sflag:s15] =	ssyncadd.s32 $0xFFFFE000  }
0x459: {  	_ =	swait.ge [sflag:s17], $0x2000  }
0x45a: {  	[sflag:s17] =	ssyncset.done $0x0  }
0x45b: {  	[sflag:s17] =	ssyncadd.s32 $0xFFFFE000  }
0x45c: {  	_ =	swait.ge [sflag:s22], $0x2000  }
0x45d: {  	[sflag:s22] =	ssyncset.done $0x0  }
0x45e: {  	[sflag:s22] =	ssyncadd.s32 $0xFFFFE000  }
0x45f: {  	_ =	swait.ge [sflag:s7], $0x2000  }
0x460: {  	[sflag:s7] =	ssyncset.done $0x0  }
0x461: {  	[sflag:s7] =	ssyncadd.s32 $0xFFFFE000  }
0x462: {  	_ =	swait.ge [sflag:s8], $0x2000  }
0x463: {  	[sflag:s8] =	ssyncset.done $0x0  }
0x464: {  	[sflag:s8] =	ssyncadd.s32 $0xFFFFE000  }
0x465: {  	_ =	swait.ge [sflag:s9], $0x2000  }
0x466: {  	[sflag:s9] =	ssyncset.done $0x0  }
0x467: {  	s11 =	simm.s32 $0x12E00;
	s10 =	rddreg [dreg:$0xf];
	[sflag:s9] =	ssyncadd.s32 $0xFFFFE000  }
0x468: {  	[hbm4b:s10+s5] =	stream.linear.scatter [tilespmem:s11], [sflag:$0xB], $0x200, $0x38;
	[tilespmem:$0x13280] =	vst v63  }
0x469: {  	_ =	swait.ge [sflag:s16], $0x200  }
0x46a: {  	[sflag:s16] =	ssyncset.done $0x0  }
0x46b: {  	s25 =	simm.s32 $0x13000;
	s14 =	rddreg [dreg:$0x10];
	[sflag:s16] =	ssyncadd.s32 $0xFFFFFE00  }
0x46c: {  	[hbm4b:s14+s5] =	stream.linear.scatter [tilespmem:s25], [sflag:$0xB], $0x200, $0x38;
	[tilespmem:$0x13280] =	vst v63  }
0x46d: {  	_ =	swait.ge [sflag:s16], $0x200  }
0x46e: {  	s13 =	sadd.s32 $0x1, s13;
	s26 =	rddreg [dreg:$0x11]  }
0x46f: {  	p0 =	sne.s32 s13, s26  }
.Ltmp2:
0x470: {  	_ = 	snop;
	(pc) =	sbr.rel @p0 .LBB2_1-.Ltmp2, $3  }
0x471: {  	_ =	sdelay $0x1  }
0x472: {  	[sflag:s16] =	ssyncset.done $0x0  }
0x473: {  	[sflag:s16] =	ssyncadd.s32 $0xFFFFFE00;
	s26 =	simm.s32 $0x500  }
0x474: {  	_ =	sfence.sel $0x180000  }
0x475: {  	[bflag:$0x0] =	sbarrier.arrive $0xFFFF  }
0x476: {  	_ =	strace $0x90000047  }
0x477: {  	s0 =	stileid.u32;
	[bflag:$0x2] =	sbarrier.arrive $0xFFFF  }
0x478: {  	p0 =	sne.s32 s0, $0x0;
	s0 =	rddreg [dreg:$0x9]  }
0x479: {  	s0 =	sadd.s32 @!p0 $0x100000, s0  }
0x47a: {  	[sflag:s0] =	ssyncadd.tile.s32 @!p0 $0x1;
	_ =	shalt  }
.Lfunc_end2:
_tile_overlayer_lowered:
.L_overlay_start_2:
0x47b: {  	(tag) =	ssettag $0x2  }
0x47c: {  	s0 =	rddreg [dreg:$0x0];
	s2 =	stileid.u32  }
0x47d: {  	s1 =	rddreg [dreg:$0x1];
	p0 =	sne.s32 s2, $0x0  }
0x47e: {  	s3 =	rddreg [dreg:$0x2];
	[bflag:$0x3] =	sbarrier.arrive $0xFFFF;
	s2 =	simm.s32 @!p0 $0x1C0B  }
0x47f: {  	[timem:s3], [sflag:s2] =	dma.local @!p0 [hbm:s0], s1  }
0x480: {  	s0 =	simm.s32 @!p0 $0xB  }
0x481: {  	_ =	swait.ge @!p0 [sflag:s0], s1  }
0x482: {  	s1 =	ssub.s32 @!p0 $0x0, s1;
	[sflag:s0] =	ssyncset.done @!p0 $0x0  }
0x483: {  	[sflag:s0] =	ssyncadd.s32 @!p0 s1  }
0x484: {  	[bflag:$0x3] =	sbarrier.arrive $0xFFFF  }
0x485: {  	_ =	shalt  }

</sc_bundles>
